<compile_context>
chip_gen: v7x
topology: tpu7x:2x2x1
jax: 0.10.2.dev20260603
libtpu: 0.0.44.dev20260713+nightly
codegen_flags: <defaults>
</compile_context>

<pallas_src>
import functools

import jax
import jax.numpy as jnp
from jax import lax
from jax.experimental import pallas as pl
from jax.experimental.pallas import tpu as pltpu
from jax.experimental.pallas import tpu_sc as plsc

N_NODES = 10000
N_EDGES = 320000
D_FEAT = 128
D_EDGE = 16
D_GLOBAL = 128

NC, NS = 2, 16
NW = NC * NS
EPT = N_EDGES // NW
CH = 128
CPT = EPT // CH
TAIL = EPT - CPT * CH
CHT = CPT + 1
SUPN = 8
NSUP = CPT // SUPN
NPT = N_NODES // NS

HIGHEST = lax.Precision.HIGHEST


def _sc_body(ei_hbm, ea_hbm, xs_hbm, xr_hbm,
             gath_hbm, sentp_hbm, recvp_hbm,
             idx_row, idx_col, ea_s, gx_s, gr_s, out_s, ea_t,
             xs_sh, xr_sh, sent_sh, recv_sh, sem_in, sem_out, sem_ea, sem_sc):
    c = lax.axis_index("c")
    s = lax.axis_index("s")
    wid = c * NS + s
    ebase = wid * EPT

    @pl.when(s == 2)
    def _():
        pltpu.sync_copy(xs_hbm, xs_sh)

    @pl.when(s == 3)
    def _():
        pltpu.sync_copy(xr_hbm, xr_sh)

    pltpu.sync_copy(ei_hbm.at[0, pl.ds(wid * CHT, CHT)], idx_row)
    pltpu.sync_copy(ei_hbm.at[1, pl.ds(wid * CHT, CHT)], idx_col)

    zero16 = jnp.zeros((D_EDGE,), jnp.float32)

    def zero_tail(i, _):
        ea_t[i] = zero16
        return ()

    lax.fori_loop(TAIL, CH, zero_tail, (), unroll=8)

    def zero_body(i, _):
        out_s[i % CH] = zero16
        return ()

    lax.fori_loop(0, CH, zero_body, (), unroll=8)
    npc = NPT // CH
    for t in range(npc):
        pltpu.sync_copy(out_s.at[pl.ds(0, CH)], sent_sh.at[pl.ds(s * NPT + t * CH, CH)])
        pltpu.sync_copy(out_s.at[pl.ds(0, CH)], recv_sh.at[pl.ds(s * NPT + t * CH, CH)])
    rem = NPT - npc * CH
    pltpu.sync_copy(out_s.at[pl.ds(0, rem)],
                    sent_sh.at[pl.ds(s * NPT + npc * CH, rem)])
    pltpu.sync_copy(out_s.at[pl.ds(0, rem)],
                    recv_sh.at[pl.ds(s * NPT + npc * CH, rem)])
    plsc.subcore_barrier()

    def super_chunks(kb, nch, ea_s, gx_s, gr_s, out_s):
        eoff = ebase + kb * CH
        h_ea = pltpu.async_copy(ea_hbm.at[pl.ds(eoff, nch * CH)],
                                ea_s.at[pl.ds(0, nch * CH)], sem_ea)
        hs = []
        for k in range(nch):
            ir = idx_row.at[kb + k]
            ic = idx_col.at[kb + k]
            hs.append(pltpu.async_copy(
                xs_sh.at[ir], gx_s.at[pl.ds(k * CH, CH)], sem_in))
            hs.append(pltpu.async_copy(
                xr_sh.at[ic], gr_s.at[pl.ds(k * CH, CH)], sem_in))
        h_ea.wait()
        for h in hs:
            h.wait()

        def add_body(i, _):
            out_s[i] = gx_s[i] + gr_s[i]
            return ()

        lax.fori_loop(0, nch * CH, add_body, (), unroll=8)

        h_out = pltpu.async_copy(out_s.at[pl.ds(0, nch * CH)],
                                 gath_hbm.at[pl.ds(eoff, nch * CH)], sem_out)
        scs = []
        for k in range(nch):
            ir = idx_row.at[kb + k]
            ic = idx_col.at[kb + k]
            seg = ea_s.at[pl.ds(k * CH, CH)]
            scs.append(pltpu.async_copy(seg, sent_sh.at[ir], sem_sc, add=True))
            scs.append(pltpu.async_copy(seg, recv_sh.at[ic], sem_sc, add=True))
        h_out.wait()
        for h in scs:
            h.wait()

    def super_body(t, _):
        super_chunks(t * SUPN, SUPN, ea_s, gx_s, gr_s, out_s)
        return ()

    lax.fori_loop(0, NSUP, super_body, ())
    super_chunks(NSUP * SUPN, CPT - NSUP * SUPN, ea_s, gx_s, gr_s, out_s)

    toff = ebase + CPT * CH
    ir = idx_row.at[CPT]
    ic = idx_col.at[CPT]
    h1 = pltpu.async_copy(ea_hbm.at[pl.ds(toff, TAIL)], ea_t.at[pl.ds(0, TAIL)],
                          sem_ea)
    h2 = pltpu.async_copy(xs_sh.at[ir], gx_s.at[pl.ds(0, CH)], sem_in)
    h3 = pltpu.async_copy(xr_sh.at[ic], gr_s.at[pl.ds(0, CH)], sem_in)
    h1.wait(); h2.wait(); h3.wait()

    def tail_add(i, _):
        out_s[i] = gx_s[i] + gr_s[i]
        return ()

    lax.fori_loop(0, TAIL, tail_add, ())
    h4 = pltpu.async_copy(out_s.at[pl.ds(0, TAIL)],
                          gath_hbm.at[pl.ds(toff, TAIL)], sem_out)
    pltpu.sync_copy(ea_t, sent_sh.at[ir], add=True)
    pltpu.sync_copy(ea_t, recv_sh.at[ic], add=True)
    h4.wait()

    plsc.subcore_barrier()

    @pl.when(s == 0)
    def _():
        pltpu.sync_copy(sent_sh, sentp_hbm.at[pl.ds(c * N_NODES, N_NODES)])

    @pl.when(s == 1)
    def _():
        pltpu.sync_copy(recv_sh, recvp_hbm.at[pl.ds(c * N_NODES, N_NODES)])


_sc_kernel = functools.partial(
    pl.kernel,
    out_type=(
        jax.ShapeDtypeStruct((N_EDGES, D_EDGE), jnp.float32),
        jax.ShapeDtypeStruct((NC * N_NODES, D_EDGE), jnp.float32),
        jax.ShapeDtypeStruct((NC * N_NODES, D_EDGE), jnp.float32),
    ),
    mesh=plsc.VectorSubcoreMesh(core_axis_name="c", subcore_axis_name="s"),
    compiler_params=pltpu.CompilerParams(use_tc_tiling_on_sc=False),
    scratch_types=[
        pltpu.VMEM((CHT, CH), jnp.int32),
        pltpu.VMEM((CHT, CH), jnp.int32),
        pltpu.VMEM((SUPN * CH, D_EDGE), jnp.float32),
        pltpu.VMEM((SUPN * CH, D_EDGE), jnp.float32),
        pltpu.VMEM((SUPN * CH, D_EDGE), jnp.float32),
        pltpu.VMEM((SUPN * CH, D_EDGE), jnp.float32),
        pltpu.VMEM((CH, D_EDGE), jnp.float32),
        pltpu.VMEM_SHARED((N_NODES, D_EDGE), jnp.float32),
        pltpu.VMEM_SHARED((N_NODES, D_EDGE), jnp.float32),
        pltpu.VMEM_SHARED((N_NODES, D_EDGE), jnp.float32),
        pltpu.VMEM_SHARED((N_NODES, D_EDGE), jnp.float32),
        pltpu.SemaphoreType.DMA,
        pltpu.SemaphoreType.DMA,
        pltpu.SemaphoreType.DMA,
        pltpu.SemaphoreType.DMA,
    ],
)(_sc_body)


def _proj_body(x_ref, ws_ref, wr_ref, xs_ref, xr_ref):
    xb = x_ref[...]
    xs_ref[...] = jnp.dot(xb, ws_ref[...], precision=HIGHEST)
    xr_ref[...] = jnp.dot(xb, wr_ref[...], precision=HIGHEST)


def _edge_body(ea_ref, gath_ref, we_ref, u_ref, weg_ref, eb_ref, out_ref):
    ce = jnp.dot(u_ref[...], weg_ref[...], precision=HIGHEST) + eb_ref[...]
    out_ref[...] = (jnp.dot(ea_ref[...], we_ref[...], precision=HIGHEST)
                    + gath_ref[...] + ce)


def _node_body(x_ref, sp_ref, rp_ref, wnx_ref, wns_ref, wnr_ref, wng_ref,
               u_ref, nb_ref, wgu_ref, wgx_ref, wge_ref, gb_ref,
               xn_ref, un_ref, accx_ref, acce_ref):
    i = pl.program_id(0)
    xb = x_ref[...]
    sent = sp_ref[0] + sp_ref[1]
    recv = rp_ref[0] + rp_ref[1]
    cn = jnp.dot(u_ref[...], wng_ref[...], precision=HIGHEST) + nb_ref[...]
    xn_ref[...] = (jnp.dot(xb, wnx_ref[...], precision=HIGHEST)
                   + jnp.dot(sent, wns_ref[...], precision=HIGHEST)
                   + jnp.dot(recv, wnr_ref[...], precision=HIGHEST)
                   + cn)

    @pl.when(i == 0)
    def _():
        accx_ref[...] = jnp.zeros_like(accx_ref)
        acce_ref[...] = jnp.zeros_like(acce_ref)

    accx_ref[...] += jnp.sum(xb, axis=0, keepdims=True)
    acce_ref[...] += jnp.sum(sent, axis=0, keepdims=True)

    @pl.when(i == pl.num_programs(0) - 1)
    def _():
        un_ref[...] = (jnp.dot(u_ref[...], wgu_ref[...], precision=HIGHEST)
                       + jnp.dot(accx_ref[...], wgx_ref[...], precision=HIGHEST)
                       + jnp.dot(acce_ref[...], wge_ref[...], precision=HIGHEST)
                       + gb_ref[...])


_NB = 2000
_EB = 3200


def kernel(x, edge_index, edge_attr, u, node_batch, edge_batch, num_nodes,
           num_edges, edge_W, edge_b, node_W, node_b, global_W, global_b):
    f32 = jnp.float32
    ei = edge_index.astype(jnp.int32).reshape(2, NW, EPT)
    ei = jnp.pad(ei, ((0, 0), (0, 0), (0, CHT * CH - EPT)))
    ei = ei.reshape(2, NW * CHT, CH)

    we_e = edge_W[:D_EDGE]
    we_s = edge_W[D_EDGE:D_EDGE + D_FEAT]
    we_r = edge_W[D_EDGE + D_FEAT:D_EDGE + 2 * D_FEAT]
    we_g = edge_W[D_EDGE + 2 * D_FEAT:]
    wn_x = node_W[:D_FEAT]
    wn_s = node_W[D_FEAT:D_FEAT + D_EDGE]
    wn_r = node_W[D_FEAT + D_EDGE:D_FEAT + 2 * D_EDGE]
    wn_g = node_W[D_FEAT + 2 * D_EDGE:]
    wg_u = global_W[:D_GLOBAL]
    wg_x = global_W[D_GLOBAL:D_GLOBAL + D_FEAT]
    wg_e = global_W[D_GLOBAL + D_FEAT:]

    full = lambda shape: pl.BlockSpec(shape, lambda i: tuple(0 for _ in shape))

    xs, xr = pl.pallas_call(
        _proj_body,
        grid=(N_NODES // _NB,),
        in_specs=[
            pl.BlockSpec((_NB, D_FEAT), lambda i: (i, 0)),
            full((D_FEAT, D_EDGE)),
            full((D_FEAT, D_EDGE)),
        ],
        out_specs=[
            pl.BlockSpec((_NB, D_EDGE), lambda i: (i, 0)),
            pl.BlockSpec((_NB, D_EDGE), lambda i: (i, 0)),
        ],
        out_shape=[
            jax.ShapeDtypeStruct((N_NODES, D_EDGE), f32),
            jax.ShapeDtypeStruct((N_NODES, D_EDGE), f32),
        ],
    )(x, we_s, we_r)

    gath, sentp, recvp = _sc_kernel(ei, edge_attr, xs, xr)

    edge_attr_new = pl.pallas_call(
        _edge_body,
        grid=(N_EDGES // _EB,),
        in_specs=[
            pl.BlockSpec((_EB, D_EDGE), lambda i: (i, 0)),
            pl.BlockSpec((_EB, D_EDGE), lambda i: (i, 0)),
            full((D_EDGE, D_EDGE)),
            full((1, D_GLOBAL)),
            full((D_GLOBAL, D_EDGE)),
            full((1, D_EDGE)),
        ],
        out_specs=pl.BlockSpec((_EB, D_EDGE), lambda i: (i, 0)),
        out_shape=jax.ShapeDtypeStruct((N_EDGES, D_EDGE), f32),
    )(edge_attr, gath, we_e, u, we_g, edge_b.reshape(1, D_EDGE))

    sp3 = sentp.reshape(NC, N_NODES, D_EDGE)
    rp3 = recvp.reshape(NC, N_NODES, D_EDGE)

    x_new, u_new = pl.pallas_call(
        _node_body,
        grid=(N_NODES // _NB,),
        in_specs=[
            pl.BlockSpec((_NB, D_FEAT), lambda i: (i, 0)),
            pl.BlockSpec((NC, _NB, D_EDGE), lambda i: (0, i, 0)),
            pl.BlockSpec((NC, _NB, D_EDGE), lambda i: (0, i, 0)),
            full((D_FEAT, D_FEAT)),
            full((D_EDGE, D_FEAT)),
            full((D_EDGE, D_FEAT)),
            full((D_FEAT, D_FEAT)),
            full((1, D_GLOBAL)),
            full((1, D_FEAT)),
            full((D_GLOBAL, D_GLOBAL)),
            full((D_FEAT, D_GLOBAL)),
            full((D_EDGE, D_GLOBAL)),
            full((1, D_GLOBAL)),
        ],
        out_specs=[
            pl.BlockSpec((_NB, D_FEAT), lambda i: (i, 0)),
            pl.BlockSpec((1, D_GLOBAL), lambda i: (0, 0)),
        ],
        out_shape=[
            jax.ShapeDtypeStruct((N_NODES, D_FEAT), f32),
            jax.ShapeDtypeStruct((1, D_GLOBAL), f32),
        ],
        scratch_shapes=[
            pltpu.VMEM((1, D_FEAT), f32),
            pltpu.VMEM((1, D_EDGE), f32),
        ],
    )(x, sp3, rp3, wn_x, wn_s, wn_r, wn_g, u, node_b.reshape(1, D_FEAT),
      wg_u, wg_x, wg_e, global_b.reshape(1, D_GLOBAL))

    return (x_new, edge_attr_new, u_new)

# --- scband reference (transcript-rebuilt; emitter-appended) ---
"""Pipeline reference for scband-meta-layer3-53798760350350 (READ-ONLY COPY).

The authoritative reference and input builder live on the scoring server;
editing this copy changes nothing except your own understanding.
"""

import jax, jax.numpy as jnp
import numpy as np

N_NODES = 10000
N_EDGES = 320000
D_FEAT = 128
D_EDGE = 16
D_GLOBAL = 128


def setup_inputs(seed: int = 0) -> dict:
    key = jax.random.key(seed)
    ks = jax.random.split(key, 12)
    x = jax.random.normal(ks[0], (N_NODES, D_FEAT), dtype=jnp.float32)
    edge_index = jax.random.randint(ks[1], (2, N_EDGES), 0, N_NODES, dtype=jnp.int64 if jax.config.read('jax_enable_x64') else jnp.int32)
    edge_attr = jax.random.normal(ks[2], (N_EDGES, D_EDGE), dtype=jnp.float32)
    u = jax.random.normal(ks[3], (1, D_GLOBAL), dtype=jnp.float32)
    node_batch = jnp.zeros((N_NODES,), dtype=jnp.int32)
    edge_batch = jnp.zeros((N_EDGES,), dtype=jnp.int32)
    num_nodes = N_NODES
    num_edges = N_EDGES
    # learned params: edge_model, node_model, global_model as Linear layers
    d_edge_in = D_EDGE + D_FEAT + D_FEAT + D_GLOBAL  # 400
    d_node_in = D_FEAT + D_EDGE + D_EDGE + D_GLOBAL  # 288
    d_glob_in = D_GLOBAL + D_FEAT + D_EDGE           # 272
    edge_W = jax.random.normal(ks[4], (d_edge_in, D_EDGE), dtype=jnp.float32) * (1.0 / np.sqrt(d_edge_in))
    edge_b = jnp.zeros((D_EDGE,), dtype=jnp.float32)
    node_W = jax.random.normal(ks[5], (d_node_in, D_FEAT), dtype=jnp.float32) * (1.0 / np.sqrt(d_node_in))
    node_b = jnp.zeros((D_FEAT,), dtype=jnp.float32)
    global_W = jax.random.normal(ks[6], (d_glob_in, D_GLOBAL), dtype=jnp.float32) * (1.0 / np.sqrt(d_glob_in))
    global_b = jnp.zeros((D_GLOBAL,), dtype=jnp.float32)
    return {
        'x': x, 'edge_index': edge_index, 'edge_attr': edge_attr, 'u': u,
        'node_batch': node_batch, 'edge_batch': edge_batch,
        'num_nodes': num_nodes, 'num_edges': num_edges,
        'edge_W': edge_W, 'edge_b': edge_b,
        'node_W': node_W, 'node_b': node_b,
        'global_W': global_W, 'global_b': global_b,
    }


def reference(x, edge_index, edge_attr, u, node_batch, edge_batch, num_nodes, num_edges,
              edge_W, edge_b, node_W, node_b, global_W, global_b):
    x_residual = x
    edge_attr_residual = edge_attr
    row = edge_index[0]
    col = edge_index[1]

    # edge model (face_index is None path)
    sent_attributes = x[row]
    received_attributes = x[col]
    global_edges = jnp.repeat(u, num_edges, axis=0, total_repeat_length=edge_attr.shape[0])
    concat_feat = jnp.concatenate([edge_attr, sent_attributes, received_attributes, global_edges], axis=1)
    edge_attr_new = concat_feat @ edge_W + edge_b

    # node model: aggregate_edges_for_node_fn = scatter-add (segment_sum)
    n = x.shape[0]
    sent_agg = jax.ops.segment_sum(edge_attr_residual, row, num_segments=n)
    recv_agg = jax.ops.segment_sum(edge_attr_residual, col, num_segments=n)
    global_nodes = jnp.repeat(u, num_nodes, axis=0, total_repeat_length=x.shape[0])
    node_feat = jnp.concatenate([x, sent_agg, recv_agg, global_nodes], axis=1)
    x_new = node_feat @ node_W + node_b

    # global model
    n_graph = u.shape[0]
    node_attributes = jax.ops.segment_sum(x_residual, node_batch, num_segments=n_graph)
    edge_attributes = jax.ops.segment_sum(edge_attr_residual, edge_batch, num_segments=n_graph)
    glob_feat = jnp.concatenate([u, node_attributes, edge_attributes], axis=1)
    u_new = glob_feat @ global_W + global_b

    return (x_new, edge_attr_new, u_new)

if __name__ == "__main__":
    import jax
    _d = setup_inputs()
    print(jax.jit(kernel)(*tuple(_d.values())))

</pallas_src>

<mosaic_0001>
#map = affine_map<(d0, d1) -> (0, 0, 0)>
#map1 = affine_map<(d0, d1) -> (0, 0)>
module attributes {stable_mosaic.version = 14 : i64} {
  func.func @_sc_body(%arg0: i32, %arg1: i32, %arg2: memref<2x2528x128xi32, #tpu.memory_space<hbm>>, %arg3: memref<320000x16xf32, #tpu.memory_space<hbm>>, %arg4: memref<10000x16xf32, #tpu.memory_space<hbm>>, %arg5: memref<10000x16xf32, #tpu.memory_space<hbm>>, %arg6: memref<320000x16xf32, #tpu.memory_space<hbm>>, %arg7: memref<20000x16xf32, #tpu.memory_space<hbm>>, %arg8: memref<20000x16xf32, #tpu.memory_space<hbm>>, %arg9: memref<79x128xi32, #tpu.memory_space<vmem>>, %arg10: memref<79x128xi32, #tpu.memory_space<vmem>>, %arg11: memref<1024x16xf32, #tpu.memory_space<vmem>>, %arg12: memref<1024x16xf32, #tpu.memory_space<vmem>>, %arg13: memref<1024x16xf32, #tpu.memory_space<vmem>>, %arg14: memref<1024x16xf32, #tpu.memory_space<vmem>>, %arg15: memref<128x16xf32, #tpu.memory_space<vmem>>, %arg16: memref<10000x16xf32, #tpu.memory_space<vmem_shared>>, %arg17: memref<10000x16xf32, #tpu.memory_space<vmem_shared>>, %arg18: memref<10000x16xf32, #tpu.memory_space<vmem_shared>>, %arg19: memref<10000x16xf32, #tpu.memory_space<vmem_shared>>, %arg20: memref<!tpu.dma_semaphore, #tpu.memory_space<semaphore_mem>>, %arg21: memref<!tpu.dma_semaphore, #tpu.memory_space<semaphore_mem>>, %arg22: memref<!tpu.dma_semaphore, #tpu.memory_space<semaphore_mem>>, %arg23: memref<!tpu.dma_semaphore, #tpu.memory_space<semaphore_mem>>) attributes {dimension_semantics = [#tpu.dimension_semantics<core_parallel>, #tpu.dimension_semantics<subcore_parallel>], iteration_bounds = array<i64: 2, 16>, scalar_prefetch = 0 : i64, scratch_operands = 15 : i64, tpu.core_type = #tpu.core_type<sc_vector_subcore>, window_params = [{transform_indices = #map}, {transform_indices = #map1}, {transform_indices = #map1}, {transform_indices = #map1}, {transform_indices = #map1}, {transform_indices = #map1}, {transform_indices = #map1}]} {
    %mul3A = arith.constant 16 : i32
    %mul3A_0 = arith.muli %arg0, %mul3A : i32
    %add3A = arith.addi %mul3A_0, %arg1 : i32
    %mul3A_1 = arith.constant 10000 : i32
    %mul3A_2 = arith.muli %add3A, %mul3A_1 : i32
    %eq3A = arith.constant 2 : i32
    %eq3A_3 = arith.cmpi eq, %arg1, %eq3A : i32
    %convert_element_type3A = arith.extui %eq3A_3 : i1 to i32
    %cond3A = arith.constant 0 : i32
    %cond3A_4 = arith.cmpi ne, %convert_element_type3A, %cond3A : i32
    scf.if %cond3A_4 {
      "tpu.region"() ({
        %run_scoped3A_695 = tpu.sem_alloc : memref<!tpu.dma_semaphore, #tpu.memory_space<semaphore_mem>>
        tpu.enqueue_dma source(%arg4 : memref<10000x16xf32, #tpu.memory_space<hbm>>) target(%arg16 : memref<10000x16xf32, #tpu.memory_space<vmem_shared>>) target_semaphore(%run_scoped3A_695 : memref<!tpu.dma_semaphore, #tpu.memory_space<semaphore_mem>>)
        tpu.wait_dma2 semaphore(%run_scoped3A_695 : memref<!tpu.dma_semaphore, #tpu.memory_space<semaphore_mem>>) src(%arg4 : memref<10000x16xf32, #tpu.memory_space<hbm>>) dst(%arg16 : memref<10000x16xf32, #tpu.memory_space<vmem_shared>>)
        tpu.yield
      }) : () -> ()
    } else {
    }
    %eq3A_5 = arith.constant 3 : i32
    %eq3A_6 = arith.cmpi eq, %arg1, %eq3A_5 : i32
    %convert_element_type3A_7 = arith.extui %eq3A_6 : i1 to i32
    %cond3A_8 = arith.constant 0 : i32
    %cond3A_9 = arith.cmpi ne, %convert_element_type3A_7, %cond3A_8 : i32
    scf.if %cond3A_9 {
      "tpu.region"() ({
        %run_scoped3A_695 = tpu.sem_alloc : memref<!tpu.dma_semaphore, #tpu.memory_space<semaphore_mem>>
        tpu.enqueue_dma source(%arg5 : memref<10000x16xf32, #tpu.memory_space<hbm>>) target(%arg17 : memref<10000x16xf32, #tpu.memory_space<vmem_shared>>) target_semaphore(%run_scoped3A_695 : memref<!tpu.dma_semaphore, #tpu.memory_space<semaphore_mem>>)
        tpu.wait_dma2 semaphore(%run_scoped3A_695 : memref<!tpu.dma_semaphore, #tpu.memory_space<semaphore_mem>>) src(%arg5 : memref<10000x16xf32, #tpu.memory_space<hbm>>) dst(%arg17 : memref<10000x16xf32, #tpu.memory_space<vmem_shared>>)
        tpu.yield
      }) : () -> ()
    } else {
    }
    %mul3A_10 = arith.constant 79 : i32
    %mul3A_11 = arith.muli %add3A, %mul3A_10 : i32
    %run_scoped3A = arith.constant 0 : i32
    "tpu.region"() ({
      %run_scoped3A_695 = tpu.sem_alloc : memref<!tpu.dma_semaphore, #tpu.memory_space<semaphore_mem>>
      %dma_start3A_696 = arith.constant 0 : i32
      %dma_start3A_697 = tpu.memref_slice %arg2[%run_scoped3A, %mul3A_11, %dma_start3A_696] : memref<2x2528x128xi32, #tpu.memory_space<hbm>> -> memref<1x79x128xi32, #tpu.memory_space<hbm>>
      %dma_start3A_698 = tpu.memref_squeeze %dma_start3A_697 : memref<1x79x128xi32, #tpu.memory_space<hbm>> -> memref<79x128xi32, #tpu.memory_space<hbm>>
      %dma_start3A_699 = arith.constant 0 : i32
      %dma_start3A_700 = tpu.memref_slice %arg2[%run_scoped3A, %mul3A_11, %dma_start3A_699] : memref<2x2528x128xi32, #tpu.memory_space<hbm>> -> memref<1x79x128xi32, #tpu.memory_space<hbm>>
      %dma_start3A_701 = tpu.memref_squeeze %dma_start3A_700 : memref<1x79x128xi32, #tpu.memory_space<hbm>> -> memref<79x128xi32, #tpu.memory_space<hbm>>
      tpu.enqueue_dma source(%dma_start3A_701 : memref<79x128xi32, #tpu.memory_space<hbm>>) target(%arg9 : memref<79x128xi32, #tpu.memory_space<vmem>>) target_semaphore(%run_scoped3A_695 : memref<!tpu.dma_semaphore, #tpu.memory_space<semaphore_mem>>)
      %dma_wait3A_702 = arith.constant 0 : i32
      %dma_wait3A_703 = tpu.memref_slice %arg2[%run_scoped3A, %mul3A_11, %dma_wait3A_702] : memref<2x2528x128xi32, #tpu.memory_space<hbm>> -> memref<1x79x128xi32, #tpu.memory_space<hbm>>
      %dma_wait3A_704 = tpu.memref_squeeze %dma_wait3A_703 : memref<1x79x128xi32, #tpu.memory_space<hbm>> -> memref<79x128xi32, #tpu.memory_space<hbm>>
      %dma_wait3A_705 = arith.constant 0 : i32
      %dma_wait3A_706 = tpu.memref_slice %arg2[%run_scoped3A, %mul3A_11, %dma_wait3A_705] : memref<2x2528x128xi32, #tpu.memory_space<hbm>> -> memref<1x79x128xi32, #tpu.memory_space<hbm>>
      %dma_wait3A_707 = tpu.memref_squeeze %dma_wait3A_706 : memref<1x79x128xi32, #tpu.memory_space<hbm>> -> memref<79x128xi32, #tpu.memory_space<hbm>>
      tpu.wait_dma2 semaphore(%run_scoped3A_695 : memref<!tpu.dma_semaphore, #tpu.memory_space<semaphore_mem>>) src(%dma_wait3A_707 : memref<79x128xi32, #tpu.memory_space<hbm>>) dst(%arg9 : memref<79x128xi32, #tpu.memory_space<vmem>>)
      tpu.yield
    }) : () -> ()
    %mul3A_12 = arith.constant 79 : i32
    %mul3A_13 = arith.muli %add3A, %mul3A_12 : i32
    %run_scoped3A_14 = arith.constant 1 : i32
    "tpu.region"() ({
      %run_scoped3A_695 = tpu.sem_alloc : memref<!tpu.dma_semaphore, #tpu.memory_space<semaphore_mem>>
      %dma_start3A_696 = arith.constant 0 : i32
      %dma_start3A_697 = tpu.memref_slice %arg2[%run_scoped3A_14, %mul3A_13, %dma_start3A_696] : memref<2x2528x128xi32, #tpu.memory_space<hbm>> -> memref<1x79x128xi32, #tpu.memory_space<hbm>>
      %dma_start3A_698 = tpu.memref_squeeze %dma_start3A_697 : memref<1x79x128xi32, #tpu.memory_space<hbm>> -> memref<79x128xi32, #tpu.memory_space<hbm>>
      %dma_start3A_699 = arith.constant 0 : i32
      %dma_start3A_700 = tpu.memref_slice %arg2[%run_scoped3A_14, %mul3A_13, %dma_start3A_699] : memref<2x2528x128xi32, #tpu.memory_space<hbm>> -> memref<1x79x128xi32, #tpu.memory_space<hbm>>
      %dma_start3A_701 = tpu.memref_squeeze %dma_start3A_700 : memref<1x79x128xi32, #tpu.memory_space<hbm>> -> memref<79x128xi32, #tpu.memory_space<hbm>>
      tpu.enqueue_dma source(%dma_start3A_701 : memref<79x128xi32, #tpu.memory_space<hbm>>) target(%arg10 : memref<79x128xi32, #tpu.memory_space<vmem>>) target_semaphore(%run_scoped3A_695 : memref<!tpu.dma_semaphore, #tpu.memory_space<semaphore_mem>>)
      %dma_wait3A_702 = arith.constant 0 : i32
      %dma_wait3A_703 = tpu.memref_slice %arg2[%run_scoped3A_14, %mul3A_13, %dma_wait3A_702] : memref<2x2528x128xi32, #tpu.memory_space<hbm>> -> memref<1x79x128xi32, #tpu.memory_space<hbm>>
      %dma_wait3A_704 = tpu.memref_squeeze %dma_wait3A_703 : memref<1x79x128xi32, #tpu.memory_space<hbm>> -> memref<79x128xi32, #tpu.memory_space<hbm>>
      %dma_wait3A_705 = arith.constant 0 : i32
      %dma_wait3A_706 = tpu.memref_slice %arg2[%run_scoped3A_14, %mul3A_13, %dma_wait3A_705] : memref<2x2528x128xi32, #tpu.memory_space<hbm>> -> memref<1x79x128xi32, #tpu.memory_space<hbm>>
      %dma_wait3A_707 = tpu.memref_squeeze %dma_wait3A_706 : memref<1x79x128xi32, #tpu.memory_space<hbm>> -> memref<79x128xi32, #tpu.memory_space<hbm>>
      tpu.wait_dma2 semaphore(%run_scoped3A_695 : memref<!tpu.dma_semaphore, #tpu.memory_space<semaphore_mem>>) src(%dma_wait3A_707 : memref<79x128xi32, #tpu.memory_space<hbm>>) dst(%arg10 : memref<79x128xi32, #tpu.memory_space<vmem>>)
      tpu.yield
    }) : () -> ()
    %broadcast_in_dim3A = arith.constant 0.000000e+00 : f32
    %broadcast_in_dim3A_15 = vector.broadcast %broadcast_in_dim3A : f32 to vector<16xf32>
    %scan3A = arith.constant 16 : i32
    %scan3A_16 = arith.constant 112 : i32
    %scan3A_17 = arith.addi %scan3A, %scan3A_16 : i32
    %scan3A_18 = arith.constant 8 : i32
    scf.for %scan3A_695 = %scan3A to %scan3A_17 step %scan3A_18  : i32 {
      %swap3A = arith.index_cast %scan3A_695 : i32 to index
      %swap3A_696 = arith.constant 0 : index
      %swap3A_697 = tpu.vector_load %arg15[%swap3A, %swap3A_696] {strides = array<i32>} : memref<128x16xf32, #tpu.memory_space<vmem>>, vector<1x16xf32>,
      %swap3A_698 = vector.shape_cast %swap3A_697 : vector<1x16xf32> to vector<16xf32>
      %swap3A_699 = vector.shape_cast %broadcast_in_dim3A_15 : vector<16xf32> to vector<1x16xf32>
      tpu.vector_store %arg15[%swap3A, %swap3A_696], %swap3A_699 {strides = array<i32>} : memref<128x16xf32, #tpu.memory_space<vmem>>, vector<1x16xf32>,
      %scan3A_700 = arith.constant 1 : i32
      %scan3A_701 = arith.addi %scan3A_695, %scan3A_700 : i32
      %swap3A_702 = arith.index_cast %scan3A_701 : i32 to index
      %swap3A_703 = arith.constant 0 : index
      %swap3A_704 = tpu.vector_load %arg15[%swap3A_702, %swap3A_703] {strides = array<i32>} : memref<128x16xf32, #tpu.memory_space<vmem>>, vector<1x16xf32>,
      %swap3A_705 = vector.shape_cast %swap3A_704 : vector<1x16xf32> to vector<16xf32>
      %swap3A_706 = vector.shape_cast %broadcast_in_dim3A_15 : vector<16xf32> to vector<1x16xf32>
      tpu.vector_store %arg15[%swap3A_702, %swap3A_703], %swap3A_706 {strides = array<i32>} : memref<128x16xf32, #tpu.memory_space<vmem>>, vector<1x16xf32>,
      %scan3A_707 = arith.constant 2 : i32
      %scan3A_708 = arith.addi %scan3A_695, %scan3A_707 : i32
      %swap3A_709 = arith.index_cast %scan3A_708 : i32 to index
      %swap3A_710 = arith.constant 0 : index
      %swap3A_711 = tpu.vector_load %arg15[%swap3A_709, %swap3A_710] {strides = array<i32>} : memref<128x16xf32, #tpu.memory_space<vmem>>, vector<1x16xf32>,
      %swap3A_712 = vector.shape_cast %swap3A_711 : vector<1x16xf32> to vector<16xf32>
      %swap3A_713 = vector.shape_cast %broadcast_in_dim3A_15 : vector<16xf32> to vector<1x16xf32>
      tpu.vector_store %arg15[%swap3A_709, %swap3A_710], %swap3A_713 {strides = array<i32>} : memref<128x16xf32, #tpu.memory_space<vmem>>, vector<1x16xf32>,
      %scan3A_714 = arith.constant 3 : i32
      %scan3A_715 = arith.addi %scan3A_695, %scan3A_714 : i32
      %swap3A_716 = arith.index_cast %scan3A_715 : i32 to index
      %swap3A_717 = arith.constant 0 : index
      %swap3A_718 = tpu.vector_load %arg15[%swap3A_716, %swap3A_717] {strides = array<i32>} : memref<128x16xf32, #tpu.memory_space<vmem>>, vector<1x16xf32>,
      %swap3A_719 = vector.shape_cast %swap3A_718 : vector<1x16xf32> to vector<16xf32>
      %swap3A_720 = vector.shape_cast %broadcast_in_dim3A_15 : vector<16xf32> to vector<1x16xf32>
      tpu.vector_store %arg15[%swap3A_716, %swap3A_717], %swap3A_720 {strides = array<i32>} : memref<128x16xf32, #tpu.memory_space<vmem>>, vector<1x16xf32>,
      %scan3A_721 = arith.constant 4 : i32
      %scan3A_722 = arith.addi %scan3A_695, %scan3A_721 : i32
      %swap3A_723 = arith.index_cast %scan3A_722 : i32 to index
      %swap3A_724 = arith.constant 0 : index
      %swap3A_725 = tpu.vector_load %arg15[%swap3A_723, %swap3A_724] {strides = array<i32>} : memref<128x16xf32, #tpu.memory_space<vmem>>, vector<1x16xf32>,
      %swap3A_726 = vector.shape_cast %swap3A_725 : vector<1x16xf32> to vector<16xf32>
      %swap3A_727 = vector.shape_cast %broadcast_in_dim3A_15 : vector<16xf32> to vector<1x16xf32>
      tpu.vector_store %arg15[%swap3A_723, %swap3A_724], %swap3A_727 {strides = array<i32>} : memref<128x16xf32, #tpu.memory_space<vmem>>, vector<1x16xf32>,
      %scan3A_728 = arith.constant 5 : i32
      %scan3A_729 = arith.addi %scan3A_695, %scan3A_728 : i32
      %swap3A_730 = arith.index_cast %scan3A_729 : i32 to index
      %swap3A_731 = arith.constant 0 : index
      %swap3A_732 = tpu.vector_load %arg15[%swap3A_730, %swap3A_731] {strides = array<i32>} : memref<128x16xf32, #tpu.memory_space<vmem>>, vector<1x16xf32>,
      %swap3A_733 = vector.shape_cast %swap3A_732 : vector<1x16xf32> to vector<16xf32>
      %swap3A_734 = vector.shape_cast %broadcast_in_dim3A_15 : vector<16xf32> to vector<1x16xf32>
      tpu.vector_store %arg15[%swap3A_730, %swap3A_731], %swap3A_734 {strides = array<i32>} : memref<128x16xf32, #tpu.memory_space<vmem>>, vector<1x16xf32>,
      %scan3A_735 = arith.constant 6 : i32
      %scan3A_736 = arith.addi %scan3A_695, %scan3A_735 : i32
      %swap3A_737 = arith.index_cast %scan3A_736 : i32 to index
      %swap3A_738 = arith.constant 0 : index
      %swap3A_739 = tpu.vector_load %arg15[%swap3A_737, %swap3A_738] {strides = array<i32>} : memref<128x16xf32, #tpu.memory_space<vmem>>, vector<1x16xf32>,
      %swap3A_740 = vector.shape_cast %swap3A_739 : vector<1x16xf32> to vector<16xf32>
      %swap3A_741 = vector.shape_cast %broadcast_in_dim3A_15 : vector<16xf32> to vector<1x16xf32>
      tpu.vector_store %arg15[%swap3A_737, %swap3A_738], %swap3A_741 {strides = array<i32>} : memref<128x16xf32, #tpu.memory_space<vmem>>, vector<1x16xf32>,
      %scan3A_742 = arith.constant 7 : i32
      %scan3A_743 = arith.addi %scan3A_695, %scan3A_742 : i32
      %swap3A_744 = arith.index_cast %scan3A_743 : i32 to index
      %swap3A_745 = arith.constant 0 : index
      %swap3A_746 = tpu.vector_load %arg15[%swap3A_744, %swap3A_745] {strides = array<i32>} : memref<128x16xf32, #tpu.memory_space<vmem>>, vector<1x16xf32>,
      %swap3A_747 = vector.shape_cast %swap3A_746 : vector<1x16xf32> to vector<16xf32>
      %swap3A_748 = vector.shape_cast %broadcast_in_dim3A_15 : vector<16xf32> to vector<1x16xf32>
      tpu.vector_store %arg15[%swap3A_744, %swap3A_745], %swap3A_748 {strides = array<i32>} : memref<128x16xf32, #tpu.memory_space<vmem>>, vector<1x16xf32>,
    }
    %scan3A_19 = arith.constant 112 : i32
    %scan3A_20 = arith.constant 0 : i32
    %scan3A_21 = arith.constant 128 : i32
    %scan3A_22 = arith.addi %scan3A_20, %scan3A_21 : i32
    %scan3A_23 = arith.constant 8 : i32
    scf.for %scan3A_695 = %scan3A_20 to %scan3A_22 step %scan3A_23  : i32 {
      %jit3A = arith.constant 128 : i32
      %eq3A_696 = arith.constant 0 : i32
      %eq3A_697 = arith.cmpi eq, %jit3A, %eq3A_696 : i32
      %jit3A_698 = arith.constant 1 : i32
      %select_n3A = arith.select %eq3A_697, %jit3A_698, %jit3A : i32
      %rem3A = arith.remsi %scan3A_695, %select_n3A : i32
      %ne3A = arith.constant 0 : i32
      %ne3A_699 = arith.cmpi ne, %rem3A, %ne3A : i32
      %lt3A = arith.constant 0 : i32
      %lt3A_700 = arith.cmpi slt, %rem3A, %lt3A : i32
      %lt3A_701 = arith.constant 0 : i32
      %lt3A_702 = arith.cmpi slt, %select_n3A, %lt3A_701 : i32
      %ne3A_703 = arith.xori %lt3A_700, %lt3A_702 : i1
      %and3A = arith.andi %ne3A_703, %ne3A_699 : i1
      %add3A_704 = arith.addi %rem3A, %select_n3A : i32
      %select_n3A_705 = arith.select %and3A, %add3A_704, %rem3A : i32
      %swap3A = arith.index_cast %select_n3A_705 : i32 to index
      %swap3A_706 = arith.constant 0 : index
      %swap3A_707 = tpu.vector_load %arg14[%swap3A, %swap3A_706] {strides = array<i32>} : memref<1024x16xf32, #tpu.memory_space<vmem>>, vector<1x16xf32>,
      %swap3A_708 = vector.shape_cast %swap3A_707 : vector<1x16xf32> to vector<16xf32>
      %swap3A_709 = vector.shape_cast %broadcast_in_dim3A_15 : vector<16xf32> to vector<1x16xf32>
      tpu.vector_store %arg14[%swap3A, %swap3A_706], %swap3A_709 {strides = array<i32>} : memref<1024x16xf32, #tpu.memory_space<vmem>>, vector<1x16xf32>,
      %scan3A_710 = arith.constant 1 : i32
      %scan3A_711 = arith.addi %scan3A_695, %scan3A_710 : i32
      %jit3A_712 = arith.constant 128 : i32
      %eq3A_713 = arith.constant 0 : i32
      %eq3A_714 = arith.cmpi eq, %jit3A_712, %eq3A_713 : i32
      %jit3A_715 = arith.constant 1 : i32
      %select_n3A_716 = arith.select %eq3A_714, %jit3A_715, %jit3A_712 : i32
      %rem3A_717 = arith.remsi %scan3A_711, %select_n3A_716 : i32
      %ne3A_718 = arith.constant 0 : i32
      %ne3A_719 = arith.cmpi ne, %rem3A_717, %ne3A_718 : i32
      %lt3A_720 = arith.constant 0 : i32
      %lt3A_721 = arith.cmpi slt, %rem3A_717, %lt3A_720 : i32
      %lt3A_722 = arith.constant 0 : i32
      %lt3A_723 = arith.cmpi slt, %select_n3A_716, %lt3A_722 : i32
      %ne3A_724 = arith.xori %lt3A_721, %lt3A_723 : i1
      %and3A_725 = arith.andi %ne3A_724, %ne3A_719 : i1
      %add3A_726 = arith.addi %rem3A_717, %select_n3A_716 : i32
      %select_n3A_727 = arith.select %and3A_725, %add3A_726, %rem3A_717 : i32
      %swap3A_728 = arith.index_cast %select_n3A_727 : i32 to index
      %swap3A_729 = arith.constant 0 : index
      %swap3A_730 = tpu.vector_load %arg14[%swap3A_728, %swap3A_729] {strides = array<i32>} : memref<1024x16xf32, #tpu.memory_space<vmem>>, vector<1x16xf32>,
      %swap3A_731 = vector.shape_cast %swap3A_730 : vector<1x16xf32> to vector<16xf32>
      %swap3A_732 = vector.shape_cast %broadcast_in_dim3A_15 : vector<16xf32> to vector<1x16xf32>
      tpu.vector_store %arg14[%swap3A_728, %swap3A_729], %swap3A_732 {strides = array<i32>} : memref<1024x16xf32, #tpu.memory_space<vmem>>, vector<1x16xf32>,
      %scan3A_733 = arith.constant 2 : i32
      %scan3A_734 = arith.addi %scan3A_695, %scan3A_733 : i32
      %jit3A_735 = arith.constant 128 : i32
      %eq3A_736 = arith.constant 0 : i32
      %eq3A_737 = arith.cmpi eq, %jit3A_735, %eq3A_736 : i32
      %jit3A_738 = arith.constant 1 : i32
      %select_n3A_739 = arith.select %eq3A_737, %jit3A_738, %jit3A_735 : i32
      %rem3A_740 = arith.remsi %scan3A_734, %select_n3A_739 : i32
      %ne3A_741 = arith.constant 0 : i32
      %ne3A_742 = arith.cmpi ne, %rem3A_740, %ne3A_741 : i32
      %lt3A_743 = arith.constant 0 : i32
      %lt3A_744 = arith.cmpi slt, %rem3A_740, %lt3A_743 : i32
      %lt3A_745 = arith.constant 0 : i32
      %lt3A_746 = arith.cmpi slt, %select_n3A_739, %lt3A_745 : i32
      %ne3A_747 = arith.xori %lt3A_744, %lt3A_746 : i1
      %and3A_748 = arith.andi %ne3A_747, %ne3A_742 : i1
      %add3A_749 = arith.addi %rem3A_740, %select_n3A_739 : i32
      %select_n3A_750 = arith.select %and3A_748, %add3A_749, %rem3A_740 : i32
      %swap3A_751 = arith.index_cast %select_n3A_750 : i32 to index
      %swap3A_752 = arith.constant 0 : index
      %swap3A_753 = tpu.vector_load %arg14[%swap3A_751, %swap3A_752] {strides = array<i32>} : memref<1024x16xf32, #tpu.memory_space<vmem>>, vector<1x16xf32>,
      %swap3A_754 = vector.shape_cast %swap3A_753 : vector<1x16xf32> to vector<16xf32>
      %swap3A_755 = vector.shape_cast %broadcast_in_dim3A_15 : vector<16xf32> to vector<1x16xf32>
      tpu.vector_store %arg14[%swap3A_751, %swap3A_752], %swap3A_755 {strides = array<i32>} : memref<1024x16xf32, #tpu.memory_space<vmem>>, vector<1x16xf32>,
      %scan3A_756 = arith.constant 3 : i32
      %scan3A_757 = arith.addi %scan3A_695, %scan3A_756 : i32
      %jit3A_758 = arith.constant 128 : i32
      %eq3A_759 = arith.constant 0 : i32
      %eq3A_760 = arith.cmpi eq, %jit3A_758, %eq3A_759 : i32
      %jit3A_761 = arith.constant 1 : i32
      %select_n3A_762 = arith.select %eq3A_760, %jit3A_761, %jit3A_758 : i32
      %rem3A_763 = arith.remsi %scan3A_757, %select_n3A_762 : i32
      %ne3A_764 = arith.constant 0 : i32
      %ne3A_765 = arith.cmpi ne, %rem3A_763, %ne3A_764 : i32
      %lt3A_766 = arith.constant 0 : i32
      %lt3A_767 = arith.cmpi slt, %rem3A_763, %lt3A_766 : i32
      %lt3A_768 = arith.constant 0 : i32
      %lt3A_769 = arith.cmpi slt, %select_n3A_762, %lt3A_768 : i32
      %ne3A_770 = arith.xori %lt3A_767, %lt3A_769 : i1
      %and3A_771 = arith.andi %ne3A_770, %ne3A_765 : i1
      %add3A_772 = arith.addi %rem3A_763, %select_n3A_762 : i32
      %select_n3A_773 = arith.select %and3A_771, %add3A_772, %rem3A_763 : i32
      %swap3A_774 = arith.index_cast %select_n3A_773 : i32 to index
      %swap3A_775 = arith.constant 0 : index
      %swap3A_776 = tpu.vector_load %arg14[%swap3A_774, %swap3A_775] {strides = array<i32>} : memref<1024x16xf32, #tpu.memory_space<vmem>>, vector<1x16xf32>,
      %swap3A_777 = vector.shape_cast %swap3A_776 : vector<1x16xf32> to vector<16xf32>
      %swap3A_778 = vector.shape_cast %broadcast_in_dim3A_15 : vector<16xf32> to vector<1x16xf32>
      tpu.vector_store %arg14[%swap3A_774, %swap3A_775], %swap3A_778 {strides = array<i32>} : memref<1024x16xf32, #tpu.memory_space<vmem>>, vector<1x16xf32>,
      %scan3A_779 = arith.constant 4 : i32
      %scan3A_780 = arith.addi %scan3A_695, %scan3A_779 : i32
      %jit3A_781 = arith.constant 128 : i32
      %eq3A_782 = arith.constant 0 : i32
      %eq3A_783 = arith.cmpi eq, %jit3A_781, %eq3A_782 : i32
      %jit3A_784 = arith.constant 1 : i32
      %select_n3A_785 = arith.select %eq3A_783, %jit3A_784, %jit3A_781 : i32
      %rem3A_786 = arith.remsi %scan3A_780, %select_n3A_785 : i32
      %ne3A_787 = arith.constant 0 : i32
      %ne3A_788 = arith.cmpi ne, %rem3A_786, %ne3A_787 : i32
      %lt3A_789 = arith.constant 0 : i32
      %lt3A_790 = arith.cmpi slt, %rem3A_786, %lt3A_789 : i32
      %lt3A_791 = arith.constant 0 : i32
      %lt3A_792 = arith.cmpi slt, %select_n3A_785, %lt3A_791 : i32
      %ne3A_793 = arith.xori %lt3A_790, %lt3A_792 : i1
      %and3A_794 = arith.andi %ne3A_793, %ne3A_788 : i1
      %add3A_795 = arith.addi %rem3A_786, %select_n3A_785 : i32
      %select_n3A_796 = arith.select %and3A_794, %add3A_795, %rem3A_786 : i32
      %swap3A_797 = arith.index_cast %select_n3A_796 : i32 to index
      %swap3A_798 = arith.constant 0 : index
      %swap3A_799 = tpu.vector_load %arg14[%swap3A_797, %swap3A_798] {strides = array<i32>} : memref<1024x16xf32, #tpu.memory_space<vmem>>, vector<1x16xf32>,
      %swap3A_800 = vector.shape_cast %swap3A_799 : vector<1x16xf32> to vector<16xf32>
      %swap3A_801 = vector.shape_cast %broadcast_in_dim3A_15 : vector<16xf32> to vector<1x16xf32>
      tpu.vector_store %arg14[%swap3A_797, %swap3A_798], %swap3A_801 {strides = array<i32>} : memref<1024x16xf32, #tpu.memory_space<vmem>>, vector<1x16xf32>,
      %scan3A_802 = arith.constant 5 : i32
      %scan3A_803 = arith.addi %scan3A_695, %scan3A_802 : i32
      %jit3A_804 = arith.constant 128 : i32
      %eq3A_805 = arith.constant 0 : i32
      %eq3A_806 = arith.cmpi eq, %jit3A_804, %eq3A_805 : i32
      %jit3A_807 = arith.constant 1 : i32
      %select_n3A_808 = arith.select %eq3A_806, %jit3A_807, %jit3A_804 : i32
      %rem3A_809 = arith.remsi %scan3A_803, %select_n3A_808 : i32
      %ne3A_810 = arith.constant 0 : i32
      %ne3A_811 = arith.cmpi ne, %rem3A_809, %ne3A_810 : i32
      %lt3A_812 = arith.constant 0 : i32
      %lt3A_813 = arith.cmpi slt, %rem3A_809, %lt3A_812 : i32
      %lt3A_814 = arith.constant 0 : i32
      %lt3A_815 = arith.cmpi slt, %select_n3A_808, %lt3A_814 : i32
      %ne3A_816 = arith.xori %lt3A_813, %lt3A_815 : i1
      %and3A_817 = arith.andi %ne3A_816, %ne3A_811 : i1
      %add3A_818 = arith.addi %rem3A_809, %select_n3A_808 : i32
      %select_n3A_819 = arith.select %and3A_817, %add3A_818, %rem3A_809 : i32
      %swap3A_820 = arith.index_cast %select_n3A_819 : i32 to index
      %swap3A_821 = arith.constant 0 : index
      %swap3A_822 = tpu.vector_load %arg14[%swap3A_820, %swap3A_821] {strides = array<i32>} : memref<1024x16xf32, #tpu.memory_space<vmem>>, vector<1x16xf32>,
      %swap3A_823 = vector.shape_cast %swap3A_822 : vector<1x16xf32> to vector<16xf32>
      %swap3A_824 = vector.shape_cast %broadcast_in_dim3A_15 : vector<16xf32> to vector<1x16xf32>
      tpu.vector_store %arg14[%swap3A_820, %swap3A_821], %swap3A_824 {strides = array<i32>} : memref<1024x16xf32, #tpu.memory_space<vmem>>, vector<1x16xf32>,
      %scan3A_825 = arith.constant 6 : i32
      %scan3A_826 = arith.addi %scan3A_695, %scan3A_825 : i32
      %jit3A_827 = arith.constant 128 : i32
      %eq3A_828 = arith.constant 0 : i32
      %eq3A_829 = arith.cmpi eq, %jit3A_827, %eq3A_828 : i32
      %jit3A_830 = arith.constant 1 : i32
      %select_n3A_831 = arith.select %eq3A_829, %jit3A_830, %jit3A_827 : i32
      %rem3A_832 = arith.remsi %scan3A_826, %select_n3A_831 : i32
      %ne3A_833 = arith.constant 0 : i32
      %ne3A_834 = arith.cmpi ne, %rem3A_832, %ne3A_833 : i32
      %lt3A_835 = arith.constant 0 : i32
      %lt3A_836 = arith.cmpi slt, %rem3A_832, %lt3A_835 : i32
      %lt3A_837 = arith.constant 0 : i32
      %lt3A_838 = arith.cmpi slt, %select_n3A_831, %lt3A_837 : i32
      %ne3A_839 = arith.xori %lt3A_836, %lt3A_838 : i1
      %and3A_840 = arith.andi %ne3A_839, %ne3A_834 : i1
      %add3A_841 = arith.addi %rem3A_832, %select_n3A_831 : i32
      %select_n3A_842 = arith.select %and3A_840, %add3A_841, %rem3A_832 : i32
      %swap3A_843 = arith.index_cast %select_n3A_842 : i32 to index
      %swap3A_844 = arith.constant 0 : index
      %swap3A_845 = tpu.vector_load %arg14[%swap3A_843, %swap3A_844] {strides = array<i32>} : memref<1024x16xf32, #tpu.memory_space<vmem>>, vector<1x16xf32>,
      %swap3A_846 = vector.shape_cast %swap3A_845 : vector<1x16xf32> to vector<16xf32>
      %swap3A_847 = vector.shape_cast %broadcast_in_dim3A_15 : vector<16xf32> to vector<1x16xf32>
      tpu.vector_store %arg14[%swap3A_843, %swap3A_844], %swap3A_847 {strides = array<i32>} : memref<1024x16xf32, #tpu.memory_space<vmem>>, vector<1x16xf32>,
      %scan3A_848 = arith.constant 7 : i32
      %scan3A_849 = arith.addi %scan3A_695, %scan3A_848 : i32
      %jit3A_850 = arith.constant 128 : i32
      %eq3A_851 = arith.constant 0 : i32
      %eq3A_852 = arith.cmpi eq, %jit3A_850, %eq3A_851 : i32
      %jit3A_853 = arith.constant 1 : i32
      %select_n3A_854 = arith.select %eq3A_852, %jit3A_853, %jit3A_850 : i32
      %rem3A_855 = arith.remsi %scan3A_849, %select_n3A_854 : i32
      %ne3A_856 = arith.constant 0 : i32
      %ne3A_857 = arith.cmpi ne, %rem3A_855, %ne3A_856 : i32
      %lt3A_858 = arith.constant 0 : i32
      %lt3A_859 = arith.cmpi slt, %rem3A_855, %lt3A_858 : i32
      %lt3A_860 = arith.constant 0 : i32
      %lt3A_861 = arith.cmpi slt, %select_n3A_854, %lt3A_860 : i32
      %ne3A_862 = arith.xori %lt3A_859, %lt3A_861 : i1
      %and3A_863 = arith.andi %ne3A_862, %ne3A_857 : i1
      %add3A_864 = arith.addi %rem3A_855, %select_n3A_854 : i32
      %select_n3A_865 = arith.select %and3A_863, %add3A_864, %rem3A_855 : i32
      %swap3A_866 = arith.index_cast %select_n3A_865 : i32 to index
      %swap3A_867 = arith.constant 0 : index
      %swap3A_868 = tpu.vector_load %arg14[%swap3A_866, %swap3A_867] {strides = array<i32>} : memref<1024x16xf32, #tpu.memory_space<vmem>>, vector<1x16xf32>,
      %swap3A_869 = vector.shape_cast %swap3A_868 : vector<1x16xf32> to vector<16xf32>
      %swap3A_870 = vector.shape_cast %broadcast_in_dim3A_15 : vector<16xf32> to vector<1x16xf32>
      tpu.vector_store %arg14[%swap3A_866, %swap3A_867], %swap3A_870 {strides = array<i32>} : memref<1024x16xf32, #tpu.memory_space<vmem>>, vector<1x16xf32>,
    }
    %scan3A_24 = arith.constant 128 : i32
    %mul3A_25 = arith.constant 625 : i32
    %mul3A_26 = arith.muli %arg1, %mul3A_25 : i32
    %add3A_27 = arith.constant 0 : i32
    %add3A_28 = arith.addi %mul3A_26, %add3A_27 : i32
    "tpu.region"() ({
      %run_scoped3A_695 = tpu.sem_alloc : memref<!tpu.dma_semaphore, #tpu.memory_space<semaphore_mem>>
      %dma_start3A_696 = arith.constant 0 : i32
      %dma_start3A_697 = arith.constant 0 : i32
      %dma_start3A_698 = tpu.memref_slice %arg14[%dma_start3A_696, %dma_start3A_697] : memref<1024x16xf32, #tpu.memory_space<vmem>> -> memref<128x16xf32, #tpu.memory_space<vmem>>
      %dma_start3A_699 = arith.constant 0 : i32
      %dma_start3A_700 = tpu.memref_slice %arg18[%add3A_28, %dma_start3A_699] : memref<10000x16xf32, #tpu.memory_space<vmem_shared>> -> memref<128x16xf32, #tpu.memory_space<vmem_shared>>
      %dma_start3A_701 = arith.constant 0 : i32
      %dma_start3A_702 = tpu.memref_slice %arg18[%add3A_28, %dma_start3A_701] : memref<10000x16xf32, #tpu.memory_space<vmem_shared>> -> memref<128x16xf32, #tpu.memory_space<vmem_shared>>
      %dma_start3A_703 = arith.constant 0 : i32
      %dma_start3A_704 = arith.constant 0 : i32
      %dma_start3A_705 = tpu.memref_slice %arg14[%dma_start3A_703, %dma_start3A_704] : memref<1024x16xf32, #tpu.memory_space<vmem>> -> memref<128x16xf32, #tpu.memory_space<vmem>>
      tpu.enqueue_dma source(%dma_start3A_705 : memref<128x16xf32, #tpu.memory_space<vmem>>) target(%dma_start3A_702 : memref<128x16xf32, #tpu.memory_space<vmem_shared>>) target_semaphore(%run_scoped3A_695 : memref<!tpu.dma_semaphore, #tpu.memory_space<semaphore_mem>>)
      %dma_wait3A_706 = arith.constant 0 : i32
      %dma_wait3A_707 = arith.constant 0 : i32
      %dma_wait3A_708 = tpu.memref_slice %arg14[%dma_wait3A_706, %dma_wait3A_707] : memref<1024x16xf32, #tpu.memory_space<vmem>> -> memref<128x16xf32, #tpu.memory_space<vmem>>
      %dma_wait3A_709 = arith.constant 0 : i32
      %dma_wait3A_710 = tpu.memref_slice %arg18[%add3A_28, %dma_wait3A_709] : memref<10000x16xf32, #tpu.memory_space<vmem_shared>> -> memref<128x16xf32, #tpu.memory_space<vmem_shared>>
      %dma_wait3A_711 = arith.constant 0 : i32
      %dma_wait3A_712 = tpu.memref_slice %arg18[%add3A_28, %dma_wait3A_711] : memref<10000x16xf32, #tpu.memory_space<vmem_shared>> -> memref<128x16xf32, #tpu.memory_space<vmem_shared>>
      %dma_wait3A_713 = arith.constant 0 : i32
      %dma_wait3A_714 = arith.constant 0 : i32
      %dma_wait3A_715 = tpu.memref_slice %arg14[%dma_wait3A_713, %dma_wait3A_714] : memref<1024x16xf32, #tpu.memory_space<vmem>> -> memref<128x16xf32, #tpu.memory_space<vmem>>
      tpu.wait_dma2 semaphore(%run_scoped3A_695 : memref<!tpu.dma_semaphore, #tpu.memory_space<semaphore_mem>>) src(%dma_wait3A_715 : memref<128x16xf32, #tpu.memory_space<vmem>>) dst(%dma_wait3A_712 : memref<128x16xf32, #tpu.memory_space<vmem_shared>>)
      tpu.yield
    }) : () -> ()
    %mul3A_29 = arith.constant 625 : i32
    %mul3A_30 = arith.muli %arg1, %mul3A_29 : i32
    %add3A_31 = arith.constant 0 : i32
    %add3A_32 = arith.addi %mul3A_30, %add3A_31 : i32
    "tpu.region"() ({
      %run_scoped3A_695 = tpu.sem_alloc : memref<!tpu.dma_semaphore, #tpu.memory_space<semaphore_mem>>
      %dma_start3A_696 = arith.constant 0 : i32
      %dma_start3A_697 = arith.constant 0 : i32
      %dma_start3A_698 = tpu.memref_slice %arg14[%dma_start3A_696, %dma_start3A_697] : memref<1024x16xf32, #tpu.memory_space<vmem>> -> memref<128x16xf32, #tpu.memory_space<vmem>>
      %dma_start3A_699 = arith.constant 0 : i32
      %dma_start3A_700 = tpu.memref_slice %arg19[%add3A_32, %dma_start3A_699] : memref<10000x16xf32, #tpu.memory_space<vmem_shared>> -> memref<128x16xf32, #tpu.memory_space<vmem_shared>>
      %dma_start3A_701 = arith.constant 0 : i32
      %dma_start3A_702 = tpu.memref_slice %arg19[%add3A_32, %dma_start3A_701] : memref<10000x16xf32, #tpu.memory_space<vmem_shared>> -> memref<128x16xf32, #tpu.memory_space<vmem_shared>>
      %dma_start3A_703 = arith.constant 0 : i32
      %dma_start3A_704 = arith.constant 0 : i32
      %dma_start3A_705 = tpu.memref_slice %arg14[%dma_start3A_703, %dma_start3A_704] : memref<1024x16xf32, #tpu.memory_space<vmem>> -> memref<128x16xf32, #tpu.memory_space<vmem>>
      tpu.enqueue_dma source(%dma_start3A_705 : memref<128x16xf32, #tpu.memory_space<vmem>>) target(%dma_start3A_702 : memref<128x16xf32, #tpu.memory_space<vmem_shared>>) target_semaphore(%run_scoped3A_695 : memref<!tpu.dma_semaphore, #tpu.memory_space<semaphore_mem>>)
      %dma_wait3A_706 = arith.constant 0 : i32
      %dma_wait3A_707 = arith.constant 0 : i32
      %dma_wait3A_708 = tpu.memref_slice %arg14[%dma_wait3A_706, %dma_wait3A_707] : memref<1024x16xf32, #tpu.memory_space<vmem>> -> memref<128x16xf32, #tpu.memory_space<vmem>>
      %dma_wait3A_709 = arith.constant 0 : i32
      %dma_wait3A_710 = tpu.memref_slice %arg19[%add3A_32, %dma_wait3A_709] : memref<10000x16xf32, #tpu.memory_space<vmem_shared>> -> memref<128x16xf32, #tpu.memory_space<vmem_shared>>
      %dma_wait3A_711 = arith.constant 0 : i32
      %dma_wait3A_712 = tpu.memref_slice %arg19[%add3A_32, %dma_wait3A_711] : memref<10000x16xf32, #tpu.memory_space<vmem_shared>> -> memref<128x16xf32, #tpu.memory_space<vmem_shared>>
      %dma_wait3A_713 = arith.constant 0 : i32
      %dma_wait3A_714 = arith.constant 0 : i32
      %dma_wait3A_715 = tpu.memref_slice %arg14[%dma_wait3A_713, %dma_wait3A_714] : memref<1024x16xf32, #tpu.memory_space<vmem>> -> memref<128x16xf32, #tpu.memory_space<vmem>>
      tpu.wait_dma2 semaphore(%run_scoped3A_695 : memref<!tpu.dma_semaphore, #tpu.memory_space<semaphore_mem>>) src(%dma_wait3A_715 : memref<128x16xf32, #tpu.memory_space<vmem>>) dst(%dma_wait3A_712 : memref<128x16xf32, #tpu.memory_space<vmem_shared>>)
      tpu.yield
    }) : () -> ()
    %mul3A_33 = arith.constant 625 : i32
    %mul3A_34 = arith.muli %arg1, %mul3A_33 : i32
    %add3A_35 = arith.constant 128 : i32
    %add3A_36 = arith.addi %mul3A_34, %add3A_35 : i32
    "tpu.region"() ({
      %run_scoped3A_695 = tpu.sem_alloc : memref<!tpu.dma_semaphore, #tpu.memory_space<semaphore_mem>>
      %dma_start3A_696 = arith.constant 0 : i32
      %dma_start3A_697 = arith.constant 0 : i32
      %dma_start3A_698 = tpu.memref_slice %arg14[%dma_start3A_696, %dma_start3A_697] : memref<1024x16xf32, #tpu.memory_space<vmem>> -> memref<128x16xf32, #tpu.memory_space<vmem>>
      %dma_start3A_699 = arith.constant 0 : i32
      %dma_start3A_700 = tpu.memref_slice %arg18[%add3A_36, %dma_start3A_699] : memref<10000x16xf32, #tpu.memory_space<vmem_shared>> -> memref<128x16xf32, #tpu.memory_space<vmem_shared>>
      %dma_start3A_701 = arith.constant 0 : i32
      %dma_start3A_702 = tpu.memref_slice %arg18[%add3A_36, %dma_start3A_701] : memref<10000x16xf32, #tpu.memory_space<vmem_shared>> -> memref<128x16xf32, #tpu.memory_space<vmem_shared>>
      %dma_start3A_703 = arith.constant 0 : i32
      %dma_start3A_704 = arith.constant 0 : i32
      %dma_start3A_705 = tpu.memref_slice %arg14[%dma_start3A_703, %dma_start3A_704] : memref<1024x16xf32, #tpu.memory_space<vmem>> -> memref<128x16xf32, #tpu.memory_space<vmem>>
      tpu.enqueue_dma source(%dma_start3A_705 : memref<128x16xf32, #tpu.memory_space<vmem>>) target(%dma_start3A_702 : memref<128x16xf32, #tpu.memory_space<vmem_shared>>) target_semaphore(%run_scoped3A_695 : memref<!tpu.dma_semaphore, #tpu.memory_space<semaphore_mem>>)
      %dma_wait3A_706 = arith.constant 0 : i32
      %dma_wait3A_707 = arith.constant 0 : i32
      %dma_wait3A_708 = tpu.memref_slice %arg14[%dma_wait3A_706, %dma_wait3A_707] : memref<1024x16xf32, #tpu.memory_space<vmem>> -> memref<128x16xf32, #tpu.memory_space<vmem>>
      %dma_wait3A_709 = arith.constant 0 : i32
      %dma_wait3A_710 = tpu.memref_slice %arg18[%add3A_36, %dma_wait3A_709] : memref<10000x16xf32, #tpu.memory_space<vmem_shared>> -> memref<128x16xf32, #tpu.memory_space<vmem_shared>>
      %dma_wait3A_711 = arith.constant 0 : i32
      %dma_wait3A_712 = tpu.memref_slice %arg18[%add3A_36, %dma_wait3A_711] : memref<10000x16xf32, #tpu.memory_space<vmem_shared>> -> memref<128x16xf32, #tpu.memory_space<vmem_shared>>
      %dma_wait3A_713 = arith.constant 0 : i32
      %dma_wait3A_714 = arith.constant 0 : i32
      %dma_wait3A_715 = tpu.memref_slice %arg14[%dma_wait3A_713, %dma_wait3A_714] : memref<1024x16xf32, #tpu.memory_space<vmem>> -> memref<128x16xf32, #tpu.memory_space<vmem>>
      tpu.wait_dma2 semaphore(%run_scoped3A_695 : memref<!tpu.dma_semaphore, #tpu.memory_space<semaphore_mem>>) src(%dma_wait3A_715 : memref<128x16xf32, #tpu.memory_space<vmem>>) dst(%dma_wait3A_712 : memref<128x16xf32, #tpu.memory_space<vmem_shared>>)
      tpu.yield
    }) : () -> ()
    %mul3A_37 = arith.constant 625 : i32
    %mul3A_38 = arith.muli %arg1, %mul3A_37 : i32
    %add3A_39 = arith.constant 128 : i32
    %add3A_40 = arith.addi %mul3A_38, %add3A_39 : i32
    "tpu.region"() ({
      %run_scoped3A_695 = tpu.sem_alloc : memref<!tpu.dma_semaphore, #tpu.memory_space<semaphore_mem>>
      %dma_start3A_696 = arith.constant 0 : i32
      %dma_start3A_697 = arith.constant 0 : i32
      %dma_start3A_698 = tpu.memref_slice %arg14[%dma_start3A_696, %dma_start3A_697] : memref<1024x16xf32, #tpu.memory_space<vmem>> -> memref<128x16xf32, #tpu.memory_space<vmem>>
      %dma_start3A_699 = arith.constant 0 : i32
      %dma_start3A_700 = tpu.memref_slice %arg19[%add3A_40, %dma_start3A_699] : memref<10000x16xf32, #tpu.memory_space<vmem_shared>> -> memref<128x16xf32, #tpu.memory_space<vmem_shared>>
      %dma_start3A_701 = arith.constant 0 : i32
      %dma_start3A_702 = tpu.memref_slice %arg19[%add3A_40, %dma_start3A_701] : memref<10000x16xf32, #tpu.memory_space<vmem_shared>> -> memref<128x16xf32, #tpu.memory_space<vmem_shared>>
      %dma_start3A_703 = arith.constant 0 : i32
      %dma_start3A_704 = arith.constant 0 : i32
      %dma_start3A_705 = tpu.memref_slice %arg14[%dma_start3A_703, %dma_start3A_704] : memref<1024x16xf32, #tpu.memory_space<vmem>> -> memref<128x16xf32, #tpu.memory_space<vmem>>
      tpu.enqueue_dma source(%dma_start3A_705 : memref<128x16xf32, #tpu.memory_space<vmem>>) target(%dma_start3A_702 : memref<128x16xf32, #tpu.memory_space<vmem_shared>>) target_semaphore(%run_scoped3A_695 : memref<!tpu.dma_semaphore, #tpu.memory_space<semaphore_mem>>)
      %dma_wait3A_706 = arith.constant 0 : i32
      %dma_wait3A_707 = arith.constant 0 : i32
      %dma_wait3A_708 = tpu.memref_slice %arg14[%dma_wait3A_706, %dma_wait3A_707] : memref<1024x16xf32, #tpu.memory_space<vmem>> -> memref<128x16xf32, #tpu.memory_space<vmem>>
      %dma_wait3A_709 = arith.constant 0 : i32
      %dma_wait3A_710 = tpu.memref_slice %arg19[%add3A_40, %dma_wait3A_709] : memref<10000x16xf32, #tpu.memory_space<vmem_shared>> -> memref<128x16xf32, #tpu.memory_space<vmem_shared>>
      %dma_wait3A_711 = arith.constant 0 : i32
      %dma_wait3A_712 = tpu.memref_slice %arg19[%add3A_40, %dma_wait3A_711] : memref<10000x16xf32, #tpu.memory_space<vmem_shared>> -> memref<128x16xf32, #tpu.memory_space<vmem_shared>>
      %dma_wait3A_713 = arith.constant 0 : i32
      %dma_wait3A_714 = arith.constant 0 : i32
      %dma_wait3A_715 = tpu.memref_slice %arg14[%dma_wait3A_713, %dma_wait3A_714] : memref<1024x16xf32, #tpu.memory_space<vmem>> -> memref<128x16xf32, #tpu.memory_space<vmem>>
      tpu.wait_dma2 semaphore(%run_scoped3A_695 : memref<!tpu.dma_semaphore, #tpu.memory_space<semaphore_mem>>) src(%dma_wait3A_715 : memref<128x16xf32, #tpu.memory_space<vmem>>) dst(%dma_wait3A_712 : memref<128x16xf32, #tpu.memory_space<vmem_shared>>)
      tpu.yield
    }) : () -> ()
    %mul3A_41 = arith.constant 625 : i32
    %mul3A_42 = arith.muli %arg1, %mul3A_41 : i32
    %add3A_43 = arith.constant 256 : i32
    %add3A_44 = arith.addi %mul3A_42, %add3A_43 : i32
    "tpu.region"() ({
      %run_scoped3A_695 = tpu.sem_alloc : memref<!tpu.dma_semaphore, #tpu.memory_space<semaphore_mem>>
      %dma_start3A_696 = arith.constant 0 : i32
      %dma_start3A_697 = arith.constant 0 : i32
      %dma_start3A_698 = tpu.memref_slice %arg14[%dma_start3A_696, %dma_start3A_697] : memref<1024x16xf32, #tpu.memory_space<vmem>> -> memref<128x16xf32, #tpu.memory_space<vmem>>
      %dma_start3A_699 = arith.constant 0 : i32
      %dma_start3A_700 = tpu.memref_slice %arg18[%add3A_44, %dma_start3A_699] : memref<10000x16xf32, #tpu.memory_space<vmem_shared>> -> memref<128x16xf32, #tpu.memory_space<vmem_shared>>
      %dma_start3A_701 = arith.constant 0 : i32
      %dma_start3A_702 = tpu.memref_slice %arg18[%add3A_44, %dma_start3A_701] : memref<10000x16xf32, #tpu.memory_space<vmem_shared>> -> memref<128x16xf32, #tpu.memory_space<vmem_shared>>
      %dma_start3A_703 = arith.constant 0 : i32
      %dma_start3A_704 = arith.constant 0 : i32
      %dma_start3A_705 = tpu.memref_slice %arg14[%dma_start3A_703, %dma_start3A_704] : memref<1024x16xf32, #tpu.memory_space<vmem>> -> memref<128x16xf32, #tpu.memory_space<vmem>>
      tpu.enqueue_dma source(%dma_start3A_705 : memref<128x16xf32, #tpu.memory_space<vmem>>) target(%dma_start3A_702 : memref<128x16xf32, #tpu.memory_space<vmem_shared>>) target_semaphore(%run_scoped3A_695 : memref<!tpu.dma_semaphore, #tpu.memory_space<semaphore_mem>>)
      %dma_wait3A_706 = arith.constant 0 : i32
      %dma_wait3A_707 = arith.constant 0 : i32
      %dma_wait3A_708 = tpu.memref_slice %arg14[%dma_wait3A_706, %dma_wait3A_707] : memref<1024x16xf32, #tpu.memory_space<vmem>> -> memref<128x16xf32, #tpu.memory_space<vmem>>
      %dma_wait3A_709 = arith.constant 0 : i32
      %dma_wait3A_710 = tpu.memref_slice %arg18[%add3A_44, %dma_wait3A_709] : memref<10000x16xf32, #tpu.memory_space<vmem_shared>> -> memref<128x16xf32, #tpu.memory_space<vmem_shared>>
      %dma_wait3A_711 = arith.constant 0 : i32
      %dma_wait3A_712 = tpu.memref_slice %arg18[%add3A_44, %dma_wait3A_711] : memref<10000x16xf32, #tpu.memory_space<vmem_shared>> -> memref<128x16xf32, #tpu.memory_space<vmem_shared>>
      %dma_wait3A_713 = arith.constant 0 : i32
      %dma_wait3A_714 = arith.constant 0 : i32
      %dma_wait3A_715 = tpu.memref_slice %arg14[%dma_wait3A_713, %dma_wait3A_714] : memref<1024x16xf32, #tpu.memory_space<vmem>> -> memref<128x16xf32, #tpu.memory_space<vmem>>
      tpu.wait_dma2 semaphore(%run_scoped3A_695 : memref<!tpu.dma_semaphore, #tpu.memory_space<semaphore_mem>>) src(%dma_wait3A_715 : memref<128x16xf32, #tpu.memory_space<vmem>>) dst(%dma_wait3A_712 : memref<128x16xf32, #tpu.memory_space<vmem_shared>>)
      tpu.yield
    }) : () -> ()
    %mul3A_45 = arith.constant 625 : i32
    %mul3A_46 = arith.muli %arg1, %mul3A_45 : i32
    %add3A_47 = arith.constant 256 : i32
    %add3A_48 = arith.addi %mul3A_46, %add3A_47 : i32
    "tpu.region"() ({
      %run_scoped3A_695 = tpu.sem_alloc : memref<!tpu.dma_semaphore, #tpu.memory_space<semaphore_mem>>
      %dma_start3A_696 = arith.constant 0 : i32
      %dma_start3A_697 = arith.constant 0 : i32
      %dma_start3A_698 = tpu.memref_slice %arg14[%dma_start3A_696, %dma_start3A_697] : memref<1024x16xf32, #tpu.memory_space<vmem>> -> memref<128x16xf32, #tpu.memory_space<vmem>>
      %dma_start3A_699 = arith.constant 0 : i32
      %dma_start3A_700 = tpu.memref_slice %arg19[%add3A_48, %dma_start3A_699] : memref<10000x16xf32, #tpu.memory_space<vmem_shared>> -> memref<128x16xf32, #tpu.memory_space<vmem_shared>>
      %dma_start3A_701 = arith.constant 0 : i32
      %dma_start3A_702 = tpu.memref_slice %arg19[%add3A_48, %dma_start3A_701] : memref<10000x16xf32, #tpu.memory_space<vmem_shared>> -> memref<128x16xf32, #tpu.memory_space<vmem_shared>>
      %dma_start3A_703 = arith.constant 0 : i32
      %dma_start3A_704 = arith.constant 0 : i32
      %dma_start3A_705 = tpu.memref_slice %arg14[%dma_start3A_703, %dma_start3A_704] : memref<1024x16xf32, #tpu.memory_space<vmem>> -> memref<128x16xf32, #tpu.memory_space<vmem>>
      tpu.enqueue_dma source(%dma_start3A_705 : memref<128x16xf32, #tpu.memory_space<vmem>>) target(%dma_start3A_702 : memref<128x16xf32, #tpu.memory_space<vmem_shared>>) target_semaphore(%run_scoped3A_695 : memref<!tpu.dma_semaphore, #tpu.memory_space<semaphore_mem>>)
      %dma_wait3A_706 = arith.constant 0 : i32
      %dma_wait3A_707 = arith.constant 0 : i32
      %dma_wait3A_708 = tpu.memref_slice %arg14[%dma_wait3A_706, %dma_wait3A_707] : memref<1024x16xf32, #tpu.memory_space<vmem>> -> memref<128x16xf32, #tpu.memory_space<vmem>>
      %dma_wait3A_709 = arith.constant 0 : i32
      %dma_wait3A_710 = tpu.memref_slice %arg19[%add3A_48, %dma_wait3A_709] : memref<10000x16xf32, #tpu.memory_space<vmem_shared>> -> memref<128x16xf32, #tpu.memory_space<vmem_shared>>
      %dma_wait3A_711 = arith.constant 0 : i32
      %dma_wait3A_712 = tpu.memref_slice %arg19[%add3A_48, %dma_wait3A_711] : memref<10000x16xf32, #tpu.memory_space<vmem_shared>> -> memref<128x16xf32, #tpu.memory_space<vmem_shared>>
      %dma_wait3A_713 = arith.constant 0 : i32
      %dma_wait3A_714 = arith.constant 0 : i32
      %dma_wait3A_715 = tpu.memref_slice %arg14[%dma_wait3A_713, %dma_wait3A_714] : memref<1024x16xf32, #tpu.memory_space<vmem>> -> memref<128x16xf32, #tpu.memory_space<vmem>>
      tpu.wait_dma2 semaphore(%run_scoped3A_695 : memref<!tpu.dma_semaphore, #tpu.memory_space<semaphore_mem>>) src(%dma_wait3A_715 : memref<128x16xf32, #tpu.memory_space<vmem>>) dst(%dma_wait3A_712 : memref<128x16xf32, #tpu.memory_space<vmem_shared>>)
      tpu.yield
    }) : () -> ()
    %mul3A_49 = arith.constant 625 : i32
    %mul3A_50 = arith.muli %arg1, %mul3A_49 : i32
    %add3A_51 = arith.constant 384 : i32
    %add3A_52 = arith.addi %mul3A_50, %add3A_51 : i32
    "tpu.region"() ({
      %run_scoped3A_695 = tpu.sem_alloc : memref<!tpu.dma_semaphore, #tpu.memory_space<semaphore_mem>>
      %dma_start3A_696 = arith.constant 0 : i32
      %dma_start3A_697 = arith.constant 0 : i32
      %dma_start3A_698 = tpu.memref_slice %arg14[%dma_start3A_696, %dma_start3A_697] : memref<1024x16xf32, #tpu.memory_space<vmem>> -> memref<128x16xf32, #tpu.memory_space<vmem>>
      %dma_start3A_699 = arith.constant 0 : i32
      %dma_start3A_700 = tpu.memref_slice %arg18[%add3A_52, %dma_start3A_699] : memref<10000x16xf32, #tpu.memory_space<vmem_shared>> -> memref<128x16xf32, #tpu.memory_space<vmem_shared>>
      %dma_start3A_701 = arith.constant 0 : i32
      %dma_start3A_702 = tpu.memref_slice %arg18[%add3A_52, %dma_start3A_701] : memref<10000x16xf32, #tpu.memory_space<vmem_shared>> -> memref<128x16xf32, #tpu.memory_space<vmem_shared>>
      %dma_start3A_703 = arith.constant 0 : i32
      %dma_start3A_704 = arith.constant 0 : i32
      %dma_start3A_705 = tpu.memref_slice %arg14[%dma_start3A_703, %dma_start3A_704] : memref<1024x16xf32, #tpu.memory_space<vmem>> -> memref<128x16xf32, #tpu.memory_space<vmem>>
      tpu.enqueue_dma source(%dma_start3A_705 : memref<128x16xf32, #tpu.memory_space<vmem>>) target(%dma_start3A_702 : memref<128x16xf32, #tpu.memory_space<vmem_shared>>) target_semaphore(%run_scoped3A_695 : memref<!tpu.dma_semaphore, #tpu.memory_space<semaphore_mem>>)
      %dma_wait3A_706 = arith.constant 0 : i32
      %dma_wait3A_707 = arith.constant 0 : i32
      %dma_wait3A_708 = tpu.memref_slice %arg14[%dma_wait3A_706, %dma_wait3A_707] : memref<1024x16xf32, #tpu.memory_space<vmem>> -> memref<128x16xf32, #tpu.memory_space<vmem>>
      %dma_wait3A_709 = arith.constant 0 : i32
      %dma_wait3A_710 = tpu.memref_slice %arg18[%add3A_52, %dma_wait3A_709] : memref<10000x16xf32, #tpu.memory_space<vmem_shared>> -> memref<128x16xf32, #tpu.memory_space<vmem_shared>>
      %dma_wait3A_711 = arith.constant 0 : i32
      %dma_wait3A_712 = tpu.memref_slice %arg18[%add3A_52, %dma_wait3A_711] : memref<10000x16xf32, #tpu.memory_space<vmem_shared>> -> memref<128x16xf32, #tpu.memory_space<vmem_shared>>
      %dma_wait3A_713 = arith.constant 0 : i32
      %dma_wait3A_714 = arith.constant 0 : i32
      %dma_wait3A_715 = tpu.memref_slice %arg14[%dma_wait3A_713, %dma_wait3A_714] : memref<1024x16xf32, #tpu.memory_space<vmem>> -> memref<128x16xf32, #tpu.memory_space<vmem>>
      tpu.wait_dma2 semaphore(%run_scoped3A_695 : memref<!tpu.dma_semaphore, #tpu.memory_space<semaphore_mem>>) src(%dma_wait3A_715 : memref<128x16xf32, #tpu.memory_space<vmem>>) dst(%dma_wait3A_712 : memref<128x16xf32, #tpu.memory_space<vmem_shared>>)
      tpu.yield
    }) : () -> ()
    %mul3A_53 = arith.constant 625 : i32
    %mul3A_54 = arith.muli %arg1, %mul3A_53 : i32
    %add3A_55 = arith.constant 384 : i32
    %add3A_56 = arith.addi %mul3A_54, %add3A_55 : i32
    "tpu.region"() ({
      %run_scoped3A_695 = tpu.sem_alloc : memref<!tpu.dma_semaphore, #tpu.memory_space<semaphore_mem>>
      %dma_start3A_696 = arith.constant 0 : i32
      %dma_start3A_697 = arith.constant 0 : i32
      %dma_start3A_698 = tpu.memref_slice %arg14[%dma_start3A_696, %dma_start3A_697] : memref<1024x16xf32, #tpu.memory_space<vmem>> -> memref<128x16xf32, #tpu.memory_space<vmem>>
      %dma_start3A_699 = arith.constant 0 : i32
      %dma_start3A_700 = tpu.memref_slice %arg19[%add3A_56, %dma_start3A_699] : memref<10000x16xf32, #tpu.memory_space<vmem_shared>> -> memref<128x16xf32, #tpu.memory_space<vmem_shared>>
      %dma_start3A_701 = arith.constant 0 : i32
      %dma_start3A_702 = tpu.memref_slice %arg19[%add3A_56, %dma_start3A_701] : memref<10000x16xf32, #tpu.memory_space<vmem_shared>> -> memref<128x16xf32, #tpu.memory_space<vmem_shared>>
      %dma_start3A_703 = arith.constant 0 : i32
      %dma_start3A_704 = arith.constant 0 : i32
      %dma_start3A_705 = tpu.memref_slice %arg14[%dma_start3A_703, %dma_start3A_704] : memref<1024x16xf32, #tpu.memory_space<vmem>> -> memref<128x16xf32, #tpu.memory_space<vmem>>
      tpu.enqueue_dma source(%dma_start3A_705 : memref<128x16xf32, #tpu.memory_space<vmem>>) target(%dma_start3A_702 : memref<128x16xf32, #tpu.memory_space<vmem_shared>>) target_semaphore(%run_scoped3A_695 : memref<!tpu.dma_semaphore, #tpu.memory_space<semaphore_mem>>)
      %dma_wait3A_706 = arith.constant 0 : i32
      %dma_wait3A_707 = arith.constant 0 : i32
      %dma_wait3A_708 = tpu.memref_slice %arg14[%dma_wait3A_706, %dma_wait3A_707] : memref<1024x16xf32, #tpu.memory_space<vmem>> -> memref<128x16xf32, #tpu.memory_space<vmem>>
      %dma_wait3A_709 = arith.constant 0 : i32
      %dma_wait3A_710 = tpu.memref_slice %arg19[%add3A_56, %dma_wait3A_709] : memref<10000x16xf32, #tpu.memory_space<vmem_shared>> -> memref<128x16xf32, #tpu.memory_space<vmem_shared>>
      %dma_wait3A_711 = arith.constant 0 : i32
      %dma_wait3A_712 = tpu.memref_slice %arg19[%add3A_56, %dma_wait3A_711] : memref<10000x16xf32, #tpu.memory_space<vmem_shared>> -> memref<128x16xf32, #tpu.memory_space<vmem_shared>>
      %dma_wait3A_713 = arith.constant 0 : i32
      %dma_wait3A_714 = arith.constant 0 : i32
      %dma_wait3A_715 = tpu.memref_slice %arg14[%dma_wait3A_713, %dma_wait3A_714] : memref<1024x16xf32, #tpu.memory_space<vmem>> -> memref<128x16xf32, #tpu.memory_space<vmem>>
      tpu.wait_dma2 semaphore(%run_scoped3A_695 : memref<!tpu.dma_semaphore, #tpu.memory_space<semaphore_mem>>) src(%dma_wait3A_715 : memref<128x16xf32, #tpu.memory_space<vmem>>) dst(%dma_wait3A_712 : memref<128x16xf32, #tpu.memory_space<vmem_shared>>)
      tpu.yield
    }) : () -> ()
    %mul3A_57 = arith.constant 625 : i32
    %mul3A_58 = arith.muli %arg1, %mul3A_57 : i32
    %add3A_59 = arith.constant 512 : i32
    %add3A_60 = arith.addi %mul3A_58, %add3A_59 : i32
    "tpu.region"() ({
      %run_scoped3A_695 = tpu.sem_alloc : memref<!tpu.dma_semaphore, #tpu.memory_space<semaphore_mem>>
      %dma_start3A_696 = arith.constant 0 : i32
      %dma_start3A_697 = arith.constant 0 : i32
      %dma_start3A_698 = tpu.memref_slice %arg14[%dma_start3A_696, %dma_start3A_697] : memref<1024x16xf32, #tpu.memory_space<vmem>> -> memref<113x16xf32, #tpu.memory_space<vmem>>
      %dma_start3A_699 = arith.constant 0 : i32
      %dma_start3A_700 = tpu.memref_slice %arg18[%add3A_60, %dma_start3A_699] : memref<10000x16xf32, #tpu.memory_space<vmem_shared>> -> memref<113x16xf32, #tpu.memory_space<vmem_shared>>
      %dma_start3A_701 = arith.constant 0 : i32
      %dma_start3A_702 = tpu.memref_slice %arg18[%add3A_60, %dma_start3A_701] : memref<10000x16xf32, #tpu.memory_space<vmem_shared>> -> memref<113x16xf32, #tpu.memory_space<vmem_shared>>
      %dma_start3A_703 = arith.constant 0 : i32
      %dma_start3A_704 = arith.constant 0 : i32
      %dma_start3A_705 = tpu.memref_slice %arg14[%dma_start3A_703, %dma_start3A_704] : memref<1024x16xf32, #tpu.memory_space<vmem>> -> memref<113x16xf32, #tpu.memory_space<vmem>>
      tpu.enqueue_dma source(%dma_start3A_705 : memref<113x16xf32, #tpu.memory_space<vmem>>) target(%dma_start3A_702 : memref<113x16xf32, #tpu.memory_space<vmem_shared>>) target_semaphore(%run_scoped3A_695 : memref<!tpu.dma_semaphore, #tpu.memory_space<semaphore_mem>>)
      %dma_wait3A_706 = arith.constant 0 : i32
      %dma_wait3A_707 = arith.constant 0 : i32
      %dma_wait3A_708 = tpu.memref_slice %arg14[%dma_wait3A_706, %dma_wait3A_707] : memref<1024x16xf32, #tpu.memory_space<vmem>> -> memref<113x16xf32, #tpu.memory_space<vmem>>
      %dma_wait3A_709 = arith.constant 0 : i32
      %dma_wait3A_710 = tpu.memref_slice %arg18[%add3A_60, %dma_wait3A_709] : memref<10000x16xf32, #tpu.memory_space<vmem_shared>> -> memref<113x16xf32, #tpu.memory_space<vmem_shared>>
      %dma_wait3A_711 = arith.constant 0 : i32
      %dma_wait3A_712 = tpu.memref_slice %arg18[%add3A_60, %dma_wait3A_711] : memref<10000x16xf32, #tpu.memory_space<vmem_shared>> -> memref<113x16xf32, #tpu.memory_space<vmem_shared>>
      %dma_wait3A_713 = arith.constant 0 : i32
      %dma_wait3A_714 = arith.constant 0 : i32
      %dma_wait3A_715 = tpu.memref_slice %arg14[%dma_wait3A_713, %dma_wait3A_714] : memref<1024x16xf32, #tpu.memory_space<vmem>> -> memref<113x16xf32, #tpu.memory_space<vmem>>
      tpu.wait_dma2 semaphore(%run_scoped3A_695 : memref<!tpu.dma_semaphore, #tpu.memory_space<semaphore_mem>>) src(%dma_wait3A_715 : memref<113x16xf32, #tpu.memory_space<vmem>>) dst(%dma_wait3A_712 : memref<113x16xf32, #tpu.memory_space<vmem_shared>>)
      tpu.yield
    }) : () -> ()
    %mul3A_61 = arith.constant 625 : i32
    %mul3A_62 = arith.muli %arg1, %mul3A_61 : i32
    %add3A_63 = arith.constant 512 : i32
    %add3A_64 = arith.addi %mul3A_62, %add3A_63 : i32
    "tpu.region"() ({
      %run_scoped3A_695 = tpu.sem_alloc : memref<!tpu.dma_semaphore, #tpu.memory_space<semaphore_mem>>
      %dma_start3A_696 = arith.constant 0 : i32
      %dma_start3A_697 = arith.constant 0 : i32
      %dma_start3A_698 = tpu.memref_slice %arg14[%dma_start3A_696, %dma_start3A_697] : memref<1024x16xf32, #tpu.memory_space<vmem>> -> memref<113x16xf32, #tpu.memory_space<vmem>>
      %dma_start3A_699 = arith.constant 0 : i32
      %dma_start3A_700 = tpu.memref_slice %arg19[%add3A_64, %dma_start3A_699] : memref<10000x16xf32, #tpu.memory_space<vmem_shared>> -> memref<113x16xf32, #tpu.memory_space<vmem_shared>>
      %dma_start3A_701 = arith.constant 0 : i32
      %dma_start3A_702 = tpu.memref_slice %arg19[%add3A_64, %dma_start3A_701] : memref<10000x16xf32, #tpu.memory_space<vmem_shared>> -> memref<113x16xf32, #tpu.memory_space<vmem_shared>>
      %dma_start3A_703 = arith.constant 0 : i32
      %dma_start3A_704 = arith.constant 0 : i32
      %dma_start3A_705 = tpu.memref_slice %arg14[%dma_start3A_703, %dma_start3A_704] : memref<1024x16xf32, #tpu.memory_space<vmem>> -> memref<113x16xf32, #tpu.memory_space<vmem>>
      tpu.enqueue_dma source(%dma_start3A_705 : memref<113x16xf32, #tpu.memory_space<vmem>>) target(%dma_start3A_702 : memref<113x16xf32, #tpu.memory_space<vmem_shared>>) target_semaphore(%run_scoped3A_695 : memref<!tpu.dma_semaphore, #tpu.memory_space<semaphore_mem>>)
      %dma_wait3A_706 = arith.constant 0 : i32
      %dma_wait3A_707 = arith.constant 0 : i32
      %dma_wait3A_708 = tpu.memref_slice %arg14[%dma_wait3A_706, %dma_wait3A_707] : memref<1024x16xf32, #tpu.memory_space<vmem>> -> memref<113x16xf32, #tpu.memory_space<vmem>>
      %dma_wait3A_709 = arith.constant 0 : i32
      %dma_wait3A_710 = tpu.memref_slice %arg19[%add3A_64, %dma_wait3A_709] : memref<10000x16xf32, #tpu.memory_space<vmem_shared>> -> memref<113x16xf32, #tpu.memory_space<vmem_shared>>
      %dma_wait3A_711 = arith.constant 0 : i32
      %dma_wait3A_712 = tpu.memref_slice %arg19[%add3A_64, %dma_wait3A_711] : memref<10000x16xf32, #tpu.memory_space<vmem_shared>> -> memref<113x16xf32, #tpu.memory_space<vmem_shared>>
      %dma_wait3A_713 = arith.constant 0 : i32
      %dma_wait3A_714 = arith.constant 0 : i32
      %dma_wait3A_715 = tpu.memref_slice %arg14[%dma_wait3A_713, %dma_wait3A_714] : memref<1024x16xf32, #tpu.memory_space<vmem>> -> memref<113x16xf32, #tpu.memory_space<vmem>>
      tpu.wait_dma2 semaphore(%run_scoped3A_695 : memref<!tpu.dma_semaphore, #tpu.memory_space<semaphore_mem>>) src(%dma_wait3A_715 : memref<113x16xf32, #tpu.memory_space<vmem>>) dst(%dma_wait3A_712 : memref<113x16xf32, #tpu.memory_space<vmem_shared>>)
      tpu.yield
    }) : () -> ()
    %barrier3A = arith.constant 0 : index
    tpu.barrier barrier_id(%barrier3A)
    %scan3A_65 = arith.constant 0 : i32
    %scan3A_66 = arith.constant 9 : i32
    %scan3A_67 = arith.addi %scan3A_65, %scan3A_66 : i32
    %scan3A_68 = arith.constant 1 : i32
    scf.for %scan3A_695 = %scan3A_65 to %scan3A_67 step %scan3A_68  : i32 {
      %mul3A_696 = arith.constant 8 : i32
      %mul3A_697 = arith.muli %scan3A_695, %mul3A_696 : i32
      %mul3A_698 = arith.constant 128 : i32
      %mul3A_699 = arith.muli %mul3A_697, %mul3A_698 : i32
      %add3A_700 = arith.addi %mul3A_2, %mul3A_699 : i32
      %dma_start3A_701 = arith.constant 0 : i32
      %dma_start3A_702 = arith.constant 0 : i32
      %dma_start3A_703 = tpu.memref_slice %arg11[%dma_start3A_701, %dma_start3A_702] : memref<1024x16xf32, #tpu.memory_space<vmem>> -> memref<1024x16xf32, #tpu.memory_space<vmem>>
      %dma_start3A_704 = arith.constant 0 : i32
      %dma_start3A_705 = tpu.memref_slice %arg3[%add3A_700, %dma_start3A_704] : memref<320000x16xf32, #tpu.memory_space<hbm>> -> memref<1024x16xf32, #tpu.memory_space<hbm>>
      %dma_start3A_706 = arith.constant 0 : i32
      %dma_start3A_707 = arith.constant 0 : i32
      %dma_start3A_708 = tpu.memref_slice %arg11[%dma_start3A_706, %dma_start3A_707] : memref<1024x16xf32, #tpu.memory_space<vmem>> -> memref<1024x16xf32, #tpu.memory_space<vmem>>
      %dma_start3A_709 = arith.constant 0 : i32
      %dma_start3A_710 = tpu.memref_slice %arg3[%add3A_700, %dma_start3A_709] : memref<320000x16xf32, #tpu.memory_space<hbm>> -> memref<1024x16xf32, #tpu.memory_space<hbm>>
      tpu.enqueue_dma source(%dma_start3A_710 : memref<1024x16xf32, #tpu.memory_space<hbm>>) target(%dma_start3A_708 : memref<1024x16xf32, #tpu.memory_space<vmem>>) target_semaphore(%arg22 : memref<!tpu.dma_semaphore, #tpu.memory_space<semaphore_mem>>)
      %add3A_711 = arith.constant 0 : i32
      %add3A_712 = arith.addi %mul3A_697, %add3A_711 : i32
      %add3A_713 = arith.constant 0 : i32
      %add3A_714 = arith.addi %mul3A_697, %add3A_713 : i32
      %dma_start3A_715 = arith.constant 0 : i32
      %dma_start3A_716 = arith.constant 0 : i32
      %dma_start3A_717 = tpu.memref_slice %arg12[%dma_start3A_715, %dma_start3A_716] : memref<1024x16xf32, #tpu.memory_space<vmem>> -> memref<128x16xf32, #tpu.memory_space<vmem>>
      %dma_start3A_718 = arith.constant 0 : i32
      %dma_start3A_719 = tpu.memref_slice %arg9[%add3A_712, %dma_start3A_718] : memref<79x128xi32, #tpu.memory_space<vmem>> -> memref<1x128xi32, #tpu.memory_space<vmem>>
      %dma_start3A_720 = tpu.memref_squeeze %dma_start3A_719 : memref<1x128xi32, #tpu.memory_space<vmem>> -> memref<128xi32, #tpu.memory_space<vmem>>
      %dma_start3A_721 = arith.constant 0 : i32
      %dma_start3A_722 = arith.constant 0 : i32
      %dma_start3A_723 = tpu.memref_slice %arg16[%dma_start3A_721, %dma_start3A_722] : memref<10000x16xf32, #tpu.memory_space<vmem_shared>> -> memref<10000x16xf32, #tpu.memory_space<vmem_shared>>
      tpu.enqueue_indirect_dma source(%dma_start3A_723 : memref<10000x16xf32, #tpu.memory_space<vmem_shared>>) target(%dma_start3A_717 : memref<128x16xf32, #tpu.memory_space<vmem>>) offsets(%dma_start3A_720 : memref<128xi32, #tpu.memory_space<vmem>>) semaphore(%arg20 : memref<!tpu.dma_semaphore, #tpu.memory_space<semaphore_mem>>)
      %dma_start3A_724 = arith.constant 0 : i32
      %dma_start3A_725 = arith.constant 0 : i32
      %dma_start3A_726 = tpu.memref_slice %arg13[%dma_start3A_724, %dma_start3A_725] : memref<1024x16xf32, #tpu.memory_space<vmem>> -> memref<128x16xf32, #tpu.memory_space<vmem>>
      %dma_start3A_727 = arith.constant 0 : i32
      %dma_start3A_728 = tpu.memref_slice %arg10[%add3A_714, %dma_start3A_727] : memref<79x128xi32, #tpu.memory_space<vmem>> -> memref<1x128xi32, #tpu.memory_space<vmem>>
      %dma_start3A_729 = tpu.memref_squeeze %dma_start3A_728 : memref<1x128xi32, #tpu.memory_space<vmem>> -> memref<128xi32, #tpu.memory_space<vmem>>
      %dma_start3A_730 = arith.constant 0 : i32
      %dma_start3A_731 = arith.constant 0 : i32
      %dma_start3A_732 = tpu.memref_slice %arg17[%dma_start3A_730, %dma_start3A_731] : memref<10000x16xf32, #tpu.memory_space<vmem_shared>> -> memref<10000x16xf32, #tpu.memory_space<vmem_shared>>
      tpu.enqueue_indirect_dma source(%dma_start3A_732 : memref<10000x16xf32, #tpu.memory_space<vmem_shared>>) target(%dma_start3A_726 : memref<128x16xf32, #tpu.memory_space<vmem>>) offsets(%dma_start3A_729 : memref<128xi32, #tpu.memory_space<vmem>>) semaphore(%arg20 : memref<!tpu.dma_semaphore, #tpu.memory_space<semaphore_mem>>)
      %add3A_733 = arith.constant 1 : i32
      %add3A_734 = arith.addi %mul3A_697, %add3A_733 : i32
      %add3A_735 = arith.constant 1 : i32
      %add3A_736 = arith.addi %mul3A_697, %add3A_735 : i32
      %dma_start3A_737 = arith.constant 128 : i32
      %dma_start3A_738 = arith.constant 0 : i32
      %dma_start3A_739 = tpu.memref_slice %arg12[%dma_start3A_737, %dma_start3A_738] : memref<1024x16xf32, #tpu.memory_space<vmem>> -> memref<128x16xf32, #tpu.memory_space<vmem>>
      %dma_start3A_740 = arith.constant 0 : i32
      %dma_start3A_741 = tpu.memref_slice %arg9[%add3A_734, %dma_start3A_740] : memref<79x128xi32, #tpu.memory_space<vmem>> -> memref<1x128xi32, #tpu.memory_space<vmem>>
      %dma_start3A_742 = tpu.memref_squeeze %dma_start3A_741 : memref<1x128xi32, #tpu.memory_space<vmem>> -> memref<128xi32, #tpu.memory_space<vmem>>
      %dma_start3A_743 = arith.constant 0 : i32
      %dma_start3A_744 = arith.constant 0 : i32
      %dma_start3A_745 = tpu.memref_slice %arg16[%dma_start3A_743, %dma_start3A_744] : memref<10000x16xf32, #tpu.memory_space<vmem_shared>> -> memref<10000x16xf32, #tpu.memory_space<vmem_shared>>
      tpu.enqueue_indirect_dma source(%dma_start3A_745 : memref<10000x16xf32, #tpu.memory_space<vmem_shared>>) target(%dma_start3A_739 : memref<128x16xf32, #tpu.memory_space<vmem>>) offsets(%dma_start3A_742 : memref<128xi32, #tpu.memory_space<vmem>>) semaphore(%arg20 : memref<!tpu.dma_semaphore, #tpu.memory_space<semaphore_mem>>)
      %dma_start3A_746 = arith.constant 128 : i32
      %dma_start3A_747 = arith.constant 0 : i32
      %dma_start3A_748 = tpu.memref_slice %arg13[%dma_start3A_746, %dma_start3A_747] : memref<1024x16xf32, #tpu.memory_space<vmem>> -> memref<128x16xf32, #tpu.memory_space<vmem>>
      %dma_start3A_749 = arith.constant 0 : i32
      %dma_start3A_750 = tpu.memref_slice %arg10[%add3A_736, %dma_start3A_749] : memref<79x128xi32, #tpu.memory_space<vmem>> -> memref<1x128xi32, #tpu.memory_space<vmem>>
      %dma_start3A_751 = tpu.memref_squeeze %dma_start3A_750 : memref<1x128xi32, #tpu.memory_space<vmem>> -> memref<128xi32, #tpu.memory_space<vmem>>
      %dma_start3A_752 = arith.constant 0 : i32
      %dma_start3A_753 = arith.constant 0 : i32
      %dma_start3A_754 = tpu.memref_slice %arg17[%dma_start3A_752, %dma_start3A_753] : memref<10000x16xf32, #tpu.memory_space<vmem_shared>> -> memref<10000x16xf32, #tpu.memory_space<vmem_shared>>
      tpu.enqueue_indirect_dma source(%dma_start3A_754 : memref<10000x16xf32, #tpu.memory_space<vmem_shared>>) target(%dma_start3A_748 : memref<128x16xf32, #tpu.memory_space<vmem>>) offsets(%dma_start3A_751 : memref<128xi32, #tpu.memory_space<vmem>>) semaphore(%arg20 : memref<!tpu.dma_semaphore, #tpu.memory_space<semaphore_mem>>)
      %add3A_755 = arith.constant 2 : i32
      %add3A_756 = arith.addi %mul3A_697, %add3A_755 : i32
      %add3A_757 = arith.constant 2 : i32
      %add3A_758 = arith.addi %mul3A_697, %add3A_757 : i32
      %dma_start3A_759 = arith.constant 256 : i32
      %dma_start3A_760 = arith.constant 0 : i32
      %dma_start3A_761 = tpu.memref_slice %arg12[%dma_start3A_759, %dma_start3A_760] : memref<1024x16xf32, #tpu.memory_space<vmem>> -> memref<128x16xf32, #tpu.memory_space<vmem>>
      %dma_start3A_762 = arith.constant 0 : i32
      %dma_start3A_763 = tpu.memref_slice %arg9[%add3A_756, %dma_start3A_762] : memref<79x128xi32, #tpu.memory_space<vmem>> -> memref<1x128xi32, #tpu.memory_space<vmem>>
      %dma_start3A_764 = tpu.memref_squeeze %dma_start3A_763 : memref<1x128xi32, #tpu.memory_space<vmem>> -> memref<128xi32, #tpu.memory_space<vmem>>
      %dma_start3A_765 = arith.constant 0 : i32
      %dma_start3A_766 = arith.constant 0 : i32
      %dma_start3A_767 = tpu.memref_slice %arg16[%dma_start3A_765, %dma_start3A_766] : memref<10000x16xf32, #tpu.memory_space<vmem_shared>> -> memref<10000x16xf32, #tpu.memory_space<vmem_shared>>
      tpu.enqueue_indirect_dma source(%dma_start3A_767 : memref<10000x16xf32, #tpu.memory_space<vmem_shared>>) target(%dma_start3A_761 : memref<128x16xf32, #tpu.memory_space<vmem>>) offsets(%dma_start3A_764 : memref<128xi32, #tpu.memory_space<vmem>>) semaphore(%arg20 : memref<!tpu.dma_semaphore, #tpu.memory_space<semaphore_mem>>)
      %dma_start3A_768 = arith.constant 256 : i32
      %dma_start3A_769 = arith.constant 0 : i32
      %dma_start3A_770 = tpu.memref_slice %arg13[%dma_start3A_768, %dma_start3A_769] : memref<1024x16xf32, #tpu.memory_space<vmem>> -> memref<128x16xf32, #tpu.memory_space<vmem>>
      %dma_start3A_771 = arith.constant 0 : i32
      %dma_start3A_772 = tpu.memref_slice %arg10[%add3A_758, %dma_start3A_771] : memref<79x128xi32, #tpu.memory_space<vmem>> -> memref<1x128xi32, #tpu.memory_space<vmem>>
      %dma_start3A_773 = tpu.memref_squeeze %dma_start3A_772 : memref<1x128xi32, #tpu.memory_space<vmem>> -> memref<128xi32, #tpu.memory_space<vmem>>
      %dma_start3A_774 = arith.constant 0 : i32
      %dma_start3A_775 = arith.constant 0 : i32
      %dma_start3A_776 = tpu.memref_slice %arg17[%dma_start3A_774, %dma_start3A_775] : memref<10000x16xf32, #tpu.memory_space<vmem_shared>> -> memref<10000x16xf32, #tpu.memory_space<vmem_shared>>
      tpu.enqueue_indirect_dma source(%dma_start3A_776 : memref<10000x16xf32, #tpu.memory_space<vmem_shared>>) target(%dma_start3A_770 : memref<128x16xf32, #tpu.memory_space<vmem>>) offsets(%dma_start3A_773 : memref<128xi32, #tpu.memory_space<vmem>>) semaphore(%arg20 : memref<!tpu.dma_semaphore, #tpu.memory_space<semaphore_mem>>)
      %add3A_777 = arith.constant 3 : i32
      %add3A_778 = arith.addi %mul3A_697, %add3A_777 : i32
      %add3A_779 = arith.constant 3 : i32
      %add3A_780 = arith.addi %mul3A_697, %add3A_779 : i32
      %dma_start3A_781 = arith.constant 384 : i32
      %dma_start3A_782 = arith.constant 0 : i32
      %dma_start3A_783 = tpu.memref_slice %arg12[%dma_start3A_781, %dma_start3A_782] : memref<1024x16xf32, #tpu.memory_space<vmem>> -> memref<128x16xf32, #tpu.memory_space<vmem>>
      %dma_start3A_784 = arith.constant 0 : i32
      %dma_start3A_785 = tpu.memref_slice %arg9[%add3A_778, %dma_start3A_784] : memref<79x128xi32, #tpu.memory_space<vmem>> -> memref<1x128xi32, #tpu.memory_space<vmem>>
      %dma_start3A_786 = tpu.memref_squeeze %dma_start3A_785 : memref<1x128xi32, #tpu.memory_space<vmem>> -> memref<128xi32, #tpu.memory_space<vmem>>
      %dma_start3A_787 = arith.constant 0 : i32
      %dma_start3A_788 = arith.constant 0 : i32
      %dma_start3A_789 = tpu.memref_slice %arg16[%dma_start3A_787, %dma_start3A_788] : memref<10000x16xf32, #tpu.memory_space<vmem_shared>> -> memref<10000x16xf32, #tpu.memory_space<vmem_shared>>
      tpu.enqueue_indirect_dma source(%dma_start3A_789 : memref<10000x16xf32, #tpu.memory_space<vmem_shared>>) target(%dma_start3A_783 : memref<128x16xf32, #tpu.memory_space<vmem>>) offsets(%dma_start3A_786 : memref<128xi32, #tpu.memory_space<vmem>>) semaphore(%arg20 : memref<!tpu.dma_semaphore, #tpu.memory_space<semaphore_mem>>)
      %dma_start3A_790 = arith.constant 384 : i32
      %dma_start3A_791 = arith.constant 0 : i32
      %dma_start3A_792 = tpu.memref_slice %arg13[%dma_start3A_790, %dma_start3A_791] : memref<1024x16xf32, #tpu.memory_space<vmem>> -> memref<128x16xf32, #tpu.memory_space<vmem>>
      %dma_start3A_793 = arith.constant 0 : i32
      %dma_start3A_794 = tpu.memref_slice %arg10[%add3A_780, %dma_start3A_793] : memref<79x128xi32, #tpu.memory_space<vmem>> -> memref<1x128xi32, #tpu.memory_space<vmem>>
      %dma_start3A_795 = tpu.memref_squeeze %dma_start3A_794 : memref<1x128xi32, #tpu.memory_space<vmem>> -> memref<128xi32, #tpu.memory_space<vmem>>
      %dma_start3A_796 = arith.constant 0 : i32
      %dma_start3A_797 = arith.constant 0 : i32
      %dma_start3A_798 = tpu.memref_slice %arg17[%dma_start3A_796, %dma_start3A_797] : memref<10000x16xf32, #tpu.memory_space<vmem_shared>> -> memref<10000x16xf32, #tpu.memory_space<vmem_shared>>
      tpu.enqueue_indirect_dma source(%dma_start3A_798 : memref<10000x16xf32, #tpu.memory_space<vmem_shared>>) target(%dma_start3A_792 : memref<128x16xf32, #tpu.memory_space<vmem>>) offsets(%dma_start3A_795 : memref<128xi32, #tpu.memory_space<vmem>>) semaphore(%arg20 : memref<!tpu.dma_semaphore, #tpu.memory_space<semaphore_mem>>)
      %add3A_799 = arith.constant 4 : i32
      %add3A_800 = arith.addi %mul3A_697, %add3A_799 : i32
      %add3A_801 = arith.constant 4 : i32
      %add3A_802 = arith.addi %mul3A_697, %add3A_801 : i32
      %dma_start3A_803 = arith.constant 512 : i32
      %dma_start3A_804 = arith.constant 0 : i32
      %dma_start3A_805 = tpu.memref_slice %arg12[%dma_start3A_803, %dma_start3A_804] : memref<1024x16xf32, #tpu.memory_space<vmem>> -> memref<128x16xf32, #tpu.memory_space<vmem>>
      %dma_start3A_806 = arith.constant 0 : i32
      %dma_start3A_807 = tpu.memref_slice %arg9[%add3A_800, %dma_start3A_806] : memref<79x128xi32, #tpu.memory_space<vmem>> -> memref<1x128xi32, #tpu.memory_space<vmem>>
      %dma_start3A_808 = tpu.memref_squeeze %dma_start3A_807 : memref<1x128xi32, #tpu.memory_space<vmem>> -> memref<128xi32, #tpu.memory_space<vmem>>
      %dma_start3A_809 = arith.constant 0 : i32
      %dma_start3A_810 = arith.constant 0 : i32
      %dma_start3A_811 = tpu.memref_slice %arg16[%dma_start3A_809, %dma_start3A_810] : memref<10000x16xf32, #tpu.memory_space<vmem_shared>> -> memref<10000x16xf32, #tpu.memory_space<vmem_shared>>
      tpu.enqueue_indirect_dma source(%dma_start3A_811 : memref<10000x16xf32, #tpu.memory_space<vmem_shared>>) target(%dma_start3A_805 : memref<128x16xf32, #tpu.memory_space<vmem>>) offsets(%dma_start3A_808 : memref<128xi32, #tpu.memory_space<vmem>>) semaphore(%arg20 : memref<!tpu.dma_semaphore, #tpu.memory_space<semaphore_mem>>)
      %dma_start3A_812 = arith.constant 512 : i32
      %dma_start3A_813 = arith.constant 0 : i32
      %dma_start3A_814 = tpu.memref_slice %arg13[%dma_start3A_812, %dma_start3A_813] : memref<1024x16xf32, #tpu.memory_space<vmem>> -> memref<128x16xf32, #tpu.memory_space<vmem>>
      %dma_start3A_815 = arith.constant 0 : i32
      %dma_start3A_816 = tpu.memref_slice %arg10[%add3A_802, %dma_start3A_815] : memref<79x128xi32, #tpu.memory_space<vmem>> -> memref<1x128xi32, #tpu.memory_space<vmem>>
      %dma_start3A_817 = tpu.memref_squeeze %dma_start3A_816 : memref<1x128xi32, #tpu.memory_space<vmem>> -> memref<128xi32, #tpu.memory_space<vmem>>
      %dma_start3A_818 = arith.constant 0 : i32
      %dma_start3A_819 = arith.constant 0 : i32
      %dma_start3A_820 = tpu.memref_slice %arg17[%dma_start3A_818, %dma_start3A_819] : memref<10000x16xf32, #tpu.memory_space<vmem_shared>> -> memref<10000x16xf32, #tpu.memory_space<vmem_shared>>
      tpu.enqueue_indirect_dma source(%dma_start3A_820 : memref<10000x16xf32, #tpu.memory_space<vmem_shared>>) target(%dma_start3A_814 : memref<128x16xf32, #tpu.memory_space<vmem>>) offsets(%dma_start3A_817 : memref<128xi32, #tpu.memory_space<vmem>>) semaphore(%arg20 : memref<!tpu.dma_semaphore, #tpu.memory_space<semaphore_mem>>)
      %add3A_821 = arith.constant 5 : i32
      %add3A_822 = arith.addi %mul3A_697, %add3A_821 : i32
      %add3A_823 = arith.constant 5 : i32
      %add3A_824 = arith.addi %mul3A_697, %add3A_823 : i32
      %dma_start3A_825 = arith.constant 640 : i32
      %dma_start3A_826 = arith.constant 0 : i32
      %dma_start3A_827 = tpu.memref_slice %arg12[%dma_start3A_825, %dma_start3A_826] : memref<1024x16xf32, #tpu.memory_space<vmem>> -> memref<128x16xf32, #tpu.memory_space<vmem>>
      %dma_start3A_828 = arith.constant 0 : i32
      %dma_start3A_829 = tpu.memref_slice %arg9[%add3A_822, %dma_start3A_828] : memref<79x128xi32, #tpu.memory_space<vmem>> -> memref<1x128xi32, #tpu.memory_space<vmem>>
      %dma_start3A_830 = tpu.memref_squeeze %dma_start3A_829 : memref<1x128xi32, #tpu.memory_space<vmem>> -> memref<128xi32, #tpu.memory_space<vmem>>
      %dma_start3A_831 = arith.constant 0 : i32
      %dma_start3A_832 = arith.constant 0 : i32
      %dma_start3A_833 = tpu.memref_slice %arg16[%dma_start3A_831, %dma_start3A_832] : memref<10000x16xf32, #tpu.memory_space<vmem_shared>> -> memref<10000x16xf32, #tpu.memory_space<vmem_shared>>
      tpu.enqueue_indirect_dma source(%dma_start3A_833 : memref<10000x16xf32, #tpu.memory_space<vmem_shared>>) target(%dma_start3A_827 : memref<128x16xf32, #tpu.memory_space<vmem>>) offsets(%dma_start3A_830 : memref<128xi32, #tpu.memory_space<vmem>>) semaphore(%arg20 : memref<!tpu.dma_semaphore, #tpu.memory_space<semaphore_mem>>)
      %dma_start3A_834 = arith.constant 640 : i32
      %dma_start3A_835 = arith.constant 0 : i32
      %dma_start3A_836 = tpu.memref_slice %arg13[%dma_start3A_834, %dma_start3A_835] : memref<1024x16xf32, #tpu.memory_space<vmem>> -> memref<128x16xf32, #tpu.memory_space<vmem>>
      %dma_start3A_837 = arith.constant 0 : i32
      %dma_start3A_838 = tpu.memref_slice %arg10[%add3A_824, %dma_start3A_837] : memref<79x128xi32, #tpu.memory_space<vmem>> -> memref<1x128xi32, #tpu.memory_space<vmem>>
      %dma_start3A_839 = tpu.memref_squeeze %dma_start3A_838 : memref<1x128xi32, #tpu.memory_space<vmem>> -> memref<128xi32, #tpu.memory_space<vmem>>
      %dma_start3A_840 = arith.constant 0 : i32
      %dma_start3A_841 = arith.constant 0 : i32
      %dma_start3A_842 = tpu.memref_slice %arg17[%dma_start3A_840, %dma_start3A_841] : memref<10000x16xf32, #tpu.memory_space<vmem_shared>> -> memref<10000x16xf32, #tpu.memory_space<vmem_shared>>
      tpu.enqueue_indirect_dma source(%dma_start3A_842 : memref<10000x16xf32, #tpu.memory_space<vmem_shared>>) target(%dma_start3A_836 : memref<128x16xf32, #tpu.memory_space<vmem>>) offsets(%dma_start3A_839 : memref<128xi32, #tpu.memory_space<vmem>>) semaphore(%arg20 : memref<!tpu.dma_semaphore, #tpu.memory_space<semaphore_mem>>)
      %add3A_843 = arith.constant 6 : i32
      %add3A_844 = arith.addi %mul3A_697, %add3A_843 : i32
      %add3A_845 = arith.constant 6 : i32
      %add3A_846 = arith.addi %mul3A_697, %add3A_845 : i32
      %dma_start3A_847 = arith.constant 768 : i32
      %dma_start3A_848 = arith.constant 0 : i32
      %dma_start3A_849 = tpu.memref_slice %arg12[%dma_start3A_847, %dma_start3A_848] : memref<1024x16xf32, #tpu.memory_space<vmem>> -> memref<128x16xf32, #tpu.memory_space<vmem>>
      %dma_start3A_850 = arith.constant 0 : i32
      %dma_start3A_851 = tpu.memref_slice %arg9[%add3A_844, %dma_start3A_850] : memref<79x128xi32, #tpu.memory_space<vmem>> -> memref<1x128xi32, #tpu.memory_space<vmem>>
      %dma_start3A_852 = tpu.memref_squeeze %dma_start3A_851 : memref<1x128xi32, #tpu.memory_space<vmem>> -> memref<128xi32, #tpu.memory_space<vmem>>
      %dma_start3A_853 = arith.constant 0 : i32
      %dma_start3A_854 = arith.constant 0 : i32
      %dma_start3A_855 = tpu.memref_slice %arg16[%dma_start3A_853, %dma_start3A_854] : memref<10000x16xf32, #tpu.memory_space<vmem_shared>> -> memref<10000x16xf32, #tpu.memory_space<vmem_shared>>
      tpu.enqueue_indirect_dma source(%dma_start3A_855 : memref<10000x16xf32, #tpu.memory_space<vmem_shared>>) target(%dma_start3A_849 : memref<128x16xf32, #tpu.memory_space<vmem>>) offsets(%dma_start3A_852 : memref<128xi32, #tpu.memory_space<vmem>>) semaphore(%arg20 : memref<!tpu.dma_semaphore, #tpu.memory_space<semaphore_mem>>)
      %dma_start3A_856 = arith.constant 768 : i32
      %dma_start3A_857 = arith.constant 0 : i32
      %dma_start3A_858 = tpu.memref_slice %arg13[%dma_start3A_856, %dma_start3A_857] : memref<1024x16xf32, #tpu.memory_space<vmem>> -> memref<128x16xf32, #tpu.memory_space<vmem>>
      %dma_start3A_859 = arith.constant 0 : i32
      %dma_start3A_860 = tpu.memref_slice %arg10[%add3A_846, %dma_start3A_859] : memref<79x128xi32, #tpu.memory_space<vmem>> -> memref<1x128xi32, #tpu.memory_space<vmem>>
      %dma_start3A_861 = tpu.memref_squeeze %dma_start3A_860 : memref<1x128xi32, #tpu.memory_space<vmem>> -> memref<128xi32, #tpu.memory_space<vmem>>
      %dma_start3A_862 = arith.constant 0 : i32
      %dma_start3A_863 = arith.constant 0 : i32
      %dma_start3A_864 = tpu.memref_slice %arg17[%dma_start3A_862, %dma_start3A_863] : memref<10000x16xf32, #tpu.memory_space<vmem_shared>> -> memref<10000x16xf32, #tpu.memory_space<vmem_shared>>
      tpu.enqueue_indirect_dma source(%dma_start3A_864 : memref<10000x16xf32, #tpu.memory_space<vmem_shared>>) target(%dma_start3A_858 : memref<128x16xf32, #tpu.memory_space<vmem>>) offsets(%dma_start3A_861 : memref<128xi32, #tpu.memory_space<vmem>>) semaphore(%arg20 : memref<!tpu.dma_semaphore, #tpu.memory_space<semaphore_mem>>)
      %add3A_865 = arith.constant 7 : i32
      %add3A_866 = arith.addi %mul3A_697, %add3A_865 : i32
      %add3A_867 = arith.constant 7 : i32
      %add3A_868 = arith.addi %mul3A_697, %add3A_867 : i32
      %dma_start3A_869 = arith.constant 896 : i32
      %dma_start3A_870 = arith.constant 0 : i32
      %dma_start3A_871 = tpu.memref_slice %arg12[%dma_start3A_869, %dma_start3A_870] : memref<1024x16xf32, #tpu.memory_space<vmem>> -> memref<128x16xf32, #tpu.memory_space<vmem>>
      %dma_start3A_872 = arith.constant 0 : i32
      %dma_start3A_873 = tpu.memref_slice %arg9[%add3A_866, %dma_start3A_872] : memref<79x128xi32, #tpu.memory_space<vmem>> -> memref<1x128xi32, #tpu.memory_space<vmem>>
      %dma_start3A_874 = tpu.memref_squeeze %dma_start3A_873 : memref<1x128xi32, #tpu.memory_space<vmem>> -> memref<128xi32, #tpu.memory_space<vmem>>
      %dma_start3A_875 = arith.constant 0 : i32
      %dma_start3A_876 = arith.constant 0 : i32
      %dma_start3A_877 = tpu.memref_slice %arg16[%dma_start3A_875, %dma_start3A_876] : memref<10000x16xf32, #tpu.memory_space<vmem_shared>> -> memref<10000x16xf32, #tpu.memory_space<vmem_shared>>
      tpu.enqueue_indirect_dma source(%dma_start3A_877 : memref<10000x16xf32, #tpu.memory_space<vmem_shared>>) target(%dma_start3A_871 : memref<128x16xf32, #tpu.memory_space<vmem>>) offsets(%dma_start3A_874 : memref<128xi32, #tpu.memory_space<vmem>>) semaphore(%arg20 : memref<!tpu.dma_semaphore, #tpu.memory_space<semaphore_mem>>)
      %dma_start3A_878 = arith.constant 896 : i32
      %dma_start3A_879 = arith.constant 0 : i32
      %dma_start3A_880 = tpu.memref_slice %arg13[%dma_start3A_878, %dma_start3A_879] : memref<1024x16xf32, #tpu.memory_space<vmem>> -> memref<128x16xf32, #tpu.memory_space<vmem>>
      %dma_start3A_881 = arith.constant 0 : i32
      %dma_start3A_882 = tpu.memref_slice %arg10[%add3A_868, %dma_start3A_881] : memref<79x128xi32, #tpu.memory_space<vmem>> -> memref<1x128xi32, #tpu.memory_space<vmem>>
      %dma_start3A_883 = tpu.memref_squeeze %dma_start3A_882 : memref<1x128xi32, #tpu.memory_space<vmem>> -> memref<128xi32, #tpu.memory_space<vmem>>
      %dma_start3A_884 = arith.constant 0 : i32
      %dma_start3A_885 = arith.constant 0 : i32
      %dma_start3A_886 = tpu.memref_slice %arg17[%dma_start3A_884, %dma_start3A_885] : memref<10000x16xf32, #tpu.memory_space<vmem_shared>> -> memref<10000x16xf32, #tpu.memory_space<vmem_shared>>
      tpu.enqueue_indirect_dma source(%dma_start3A_886 : memref<10000x16xf32, #tpu.memory_space<vmem_shared>>) target(%dma_start3A_880 : memref<128x16xf32, #tpu.memory_space<vmem>>) offsets(%dma_start3A_883 : memref<128xi32, #tpu.memory_space<vmem>>) semaphore(%arg20 : memref<!tpu.dma_semaphore, #tpu.memory_space<semaphore_mem>>)
      %dma_wait3A_887 = arith.constant 0 : i32
      %dma_wait3A_888 = arith.constant 0 : i32
      %dma_wait3A_889 = tpu.memref_slice %arg11[%dma_wait3A_887, %dma_wait3A_888] : memref<1024x16xf32, #tpu.memory_space<vmem>> -> memref<1024x16xf32, #tpu.memory_space<vmem>>
      %dma_wait3A_890 = arith.constant 0 : i32
      %dma_wait3A_891 = tpu.memref_slice %arg3[%add3A_700, %dma_wait3A_890] : memref<320000x16xf32, #tpu.memory_space<hbm>> -> memref<1024x16xf32, #tpu.memory_space<hbm>>
      %dma_wait3A_892 = arith.constant 0 : i32
      %dma_wait3A_893 = arith.constant 0 : i32
      %dma_wait3A_894 = tpu.memref_slice %arg11[%dma_wait3A_892, %dma_wait3A_893] : memref<1024x16xf32, #tpu.memory_space<vmem>> -> memref<1024x16xf32, #tpu.memory_space<vmem>>
      %dma_wait3A_895 = arith.constant 0 : i32
      %dma_wait3A_896 = tpu.memref_slice %arg3[%add3A_700, %dma_wait3A_895] : memref<320000x16xf32, #tpu.memory_space<hbm>> -> memref<1024x16xf32, #tpu.memory_space<hbm>>
      tpu.wait_dma2 semaphore(%arg22 : memref<!tpu.dma_semaphore, #tpu.memory_space<semaphore_mem>>) src(%dma_wait3A_896 : memref<1024x16xf32, #tpu.memory_space<hbm>>) dst(%dma_wait3A_894 : memref<1024x16xf32, #tpu.memory_space<vmem>>)
      %dma_wait3A_897 = arith.constant 0 : i32
      %dma_wait3A_898 = arith.constant 0 : i32
      %dma_wait3A_899 = tpu.memref_slice %arg12[%dma_wait3A_897, %dma_wait3A_898] : memref<1024x16xf32, #tpu.memory_space<vmem>> -> memref<128x16xf32, #tpu.memory_space<vmem>>
      %dma_wait3A_900 = arith.constant 0 : i32
      %dma_wait3A_901 = tpu.memref_slice %arg9[%add3A_712, %dma_wait3A_900] : memref<79x128xi32, #tpu.memory_space<vmem>> -> memref<1x128xi32, #tpu.memory_space<vmem>>
      %dma_wait3A_902 = tpu.memref_squeeze %dma_wait3A_901 : memref<1x128xi32, #tpu.memory_space<vmem>> -> memref<128xi32, #tpu.memory_space<vmem>>
      %dma_wait3A_903 = arith.constant 0 : i32
      %dma_wait3A_904 = arith.constant 0 : i32
      %dma_wait3A_905 = tpu.memref_slice %arg16[%dma_wait3A_903, %dma_wait3A_904] : memref<10000x16xf32, #tpu.memory_space<vmem_shared>> -> memref<10000x16xf32, #tpu.memory_space<vmem_shared>>
      tpu.wait_indirect_dma semaphore(%arg20 : memref<!tpu.dma_semaphore, #tpu.memory_space<semaphore_mem>>) src(%dma_wait3A_905 : memref<10000x16xf32, #tpu.memory_space<vmem_shared>>) dst(%dma_wait3A_899 : memref<128x16xf32, #tpu.memory_space<vmem>>)
      %dma_wait3A_906 = arith.constant 0 : i32
      %dma_wait3A_907 = arith.constant 0 : i32
      %dma_wait3A_908 = tpu.memref_slice %arg13[%dma_wait3A_906, %dma_wait3A_907] : memref<1024x16xf32, #tpu.memory_space<vmem>> -> memref<128x16xf32, #tpu.memory_space<vmem>>
      %dma_wait3A_909 = arith.constant 0 : i32
      %dma_wait3A_910 = tpu.memref_slice %arg10[%add3A_714, %dma_wait3A_909] : memref<79x128xi32, #tpu.memory_space<vmem>> -> memref<1x128xi32, #tpu.memory_space<vmem>>
      %dma_wait3A_911 = tpu.memref_squeeze %dma_wait3A_910 : memref<1x128xi32, #tpu.memory_space<vmem>> -> memref<128xi32, #tpu.memory_space<vmem>>
      %dma_wait3A_912 = arith.constant 0 : i32
      %dma_wait3A_913 = arith.constant 0 : i32
      %dma_wait3A_914 = tpu.memref_slice %arg17[%dma_wait3A_912, %dma_wait3A_913] : memref<10000x16xf32, #tpu.memory_space<vmem_shared>> -> memref<10000x16xf32, #tpu.memory_space<vmem_shared>>
      tpu.wait_indirect_dma semaphore(%arg20 : memref<!tpu.dma_semaphore, #tpu.memory_space<semaphore_mem>>) src(%dma_wait3A_914 : memref<10000x16xf32, #tpu.memory_space<vmem_shared>>) dst(%dma_wait3A_908 : memref<128x16xf32, #tpu.memory_space<vmem>>)
      %dma_wait3A_915 = arith.constant 128 : i32
      %dma_wait3A_916 = arith.constant 0 : i32
      %dma_wait3A_917 = tpu.memref_slice %arg12[%dma_wait3A_915, %dma_wait3A_916] : memref<1024x16xf32, #tpu.memory_space<vmem>> -> memref<128x16xf32, #tpu.memory_space<vmem>>
      %dma_wait3A_918 = arith.constant 0 : i32
      %dma_wait3A_919 = tpu.memref_slice %arg9[%add3A_734, %dma_wait3A_918] : memref<79x128xi32, #tpu.memory_space<vmem>> -> memref<1x128xi32, #tpu.memory_space<vmem>>
      %dma_wait3A_920 = tpu.memref_squeeze %dma_wait3A_919 : memref<1x128xi32, #tpu.memory_space<vmem>> -> memref<128xi32, #tpu.memory_space<vmem>>
      %dma_wait3A_921 = arith.constant 0 : i32
      %dma_wait3A_922 = arith.constant 0 : i32
      %dma_wait3A_923 = tpu.memref_slice %arg16[%dma_wait3A_921, %dma_wait3A_922] : memref<10000x16xf32, #tpu.memory_space<vmem_shared>> -> memref<10000x16xf32, #tpu.memory_space<vmem_shared>>
      tpu.wait_indirect_dma semaphore(%arg20 : memref<!tpu.dma_semaphore, #tpu.memory_space<semaphore_mem>>) src(%dma_wait3A_923 : memref<10000x16xf32, #tpu.memory_space<vmem_shared>>) dst(%dma_wait3A_917 : memref<128x16xf32, #tpu.memory_space<vmem>>)
      %dma_wait3A_924 = arith.constant 128 : i32
      %dma_wait3A_925 = arith.constant 0 : i32
      %dma_wait3A_926 = tpu.memref_slice %arg13[%dma_wait3A_924, %dma_wait3A_925] : memref<1024x16xf32, #tpu.memory_space<vmem>> -> memref<128x16xf32, #tpu.memory_space<vmem>>
      %dma_wait3A_927 = arith.constant 0 : i32
      %dma_wait3A_928 = tpu.memref_slice %arg10[%add3A_736, %dma_wait3A_927] : memref<79x128xi32, #tpu.memory_space<vmem>> -> memref<1x128xi32, #tpu.memory_space<vmem>>
      %dma_wait3A_929 = tpu.memref_squeeze %dma_wait3A_928 : memref<1x128xi32, #tpu.memory_space<vmem>> -> memref<128xi32, #tpu.memory_space<vmem>>
      %dma_wait3A_930 = arith.constant 0 : i32
      %dma_wait3A_931 = arith.constant 0 : i32
      %dma_wait3A_932 = tpu.memref_slice %arg17[%dma_wait3A_930, %dma_wait3A_931] : memref<10000x16xf32, #tpu.memory_space<vmem_shared>> -> memref<10000x16xf32, #tpu.memory_space<vmem_shared>>
      tpu.wait_indirect_dma semaphore(%arg20 : memref<!tpu.dma_semaphore, #tpu.memory_space<semaphore_mem>>) src(%dma_wait3A_932 : memref<10000x16xf32, #tpu.memory_space<vmem_shared>>) dst(%dma_wait3A_926 : memref<128x16xf32, #tpu.memory_space<vmem>>)
      %dma_wait3A_933 = arith.constant 256 : i32
      %dma_wait3A_934 = arith.constant 0 : i32
      %dma_wait3A_935 = tpu.memref_slice %arg12[%dma_wait3A_933, %dma_wait3A_934] : memref<1024x16xf32, #tpu.memory_space<vmem>> -> memref<128x16xf32, #tpu.memory_space<vmem>>
      %dma_wait3A_936 = arith.constant 0 : i32
      %dma_wait3A_937 = tpu.memref_slice %arg9[%add3A_756, %dma_wait3A_936] : memref<79x128xi32, #tpu.memory_space<vmem>> -> memref<1x128xi32, #tpu.memory_space<vmem>>
      %dma_wait3A_938 = tpu.memref_squeeze %dma_wait3A_937 : memref<1x128xi32, #tpu.memory_space<vmem>> -> memref<128xi32, #tpu.memory_space<vmem>>
      %dma_wait3A_939 = arith.constant 0 : i32
      %dma_wait3A_940 = arith.constant 0 : i32
      %dma_wait3A_941 = tpu.memref_slice %arg16[%dma_wait3A_939, %dma_wait3A_940] : memref<10000x16xf32, #tpu.memory_space<vmem_shared>> -> memref<10000x16xf32, #tpu.memory_space<vmem_shared>>
      tpu.wait_indirect_dma semaphore(%arg20 : memref<!tpu.dma_semaphore, #tpu.memory_space<semaphore_mem>>) src(%dma_wait3A_941 : memref<10000x16xf32, #tpu.memory_space<vmem_shared>>) dst(%dma_wait3A_935 : memref<128x16xf32, #tpu.memory_space<vmem>>)
      %dma_wait3A_942 = arith.constant 256 : i32
      %dma_wait3A_943 = arith.constant 0 : i32
      %dma_wait3A_944 = tpu.memref_slice %arg13[%dma_wait3A_942, %dma_wait3A_943] : memref<1024x16xf32, #tpu.memory_space<vmem>> -> memref<128x16xf32, #tpu.memory_space<vmem>>
      %dma_wait3A_945 = arith.constant 0 : i32
      %dma_wait3A_946 = tpu.memref_slice %arg10[%add3A_758, %dma_wait3A_945] : memref<79x128xi32, #tpu.memory_space<vmem>> -> memref<1x128xi32, #tpu.memory_space<vmem>>
      %dma_wait3A_947 = tpu.memref_squeeze %dma_wait3A_946 : memref<1x128xi32, #tpu.memory_space<vmem>> -> memref<128xi32, #tpu.memory_space<vmem>>
      %dma_wait3A_948 = arith.constant 0 : i32
      %dma_wait3A_949 = arith.constant 0 : i32
      %dma_wait3A_950 = tpu.memref_slice %arg17[%dma_wait3A_948, %dma_wait3A_949] : memref<10000x16xf32, #tpu.memory_space<vmem_shared>> -> memref<10000x16xf32, #tpu.memory_space<vmem_shared>>
      tpu.wait_indirect_dma semaphore(%arg20 : memref<!tpu.dma_semaphore, #tpu.memory_space<semaphore_mem>>) src(%dma_wait3A_950 : memref<10000x16xf32, #tpu.memory_space<vmem_shared>>) dst(%dma_wait3A_944 : memref<128x16xf32, #tpu.memory_space<vmem>>)
      %dma_wait3A_951 = arith.constant 384 : i32
      %dma_wait3A_952 = arith.constant 0 : i32
      %dma_wait3A_953 = tpu.memref_slice %arg12[%dma_wait3A_951, %dma_wait3A_952] : memref<1024x16xf32, #tpu.memory_space<vmem>> -> memref<128x16xf32, #tpu.memory_space<vmem>>
      %dma_wait3A_954 = arith.constant 0 : i32
      %dma_wait3A_955 = tpu.memref_slice %arg9[%add3A_778, %dma_wait3A_954] : memref<79x128xi32, #tpu.memory_space<vmem>> -> memref<1x128xi32, #tpu.memory_space<vmem>>
      %dma_wait3A_956 = tpu.memref_squeeze %dma_wait3A_955 : memref<1x128xi32, #tpu.memory_space<vmem>> -> memref<128xi32, #tpu.memory_space<vmem>>
      %dma_wait3A_957 = arith.constant 0 : i32
      %dma_wait3A_958 = arith.constant 0 : i32
      %dma_wait3A_959 = tpu.memref_slice %arg16[%dma_wait3A_957, %dma_wait3A_958] : memref<10000x16xf32, #tpu.memory_space<vmem_shared>> -> memref<10000x16xf32, #tpu.memory_space<vmem_shared>>
      tpu.wait_indirect_dma semaphore(%arg20 : memref<!tpu.dma_semaphore, #tpu.memory_space<semaphore_mem>>) src(%dma_wait3A_959 : memref<10000x16xf32, #tpu.memory_space<vmem_shared>>) dst(%dma_wait3A_953 : memref<128x16xf32, #tpu.memory_space<vmem>>)
      %dma_wait3A_960 = arith.constant 384 : i32
      %dma_wait3A_961 = arith.constant 0 : i32
      %dma_wait3A_962 = tpu.memref_slice %arg13[%dma_wait3A_960, %dma_wait3A_961] : memref<1024x16xf32, #tpu.memory_space<vmem>> -> memref<128x16xf32, #tpu.memory_space<vmem>>
      %dma_wait3A_963 = arith.constant 0 : i32
      %dma_wait3A_964 = tpu.memref_slice %arg10[%add3A_780, %dma_wait3A_963] : memref<79x128xi32, #tpu.memory_space<vmem>> -> memref<1x128xi32, #tpu.memory_space<vmem>>
      %dma_wait3A_965 = tpu.memref_squeeze %dma_wait3A_964 : memref<1x128xi32, #tpu.memory_space<vmem>> -> memref<128xi32, #tpu.memory_space<vmem>>
      %dma_wait3A_966 = arith.constant 0 : i32
      %dma_wait3A_967 = arith.constant 0 : i32
      %dma_wait3A_968 = tpu.memref_slice %arg17[%dma_wait3A_966, %dma_wait3A_967] : memref<10000x16xf32, #tpu.memory_space<vmem_shared>> -> memref<10000x16xf32, #tpu.memory_space<vmem_shared>>
      tpu.wait_indirect_dma semaphore(%arg20 : memref<!tpu.dma_semaphore, #tpu.memory_space<semaphore_mem>>) src(%dma_wait3A_968 : memref<10000x16xf32, #tpu.memory_space<vmem_shared>>) dst(%dma_wait3A_962 : memref<128x16xf32, #tpu.memory_space<vmem>>)
      %dma_wait3A_969 = arith.constant 512 : i32
      %dma_wait3A_970 = arith.constant 0 : i32
      %dma_wait3A_971 = tpu.memref_slice %arg12[%dma_wait3A_969, %dma_wait3A_970] : memref<1024x16xf32, #tpu.memory_space<vmem>> -> memref<128x16xf32, #tpu.memory_space<vmem>>
      %dma_wait3A_972 = arith.constant 0 : i32
      %dma_wait3A_973 = tpu.memref_slice %arg9[%add3A_800, %dma_wait3A_972] : memref<79x128xi32, #tpu.memory_space<vmem>> -> memref<1x128xi32, #tpu.memory_space<vmem>>
      %dma_wait3A_974 = tpu.memref_squeeze %dma_wait3A_973 : memref<1x128xi32, #tpu.memory_space<vmem>> -> memref<128xi32, #tpu.memory_space<vmem>>
      %dma_wait3A_975 = arith.constant 0 : i32
      %dma_wait3A_976 = arith.constant 0 : i32
      %dma_wait3A_977 = tpu.memref_slice %arg16[%dma_wait3A_975, %dma_wait3A_976] : memref<10000x16xf32, #tpu.memory_space<vmem_shared>> -> memref<10000x16xf32, #tpu.memory_space<vmem_shared>>
      tpu.wait_indirect_dma semaphore(%arg20 : memref<!tpu.dma_semaphore, #tpu.memory_space<semaphore_mem>>) src(%dma_wait3A_977 : memref<10000x16xf32, #tpu.memory_space<vmem_shared>>) dst(%dma_wait3A_971 : memref<128x16xf32, #tpu.memory_space<vmem>>)
      %dma_wait3A_978 = arith.constant 512 : i32
      %dma_wait3A_979 = arith.constant 0 : i32
      %dma_wait3A_980 = tpu.memref_slice %arg13[%dma_wait3A_978, %dma_wait3A_979] : memref<1024x16xf32, #tpu.memory_space<vmem>> -> memref<128x16xf32, #tpu.memory_space<vmem>>
      %dma_wait3A_981 = arith.constant 0 : i32
      %dma_wait3A_982 = tpu.memref_slice %arg10[%add3A_802, %dma_wait3A_981] : memref<79x128xi32, #tpu.memory_space<vmem>> -> memref<1x128xi32, #tpu.memory_space<vmem>>
      %dma_wait3A_983 = tpu.memref_squeeze %dma_wait3A_982 : memref<1x128xi32, #tpu.memory_space<vmem>> -> memref<128xi32, #tpu.memory_space<vmem>>
      %dma_wait3A_984 = arith.constant 0 : i32
      %dma_wait3A_985 = arith.constant 0 : i32
      %dma_wait3A_986 = tpu.memref_slice %arg17[%dma_wait3A_984, %dma_wait3A_985] : memref<10000x16xf32, #tpu.memory_space<vmem_shared>> -> memref<10000x16xf32, #tpu.memory_space<vmem_shared>>
      tpu.wait_indirect_dma semaphore(%arg20 : memref<!tpu.dma_semaphore, #tpu.memory_space<semaphore_mem>>) src(%dma_wait3A_986 : memref<10000x16xf32, #tpu.memory_space<vmem_shared>>) dst(%dma_wait3A_980 : memref<128x16xf32, #tpu.memory_space<vmem>>)
      %dma_wait3A_987 = arith.constant 640 : i32
      %dma_wait3A_988 = arith.constant 0 : i32
      %dma_wait3A_989 = tpu.memref_slice %arg12[%dma_wait3A_987, %dma_wait3A_988] : memref<1024x16xf32, #tpu.memory_space<vmem>> -> memref<128x16xf32, #tpu.memory_space<vmem>>
      %dma_wait3A_990 = arith.constant 0 : i32
      %dma_wait3A_991 = tpu.memref_slice %arg9[%add3A_822, %dma_wait3A_990] : memref<79x128xi32, #tpu.memory_space<vmem>> -> memref<1x128xi32, #tpu.memory_space<vmem>>
      %dma_wait3A_992 = tpu.memref_squeeze %dma_wait3A_991 : memref<1x128xi32, #tpu.memory_space<vmem>> -> memref<128xi32, #tpu.memory_space<vmem>>
      %dma_wait3A_993 = arith.constant 0 : i32
      %dma_wait3A_994 = arith.constant 0 : i32
      %dma_wait3A_995 = tpu.memref_slice %arg16[%dma_wait3A_993, %dma_wait3A_994] : memref<10000x16xf32, #tpu.memory_space<vmem_shared>> -> memref<10000x16xf32, #tpu.memory_space<vmem_shared>>
      tpu.wait_indirect_dma semaphore(%arg20 : memref<!tpu.dma_semaphore, #tpu.memory_space<semaphore_mem>>) src(%dma_wait3A_995 : memref<10000x16xf32, #tpu.memory_space<vmem_shared>>) dst(%dma_wait3A_989 : memref<128x16xf32, #tpu.memory_space<vmem>>)
      %dma_wait3A_996 = arith.constant 640 : i32
      %dma_wait3A_997 = arith.constant 0 : i32
      %dma_wait3A_998 = tpu.memref_slice %arg13[%dma_wait3A_996, %dma_wait3A_997] : memref<1024x16xf32, #tpu.memory_space<vmem>> -> memref<128x16xf32, #tpu.memory_space<vmem>>
      %dma_wait3A_999 = arith.constant 0 : i32
      %dma_wait3A_1000 = tpu.memref_slice %arg10[%add3A_824, %dma_wait3A_999] : memref<79x128xi32, #tpu.memory_space<vmem>> -> memref<1x128xi32, #tpu.memory_space<vmem>>
      %dma_wait3A_1001 = tpu.memref_squeeze %dma_wait3A_1000 : memref<1x128xi32, #tpu.memory_space<vmem>> -> memref<128xi32, #tpu.memory_space<vmem>>
      %dma_wait3A_1002 = arith.constant 0 : i32
      %dma_wait3A_1003 = arith.constant 0 : i32
      %dma_wait3A_1004 = tpu.memref_slice %arg17[%dma_wait3A_1002, %dma_wait3A_1003] : memref<10000x16xf32, #tpu.memory_space<vmem_shared>> -> memref<10000x16xf32, #tpu.memory_space<vmem_shared>>
      tpu.wait_indirect_dma semaphore(%arg20 : memref<!tpu.dma_semaphore, #tpu.memory_space<semaphore_mem>>) src(%dma_wait3A_1004 : memref<10000x16xf32, #tpu.memory_space<vmem_shared>>) dst(%dma_wait3A_998 : memref<128x16xf32, #tpu.memory_space<vmem>>)
      %dma_wait3A_1005 = arith.constant 768 : i32
      %dma_wait3A_1006 = arith.constant 0 : i32
      %dma_wait3A_1007 = tpu.memref_slice %arg12[%dma_wait3A_1005, %dma_wait3A_1006] : memref<1024x16xf32, #tpu.memory_space<vmem>> -> memref<128x16xf32, #tpu.memory_space<vmem>>
      %dma_wait3A_1008 = arith.constant 0 : i32
      %dma_wait3A_1009 = tpu.memref_slice %arg9[%add3A_844, %dma_wait3A_1008] : memref<79x128xi32, #tpu.memory_space<vmem>> -> memref<1x128xi32, #tpu.memory_space<vmem>>
      %dma_wait3A_1010 = tpu.memref_squeeze %dma_wait3A_1009 : memref<1x128xi32, #tpu.memory_space<vmem>> -> memref<128xi32, #tpu.memory_space<vmem>>
      %dma_wait3A_1011 = arith.constant 0 : i32
      %dma_wait3A_1012 = arith.constant 0 : i32
      %dma_wait3A_1013 = tpu.memref_slice %arg16[%dma_wait3A_1011, %dma_wait3A_1012] : memref<10000x16xf32, #tpu.memory_space<vmem_shared>> -> memref<10000x16xf32, #tpu.memory_space<vmem_shared>>
      tpu.wait_indirect_dma semaphore(%arg20 : memref<!tpu.dma_semaphore, #tpu.memory_space<semaphore_mem>>) src(%dma_wait3A_1013 : memref<10000x16xf32, #tpu.memory_space<vmem_shared>>) dst(%dma_wait3A_1007 : memref<128x16xf32, #tpu.memory_space<vmem>>)
      %dma_wait3A_1014 = arith.constant 768 : i32
      %dma_wait3A_1015 = arith.constant 0 : i32
      %dma_wait3A_1016 = tpu.memref_slice %arg13[%dma_wait3A_1014, %dma_wait3A_1015] : memref<1024x16xf32, #tpu.memory_space<vmem>> -> memref<128x16xf32, #tpu.memory_space<vmem>>
      %dma_wait3A_1017 = arith.constant 0 : i32
      %dma_wait3A_1018 = tpu.memref_slice %arg10[%add3A_846, %dma_wait3A_1017] : memref<79x128xi32, #tpu.memory_space<vmem>> -> memref<1x128xi32, #tpu.memory_space<vmem>>
      %dma_wait3A_1019 = tpu.memref_squeeze %dma_wait3A_1018 : memref<1x128xi32, #tpu.memory_space<vmem>> -> memref<128xi32, #tpu.memory_space<vmem>>
      %dma_wait3A_1020 = arith.constant 0 : i32
      %dma_wait3A_1021 = arith.constant 0 : i32
      %dma_wait3A_1022 = tpu.memref_slice %arg17[%dma_wait3A_1020, %dma_wait3A_1021] : memref<10000x16xf32, #tpu.memory_space<vmem_shared>> -> memref<10000x16xf32, #tpu.memory_space<vmem_shared>>
      tpu.wait_indirect_dma semaphore(%arg20 : memref<!tpu.dma_semaphore, #tpu.memory_space<semaphore_mem>>) src(%dma_wait3A_1022 : memref<10000x16xf32, #tpu.memory_space<vmem_shared>>) dst(%dma_wait3A_1016 : memref<128x16xf32, #tpu.memory_space<vmem>>)
      %dma_wait3A_1023 = arith.constant 896 : i32
      %dma_wait3A_1024 = arith.constant 0 : i32
      %dma_wait3A_1025 = tpu.memref_slice %arg12[%dma_wait3A_1023, %dma_wait3A_1024] : memref<1024x16xf32, #tpu.memory_space<vmem>> -> memref<128x16xf32, #tpu.memory_space<vmem>>
      %dma_wait3A_1026 = arith.constant 0 : i32
      %dma_wait3A_1027 = tpu.memref_slice %arg9[%add3A_866, %dma_wait3A_1026] : memref<79x128xi32, #tpu.memory_space<vmem>> -> memref<1x128xi32, #tpu.memory_space<vmem>>
      %dma_wait3A_1028 = tpu.memref_squeeze %dma_wait3A_1027 : memref<1x128xi32, #tpu.memory_space<vmem>> -> memref<128xi32, #tpu.memory_space<vmem>>
      %dma_wait3A_1029 = arith.constant 0 : i32
      %dma_wait3A_1030 = arith.constant 0 : i32
      %dma_wait3A_1031 = tpu.memref_slice %arg16[%dma_wait3A_1029, %dma_wait3A_1030] : memref<10000x16xf32, #tpu.memory_space<vmem_shared>> -> memref<10000x16xf32, #tpu.memory_space<vmem_shared>>
      tpu.wait_indirect_dma semaphore(%arg20 : memref<!tpu.dma_semaphore, #tpu.memory_space<semaphore_mem>>) src(%dma_wait3A_1031 : memref<10000x16xf32, #tpu.memory_space<vmem_shared>>) dst(%dma_wait3A_1025 : memref<128x16xf32, #tpu.memory_space<vmem>>)
      %dma_wait3A_1032 = arith.constant 896 : i32
      %dma_wait3A_1033 = arith.constant 0 : i32
      %dma_wait3A_1034 = tpu.memref_slice %arg13[%dma_wait3A_1032, %dma_wait3A_1033] : memref<1024x16xf32, #tpu.memory_space<vmem>> -> memref<128x16xf32, #tpu.memory_space<vmem>>
      %dma_wait3A_1035 = arith.constant 0 : i32
      %dma_wait3A_1036 = tpu.memref_slice %arg10[%add3A_868, %dma_wait3A_1035] : memref<79x128xi32, #tpu.memory_space<vmem>> -> memref<1x128xi32, #tpu.memory_space<vmem>>
      %dma_wait3A_1037 = tpu.memref_squeeze %dma_wait3A_1036 : memref<1x128xi32, #tpu.memory_space<vmem>> -> memref<128xi32, #tpu.memory_space<vmem>>
      %dma_wait3A_1038 = arith.constant 0 : i32
      %dma_wait3A_1039 = arith.constant 0 : i32
      %dma_wait3A_1040 = tpu.memref_slice %arg17[%dma_wait3A_1038, %dma_wait3A_1039] : memref<10000x16xf32, #tpu.memory_space<vmem_shared>> -> memref<10000x16xf32, #tpu.memory_space<vmem_shared>>
      tpu.wait_indirect_dma semaphore(%arg20 : memref<!tpu.dma_semaphore, #tpu.memory_space<semaphore_mem>>) src(%dma_wait3A_1040 : memref<10000x16xf32, #tpu.memory_space<vmem_shared>>) dst(%dma_wait3A_1034 : memref<128x16xf32, #tpu.memory_space<vmem>>)
      %scan3A_1041 = arith.constant 0 : i32
      %scan3A_1042 = arith.constant 1024 : i32
      %scan3A_1043 = arith.addi %scan3A_1041, %scan3A_1042 : i32
      %scan3A_1044 = arith.constant 8 : i32
      scf.for %scan3A_1386 = %scan3A_1041 to %scan3A_1043 step %scan3A_1044  : i32 {
        %get3A = arith.index_cast %scan3A_1386 : i32 to index
        %get3A_1387 = arith.constant 0 : index
        %get3A_1388 = tpu.vector_load %arg12[%get3A, %get3A_1387] {strides = array<i32>} : memref<1024x16xf32, #tpu.memory_space<vmem>>, vector<1x16xf32>,
        %get3A_1389 = vector.shape_cast %get3A_1388 : vector<1x16xf32> to vector<16xf32>
        %get3A_1390 = arith.index_cast %scan3A_1386 : i32 to index
        %get3A_1391 = arith.constant 0 : index
        %get3A_1392 = tpu.vector_load %arg13[%get3A_1390, %get3A_1391] {strides = array<i32>} : memref<1024x16xf32, #tpu.memory_space<vmem>>, vector<1x16xf32>,
        %get3A_1393 = vector.shape_cast %get3A_1392 : vector<1x16xf32> to vector<16xf32>
        %add3A_1394 = arith.addf %get3A_1389, %get3A_1393 : vector<16xf32>
        %swap3A = arith.index_cast %scan3A_1386 : i32 to index
        %swap3A_1395 = arith.constant 0 : index
        %swap3A_1396 = tpu.vector_load %arg14[%swap3A, %swap3A_1395] {strides = array<i32>} : memref<1024x16xf32, #tpu.memory_space<vmem>>, vector<1x16xf32>,
        %swap3A_1397 = vector.shape_cast %swap3A_1396 : vector<1x16xf32> to vector<16xf32>
        %swap3A_1398 = vector.shape_cast %add3A_1394 : vector<16xf32> to vector<1x16xf32>
        tpu.vector_store %arg14[%swap3A, %swap3A_1395], %swap3A_1398 {strides = array<i32>} : memref<1024x16xf32, #tpu.memory_space<vmem>>, vector<1x16xf32>,
        %scan3A_1399 = arith.constant 1 : i32
        %scan3A_1400 = arith.addi %scan3A_1386, %scan3A_1399 : i32
        %get3A_1401 = arith.index_cast %scan3A_1400 : i32 to index
        %get3A_1402 = arith.constant 0 : index
        %get3A_1403 = tpu.vector_load %arg12[%get3A_1401, %get3A_1402] {strides = array<i32>} : memref<1024x16xf32, #tpu.memory_space<vmem>>, vector<1x16xf32>,
        %get3A_1404 = vector.shape_cast %get3A_1403 : vector<1x16xf32> to vector<16xf32>
        %get3A_1405 = arith.index_cast %scan3A_1400 : i32 to index
        %get3A_1406 = arith.constant 0 : index
        %get3A_1407 = tpu.vector_load %arg13[%get3A_1405, %get3A_1406] {strides = array<i32>} : memref<1024x16xf32, #tpu.memory_space<vmem>>, vector<1x16xf32>,
        %get3A_1408 = vector.shape_cast %get3A_1407 : vector<1x16xf32> to vector<16xf32>
        %add3A_1409 = arith.addf %get3A_1404, %get3A_1408 : vector<16xf32>
        %swap3A_1410 = arith.index_cast %scan3A_1400 : i32 to index
        %swap3A_1411 = arith.constant 0 : index
        %swap3A_1412 = tpu.vector_load %arg14[%swap3A_1410, %swap3A_1411] {strides = array<i32>} : memref<1024x16xf32, #tpu.memory_space<vmem>>, vector<1x16xf32>,
        %swap3A_1413 = vector.shape_cast %swap3A_1412 : vector<1x16xf32> to vector<16xf32>
        %swap3A_1414 = vector.shape_cast %add3A_1409 : vector<16xf32> to vector<1x16xf32>
        tpu.vector_store %arg14[%swap3A_1410, %swap3A_1411], %swap3A_1414 {strides = array<i32>} : memref<1024x16xf32, #tpu.memory_space<vmem>>, vector<1x16xf32>,
        %scan3A_1415 = arith.constant 2 : i32
        %scan3A_1416 = arith.addi %scan3A_1386, %scan3A_1415 : i32
        %get3A_1417 = arith.index_cast %scan3A_1416 : i32 to index
        %get3A_1418 = arith.constant 0 : index
        %get3A_1419 = tpu.vector_load %arg12[%get3A_1417, %get3A_1418] {strides = array<i32>} : memref<1024x16xf32, #tpu.memory_space<vmem>>, vector<1x16xf32>,
        %get3A_1420 = vector.shape_cast %get3A_1419 : vector<1x16xf32> to vector<16xf32>
        %get3A_1421 = arith.index_cast %scan3A_1416 : i32 to index
        %get3A_1422 = arith.constant 0 : index
        %get3A_1423 = tpu.vector_load %arg13[%get3A_1421, %get3A_1422] {strides = array<i32>} : memref<1024x16xf32, #tpu.memory_space<vmem>>, vector<1x16xf32>,
        %get3A_1424 = vector.shape_cast %get3A_1423 : vector<1x16xf32> to vector<16xf32>
        %add3A_1425 = arith.addf %get3A_1420, %get3A_1424 : vector<16xf32>
        %swap3A_1426 = arith.index_cast %scan3A_1416 : i32 to index
        %swap3A_1427 = arith.constant 0 : index
        %swap3A_1428 = tpu.vector_load %arg14[%swap3A_1426, %swap3A_1427] {strides = array<i32>} : memref<1024x16xf32, #tpu.memory_space<vmem>>, vector<1x16xf32>,
        %swap3A_1429 = vector.shape_cast %swap3A_1428 : vector<1x16xf32> to vector<16xf32>
        %swap3A_1430 = vector.shape_cast %add3A_1425 : vector<16xf32> to vector<1x16xf32>
        tpu.vector_store %arg14[%swap3A_1426, %swap3A_1427], %swap3A_1430 {strides = array<i32>} : memref<1024x16xf32, #tpu.memory_space<vmem>>, vector<1x16xf32>,
        %scan3A_1431 = arith.constant 3 : i32
        %scan3A_1432 = arith.addi %scan3A_1386, %scan3A_1431 : i32
        %get3A_1433 = arith.index_cast %scan3A_1432 : i32 to index
        %get3A_1434 = arith.constant 0 : index
        %get3A_1435 = tpu.vector_load %arg12[%get3A_1433, %get3A_1434] {strides = array<i32>} : memref<1024x16xf32, #tpu.memory_space<vmem>>, vector<1x16xf32>,
        %get3A_1436 = vector.shape_cast %get3A_1435 : vector<1x16xf32> to vector<16xf32>
        %get3A_1437 = arith.index_cast %scan3A_1432 : i32 to index
        %get3A_1438 = arith.constant 0 : index
        %get3A_1439 = tpu.vector_load %arg13[%get3A_1437, %get3A_1438] {strides = array<i32>} : memref<1024x16xf32, #tpu.memory_space<vmem>>, vector<1x16xf32>,
        %get3A_1440 = vector.shape_cast %get3A_1439 : vector<1x16xf32> to vector<16xf32>
        %add3A_1441 = arith.addf %get3A_1436, %get3A_1440 : vector<16xf32>
        %swap3A_1442 = arith.index_cast %scan3A_1432 : i32 to index
        %swap3A_1443 = arith.constant 0 : index
        %swap3A_1444 = tpu.vector_load %arg14[%swap3A_1442, %swap3A_1443] {strides = array<i32>} : memref<1024x16xf32, #tpu.memory_space<vmem>>, vector<1x16xf32>,
        %swap3A_1445 = vector.shape_cast %swap3A_1444 : vector<1x16xf32> to vector<16xf32>
        %swap3A_1446 = vector.shape_cast %add3A_1441 : vector<16xf32> to vector<1x16xf32>
        tpu.vector_store %arg14[%swap3A_1442, %swap3A_1443], %swap3A_1446 {strides = array<i32>} : memref<1024x16xf32, #tpu.memory_space<vmem>>, vector<1x16xf32>,
        %scan3A_1447 = arith.constant 4 : i32
        %scan3A_1448 = arith.addi %scan3A_1386, %scan3A_1447 : i32
        %get3A_1449 = arith.index_cast %scan3A_1448 : i32 to index
        %get3A_1450 = arith.constant 0 : index
        %get3A_1451 = tpu.vector_load %arg12[%get3A_1449, %get3A_1450] {strides = array<i32>} : memref<1024x16xf32, #tpu.memory_space<vmem>>, vector<1x16xf32>,
        %get3A_1452 = vector.shape_cast %get3A_1451 : vector<1x16xf32> to vector<16xf32>
        %get3A_1453 = arith.index_cast %scan3A_1448 : i32 to index
        %get3A_1454 = arith.constant 0 : index
        %get3A_1455 = tpu.vector_load %arg13[%get3A_1453, %get3A_1454] {strides = array<i32>} : memref<1024x16xf32, #tpu.memory_space<vmem>>, vector<1x16xf32>,
        %get3A_1456 = vector.shape_cast %get3A_1455 : vector<1x16xf32> to vector<16xf32>
        %add3A_1457 = arith.addf %get3A_1452, %get3A_1456 : vector<16xf32>
        %swap3A_1458 = arith.index_cast %scan3A_1448 : i32 to index
        %swap3A_1459 = arith.constant 0 : index
        %swap3A_1460 = tpu.vector_load %arg14[%swap3A_1458, %swap3A_1459] {strides = array<i32>} : memref<1024x16xf32, #tpu.memory_space<vmem>>, vector<1x16xf32>,
        %swap3A_1461 = vector.shape_cast %swap3A_1460 : vector<1x16xf32> to vector<16xf32>
        %swap3A_1462 = vector.shape_cast %add3A_1457 : vector<16xf32> to vector<1x16xf32>
        tpu.vector_store %arg14[%swap3A_1458, %swap3A_1459], %swap3A_1462 {strides = array<i32>} : memref<1024x16xf32, #tpu.memory_space<vmem>>, vector<1x16xf32>,
        %scan3A_1463 = arith.constant 5 : i32
        %scan3A_1464 = arith.addi %scan3A_1386, %scan3A_1463 : i32
        %get3A_1465 = arith.index_cast %scan3A_1464 : i32 to index
        %get3A_1466 = arith.constant 0 : index
        %get3A_1467 = tpu.vector_load %arg12[%get3A_1465, %get3A_1466] {strides = array<i32>} : memref<1024x16xf32, #tpu.memory_space<vmem>>, vector<1x16xf32>,
        %get3A_1468 = vector.shape_cast %get3A_1467 : vector<1x16xf32> to vector<16xf32>
        %get3A_1469 = arith.index_cast %scan3A_1464 : i32 to index
        %get3A_1470 = arith.constant 0 : index
        %get3A_1471 = tpu.vector_load %arg13[%get3A_1469, %get3A_1470] {strides = array<i32>} : memref<1024x16xf32, #tpu.memory_space<vmem>>, vector<1x16xf32>,
        %get3A_1472 = vector.shape_cast %get3A_1471 : vector<1x16xf32> to vector<16xf32>
        %add3A_1473 = arith.addf %get3A_1468, %get3A_1472 : vector<16xf32>
        %swap3A_1474 = arith.index_cast %scan3A_1464 : i32 to index
        %swap3A_1475 = arith.constant 0 : index
        %swap3A_1476 = tpu.vector_load %arg14[%swap3A_1474, %swap3A_1475] {strides = array<i32>} : memref<1024x16xf32, #tpu.memory_space<vmem>>, vector<1x16xf32>,
        %swap3A_1477 = vector.shape_cast %swap3A_1476 : vector<1x16xf32> to vector<16xf32>
        %swap3A_1478 = vector.shape_cast %add3A_1473 : vector<16xf32> to vector<1x16xf32>
        tpu.vector_store %arg14[%swap3A_1474, %swap3A_1475], %swap3A_1478 {strides = array<i32>} : memref<1024x16xf32, #tpu.memory_space<vmem>>, vector<1x16xf32>,
        %scan3A_1479 = arith.constant 6 : i32
        %scan3A_1480 = arith.addi %scan3A_1386, %scan3A_1479 : i32
        %get3A_1481 = arith.index_cast %scan3A_1480 : i32 to index
        %get3A_1482 = arith.constant 0 : index
        %get3A_1483 = tpu.vector_load %arg12[%get3A_1481, %get3A_1482] {strides = array<i32>} : memref<1024x16xf32, #tpu.memory_space<vmem>>, vector<1x16xf32>,
        %get3A_1484 = vector.shape_cast %get3A_1483 : vector<1x16xf32> to vector<16xf32>
        %get3A_1485 = arith.index_cast %scan3A_1480 : i32 to index
        %get3A_1486 = arith.constant 0 : index
        %get3A_1487 = tpu.vector_load %arg13[%get3A_1485, %get3A_1486] {strides = array<i32>} : memref<1024x16xf32, #tpu.memory_space<vmem>>, vector<1x16xf32>,
        %get3A_1488 = vector.shape_cast %get3A_1487 : vector<1x16xf32> to vector<16xf32>
        %add3A_1489 = arith.addf %get3A_1484, %get3A_1488 : vector<16xf32>
        %swap3A_1490 = arith.index_cast %scan3A_1480 : i32 to index
        %swap3A_1491 = arith.constant 0 : index
        %swap3A_1492 = tpu.vector_load %arg14[%swap3A_1490, %swap3A_1491] {strides = array<i32>} : memref<1024x16xf32, #tpu.memory_space<vmem>>, vector<1x16xf32>,
        %swap3A_1493 = vector.shape_cast %swap3A_1492 : vector<1x16xf32> to vector<16xf32>
        %swap3A_1494 = vector.shape_cast %add3A_1489 : vector<16xf32> to vector<1x16xf32>
        tpu.vector_store %arg14[%swap3A_1490, %swap3A_1491], %swap3A_1494 {strides = array<i32>} : memref<1024x16xf32, #tpu.memory_space<vmem>>, vector<1x16xf32>,
        %scan3A_1495 = arith.constant 7 : i32
        %scan3A_1496 = arith.addi %scan3A_1386, %scan3A_1495 : i32
        %get3A_1497 = arith.index_cast %scan3A_1496 : i32 to index
        %get3A_1498 = arith.constant 0 : index
        %get3A_1499 = tpu.vector_load %arg12[%get3A_1497, %get3A_1498] {strides = array<i32>} : memref<1024x16xf32, #tpu.memory_space<vmem>>, vector<1x16xf32>,
        %get3A_1500 = vector.shape_cast %get3A_1499 : vector<1x16xf32> to vector<16xf32>
        %get3A_1501 = arith.index_cast %scan3A_1496 : i32 to index
        %get3A_1502 = arith.constant 0 : index
        %get3A_1503 = tpu.vector_load %arg13[%get3A_1501, %get3A_1502] {strides = array<i32>} : memref<1024x16xf32, #tpu.memory_space<vmem>>, vector<1x16xf32>,
        %get3A_1504 = vector.shape_cast %get3A_1503 : vector<1x16xf32> to vector<16xf32>
        %add3A_1505 = arith.addf %get3A_1500, %get3A_1504 : vector<16xf32>
        %swap3A_1506 = arith.index_cast %scan3A_1496 : i32 to index
        %swap3A_1507 = arith.constant 0 : index
        %swap3A_1508 = tpu.vector_load %arg14[%swap3A_1506, %swap3A_1507] {strides = array<i32>} : memref<1024x16xf32, #tpu.memory_space<vmem>>, vector<1x16xf32>,
        %swap3A_1509 = vector.shape_cast %swap3A_1508 : vector<1x16xf32> to vector<16xf32>
        %swap3A_1510 = vector.shape_cast %add3A_1505 : vector<16xf32> to vector<1x16xf32>
        tpu.vector_store %arg14[%swap3A_1506, %swap3A_1507], %swap3A_1510 {strides = array<i32>} : memref<1024x16xf32, #tpu.memory_space<vmem>>, vector<1x16xf32>,
      }
      %scan3A_1045 = arith.constant 1024 : i32
      %dma_start3A_1046 = arith.constant 0 : i32
      %dma_start3A_1047 = arith.constant 0 : i32
      %dma_start3A_1048 = tpu.memref_slice %arg14[%dma_start3A_1046, %dma_start3A_1047] : memref<1024x16xf32, #tpu.memory_space<vmem>> -> memref<1024x16xf32, #tpu.memory_space<vmem>>
      %dma_start3A_1049 = arith.constant 0 : i32
      %dma_start3A_1050 = tpu.memref_slice %arg6[%add3A_700, %dma_start3A_1049] : memref<320000x16xf32, #tpu.memory_space<hbm>> -> memref<1024x16xf32, #tpu.memory_space<hbm>>
      %dma_start3A_1051 = arith.constant 0 : i32
      %dma_start3A_1052 = tpu.memref_slice %arg6[%add3A_700, %dma_start3A_1051] : memref<320000x16xf32, #tpu.memory_space<hbm>> -> memref<1024x16xf32, #tpu.memory_space<hbm>>
      %dma_start3A_1053 = arith.constant 0 : i32
      %dma_start3A_1054 = arith.constant 0 : i32
      %dma_start3A_1055 = tpu.memref_slice %arg14[%dma_start3A_1053, %dma_start3A_1054] : memref<1024x16xf32, #tpu.memory_space<vmem>> -> memref<1024x16xf32, #tpu.memory_space<vmem>>
      tpu.enqueue_dma source(%dma_start3A_1055 : memref<1024x16xf32, #tpu.memory_space<vmem>>) target(%dma_start3A_1052 : memref<1024x16xf32, #tpu.memory_space<hbm>>) target_semaphore(%arg21 : memref<!tpu.dma_semaphore, #tpu.memory_space<semaphore_mem>>)
      %add3A_1056 = arith.constant 0 : i32
      %add3A_1057 = arith.addi %mul3A_697, %add3A_1056 : i32
      %add3A_1058 = arith.constant 0 : i32
      %add3A_1059 = arith.addi %mul3A_697, %add3A_1058 : i32
      %dma_start3A_1060 = arith.constant 0 : i32
      %dma_start3A_1061 = arith.constant 0 : i32
      %dma_start3A_1062 = tpu.memref_slice %arg11[%dma_start3A_1060, %dma_start3A_1061] : memref<1024x16xf32, #tpu.memory_space<vmem>> -> memref<128x16xf32, #tpu.memory_space<vmem>>
      %dma_start3A_1063 = arith.constant 0 : i32
      %dma_start3A_1064 = tpu.memref_slice %arg9[%add3A_1057, %dma_start3A_1063] : memref<79x128xi32, #tpu.memory_space<vmem>> -> memref<1x128xi32, #tpu.memory_space<vmem>>
      %dma_start3A_1065 = tpu.memref_squeeze %dma_start3A_1064 : memref<1x128xi32, #tpu.memory_space<vmem>> -> memref<128xi32, #tpu.memory_space<vmem>>
      %dma_start3A_1066 = arith.constant 0 : i32
      %dma_start3A_1067 = arith.constant 0 : i32
      %dma_start3A_1068 = tpu.memref_slice %arg18[%dma_start3A_1066, %dma_start3A_1067] : memref<10000x16xf32, #tpu.memory_space<vmem_shared>> -> memref<10000x16xf32, #tpu.memory_space<vmem_shared>>
      tpu.enqueue_indirect_dma source(%dma_start3A_1062 : memref<128x16xf32, #tpu.memory_space<vmem>>) target(%dma_start3A_1068 : memref<10000x16xf32, #tpu.memory_space<vmem_shared>>) offsets(%dma_start3A_1065 : memref<128xi32, #tpu.memory_space<vmem>>) semaphore(%arg23 : memref<!tpu.dma_semaphore, #tpu.memory_space<semaphore_mem>>) {add = true}
      %dma_start3A_1069 = arith.constant 0 : i32
      %dma_start3A_1070 = arith.constant 0 : i32
      %dma_start3A_1071 = tpu.memref_slice %arg11[%dma_start3A_1069, %dma_start3A_1070] : memref<1024x16xf32, #tpu.memory_space<vmem>> -> memref<128x16xf32, #tpu.memory_space<vmem>>
      %dma_start3A_1072 = arith.constant 0 : i32
      %dma_start3A_1073 = tpu.memref_slice %arg10[%add3A_1059, %dma_start3A_1072] : memref<79x128xi32, #tpu.memory_space<vmem>> -> memref<1x128xi32, #tpu.memory_space<vmem>>
      %dma_start3A_1074 = tpu.memref_squeeze %dma_start3A_1073 : memref<1x128xi32, #tpu.memory_space<vmem>> -> memref<128xi32, #tpu.memory_space<vmem>>
      %dma_start3A_1075 = arith.constant 0 : i32
      %dma_start3A_1076 = arith.constant 0 : i32
      %dma_start3A_1077 = tpu.memref_slice %arg19[%dma_start3A_1075, %dma_start3A_1076] : memref<10000x16xf32, #tpu.memory_space<vmem_shared>> -> memref<10000x16xf32, #tpu.memory_space<vmem_shared>>
      tpu.enqueue_indirect_dma source(%dma_start3A_1071 : memref<128x16xf32, #tpu.memory_space<vmem>>) target(%dma_start3A_1077 : memref<10000x16xf32, #tpu.memory_space<vmem_shared>>) offsets(%dma_start3A_1074 : memref<128xi32, #tpu.memory_space<vmem>>) semaphore(%arg23 : memref<!tpu.dma_semaphore, #tpu.memory_space<semaphore_mem>>) {add = true}
      %add3A_1078 = arith.constant 1 : i32
      %add3A_1079 = arith.addi %mul3A_697, %add3A_1078 : i32
      %add3A_1080 = arith.constant 1 : i32
      %add3A_1081 = arith.addi %mul3A_697, %add3A_1080 : i32
      %dma_start3A_1082 = arith.constant 128 : i32
      %dma_start3A_1083 = arith.constant 0 : i32
      %dma_start3A_1084 = tpu.memref_slice %arg11[%dma_start3A_1082, %dma_start3A_1083] : memref<1024x16xf32, #tpu.memory_space<vmem>> -> memref<128x16xf32, #tpu.memory_space<vmem>>
      %dma_start3A_1085 = arith.constant 0 : i32
      %dma_start3A_1086 = tpu.memref_slice %arg9[%add3A_1079, %dma_start3A_1085] : memref<79x128xi32, #tpu.memory_space<vmem>> -> memref<1x128xi32, #tpu.memory_space<vmem>>
      %dma_start3A_1087 = tpu.memref_squeeze %dma_start3A_1086 : memref<1x128xi32, #tpu.memory_space<vmem>> -> memref<128xi32, #tpu.memory_space<vmem>>
      %dma_start3A_1088 = arith.constant 0 : i32
      %dma_start3A_1089 = arith.constant 0 : i32
      %dma_start3A_1090 = tpu.memref_slice %arg18[%dma_start3A_1088, %dma_start3A_1089] : memref<10000x16xf32, #tpu.memory_space<vmem_shared>> -> memref<10000x16xf32, #tpu.memory_space<vmem_shared>>
      tpu.enqueue_indirect_dma source(%dma_start3A_1084 : memref<128x16xf32, #tpu.memory_space<vmem>>) target(%dma_start3A_1090 : memref<10000x16xf32, #tpu.memory_space<vmem_shared>>) offsets(%dma_start3A_1087 : memref<128xi32, #tpu.memory_space<vmem>>) semaphore(%arg23 : memref<!tpu.dma_semaphore, #tpu.memory_space<semaphore_mem>>) {add = true}
      %dma_start3A_1091 = arith.constant 128 : i32
      %dma_start3A_1092 = arith.constant 0 : i32
      %dma_start3A_1093 = tpu.memref_slice %arg11[%dma_start3A_1091, %dma_start3A_1092] : memref<1024x16xf32, #tpu.memory_space<vmem>> -> memref<128x16xf32, #tpu.memory_space<vmem>>
      %dma_start3A_1094 = arith.constant 0 : i32
      %dma_start3A_1095 = tpu.memref_slice %arg10[%add3A_1081, %dma_start3A_1094] : memref<79x128xi32, #tpu.memory_space<vmem>> -> memref<1x128xi32, #tpu.memory_space<vmem>>
      %dma_start3A_1096 = tpu.memref_squeeze %dma_start3A_1095 : memref<1x128xi32, #tpu.memory_space<vmem>> -> memref<128xi32, #tpu.memory_space<vmem>>
      %dma_start3A_1097 = arith.constant 0 : i32
      %dma_start3A_1098 = arith.constant 0 : i32
      %dma_start3A_1099 = tpu.memref_slice %arg19[%dma_start3A_1097, %dma_start3A_1098] : memref<10000x16xf32, #tpu.memory_space<vmem_shared>> -> memref<10000x16xf32, #tpu.memory_space<vmem_shared>>
      tpu.enqueue_indirect_dma source(%dma_start3A_1093 : memref<128x16xf32, #tpu.memory_space<vmem>>) target(%dma_start3A_1099 : memref<10000x16xf32, #tpu.memory_space<vmem_shared>>) offsets(%dma_start3A_1096 : memref<128xi32, #tpu.memory_space<vmem>>) semaphore(%arg23 : memref<!tpu.dma_semaphore, #tpu.memory_space<semaphore_mem>>) {add = true}
      %add3A_1100 = arith.constant 2 : i32
      %add3A_1101 = arith.addi %mul3A_697, %add3A_1100 : i32
      %add3A_1102 = arith.constant 2 : i32
      %add3A_1103 = arith.addi %mul3A_697, %add3A_1102 : i32
      %dma_start3A_1104 = arith.constant 256 : i32
      %dma_start3A_1105 = arith.constant 0 : i32
      %dma_start3A_1106 = tpu.memref_slice %arg11[%dma_start3A_1104, %dma_start3A_1105] : memref<1024x16xf32, #tpu.memory_space<vmem>> -> memref<128x16xf32, #tpu.memory_space<vmem>>
      %dma_start3A_1107 = arith.constant 0 : i32
      %dma_start3A_1108 = tpu.memref_slice %arg9[%add3A_1101, %dma_start3A_1107] : memref<79x128xi32, #tpu.memory_space<vmem>> -> memref<1x128xi32, #tpu.memory_space<vmem>>
      %dma_start3A_1109 = tpu.memref_squeeze %dma_start3A_1108 : memref<1x128xi32, #tpu.memory_space<vmem>> -> memref<128xi32, #tpu.memory_space<vmem>>
      %dma_start3A_1110 = arith.constant 0 : i32
      %dma_start3A_1111 = arith.constant 0 : i32
      %dma_start3A_1112 = tpu.memref_slice %arg18[%dma_start3A_1110, %dma_start3A_1111] : memref<10000x16xf32, #tpu.memory_space<vmem_shared>> -> memref<10000x16xf32, #tpu.memory_space<vmem_shared>>
      tpu.enqueue_indirect_dma source(%dma_start3A_1106 : memref<128x16xf32, #tpu.memory_space<vmem>>) target(%dma_start3A_1112 : memref<10000x16xf32, #tpu.memory_space<vmem_shared>>) offsets(%dma_start3A_1109 : memref<128xi32, #tpu.memory_space<vmem>>) semaphore(%arg23 : memref<!tpu.dma_semaphore, #tpu.memory_space<semaphore_mem>>) {add = true}
      %dma_start3A_1113 = arith.constant 256 : i32
      %dma_start3A_1114 = arith.constant 0 : i32
      %dma_start3A_1115 = tpu.memref_slice %arg11[%dma_start3A_1113, %dma_start3A_1114] : memref<1024x16xf32, #tpu.memory_space<vmem>> -> memref<128x16xf32, #tpu.memory_space<vmem>>
      %dma_start3A_1116 = arith.constant 0 : i32
      %dma_start3A_1117 = tpu.memref_slice %arg10[%add3A_1103, %dma_start3A_1116] : memref<79x128xi32, #tpu.memory_space<vmem>> -> memref<1x128xi32, #tpu.memory_space<vmem>>
      %dma_start3A_1118 = tpu.memref_squeeze %dma_start3A_1117 : memref<1x128xi32, #tpu.memory_space<vmem>> -> memref<128xi32, #tpu.memory_space<vmem>>
      %dma_start3A_1119 = arith.constant 0 : i32
      %dma_start3A_1120 = arith.constant 0 : i32
      %dma_start3A_1121 = tpu.memref_slice %arg19[%dma_start3A_1119, %dma_start3A_1120] : memref<10000x16xf32, #tpu.memory_space<vmem_shared>> -> memref<10000x16xf32, #tpu.memory_space<vmem_shared>>
      tpu.enqueue_indirect_dma source(%dma_start3A_1115 : memref<128x16xf32, #tpu.memory_space<vmem>>) target(%dma_start3A_1121 : memref<10000x16xf32, #tpu.memory_space<vmem_shared>>) offsets(%dma_start3A_1118 : memref<128xi32, #tpu.memory_space<vmem>>) semaphore(%arg23 : memref<!tpu.dma_semaphore, #tpu.memory_space<semaphore_mem>>) {add = true}
      %add3A_1122 = arith.constant 3 : i32
      %add3A_1123 = arith.addi %mul3A_697, %add3A_1122 : i32
      %add3A_1124 = arith.constant 3 : i32
      %add3A_1125 = arith.addi %mul3A_697, %add3A_1124 : i32
      %dma_start3A_1126 = arith.constant 384 : i32
      %dma_start3A_1127 = arith.constant 0 : i32
      %dma_start3A_1128 = tpu.memref_slice %arg11[%dma_start3A_1126, %dma_start3A_1127] : memref<1024x16xf32, #tpu.memory_space<vmem>> -> memref<128x16xf32, #tpu.memory_space<vmem>>
      %dma_start3A_1129 = arith.constant 0 : i32
      %dma_start3A_1130 = tpu.memref_slice %arg9[%add3A_1123, %dma_start3A_1129] : memref<79x128xi32, #tpu.memory_space<vmem>> -> memref<1x128xi32, #tpu.memory_space<vmem>>
      %dma_start3A_1131 = tpu.memref_squeeze %dma_start3A_1130 : memref<1x128xi32, #tpu.memory_space<vmem>> -> memref<128xi32, #tpu.memory_space<vmem>>
      %dma_start3A_1132 = arith.constant 0 : i32
      %dma_start3A_1133 = arith.constant 0 : i32
      %dma_start3A_1134 = tpu.memref_slice %arg18[%dma_start3A_1132, %dma_start3A_1133] : memref<10000x16xf32, #tpu.memory_space<vmem_shared>> -> memref<10000x16xf32, #tpu.memory_space<vmem_shared>>
      tpu.enqueue_indirect_dma source(%dma_start3A_1128 : memref<128x16xf32, #tpu.memory_space<vmem>>) target(%dma_start3A_1134 : memref<10000x16xf32, #tpu.memory_space<vmem_shared>>) offsets(%dma_start3A_1131 : memref<128xi32, #tpu.memory_space<vmem>>) semaphore(%arg23 : memref<!tpu.dma_semaphore, #tpu.memory_space<semaphore_mem>>) {add = true}
      %dma_start3A_1135 = arith.constant 384 : i32
      %dma_start3A_1136 = arith.constant 0 : i32
      %dma_start3A_1137 = tpu.memref_slice %arg11[%dma_start3A_1135, %dma_start3A_1136] : memref<1024x16xf32, #tpu.memory_space<vmem>> -> memref<128x16xf32, #tpu.memory_space<vmem>>
      %dma_start3A_1138 = arith.constant 0 : i32
      %dma_start3A_1139 = tpu.memref_slice %arg10[%add3A_1125, %dma_start3A_1138] : memref<79x128xi32, #tpu.memory_space<vmem>> -> memref<1x128xi32, #tpu.memory_space<vmem>>
      %dma_start3A_1140 = tpu.memref_squeeze %dma_start3A_1139 : memref<1x128xi32, #tpu.memory_space<vmem>> -> memref<128xi32, #tpu.memory_space<vmem>>
      %dma_start3A_1141 = arith.constant 0 : i32
      %dma_start3A_1142 = arith.constant 0 : i32
      %dma_start3A_1143 = tpu.memref_slice %arg19[%dma_start3A_1141, %dma_start3A_1142] : memref<10000x16xf32, #tpu.memory_space<vmem_shared>> -> memref<10000x16xf32, #tpu.memory_space<vmem_shared>>
      tpu.enqueue_indirect_dma source(%dma_start3A_1137 : memref<128x16xf32, #tpu.memory_space<vmem>>) target(%dma_start3A_1143 : memref<10000x16xf32, #tpu.memory_space<vmem_shared>>) offsets(%dma_start3A_1140 : memref<128xi32, #tpu.memory_space<vmem>>) semaphore(%arg23 : memref<!tpu.dma_semaphore, #tpu.memory_space<semaphore_mem>>) {add = true}
      %add3A_1144 = arith.constant 4 : i32
      %add3A_1145 = arith.addi %mul3A_697, %add3A_1144 : i32
      %add3A_1146 = arith.constant 4 : i32
      %add3A_1147 = arith.addi %mul3A_697, %add3A_1146 : i32
      %dma_start3A_1148 = arith.constant 512 : i32
      %dma_start3A_1149 = arith.constant 0 : i32
      %dma_start3A_1150 = tpu.memref_slice %arg11[%dma_start3A_1148, %dma_start3A_1149] : memref<1024x16xf32, #tpu.memory_space<vmem>> -> memref<128x16xf32, #tpu.memory_space<vmem>>
      %dma_start3A_1151 = arith.constant 0 : i32
      %dma_start3A_1152 = tpu.memref_slice %arg9[%add3A_1145, %dma_start3A_1151] : memref<79x128xi32, #tpu.memory_space<vmem>> -> memref<1x128xi32, #tpu.memory_space<vmem>>
      %dma_start3A_1153 = tpu.memref_squeeze %dma_start3A_1152 : memref<1x128xi32, #tpu.memory_space<vmem>> -> memref<128xi32, #tpu.memory_space<vmem>>
      %dma_start3A_1154 = arith.constant 0 : i32
      %dma_start3A_1155 = arith.constant 0 : i32
      %dma_start3A_1156 = tpu.memref_slice %arg18[%dma_start3A_1154, %dma_start3A_1155] : memref<10000x16xf32, #tpu.memory_space<vmem_shared>> -> memref<10000x16xf32, #tpu.memory_space<vmem_shared>>
      tpu.enqueue_indirect_dma source(%dma_start3A_1150 : memref<128x16xf32, #tpu.memory_space<vmem>>) target(%dma_start3A_1156 : memref<10000x16xf32, #tpu.memory_space<vmem_shared>>) offsets(%dma_start3A_1153 : memref<128xi32, #tpu.memory_space<vmem>>) semaphore(%arg23 : memref<!tpu.dma_semaphore, #tpu.memory_space<semaphore_mem>>) {add = true}
      %dma_start3A_1157 = arith.constant 512 : i32
      %dma_start3A_1158 = arith.constant 0 : i32
      %dma_start3A_1159 = tpu.memref_slice %arg11[%dma_start3A_1157, %dma_start3A_1158] : memref<1024x16xf32, #tpu.memory_space<vmem>> -> memref<128x16xf32, #tpu.memory_space<vmem>>
      %dma_start3A_1160 = arith.constant 0 : i32
      %dma_start3A_1161 = tpu.memref_slice %arg10[%add3A_1147, %dma_start3A_1160] : memref<79x128xi32, #tpu.memory_space<vmem>> -> memref<1x128xi32, #tpu.memory_space<vmem>>
      %dma_start3A_1162 = tpu.memref_squeeze %dma_start3A_1161 : memref<1x128xi32, #tpu.memory_space<vmem>> -> memref<128xi32, #tpu.memory_space<vmem>>
      %dma_start3A_1163 = arith.constant 0 : i32
      %dma_start3A_1164 = arith.constant 0 : i32
      %dma_start3A_1165 = tpu.memref_slice %arg19[%dma_start3A_1163, %dma_start3A_1164] : memref<10000x16xf32, #tpu.memory_space<vmem_shared>> -> memref<10000x16xf32, #tpu.memory_space<vmem_shared>>
      tpu.enqueue_indirect_dma source(%dma_start3A_1159 : memref<128x16xf32, #tpu.memory_space<vmem>>) target(%dma_start3A_1165 : memref<10000x16xf32, #tpu.memory_space<vmem_shared>>) offsets(%dma_start3A_1162 : memref<128xi32, #tpu.memory_space<vmem>>) semaphore(%arg23 : memref<!tpu.dma_semaphore, #tpu.memory_space<semaphore_mem>>) {add = true}
      %add3A_1166 = arith.constant 5 : i32
      %add3A_1167 = arith.addi %mul3A_697, %add3A_1166 : i32
      %add3A_1168 = arith.constant 5 : i32
      %add3A_1169 = arith.addi %mul3A_697, %add3A_1168 : i32
      %dma_start3A_1170 = arith.constant 640 : i32
      %dma_start3A_1171 = arith.constant 0 : i32
      %dma_start3A_1172 = tpu.memref_slice %arg11[%dma_start3A_1170, %dma_start3A_1171] : memref<1024x16xf32, #tpu.memory_space<vmem>> -> memref<128x16xf32, #tpu.memory_space<vmem>>
      %dma_start3A_1173 = arith.constant 0 : i32
      %dma_start3A_1174 = tpu.memref_slice %arg9[%add3A_1167, %dma_start3A_1173] : memref<79x128xi32, #tpu.memory_space<vmem>> -> memref<1x128xi32, #tpu.memory_space<vmem>>
      %dma_start3A_1175 = tpu.memref_squeeze %dma_start3A_1174 : memref<1x128xi32, #tpu.memory_space<vmem>> -> memref<128xi32, #tpu.memory_space<vmem>>
      %dma_start3A_1176 = arith.constant 0 : i32
      %dma_start3A_1177 = arith.constant 0 : i32
      %dma_start3A_1178 = tpu.memref_slice %arg18[%dma_start3A_1176, %dma_start3A_1177] : memref<10000x16xf32, #tpu.memory_space<vmem_shared>> -> memref<10000x16xf32, #tpu.memory_space<vmem_shared>>
      tpu.enqueue_indirect_dma source(%dma_start3A_1172 : memref<128x16xf32, #tpu.memory_space<vmem>>) target(%dma_start3A_1178 : memref<10000x16xf32, #tpu.memory_space<vmem_shared>>) offsets(%dma_start3A_1175 : memref<128xi32, #tpu.memory_space<vmem>>) semaphore(%arg23 : memref<!tpu.dma_semaphore, #tpu.memory_space<semaphore_mem>>) {add = true}
      %dma_start3A_1179 = arith.constant 640 : i32
      %dma_start3A_1180 = arith.constant 0 : i32
      %dma_start3A_1181 = tpu.memref_slice %arg11[%dma_start3A_1179, %dma_start3A_1180] : memref<1024x16xf32, #tpu.memory_space<vmem>> -> memref<128x16xf32, #tpu.memory_space<vmem>>
      %dma_start3A_1182 = arith.constant 0 : i32
      %dma_start3A_1183 = tpu.memref_slice %arg10[%add3A_1169, %dma_start3A_1182] : memref<79x128xi32, #tpu.memory_space<vmem>> -> memref<1x128xi32, #tpu.memory_space<vmem>>
      %dma_start3A_1184 = tpu.memref_squeeze %dma_start3A_1183 : memref<1x128xi32, #tpu.memory_space<vmem>> -> memref<128xi32, #tpu.memory_space<vmem>>
      %dma_start3A_1185 = arith.constant 0 : i32
      %dma_start3A_1186 = arith.constant 0 : i32
      %dma_start3A_1187 = tpu.memref_slice %arg19[%dma_start3A_1185, %dma_start3A_1186] : memref<10000x16xf32, #tpu.memory_space<vmem_shared>> -> memref<10000x16xf32, #tpu.memory_space<vmem_shared>>
      tpu.enqueue_indirect_dma source(%dma_start3A_1181 : memref<128x16xf32, #tpu.memory_space<vmem>>) target(%dma_start3A_1187 : memref<10000x16xf32, #tpu.memory_space<vmem_shared>>) offsets(%dma_start3A_1184 : memref<128xi32, #tpu.memory_space<vmem>>) semaphore(%arg23 : memref<!tpu.dma_semaphore, #tpu.memory_space<semaphore_mem>>) {add = true}
      %add3A_1188 = arith.constant 6 : i32
      %add3A_1189 = arith.addi %mul3A_697, %add3A_1188 : i32
      %add3A_1190 = arith.constant 6 : i32
      %add3A_1191 = arith.addi %mul3A_697, %add3A_1190 : i32
      %dma_start3A_1192 = arith.constant 768 : i32
      %dma_start3A_1193 = arith.constant 0 : i32
      %dma_start3A_1194 = tpu.memref_slice %arg11[%dma_start3A_1192, %dma_start3A_1193] : memref<1024x16xf32, #tpu.memory_space<vmem>> -> memref<128x16xf32, #tpu.memory_space<vmem>>
      %dma_start3A_1195 = arith.constant 0 : i32
      %dma_start3A_1196 = tpu.memref_slice %arg9[%add3A_1189, %dma_start3A_1195] : memref<79x128xi32, #tpu.memory_space<vmem>> -> memref<1x128xi32, #tpu.memory_space<vmem>>
      %dma_start3A_1197 = tpu.memref_squeeze %dma_start3A_1196 : memref<1x128xi32, #tpu.memory_space<vmem>> -> memref<128xi32, #tpu.memory_space<vmem>>
      %dma_start3A_1198 = arith.constant 0 : i32
      %dma_start3A_1199 = arith.constant 0 : i32
      %dma_start3A_1200 = tpu.memref_slice %arg18[%dma_start3A_1198, %dma_start3A_1199] : memref<10000x16xf32, #tpu.memory_space<vmem_shared>> -> memref<10000x16xf32, #tpu.memory_space<vmem_shared>>
      tpu.enqueue_indirect_dma source(%dma_start3A_1194 : memref<128x16xf32, #tpu.memory_space<vmem>>) target(%dma_start3A_1200 : memref<10000x16xf32, #tpu.memory_space<vmem_shared>>) offsets(%dma_start3A_1197 : memref<128xi32, #tpu.memory_space<vmem>>) semaphore(%arg23 : memref<!tpu.dma_semaphore, #tpu.memory_space<semaphore_mem>>) {add = true}
      %dma_start3A_1201 = arith.constant 768 : i32
      %dma_start3A_1202 = arith.constant 0 : i32
      %dma_start3A_1203 = tpu.memref_slice %arg11[%dma_start3A_1201, %dma_start3A_1202] : memref<1024x16xf32, #tpu.memory_space<vmem>> -> memref<128x16xf32, #tpu.memory_space<vmem>>
      %dma_start3A_1204 = arith.constant 0 : i32
      %dma_start3A_1205 = tpu.memref_slice %arg10[%add3A_1191, %dma_start3A_1204] : memref<79x128xi32, #tpu.memory_space<vmem>> -> memref<1x128xi32, #tpu.memory_space<vmem>>
      %dma_start3A_1206 = tpu.memref_squeeze %dma_start3A_1205 : memref<1x128xi32, #tpu.memory_space<vmem>> -> memref<128xi32, #tpu.memory_space<vmem>>
      %dma_start3A_1207 = arith.constant 0 : i32
      %dma_start3A_1208 = arith.constant 0 : i32
      %dma_start3A_1209 = tpu.memref_slice %arg19[%dma_start3A_1207, %dma_start3A_1208] : memref<10000x16xf32, #tpu.memory_space<vmem_shared>> -> memref<10000x16xf32, #tpu.memory_space<vmem_shared>>
      tpu.enqueue_indirect_dma source(%dma_start3A_1203 : memref<128x16xf32, #tpu.memory_space<vmem>>) target(%dma_start3A_1209 : memref<10000x16xf32, #tpu.memory_space<vmem_shared>>) offsets(%dma_start3A_1206 : memref<128xi32, #tpu.memory_space<vmem>>) semaphore(%arg23 : memref<!tpu.dma_semaphore, #tpu.memory_space<semaphore_mem>>) {add = true}
      %add3A_1210 = arith.constant 7 : i32
      %add3A_1211 = arith.addi %mul3A_697, %add3A_1210 : i32
      %add3A_1212 = arith.constant 7 : i32
      %add3A_1213 = arith.addi %mul3A_697, %add3A_1212 : i32
      %dma_start3A_1214 = arith.constant 896 : i32
      %dma_start3A_1215 = arith.constant 0 : i32
      %dma_start3A_1216 = tpu.memref_slice %arg11[%dma_start3A_1214, %dma_start3A_1215] : memref<1024x16xf32, #tpu.memory_space<vmem>> -> memref<128x16xf32, #tpu.memory_space<vmem>>
      %dma_start3A_1217 = arith.constant 0 : i32
      %dma_start3A_1218 = tpu.memref_slice %arg9[%add3A_1211, %dma_start3A_1217] : memref<79x128xi32, #tpu.memory_space<vmem>> -> memref<1x128xi32, #tpu.memory_space<vmem>>
      %dma_start3A_1219 = tpu.memref_squeeze %dma_start3A_1218 : memref<1x128xi32, #tpu.memory_space<vmem>> -> memref<128xi32, #tpu.memory_space<vmem>>
      %dma_start3A_1220 = arith.constant 0 : i32
      %dma_start3A_1221 = arith.constant 0 : i32
      %dma_start3A_1222 = tpu.memref_slice %arg18[%dma_start3A_1220, %dma_start3A_1221] : memref<10000x16xf32, #tpu.memory_space<vmem_shared>> -> memref<10000x16xf32, #tpu.memory_space<vmem_shared>>
      tpu.enqueue_indirect_dma source(%dma_start3A_1216 : memref<128x16xf32, #tpu.memory_space<vmem>>) target(%dma_start3A_1222 : memref<10000x16xf32, #tpu.memory_space<vmem_shared>>) offsets(%dma_start3A_1219 : memref<128xi32, #tpu.memory_space<vmem>>) semaphore(%arg23 : memref<!tpu.dma_semaphore, #tpu.memory_space<semaphore_mem>>) {add = true}
      %dma_start3A_1223 = arith.constant 896 : i32
      %dma_start3A_1224 = arith.constant 0 : i32
      %dma_start3A_1225 = tpu.memref_slice %arg11[%dma_start3A_1223, %dma_start3A_1224] : memref<1024x16xf32, #tpu.memory_space<vmem>> -> memref<128x16xf32, #tpu.memory_space<vmem>>
      %dma_start3A_1226 = arith.constant 0 : i32
      %dma_start3A_1227 = tpu.memref_slice %arg10[%add3A_1213, %dma_start3A_1226] : memref<79x128xi32, #tpu.memory_space<vmem>> -> memref<1x128xi32, #tpu.memory_space<vmem>>
      %dma_start3A_1228 = tpu.memref_squeeze %dma_start3A_1227 : memref<1x128xi32, #tpu.memory_space<vmem>> -> memref<128xi32, #tpu.memory_space<vmem>>
      %dma_start3A_1229 = arith.constant 0 : i32
      %dma_start3A_1230 = arith.constant 0 : i32
      %dma_start3A_1231 = tpu.memref_slice %arg19[%dma_start3A_1229, %dma_start3A_1230] : memref<10000x16xf32, #tpu.memory_space<vmem_shared>> -> memref<10000x16xf32, #tpu.memory_space<vmem_shared>>
      tpu.enqueue_indirect_dma source(%dma_start3A_1225 : memref<128x16xf32, #tpu.memory_space<vmem>>) target(%dma_start3A_1231 : memref<10000x16xf32, #tpu.memory_space<vmem_shared>>) offsets(%dma_start3A_1228 : memref<128xi32, #tpu.memory_space<vmem>>) semaphore(%arg23 : memref<!tpu.dma_semaphore, #tpu.memory_space<semaphore_mem>>) {add = true}
      %dma_wait3A_1232 = arith.constant 0 : i32
      %dma_wait3A_1233 = arith.constant 0 : i32
      %dma_wait3A_1234 = tpu.memref_slice %arg14[%dma_wait3A_1232, %dma_wait3A_1233] : memref<1024x16xf32, #tpu.memory_space<vmem>> -> memref<1024x16xf32, #tpu.memory_space<vmem>>
      %dma_wait3A_1235 = arith.constant 0 : i32
      %dma_wait3A_1236 = tpu.memref_slice %arg6[%add3A_700, %dma_wait3A_1235] : memref<320000x16xf32, #tpu.memory_space<hbm>> -> memref<1024x16xf32, #tpu.memory_space<hbm>>
      %dma_wait3A_1237 = arith.constant 0 : i32
      %dma_wait3A_1238 = tpu.memref_slice %arg6[%add3A_700, %dma_wait3A_1237] : memref<320000x16xf32, #tpu.memory_space<hbm>> -> memref<1024x16xf32, #tpu.memory_space<hbm>>
      %dma_wait3A_1239 = arith.constant 0 : i32
      %dma_wait3A_1240 = arith.constant 0 : i32
      %dma_wait3A_1241 = tpu.memref_slice %arg14[%dma_wait3A_1239, %dma_wait3A_1240] : memref<1024x16xf32, #tpu.memory_space<vmem>> -> memref<1024x16xf32, #tpu.memory_space<vmem>>
      tpu.wait_dma2 semaphore(%arg21 : memref<!tpu.dma_semaphore, #tpu.memory_space<semaphore_mem>>) src(%dma_wait3A_1241 : memref<1024x16xf32, #tpu.memory_space<vmem>>) dst(%dma_wait3A_1238 : memref<1024x16xf32, #tpu.memory_space<hbm>>)
      %dma_wait3A_1242 = arith.constant 0 : i32
      %dma_wait3A_1243 = arith.constant 0 : i32
      %dma_wait3A_1244 = tpu.memref_slice %arg11[%dma_wait3A_1242, %dma_wait3A_1243] : memref<1024x16xf32, #tpu.memory_space<vmem>> -> memref<128x16xf32, #tpu.memory_space<vmem>>
      %dma_wait3A_1245 = arith.constant 0 : i32
      %dma_wait3A_1246 = tpu.memref_slice %arg9[%add3A_1057, %dma_wait3A_1245] : memref<79x128xi32, #tpu.memory_space<vmem>> -> memref<1x128xi32, #tpu.memory_space<vmem>>
      %dma_wait3A_1247 = tpu.memref_squeeze %dma_wait3A_1246 : memref<1x128xi32, #tpu.memory_space<vmem>> -> memref<128xi32, #tpu.memory_space<vmem>>
      %dma_wait3A_1248 = arith.constant 0 : i32
      %dma_wait3A_1249 = arith.constant 0 : i32
      %dma_wait3A_1250 = tpu.memref_slice %arg18[%dma_wait3A_1248, %dma_wait3A_1249] : memref<10000x16xf32, #tpu.memory_space<vmem_shared>> -> memref<10000x16xf32, #tpu.memory_space<vmem_shared>>
      tpu.wait_indirect_dma semaphore(%arg23 : memref<!tpu.dma_semaphore, #tpu.memory_space<semaphore_mem>>) src(%dma_wait3A_1244 : memref<128x16xf32, #tpu.memory_space<vmem>>) dst(%dma_wait3A_1250 : memref<10000x16xf32, #tpu.memory_space<vmem_shared>>)
      %dma_wait3A_1251 = arith.constant 0 : i32
      %dma_wait3A_1252 = arith.constant 0 : i32
      %dma_wait3A_1253 = tpu.memref_slice %arg11[%dma_wait3A_1251, %dma_wait3A_1252] : memref<1024x16xf32, #tpu.memory_space<vmem>> -> memref<128x16xf32, #tpu.memory_space<vmem>>
      %dma_wait3A_1254 = arith.constant 0 : i32
      %dma_wait3A_1255 = tpu.memref_slice %arg10[%add3A_1059, %dma_wait3A_1254] : memref<79x128xi32, #tpu.memory_space<vmem>> -> memref<1x128xi32, #tpu.memory_space<vmem>>
      %dma_wait3A_1256 = tpu.memref_squeeze %dma_wait3A_1255 : memref<1x128xi32, #tpu.memory_space<vmem>> -> memref<128xi32, #tpu.memory_space<vmem>>
      %dma_wait3A_1257 = arith.constant 0 : i32
      %dma_wait3A_1258 = arith.constant 0 : i32
      %dma_wait3A_1259 = tpu.memref_slice %arg19[%dma_wait3A_1257, %dma_wait3A_1258] : memref<10000x16xf32, #tpu.memory_space<vmem_shared>> -> memref<10000x16xf32, #tpu.memory_space<vmem_shared>>
      tpu.wait_indirect_dma semaphore(%arg23 : memref<!tpu.dma_semaphore, #tpu.memory_space<semaphore_mem>>) src(%dma_wait3A_1253 : memref<128x16xf32, #tpu.memory_space<vmem>>) dst(%dma_wait3A_1259 : memref<10000x16xf32, #tpu.memory_space<vmem_shared>>)
      %dma_wait3A_1260 = arith.constant 128 : i32
      %dma_wait3A_1261 = arith.constant 0 : i32
      %dma_wait3A_1262 = tpu.memref_slice %arg11[%dma_wait3A_1260, %dma_wait3A_1261] : memref<1024x16xf32, #tpu.memory_space<vmem>> -> memref<128x16xf32, #tpu.memory_space<vmem>>
      %dma_wait3A_1263 = arith.constant 0 : i32
      %dma_wait3A_1264 = tpu.memref_slice %arg9[%add3A_1079, %dma_wait3A_1263] : memref<79x128xi32, #tpu.memory_space<vmem>> -> memref<1x128xi32, #tpu.memory_space<vmem>>
      %dma_wait3A_1265 = tpu.memref_squeeze %dma_wait3A_1264 : memref<1x128xi32, #tpu.memory_space<vmem>> -> memref<128xi32, #tpu.memory_space<vmem>>
      %dma_wait3A_1266 = arith.constant 0 : i32
      %dma_wait3A_1267 = arith.constant 0 : i32
      %dma_wait3A_1268 = tpu.memref_slice %arg18[%dma_wait3A_1266, %dma_wait3A_1267] : memref<10000x16xf32, #tpu.memory_space<vmem_shared>> -> memref<10000x16xf32, #tpu.memory_space<vmem_shared>>
      tpu.wait_indirect_dma semaphore(%arg23 : memref<!tpu.dma_semaphore, #tpu.memory_space<semaphore_mem>>) src(%dma_wait3A_1262 : memref<128x16xf32, #tpu.memory_space<vmem>>) dst(%dma_wait3A_1268 : memref<10000x16xf32, #tpu.memory_space<vmem_shared>>)
      %dma_wait3A_1269 = arith.constant 128 : i32
      %dma_wait3A_1270 = arith.constant 0 : i32
      %dma_wait3A_1271 = tpu.memref_slice %arg11[%dma_wait3A_1269, %dma_wait3A_1270] : memref<1024x16xf32, #tpu.memory_space<vmem>> -> memref<128x16xf32, #tpu.memory_space<vmem>>
      %dma_wait3A_1272 = arith.constant 0 : i32
      %dma_wait3A_1273 = tpu.memref_slice %arg10[%add3A_1081, %dma_wait3A_1272] : memref<79x128xi32, #tpu.memory_space<vmem>> -> memref<1x128xi32, #tpu.memory_space<vmem>>
      %dma_wait3A_1274 = tpu.memref_squeeze %dma_wait3A_1273 : memref<1x128xi32, #tpu.memory_space<vmem>> -> memref<128xi32, #tpu.memory_space<vmem>>
      %dma_wait3A_1275 = arith.constant 0 : i32
      %dma_wait3A_1276 = arith.constant 0 : i32
      %dma_wait3A_1277 = tpu.memref_slice %arg19[%dma_wait3A_1275, %dma_wait3A_1276] : memref<10000x16xf32, #tpu.memory_space<vmem_shared>> -> memref<10000x16xf32, #tpu.memory_space<vmem_shared>>
      tpu.wait_indirect_dma semaphore(%arg23 : memref<!tpu.dma_semaphore, #tpu.memory_space<semaphore_mem>>) src(%dma_wait3A_1271 : memref<128x16xf32, #tpu.memory_space<vmem>>) dst(%dma_wait3A_1277 : memref<10000x16xf32, #tpu.memory_space<vmem_shared>>)
      %dma_wait3A_1278 = arith.constant 256 : i32
      %dma_wait3A_1279 = arith.constant 0 : i32
      %dma_wait3A_1280 = tpu.memref_slice %arg11[%dma_wait3A_1278, %dma_wait3A_1279] : memref<1024x16xf32, #tpu.memory_space<vmem>> -> memref<128x16xf32, #tpu.memory_space<vmem>>
      %dma_wait3A_1281 = arith.constant 0 : i32
      %dma_wait3A_1282 = tpu.memref_slice %arg9[%add3A_1101, %dma_wait3A_1281] : memref<79x128xi32, #tpu.memory_space<vmem>> -> memref<1x128xi32, #tpu.memory_space<vmem>>
      %dma_wait3A_1283 = tpu.memref_squeeze %dma_wait3A_1282 : memref<1x128xi32, #tpu.memory_space<vmem>> -> memref<128xi32, #tpu.memory_space<vmem>>
      %dma_wait3A_1284 = arith.constant 0 : i32
      %dma_wait3A_1285 = arith.constant 0 : i32
      %dma_wait3A_1286 = tpu.memref_slice %arg18[%dma_wait3A_1284, %dma_wait3A_1285] : memref<10000x16xf32, #tpu.memory_space<vmem_shared>> -> memref<10000x16xf32, #tpu.memory_space<vmem_shared>>
      tpu.wait_indirect_dma semaphore(%arg23 : memref<!tpu.dma_semaphore, #tpu.memory_space<semaphore_mem>>) src(%dma_wait3A_1280 : memref<128x16xf32, #tpu.memory_space<vmem>>) dst(%dma_wait3A_1286 : memref<10000x16xf32, #tpu.memory_space<vmem_shared>>)
      %dma_wait3A_1287 = arith.constant 256 : i32
      %dma_wait3A_1288 = arith.constant 0 : i32
      %dma_wait3A_1289 = tpu.memref_slice %arg11[%dma_wait3A_1287, %dma_wait3A_1288] : memref<1024x16xf32, #tpu.memory_space<vmem>> -> memref<128x16xf32, #tpu.memory_space<vmem>>
      %dma_wait3A_1290 = arith.constant 0 : i32
      %dma_wait3A_1291 = tpu.memref_slice %arg10[%add3A_1103, %dma_wait3A_1290] : memref<79x128xi32, #tpu.memory_space<vmem>> -> memref<1x128xi32, #tpu.memory_space<vmem>>
      %dma_wait3A_1292 = tpu.memref_squeeze %dma_wait3A_1291 : memref<1x128xi32, #tpu.memory_space<vmem>> -> memref<128xi32, #tpu.memory_space<vmem>>
      %dma_wait3A_1293 = arith.constant 0 : i32
      %dma_wait3A_1294 = arith.constant 0 : i32
      %dma_wait3A_1295 = tpu.memref_slice %arg19[%dma_wait3A_1293, %dma_wait3A_1294] : memref<10000x16xf32, #tpu.memory_space<vmem_shared>> -> memref<10000x16xf32, #tpu.memory_space<vmem_shared>>
      tpu.wait_indirect_dma semaphore(%arg23 : memref<!tpu.dma_semaphore, #tpu.memory_space<semaphore_mem>>) src(%dma_wait3A_1289 : memref<128x16xf32, #tpu.memory_space<vmem>>) dst(%dma_wait3A_1295 : memref<10000x16xf32, #tpu.memory_space<vmem_shared>>)
      %dma_wait3A_1296 = arith.constant 384 : i32
      %dma_wait3A_1297 = arith.constant 0 : i32
      %dma_wait3A_1298 = tpu.memref_slice %arg11[%dma_wait3A_1296, %dma_wait3A_1297] : memref<1024x16xf32, #tpu.memory_space<vmem>> -> memref<128x16xf32, #tpu.memory_space<vmem>>
      %dma_wait3A_1299 = arith.constant 0 : i32
      %dma_wait3A_1300 = tpu.memref_slice %arg9[%add3A_1123, %dma_wait3A_1299] : memref<79x128xi32, #tpu.memory_space<vmem>> -> memref<1x128xi32, #tpu.memory_space<vmem>>
      %dma_wait3A_1301 = tpu.memref_squeeze %dma_wait3A_1300 : memref<1x128xi32, #tpu.memory_space<vmem>> -> memref<128xi32, #tpu.memory_space<vmem>>
      %dma_wait3A_1302 = arith.constant 0 : i32
      %dma_wait3A_1303 = arith.constant 0 : i32
      %dma_wait3A_1304 = tpu.memref_slice %arg18[%dma_wait3A_1302, %dma_wait3A_1303] : memref<10000x16xf32, #tpu.memory_space<vmem_shared>> -> memref<10000x16xf32, #tpu.memory_space<vmem_shared>>
      tpu.wait_indirect_dma semaphore(%arg23 : memref<!tpu.dma_semaphore, #tpu.memory_space<semaphore_mem>>) src(%dma_wait3A_1298 : memref<128x16xf32, #tpu.memory_space<vmem>>) dst(%dma_wait3A_1304 : memref<10000x16xf32, #tpu.memory_space<vmem_shared>>)
      %dma_wait3A_1305 = arith.constant 384 : i32
      %dma_wait3A_1306 = arith.constant 0 : i32
      %dma_wait3A_1307 = tpu.memref_slice %arg11[%dma_wait3A_1305, %dma_wait3A_1306] : memref<1024x16xf32, #tpu.memory_space<vmem>> -> memref<128x16xf32, #tpu.memory_space<vmem>>
      %dma_wait3A_1308 = arith.constant 0 : i32
      %dma_wait3A_1309 = tpu.memref_slice %arg10[%add3A_1125, %dma_wait3A_1308] : memref<79x128xi32, #tpu.memory_space<vmem>> -> memref<1x128xi32, #tpu.memory_space<vmem>>
      %dma_wait3A_1310 = tpu.memref_squeeze %dma_wait3A_1309 : memref<1x128xi32, #tpu.memory_space<vmem>> -> memref<128xi32, #tpu.memory_space<vmem>>
      %dma_wait3A_1311 = arith.constant 0 : i32
      %dma_wait3A_1312 = arith.constant 0 : i32
      %dma_wait3A_1313 = tpu.memref_slice %arg19[%dma_wait3A_1311, %dma_wait3A_1312] : memref<10000x16xf32, #tpu.memory_space<vmem_shared>> -> memref<10000x16xf32, #tpu.memory_space<vmem_shared>>
      tpu.wait_indirect_dma semaphore(%arg23 : memref<!tpu.dma_semaphore, #tpu.memory_space<semaphore_mem>>) src(%dma_wait3A_1307 : memref<128x16xf32, #tpu.memory_space<vmem>>) dst(%dma_wait3A_1313 : memref<10000x16xf32, #tpu.memory_space<vmem_shared>>)
      %dma_wait3A_1314 = arith.constant 512 : i32
      %dma_wait3A_1315 = arith.constant 0 : i32
      %dma_wait3A_1316 = tpu.memref_slice %arg11[%dma_wait3A_1314, %dma_wait3A_1315] : memref<1024x16xf32, #tpu.memory_space<vmem>> -> memref<128x16xf32, #tpu.memory_space<vmem>>
      %dma_wait3A_1317 = arith.constant 0 : i32
      %dma_wait3A_1318 = tpu.memref_slice %arg9[%add3A_1145, %dma_wait3A_1317] : memref<79x128xi32, #tpu.memory_space<vmem>> -> memref<1x128xi32, #tpu.memory_space<vmem>>
      %dma_wait3A_1319 = tpu.memref_squeeze %dma_wait3A_1318 : memref<1x128xi32, #tpu.memory_space<vmem>> -> memref<128xi32, #tpu.memory_space<vmem>>
      %dma_wait3A_1320 = arith.constant 0 : i32
      %dma_wait3A_1321 = arith.constant 0 : i32
      %dma_wait3A_1322 = tpu.memref_slice %arg18[%dma_wait3A_1320, %dma_wait3A_1321] : memref<10000x16xf32, #tpu.memory_space<vmem_shared>> -> memref<10000x16xf32, #tpu.memory_space<vmem_shared>>
      tpu.wait_indirect_dma semaphore(%arg23 : memref<!tpu.dma_semaphore, #tpu.memory_space<semaphore_mem>>) src(%dma_wait3A_1316 : memref<128x16xf32, #tpu.memory_space<vmem>>) dst(%dma_wait3A_1322 : memref<10000x16xf32, #tpu.memory_space<vmem_shared>>)
      %dma_wait3A_1323 = arith.constant 512 : i32
      %dma_wait3A_1324 = arith.constant 0 : i32
      %dma_wait3A_1325 = tpu.memref_slice %arg11[%dma_wait3A_1323, %dma_wait3A_1324] : memref<1024x16xf32, #tpu.memory_space<vmem>> -> memref<128x16xf32, #tpu.memory_space<vmem>>
      %dma_wait3A_1326 = arith.constant 0 : i32
      %dma_wait3A_1327 = tpu.memref_slice %arg10[%add3A_1147, %dma_wait3A_1326] : memref<79x128xi32, #tpu.memory_space<vmem>> -> memref<1x128xi32, #tpu.memory_space<vmem>>
      %dma_wait3A_1328 = tpu.memref_squeeze %dma_wait3A_1327 : memref<1x128xi32, #tpu.memory_space<vmem>> -> memref<128xi32, #tpu.memory_space<vmem>>
      %dma_wait3A_1329 = arith.constant 0 : i32
      %dma_wait3A_1330 = arith.constant 0 : i32
      %dma_wait3A_1331 = tpu.memref_slice %arg19[%dma_wait3A_1329, %dma_wait3A_1330] : memref<10000x16xf32, #tpu.memory_space<vmem_shared>> -> memref<10000x16xf32, #tpu.memory_space<vmem_shared>>
      tpu.wait_indirect_dma semaphore(%arg23 : memref<!tpu.dma_semaphore, #tpu.memory_space<semaphore_mem>>) src(%dma_wait3A_1325 : memref<128x16xf32, #tpu.memory_space<vmem>>) dst(%dma_wait3A_1331 : memref<10000x16xf32, #tpu.memory_space<vmem_shared>>)
      %dma_wait3A_1332 = arith.constant 640 : i32
      %dma_wait3A_1333 = arith.constant 0 : i32
      %dma_wait3A_1334 = tpu.memref_slice %arg11[%dma_wait3A_1332, %dma_wait3A_1333] : memref<1024x16xf32, #tpu.memory_space<vmem>> -> memref<128x16xf32, #tpu.memory_space<vmem>>
      %dma_wait3A_1335 = arith.constant 0 : i32
      %dma_wait3A_1336 = tpu.memref_slice %arg9[%add3A_1167, %dma_wait3A_1335] : memref<79x128xi32, #tpu.memory_space<vmem>> -> memref<1x128xi32, #tpu.memory_space<vmem>>
      %dma_wait3A_1337 = tpu.memref_squeeze %dma_wait3A_1336 : memref<1x128xi32, #tpu.memory_space<vmem>> -> memref<128xi32, #tpu.memory_space<vmem>>
      %dma_wait3A_1338 = arith.constant 0 : i32
      %dma_wait3A_1339 = arith.constant 0 : i32
      %dma_wait3A_1340 = tpu.memref_slice %arg18[%dma_wait3A_1338, %dma_wait3A_1339] : memref<10000x16xf32, #tpu.memory_space<vmem_shared>> -> memref<10000x16xf32, #tpu.memory_space<vmem_shared>>
      tpu.wait_indirect_dma semaphore(%arg23 : memref<!tpu.dma_semaphore, #tpu.memory_space<semaphore_mem>>) src(%dma_wait3A_1334 : memref<128x16xf32, #tpu.memory_space<vmem>>) dst(%dma_wait3A_1340 : memref<10000x16xf32, #tpu.memory_space<vmem_shared>>)
      %dma_wait3A_1341 = arith.constant 640 : i32
      %dma_wait3A_1342 = arith.constant 0 : i32
      %dma_wait3A_1343 = tpu.memref_slice %arg11[%dma_wait3A_1341, %dma_wait3A_1342] : memref<1024x16xf32, #tpu.memory_space<vmem>> -> memref<128x16xf32, #tpu.memory_space<vmem>>
      %dma_wait3A_1344 = arith.constant 0 : i32
      %dma_wait3A_1345 = tpu.memref_slice %arg10[%add3A_1169, %dma_wait3A_1344] : memref<79x128xi32, #tpu.memory_space<vmem>> -> memref<1x128xi32, #tpu.memory_space<vmem>>
      %dma_wait3A_1346 = tpu.memref_squeeze %dma_wait3A_1345 : memref<1x128xi32, #tpu.memory_space<vmem>> -> memref<128xi32, #tpu.memory_space<vmem>>
      %dma_wait3A_1347 = arith.constant 0 : i32
      %dma_wait3A_1348 = arith.constant 0 : i32
      %dma_wait3A_1349 = tpu.memref_slice %arg19[%dma_wait3A_1347, %dma_wait3A_1348] : memref<10000x16xf32, #tpu.memory_space<vmem_shared>> -> memref<10000x16xf32, #tpu.memory_space<vmem_shared>>
      tpu.wait_indirect_dma semaphore(%arg23 : memref<!tpu.dma_semaphore, #tpu.memory_space<semaphore_mem>>) src(%dma_wait3A_1343 : memref<128x16xf32, #tpu.memory_space<vmem>>) dst(%dma_wait3A_1349 : memref<10000x16xf32, #tpu.memory_space<vmem_shared>>)
      %dma_wait3A_1350 = arith.constant 768 : i32
      %dma_wait3A_1351 = arith.constant 0 : i32
      %dma_wait3A_1352 = tpu.memref_slice %arg11[%dma_wait3A_1350, %dma_wait3A_1351] : memref<1024x16xf32, #tpu.memory_space<vmem>> -> memref<128x16xf32, #tpu.memory_space<vmem>>
      %dma_wait3A_1353 = arith.constant 0 : i32
      %dma_wait3A_1354 = tpu.memref_slice %arg9[%add3A_1189, %dma_wait3A_1353] : memref<79x128xi32, #tpu.memory_space<vmem>> -> memref<1x128xi32, #tpu.memory_space<vmem>>
      %dma_wait3A_1355 = tpu.memref_squeeze %dma_wait3A_1354 : memref<1x128xi32, #tpu.memory_space<vmem>> -> memref<128xi32, #tpu.memory_space<vmem>>
      %dma_wait3A_1356 = arith.constant 0 : i32
      %dma_wait3A_1357 = arith.constant 0 : i32
      %dma_wait3A_1358 = tpu.memref_slice %arg18[%dma_wait3A_1356, %dma_wait3A_1357] : memref<10000x16xf32, #tpu.memory_space<vmem_shared>> -> memref<10000x16xf32, #tpu.memory_space<vmem_shared>>
      tpu.wait_indirect_dma semaphore(%arg23 : memref<!tpu.dma_semaphore, #tpu.memory_space<semaphore_mem>>) src(%dma_wait3A_1352 : memref<128x16xf32, #tpu.memory_space<vmem>>) dst(%dma_wait3A_1358 : memref<10000x16xf32, #tpu.memory_space<vmem_shared>>)
      %dma_wait3A_1359 = arith.constant 768 : i32
      %dma_wait3A_1360 = arith.constant 0 : i32
      %dma_wait3A_1361 = tpu.memref_slice %arg11[%dma_wait3A_1359, %dma_wait3A_1360] : memref<1024x16xf32, #tpu.memory_space<vmem>> -> memref<128x16xf32, #tpu.memory_space<vmem>>
      %dma_wait3A_1362 = arith.constant 0 : i32
      %dma_wait3A_1363 = tpu.memref_slice %arg10[%add3A_1191, %dma_wait3A_1362] : memref<79x128xi32, #tpu.memory_space<vmem>> -> memref<1x128xi32, #tpu.memory_space<vmem>>
      %dma_wait3A_1364 = tpu.memref_squeeze %dma_wait3A_1363 : memref<1x128xi32, #tpu.memory_space<vmem>> -> memref<128xi32, #tpu.memory_space<vmem>>
      %dma_wait3A_1365 = arith.constant 0 : i32
      %dma_wait3A_1366 = arith.constant 0 : i32
      %dma_wait3A_1367 = tpu.memref_slice %arg19[%dma_wait3A_1365, %dma_wait3A_1366] : memref<10000x16xf32, #tpu.memory_space<vmem_shared>> -> memref<10000x16xf32, #tpu.memory_space<vmem_shared>>
      tpu.wait_indirect_dma semaphore(%arg23 : memref<!tpu.dma_semaphore, #tpu.memory_space<semaphore_mem>>) src(%dma_wait3A_1361 : memref<128x16xf32, #tpu.memory_space<vmem>>) dst(%dma_wait3A_1367 : memref<10000x16xf32, #tpu.memory_space<vmem_shared>>)
      %dma_wait3A_1368 = arith.constant 896 : i32
      %dma_wait3A_1369 = arith.constant 0 : i32
      %dma_wait3A_1370 = tpu.memref_slice %arg11[%dma_wait3A_1368, %dma_wait3A_1369] : memref<1024x16xf32, #tpu.memory_space<vmem>> -> memref<128x16xf32, #tpu.memory_space<vmem>>
      %dma_wait3A_1371 = arith.constant 0 : i32
      %dma_wait3A_1372 = tpu.memref_slice %arg9[%add3A_1211, %dma_wait3A_1371] : memref<79x128xi32, #tpu.memory_space<vmem>> -> memref<1x128xi32, #tpu.memory_space<vmem>>
      %dma_wait3A_1373 = tpu.memref_squeeze %dma_wait3A_1372 : memref<1x128xi32, #tpu.memory_space<vmem>> -> memref<128xi32, #tpu.memory_space<vmem>>
      %dma_wait3A_1374 = arith.constant 0 : i32
      %dma_wait3A_1375 = arith.constant 0 : i32
      %dma_wait3A_1376 = tpu.memref_slice %arg18[%dma_wait3A_1374, %dma_wait3A_1375] : memref<10000x16xf32, #tpu.memory_space<vmem_shared>> -> memref<10000x16xf32, #tpu.memory_space<vmem_shared>>
      tpu.wait_indirect_dma semaphore(%arg23 : memref<!tpu.dma_semaphore, #tpu.memory_space<semaphore_mem>>) src(%dma_wait3A_1370 : memref<128x16xf32, #tpu.memory_space<vmem>>) dst(%dma_wait3A_1376 : memref<10000x16xf32, #tpu.memory_space<vmem_shared>>)
      %dma_wait3A_1377 = arith.constant 896 : i32
      %dma_wait3A_1378 = arith.constant 0 : i32
      %dma_wait3A_1379 = tpu.memref_slice %arg11[%dma_wait3A_1377, %dma_wait3A_1378] : memref<1024x16xf32, #tpu.memory_space<vmem>> -> memref<128x16xf32, #tpu.memory_space<vmem>>
      %dma_wait3A_1380 = arith.constant 0 : i32
      %dma_wait3A_1381 = tpu.memref_slice %arg10[%add3A_1213, %dma_wait3A_1380] : memref<79x128xi32, #tpu.memory_space<vmem>> -> memref<1x128xi32, #tpu.memory_space<vmem>>
      %dma_wait3A_1382 = tpu.memref_squeeze %dma_wait3A_1381 : memref<1x128xi32, #tpu.memory_space<vmem>> -> memref<128xi32, #tpu.memory_space<vmem>>
      %dma_wait3A_1383 = arith.constant 0 : i32
      %dma_wait3A_1384 = arith.constant 0 : i32
      %dma_wait3A_1385 = tpu.memref_slice %arg19[%dma_wait3A_1383, %dma_wait3A_1384] : memref<10000x16xf32, #tpu.memory_space<vmem_shared>> -> memref<10000x16xf32, #tpu.memory_space<vmem_shared>>
      tpu.wait_indirect_dma semaphore(%arg23 : memref<!tpu.dma_semaphore, #tpu.memory_space<semaphore_mem>>) src(%dma_wait3A_1379 : memref<128x16xf32, #tpu.memory_space<vmem>>) dst(%dma_wait3A_1385 : memref<10000x16xf32, #tpu.memory_space<vmem_shared>>)
    }
    %scan3A_69 = arith.constant 9 : i32
    %add3A_70 = arith.constant 9216 : i32
    %add3A_71 = arith.addi %mul3A_2, %add3A_70 : i32
    %dma_start3A = arith.constant 0 : i32
    %dma_start3A_72 = arith.constant 0 : i32
    %dma_start3A_73 = tpu.memref_slice %arg11[%dma_start3A, %dma_start3A_72] : memref<1024x16xf32, #tpu.memory_space<vmem>> -> memref<768x16xf32, #tpu.memory_space<vmem>>
    %dma_start3A_74 = arith.constant 0 : i32
    %dma_start3A_75 = tpu.memref_slice %arg3[%add3A_71, %dma_start3A_74] : memref<320000x16xf32, #tpu.memory_space<hbm>> -> memref<768x16xf32, #tpu.memory_space<hbm>>
    %dma_start3A_76 = arith.constant 0 : i32
    %dma_start3A_77 = arith.constant 0 : i32
    %dma_start3A_78 = tpu.memref_slice %arg11[%dma_start3A_76, %dma_start3A_77] : memref<1024x16xf32, #tpu.memory_space<vmem>> -> memref<768x16xf32, #tpu.memory_space<vmem>>
    %dma_start3A_79 = arith.constant 0 : i32
    %dma_start3A_80 = tpu.memref_slice %arg3[%add3A_71, %dma_start3A_79] : memref<320000x16xf32, #tpu.memory_space<hbm>> -> memref<768x16xf32, #tpu.memory_space<hbm>>
    tpu.enqueue_dma source(%dma_start3A_80 : memref<768x16xf32, #tpu.memory_space<hbm>>) target(%dma_start3A_78 : memref<768x16xf32, #tpu.memory_space<vmem>>) target_semaphore(%arg22 : memref<!tpu.dma_semaphore, #tpu.memory_space<semaphore_mem>>)
    %dma_start3A_81 = arith.constant 72 : i32
    %dma_start3A_82 = arith.constant 0 : i32
    %dma_start3A_83 = arith.constant 0 : i32
    %dma_start3A_84 = tpu.memref_slice %arg12[%dma_start3A_82, %dma_start3A_83] : memref<1024x16xf32, #tpu.memory_space<vmem>> -> memref<128x16xf32, #tpu.memory_space<vmem>>
    %dma_start3A_85 = arith.constant 0 : i32
    %dma_start3A_86 = tpu.memref_slice %arg9[%dma_start3A_81, %dma_start3A_85] : memref<79x128xi32, #tpu.memory_space<vmem>> -> memref<1x128xi32, #tpu.memory_space<vmem>>
    %dma_start3A_87 = tpu.memref_squeeze %dma_start3A_86 : memref<1x128xi32, #tpu.memory_space<vmem>> -> memref<128xi32, #tpu.memory_space<vmem>>
    %dma_start3A_88 = arith.constant 0 : i32
    %dma_start3A_89 = arith.constant 0 : i32
    %dma_start3A_90 = tpu.memref_slice %arg16[%dma_start3A_88, %dma_start3A_89] : memref<10000x16xf32, #tpu.memory_space<vmem_shared>> -> memref<10000x16xf32, #tpu.memory_space<vmem_shared>>
    tpu.enqueue_indirect_dma source(%dma_start3A_90 : memref<10000x16xf32, #tpu.memory_space<vmem_shared>>) target(%dma_start3A_84 : memref<128x16xf32, #tpu.memory_space<vmem>>) offsets(%dma_start3A_87 : memref<128xi32, #tpu.memory_space<vmem>>) semaphore(%arg20 : memref<!tpu.dma_semaphore, #tpu.memory_space<semaphore_mem>>)
    %dma_start3A_91 = arith.constant 72 : i32
    %dma_start3A_92 = arith.constant 0 : i32
    %dma_start3A_93 = arith.constant 0 : i32
    %dma_start3A_94 = tpu.memref_slice %arg13[%dma_start3A_92, %dma_start3A_93] : memref<1024x16xf32, #tpu.memory_space<vmem>> -> memref<128x16xf32, #tpu.memory_space<vmem>>
    %dma_start3A_95 = arith.constant 0 : i32
    %dma_start3A_96 = tpu.memref_slice %arg10[%dma_start3A_91, %dma_start3A_95] : memref<79x128xi32, #tpu.memory_space<vmem>> -> memref<1x128xi32, #tpu.memory_space<vmem>>
    %dma_start3A_97 = tpu.memref_squeeze %dma_start3A_96 : memref<1x128xi32, #tpu.memory_space<vmem>> -> memref<128xi32, #tpu.memory_space<vmem>>
    %dma_start3A_98 = arith.constant 0 : i32
    %dma_start3A_99 = arith.constant 0 : i32
    %dma_start3A_100 = tpu.memref_slice %arg17[%dma_start3A_98, %dma_start3A_99] : memref<10000x16xf32, #tpu.memory_space<vmem_shared>> -> memref<10000x16xf32, #tpu.memory_space<vmem_shared>>
    tpu.enqueue_indirect_dma source(%dma_start3A_100 : memref<10000x16xf32, #tpu.memory_space<vmem_shared>>) target(%dma_start3A_94 : memref<128x16xf32, #tpu.memory_space<vmem>>) offsets(%dma_start3A_97 : memref<128xi32, #tpu.memory_space<vmem>>) semaphore(%arg20 : memref<!tpu.dma_semaphore, #tpu.memory_space<semaphore_mem>>)
    %dma_start3A_101 = arith.constant 73 : i32
    %dma_start3A_102 = arith.constant 128 : i32
    %dma_start3A_103 = arith.constant 0 : i32
    %dma_start3A_104 = tpu.memref_slice %arg12[%dma_start3A_102, %dma_start3A_103] : memref<1024x16xf32, #tpu.memory_space<vmem>> -> memref<128x16xf32, #tpu.memory_space<vmem>>
    %dma_start3A_105 = arith.constant 0 : i32
    %dma_start3A_106 = tpu.memref_slice %arg9[%dma_start3A_101, %dma_start3A_105] : memref<79x128xi32, #tpu.memory_space<vmem>> -> memref<1x128xi32, #tpu.memory_space<vmem>>
    %dma_start3A_107 = tpu.memref_squeeze %dma_start3A_106 : memref<1x128xi32, #tpu.memory_space<vmem>> -> memref<128xi32, #tpu.memory_space<vmem>>
    %dma_start3A_108 = arith.constant 0 : i32
    %dma_start3A_109 = arith.constant 0 : i32
    %dma_start3A_110 = tpu.memref_slice %arg16[%dma_start3A_108, %dma_start3A_109] : memref<10000x16xf32, #tpu.memory_space<vmem_shared>> -> memref<10000x16xf32, #tpu.memory_space<vmem_shared>>
    tpu.enqueue_indirect_dma source(%dma_start3A_110 : memref<10000x16xf32, #tpu.memory_space<vmem_shared>>) target(%dma_start3A_104 : memref<128x16xf32, #tpu.memory_space<vmem>>) offsets(%dma_start3A_107 : memref<128xi32, #tpu.memory_space<vmem>>) semaphore(%arg20 : memref<!tpu.dma_semaphore, #tpu.memory_space<semaphore_mem>>)
    %dma_start3A_111 = arith.constant 73 : i32
    %dma_start3A_112 = arith.constant 128 : i32
    %dma_start3A_113 = arith.constant 0 : i32
    %dma_start3A_114 = tpu.memref_slice %arg13[%dma_start3A_112, %dma_start3A_113] : memref<1024x16xf32, #tpu.memory_space<vmem>> -> memref<128x16xf32, #tpu.memory_space<vmem>>
    %dma_start3A_115 = arith.constant 0 : i32
    %dma_start3A_116 = tpu.memref_slice %arg10[%dma_start3A_111, %dma_start3A_115] : memref<79x128xi32, #tpu.memory_space<vmem>> -> memref<1x128xi32, #tpu.memory_space<vmem>>
    %dma_start3A_117 = tpu.memref_squeeze %dma_start3A_116 : memref<1x128xi32, #tpu.memory_space<vmem>> -> memref<128xi32, #tpu.memory_space<vmem>>
    %dma_start3A_118 = arith.constant 0 : i32
    %dma_start3A_119 = arith.constant 0 : i32
    %dma_start3A_120 = tpu.memref_slice %arg17[%dma_start3A_118, %dma_start3A_119] : memref<10000x16xf32, #tpu.memory_space<vmem_shared>> -> memref<10000x16xf32, #tpu.memory_space<vmem_shared>>
    tpu.enqueue_indirect_dma source(%dma_start3A_120 : memref<10000x16xf32, #tpu.memory_space<vmem_shared>>) target(%dma_start3A_114 : memref<128x16xf32, #tpu.memory_space<vmem>>) offsets(%dma_start3A_117 : memref<128xi32, #tpu.memory_space<vmem>>) semaphore(%arg20 : memref<!tpu.dma_semaphore, #tpu.memory_space<semaphore_mem>>)
    %dma_start3A_121 = arith.constant 74 : i32
    %dma_start3A_122 = arith.constant 256 : i32
    %dma_start3A_123 = arith.constant 0 : i32
    %dma_start3A_124 = tpu.memref_slice %arg12[%dma_start3A_122, %dma_start3A_123] : memref<1024x16xf32, #tpu.memory_space<vmem>> -> memref<128x16xf32, #tpu.memory_space<vmem>>
    %dma_start3A_125 = arith.constant 0 : i32
    %dma_start3A_126 = tpu.memref_slice %arg9[%dma_start3A_121, %dma_start3A_125] : memref<79x128xi32, #tpu.memory_space<vmem>> -> memref<1x128xi32, #tpu.memory_space<vmem>>
    %dma_start3A_127 = tpu.memref_squeeze %dma_start3A_126 : memref<1x128xi32, #tpu.memory_space<vmem>> -> memref<128xi32, #tpu.memory_space<vmem>>
    %dma_start3A_128 = arith.constant 0 : i32
    %dma_start3A_129 = arith.constant 0 : i32
    %dma_start3A_130 = tpu.memref_slice %arg16[%dma_start3A_128, %dma_start3A_129] : memref<10000x16xf32, #tpu.memory_space<vmem_shared>> -> memref<10000x16xf32, #tpu.memory_space<vmem_shared>>
    tpu.enqueue_indirect_dma source(%dma_start3A_130 : memref<10000x16xf32, #tpu.memory_space<vmem_shared>>) target(%dma_start3A_124 : memref<128x16xf32, #tpu.memory_space<vmem>>) offsets(%dma_start3A_127 : memref<128xi32, #tpu.memory_space<vmem>>) semaphore(%arg20 : memref<!tpu.dma_semaphore, #tpu.memory_space<semaphore_mem>>)
    %dma_start3A_131 = arith.constant 74 : i32
    %dma_start3A_132 = arith.constant 256 : i32
    %dma_start3A_133 = arith.constant 0 : i32
    %dma_start3A_134 = tpu.memref_slice %arg13[%dma_start3A_132, %dma_start3A_133] : memref<1024x16xf32, #tpu.memory_space<vmem>> -> memref<128x16xf32, #tpu.memory_space<vmem>>
    %dma_start3A_135 = arith.constant 0 : i32
    %dma_start3A_136 = tpu.memref_slice %arg10[%dma_start3A_131, %dma_start3A_135] : memref<79x128xi32, #tpu.memory_space<vmem>> -> memref<1x128xi32, #tpu.memory_space<vmem>>
    %dma_start3A_137 = tpu.memref_squeeze %dma_start3A_136 : memref<1x128xi32, #tpu.memory_space<vmem>> -> memref<128xi32, #tpu.memory_space<vmem>>
    %dma_start3A_138 = arith.constant 0 : i32
    %dma_start3A_139 = arith.constant 0 : i32
    %dma_start3A_140 = tpu.memref_slice %arg17[%dma_start3A_138, %dma_start3A_139] : memref<10000x16xf32, #tpu.memory_space<vmem_shared>> -> memref<10000x16xf32, #tpu.memory_space<vmem_shared>>
    tpu.enqueue_indirect_dma source(%dma_start3A_140 : memref<10000x16xf32, #tpu.memory_space<vmem_shared>>) target(%dma_start3A_134 : memref<128x16xf32, #tpu.memory_space<vmem>>) offsets(%dma_start3A_137 : memref<128xi32, #tpu.memory_space<vmem>>) semaphore(%arg20 : memref<!tpu.dma_semaphore, #tpu.memory_space<semaphore_mem>>)
    %dma_start3A_141 = arith.constant 75 : i32
    %dma_start3A_142 = arith.constant 384 : i32
    %dma_start3A_143 = arith.constant 0 : i32
    %dma_start3A_144 = tpu.memref_slice %arg12[%dma_start3A_142, %dma_start3A_143] : memref<1024x16xf32, #tpu.memory_space<vmem>> -> memref<128x16xf32, #tpu.memory_space<vmem>>
    %dma_start3A_145 = arith.constant 0 : i32
    %dma_start3A_146 = tpu.memref_slice %arg9[%dma_start3A_141, %dma_start3A_145] : memref<79x128xi32, #tpu.memory_space<vmem>> -> memref<1x128xi32, #tpu.memory_space<vmem>>
    %dma_start3A_147 = tpu.memref_squeeze %dma_start3A_146 : memref<1x128xi32, #tpu.memory_space<vmem>> -> memref<128xi32, #tpu.memory_space<vmem>>
    %dma_start3A_148 = arith.constant 0 : i32
    %dma_start3A_149 = arith.constant 0 : i32
    %dma_start3A_150 = tpu.memref_slice %arg16[%dma_start3A_148, %dma_start3A_149] : memref<10000x16xf32, #tpu.memory_space<vmem_shared>> -> memref<10000x16xf32, #tpu.memory_space<vmem_shared>>
    tpu.enqueue_indirect_dma source(%dma_start3A_150 : memref<10000x16xf32, #tpu.memory_space<vmem_shared>>) target(%dma_start3A_144 : memref<128x16xf32, #tpu.memory_space<vmem>>) offsets(%dma_start3A_147 : memref<128xi32, #tpu.memory_space<vmem>>) semaphore(%arg20 : memref<!tpu.dma_semaphore, #tpu.memory_space<semaphore_mem>>)
    %dma_start3A_151 = arith.constant 75 : i32
    %dma_start3A_152 = arith.constant 384 : i32
    %dma_start3A_153 = arith.constant 0 : i32
    %dma_start3A_154 = tpu.memref_slice %arg13[%dma_start3A_152, %dma_start3A_153] : memref<1024x16xf32, #tpu.memory_space<vmem>> -> memref<128x16xf32, #tpu.memory_space<vmem>>
    %dma_start3A_155 = arith.constant 0 : i32
    %dma_start3A_156 = tpu.memref_slice %arg10[%dma_start3A_151, %dma_start3A_155] : memref<79x128xi32, #tpu.memory_space<vmem>> -> memref<1x128xi32, #tpu.memory_space<vmem>>
    %dma_start3A_157 = tpu.memref_squeeze %dma_start3A_156 : memref<1x128xi32, #tpu.memory_space<vmem>> -> memref<128xi32, #tpu.memory_space<vmem>>
    %dma_start3A_158 = arith.constant 0 : i32
    %dma_start3A_159 = arith.constant 0 : i32
    %dma_start3A_160 = tpu.memref_slice %arg17[%dma_start3A_158, %dma_start3A_159] : memref<10000x16xf32, #tpu.memory_space<vmem_shared>> -> memref<10000x16xf32, #tpu.memory_space<vmem_shared>>
    tpu.enqueue_indirect_dma source(%dma_start3A_160 : memref<10000x16xf32, #tpu.memory_space<vmem_shared>>) target(%dma_start3A_154 : memref<128x16xf32, #tpu.memory_space<vmem>>) offsets(%dma_start3A_157 : memref<128xi32, #tpu.memory_space<vmem>>) semaphore(%arg20 : memref<!tpu.dma_semaphore, #tpu.memory_space<semaphore_mem>>)
    %dma_start3A_161 = arith.constant 76 : i32
    %dma_start3A_162 = arith.constant 512 : i32
    %dma_start3A_163 = arith.constant 0 : i32
    %dma_start3A_164 = tpu.memref_slice %arg12[%dma_start3A_162, %dma_start3A_163] : memref<1024x16xf32, #tpu.memory_space<vmem>> -> memref<128x16xf32, #tpu.memory_space<vmem>>
    %dma_start3A_165 = arith.constant 0 : i32
    %dma_start3A_166 = tpu.memref_slice %arg9[%dma_start3A_161, %dma_start3A_165] : memref<79x128xi32, #tpu.memory_space<vmem>> -> memref<1x128xi32, #tpu.memory_space<vmem>>
    %dma_start3A_167 = tpu.memref_squeeze %dma_start3A_166 : memref<1x128xi32, #tpu.memory_space<vmem>> -> memref<128xi32, #tpu.memory_space<vmem>>
    %dma_start3A_168 = arith.constant 0 : i32
    %dma_start3A_169 = arith.constant 0 : i32
    %dma_start3A_170 = tpu.memref_slice %arg16[%dma_start3A_168, %dma_start3A_169] : memref<10000x16xf32, #tpu.memory_space<vmem_shared>> -> memref<10000x16xf32, #tpu.memory_space<vmem_shared>>
    tpu.enqueue_indirect_dma source(%dma_start3A_170 : memref<10000x16xf32, #tpu.memory_space<vmem_shared>>) target(%dma_start3A_164 : memref<128x16xf32, #tpu.memory_space<vmem>>) offsets(%dma_start3A_167 : memref<128xi32, #tpu.memory_space<vmem>>) semaphore(%arg20 : memref<!tpu.dma_semaphore, #tpu.memory_space<semaphore_mem>>)
    %dma_start3A_171 = arith.constant 76 : i32
    %dma_start3A_172 = arith.constant 512 : i32
    %dma_start3A_173 = arith.constant 0 : i32
    %dma_start3A_174 = tpu.memref_slice %arg13[%dma_start3A_172, %dma_start3A_173] : memref<1024x16xf32, #tpu.memory_space<vmem>> -> memref<128x16xf32, #tpu.memory_space<vmem>>
    %dma_start3A_175 = arith.constant 0 : i32
    %dma_start3A_176 = tpu.memref_slice %arg10[%dma_start3A_171, %dma_start3A_175] : memref<79x128xi32, #tpu.memory_space<vmem>> -> memref<1x128xi32, #tpu.memory_space<vmem>>
    %dma_start3A_177 = tpu.memref_squeeze %dma_start3A_176 : memref<1x128xi32, #tpu.memory_space<vmem>> -> memref<128xi32, #tpu.memory_space<vmem>>
    %dma_start3A_178 = arith.constant 0 : i32
    %dma_start3A_179 = arith.constant 0 : i32
    %dma_start3A_180 = tpu.memref_slice %arg17[%dma_start3A_178, %dma_start3A_179] : memref<10000x16xf32, #tpu.memory_space<vmem_shared>> -> memref<10000x16xf32, #tpu.memory_space<vmem_shared>>
    tpu.enqueue_indirect_dma source(%dma_start3A_180 : memref<10000x16xf32, #tpu.memory_space<vmem_shared>>) target(%dma_start3A_174 : memref<128x16xf32, #tpu.memory_space<vmem>>) offsets(%dma_start3A_177 : memref<128xi32, #tpu.memory_space<vmem>>) semaphore(%arg20 : memref<!tpu.dma_semaphore, #tpu.memory_space<semaphore_mem>>)
    %dma_start3A_181 = arith.constant 77 : i32
    %dma_start3A_182 = arith.constant 640 : i32
    %dma_start3A_183 = arith.constant 0 : i32
    %dma_start3A_184 = tpu.memref_slice %arg12[%dma_start3A_182, %dma_start3A_183] : memref<1024x16xf32, #tpu.memory_space<vmem>> -> memref<128x16xf32, #tpu.memory_space<vmem>>
    %dma_start3A_185 = arith.constant 0 : i32
    %dma_start3A_186 = tpu.memref_slice %arg9[%dma_start3A_181, %dma_start3A_185] : memref<79x128xi32, #tpu.memory_space<vmem>> -> memref<1x128xi32, #tpu.memory_space<vmem>>
    %dma_start3A_187 = tpu.memref_squeeze %dma_start3A_186 : memref<1x128xi32, #tpu.memory_space<vmem>> -> memref<128xi32, #tpu.memory_space<vmem>>
    %dma_start3A_188 = arith.constant 0 : i32
    %dma_start3A_189 = arith.constant 0 : i32
    %dma_start3A_190 = tpu.memref_slice %arg16[%dma_start3A_188, %dma_start3A_189] : memref<10000x16xf32, #tpu.memory_space<vmem_shared>> -> memref<10000x16xf32, #tpu.memory_space<vmem_shared>>
    tpu.enqueue_indirect_dma source(%dma_start3A_190 : memref<10000x16xf32, #tpu.memory_space<vmem_shared>>) target(%dma_start3A_184 : memref<128x16xf32, #tpu.memory_space<vmem>>) offsets(%dma_start3A_187 : memref<128xi32, #tpu.memory_space<vmem>>) semaphore(%arg20 : memref<!tpu.dma_semaphore, #tpu.memory_space<semaphore_mem>>)
    %dma_start3A_191 = arith.constant 77 : i32
    %dma_start3A_192 = arith.constant 640 : i32
    %dma_start3A_193 = arith.constant 0 : i32
    %dma_start3A_194 = tpu.memref_slice %arg13[%dma_start3A_192, %dma_start3A_193] : memref<1024x16xf32, #tpu.memory_space<vmem>> -> memref<128x16xf32, #tpu.memory_space<vmem>>
    %dma_start3A_195 = arith.constant 0 : i32
    %dma_start3A_196 = tpu.memref_slice %arg10[%dma_start3A_191, %dma_start3A_195] : memref<79x128xi32, #tpu.memory_space<vmem>> -> memref<1x128xi32, #tpu.memory_space<vmem>>
    %dma_start3A_197 = tpu.memref_squeeze %dma_start3A_196 : memref<1x128xi32, #tpu.memory_space<vmem>> -> memref<128xi32, #tpu.memory_space<vmem>>
    %dma_start3A_198 = arith.constant 0 : i32
    %dma_start3A_199 = arith.constant 0 : i32
    %dma_start3A_200 = tpu.memref_slice %arg17[%dma_start3A_198, %dma_start3A_199] : memref<10000x16xf32, #tpu.memory_space<vmem_shared>> -> memref<10000x16xf32, #tpu.memory_space<vmem_shared>>
    tpu.enqueue_indirect_dma source(%dma_start3A_200 : memref<10000x16xf32, #tpu.memory_space<vmem_shared>>) target(%dma_start3A_194 : memref<128x16xf32, #tpu.memory_space<vmem>>) offsets(%dma_start3A_197 : memref<128xi32, #tpu.memory_space<vmem>>) semaphore(%arg20 : memref<!tpu.dma_semaphore, #tpu.memory_space<semaphore_mem>>)
    %dma_wait3A = arith.constant 0 : i32
    %dma_wait3A_201 = arith.constant 0 : i32
    %dma_wait3A_202 = tpu.memref_slice %arg11[%dma_wait3A, %dma_wait3A_201] : memref<1024x16xf32, #tpu.memory_space<vmem>> -> memref<768x16xf32, #tpu.memory_space<vmem>>
    %dma_wait3A_203 = arith.constant 0 : i32
    %dma_wait3A_204 = tpu.memref_slice %arg3[%add3A_71, %dma_wait3A_203] : memref<320000x16xf32, #tpu.memory_space<hbm>> -> memref<768x16xf32, #tpu.memory_space<hbm>>
    %dma_wait3A_205 = arith.constant 0 : i32
    %dma_wait3A_206 = arith.constant 0 : i32
    %dma_wait3A_207 = tpu.memref_slice %arg11[%dma_wait3A_205, %dma_wait3A_206] : memref<1024x16xf32, #tpu.memory_space<vmem>> -> memref<768x16xf32, #tpu.memory_space<vmem>>
    %dma_wait3A_208 = arith.constant 0 : i32
    %dma_wait3A_209 = tpu.memref_slice %arg3[%add3A_71, %dma_wait3A_208] : memref<320000x16xf32, #tpu.memory_space<hbm>> -> memref<768x16xf32, #tpu.memory_space<hbm>>
    tpu.wait_dma2 semaphore(%arg22 : memref<!tpu.dma_semaphore, #tpu.memory_space<semaphore_mem>>) src(%dma_wait3A_209 : memref<768x16xf32, #tpu.memory_space<hbm>>) dst(%dma_wait3A_207 : memref<768x16xf32, #tpu.memory_space<vmem>>)
    %dma_wait3A_210 = arith.constant 72 : i32
    %dma_wait3A_211 = arith.constant 0 : i32
    %dma_wait3A_212 = arith.constant 0 : i32
    %dma_wait3A_213 = tpu.memref_slice %arg12[%dma_wait3A_211, %dma_wait3A_212] : memref<1024x16xf32, #tpu.memory_space<vmem>> -> memref<128x16xf32, #tpu.memory_space<vmem>>
    %dma_wait3A_214 = arith.constant 0 : i32
    %dma_wait3A_215 = tpu.memref_slice %arg9[%dma_wait3A_210, %dma_wait3A_214] : memref<79x128xi32, #tpu.memory_space<vmem>> -> memref<1x128xi32, #tpu.memory_space<vmem>>
    %dma_wait3A_216 = tpu.memref_squeeze %dma_wait3A_215 : memref<1x128xi32, #tpu.memory_space<vmem>> -> memref<128xi32, #tpu.memory_space<vmem>>
    %dma_wait3A_217 = arith.constant 0 : i32
    %dma_wait3A_218 = arith.constant 0 : i32
    %dma_wait3A_219 = tpu.memref_slice %arg16[%dma_wait3A_217, %dma_wait3A_218] : memref<10000x16xf32, #tpu.memory_space<vmem_shared>> -> memref<10000x16xf32, #tpu.memory_space<vmem_shared>>
    tpu.wait_indirect_dma semaphore(%arg20 : memref<!tpu.dma_semaphore, #tpu.memory_space<semaphore_mem>>) src(%dma_wait3A_219 : memref<10000x16xf32, #tpu.memory_space<vmem_shared>>) dst(%dma_wait3A_213 : memref<128x16xf32, #tpu.memory_space<vmem>>)
    %dma_wait3A_220 = arith.constant 72 : i32
    %dma_wait3A_221 = arith.constant 0 : i32
    %dma_wait3A_222 = arith.constant 0 : i32
    %dma_wait3A_223 = tpu.memref_slice %arg13[%dma_wait3A_221, %dma_wait3A_222] : memref<1024x16xf32, #tpu.memory_space<vmem>> -> memref<128x16xf32, #tpu.memory_space<vmem>>
    %dma_wait3A_224 = arith.constant 0 : i32
    %dma_wait3A_225 = tpu.memref_slice %arg10[%dma_wait3A_220, %dma_wait3A_224] : memref<79x128xi32, #tpu.memory_space<vmem>> -> memref<1x128xi32, #tpu.memory_space<vmem>>
    %dma_wait3A_226 = tpu.memref_squeeze %dma_wait3A_225 : memref<1x128xi32, #tpu.memory_space<vmem>> -> memref<128xi32, #tpu.memory_space<vmem>>
    %dma_wait3A_227 = arith.constant 0 : i32
    %dma_wait3A_228 = arith.constant 0 : i32
    %dma_wait3A_229 = tpu.memref_slice %arg17[%dma_wait3A_227, %dma_wait3A_228] : memref<10000x16xf32, #tpu.memory_space<vmem_shared>> -> memref<10000x16xf32, #tpu.memory_space<vmem_shared>>
    tpu.wait_indirect_dma semaphore(%arg20 : memref<!tpu.dma_semaphore, #tpu.memory_space<semaphore_mem>>) src(%dma_wait3A_229 : memref<10000x16xf32, #tpu.memory_space<vmem_shared>>) dst(%dma_wait3A_223 : memref<128x16xf32, #tpu.memory_space<vmem>>)
    %dma_wait3A_230 = arith.constant 73 : i32
    %dma_wait3A_231 = arith.constant 128 : i32
    %dma_wait3A_232 = arith.constant 0 : i32
    %dma_wait3A_233 = tpu.memref_slice %arg12[%dma_wait3A_231, %dma_wait3A_232] : memref<1024x16xf32, #tpu.memory_space<vmem>> -> memref<128x16xf32, #tpu.memory_space<vmem>>
    %dma_wait3A_234 = arith.constant 0 : i32
    %dma_wait3A_235 = tpu.memref_slice %arg9[%dma_wait3A_230, %dma_wait3A_234] : memref<79x128xi32, #tpu.memory_space<vmem>> -> memref<1x128xi32, #tpu.memory_space<vmem>>
    %dma_wait3A_236 = tpu.memref_squeeze %dma_wait3A_235 : memref<1x128xi32, #tpu.memory_space<vmem>> -> memref<128xi32, #tpu.memory_space<vmem>>
    %dma_wait3A_237 = arith.constant 0 : i32
    %dma_wait3A_238 = arith.constant 0 : i32
    %dma_wait3A_239 = tpu.memref_slice %arg16[%dma_wait3A_237, %dma_wait3A_238] : memref<10000x16xf32, #tpu.memory_space<vmem_shared>> -> memref<10000x16xf32, #tpu.memory_space<vmem_shared>>
    tpu.wait_indirect_dma semaphore(%arg20 : memref<!tpu.dma_semaphore, #tpu.memory_space<semaphore_mem>>) src(%dma_wait3A_239 : memref<10000x16xf32, #tpu.memory_space<vmem_shared>>) dst(%dma_wait3A_233 : memref<128x16xf32, #tpu.memory_space<vmem>>)
    %dma_wait3A_240 = arith.constant 73 : i32
    %dma_wait3A_241 = arith.constant 128 : i32
    %dma_wait3A_242 = arith.constant 0 : i32
    %dma_wait3A_243 = tpu.memref_slice %arg13[%dma_wait3A_241, %dma_wait3A_242] : memref<1024x16xf32, #tpu.memory_space<vmem>> -> memref<128x16xf32, #tpu.memory_space<vmem>>
    %dma_wait3A_244 = arith.constant 0 : i32
    %dma_wait3A_245 = tpu.memref_slice %arg10[%dma_wait3A_240, %dma_wait3A_244] : memref<79x128xi32, #tpu.memory_space<vmem>> -> memref<1x128xi32, #tpu.memory_space<vmem>>
    %dma_wait3A_246 = tpu.memref_squeeze %dma_wait3A_245 : memref<1x128xi32, #tpu.memory_space<vmem>> -> memref<128xi32, #tpu.memory_space<vmem>>
    %dma_wait3A_247 = arith.constant 0 : i32
    %dma_wait3A_248 = arith.constant 0 : i32
    %dma_wait3A_249 = tpu.memref_slice %arg17[%dma_wait3A_247, %dma_wait3A_248] : memref<10000x16xf32, #tpu.memory_space<vmem_shared>> -> memref<10000x16xf32, #tpu.memory_space<vmem_shared>>
    tpu.wait_indirect_dma semaphore(%arg20 : memref<!tpu.dma_semaphore, #tpu.memory_space<semaphore_mem>>) src(%dma_wait3A_249 : memref<10000x16xf32, #tpu.memory_space<vmem_shared>>) dst(%dma_wait3A_243 : memref<128x16xf32, #tpu.memory_space<vmem>>)
    %dma_wait3A_250 = arith.constant 74 : i32
    %dma_wait3A_251 = arith.constant 256 : i32
    %dma_wait3A_252 = arith.constant 0 : i32
    %dma_wait3A_253 = tpu.memref_slice %arg12[%dma_wait3A_251, %dma_wait3A_252] : memref<1024x16xf32, #tpu.memory_space<vmem>> -> memref<128x16xf32, #tpu.memory_space<vmem>>
    %dma_wait3A_254 = arith.constant 0 : i32
    %dma_wait3A_255 = tpu.memref_slice %arg9[%dma_wait3A_250, %dma_wait3A_254] : memref<79x128xi32, #tpu.memory_space<vmem>> -> memref<1x128xi32, #tpu.memory_space<vmem>>
    %dma_wait3A_256 = tpu.memref_squeeze %dma_wait3A_255 : memref<1x128xi32, #tpu.memory_space<vmem>> -> memref<128xi32, #tpu.memory_space<vmem>>
    %dma_wait3A_257 = arith.constant 0 : i32
    %dma_wait3A_258 = arith.constant 0 : i32
    %dma_wait3A_259 = tpu.memref_slice %arg16[%dma_wait3A_257, %dma_wait3A_258] : memref<10000x16xf32, #tpu.memory_space<vmem_shared>> -> memref<10000x16xf32, #tpu.memory_space<vmem_shared>>
    tpu.wait_indirect_dma semaphore(%arg20 : memref<!tpu.dma_semaphore, #tpu.memory_space<semaphore_mem>>) src(%dma_wait3A_259 : memref<10000x16xf32, #tpu.memory_space<vmem_shared>>) dst(%dma_wait3A_253 : memref<128x16xf32, #tpu.memory_space<vmem>>)
    %dma_wait3A_260 = arith.constant 74 : i32
    %dma_wait3A_261 = arith.constant 256 : i32
    %dma_wait3A_262 = arith.constant 0 : i32
    %dma_wait3A_263 = tpu.memref_slice %arg13[%dma_wait3A_261, %dma_wait3A_262] : memref<1024x16xf32, #tpu.memory_space<vmem>> -> memref<128x16xf32, #tpu.memory_space<vmem>>
    %dma_wait3A_264 = arith.constant 0 : i32
    %dma_wait3A_265 = tpu.memref_slice %arg10[%dma_wait3A_260, %dma_wait3A_264] : memref<79x128xi32, #tpu.memory_space<vmem>> -> memref<1x128xi32, #tpu.memory_space<vmem>>
    %dma_wait3A_266 = tpu.memref_squeeze %dma_wait3A_265 : memref<1x128xi32, #tpu.memory_space<vmem>> -> memref<128xi32, #tpu.memory_space<vmem>>
    %dma_wait3A_267 = arith.constant 0 : i32
    %dma_wait3A_268 = arith.constant 0 : i32
    %dma_wait3A_269 = tpu.memref_slice %arg17[%dma_wait3A_267, %dma_wait3A_268] : memref<10000x16xf32, #tpu.memory_space<vmem_shared>> -> memref<10000x16xf32, #tpu.memory_space<vmem_shared>>
    tpu.wait_indirect_dma semaphore(%arg20 : memref<!tpu.dma_semaphore, #tpu.memory_space<semaphore_mem>>) src(%dma_wait3A_269 : memref<10000x16xf32, #tpu.memory_space<vmem_shared>>) dst(%dma_wait3A_263 : memref<128x16xf32, #tpu.memory_space<vmem>>)
    %dma_wait3A_270 = arith.constant 75 : i32
    %dma_wait3A_271 = arith.constant 384 : i32
    %dma_wait3A_272 = arith.constant 0 : i32
    %dma_wait3A_273 = tpu.memref_slice %arg12[%dma_wait3A_271, %dma_wait3A_272] : memref<1024x16xf32, #tpu.memory_space<vmem>> -> memref<128x16xf32, #tpu.memory_space<vmem>>
    %dma_wait3A_274 = arith.constant 0 : i32
    %dma_wait3A_275 = tpu.memref_slice %arg9[%dma_wait3A_270, %dma_wait3A_274] : memref<79x128xi32, #tpu.memory_space<vmem>> -> memref<1x128xi32, #tpu.memory_space<vmem>>
    %dma_wait3A_276 = tpu.memref_squeeze %dma_wait3A_275 : memref<1x128xi32, #tpu.memory_space<vmem>> -> memref<128xi32, #tpu.memory_space<vmem>>
    %dma_wait3A_277 = arith.constant 0 : i32
    %dma_wait3A_278 = arith.constant 0 : i32
    %dma_wait3A_279 = tpu.memref_slice %arg16[%dma_wait3A_277, %dma_wait3A_278] : memref<10000x16xf32, #tpu.memory_space<vmem_shared>> -> memref<10000x16xf32, #tpu.memory_space<vmem_shared>>
    tpu.wait_indirect_dma semaphore(%arg20 : memref<!tpu.dma_semaphore, #tpu.memory_space<semaphore_mem>>) src(%dma_wait3A_279 : memref<10000x16xf32, #tpu.memory_space<vmem_shared>>) dst(%dma_wait3A_273 : memref<128x16xf32, #tpu.memory_space<vmem>>)
    %dma_wait3A_280 = arith.constant 75 : i32
    %dma_wait3A_281 = arith.constant 384 : i32
    %dma_wait3A_282 = arith.constant 0 : i32
    %dma_wait3A_283 = tpu.memref_slice %arg13[%dma_wait3A_281, %dma_wait3A_282] : memref<1024x16xf32, #tpu.memory_space<vmem>> -> memref<128x16xf32, #tpu.memory_space<vmem>>
    %dma_wait3A_284 = arith.constant 0 : i32
    %dma_wait3A_285 = tpu.memref_slice %arg10[%dma_wait3A_280, %dma_wait3A_284] : memref<79x128xi32, #tpu.memory_space<vmem>> -> memref<1x128xi32, #tpu.memory_space<vmem>>
    %dma_wait3A_286 = tpu.memref_squeeze %dma_wait3A_285 : memref<1x128xi32, #tpu.memory_space<vmem>> -> memref<128xi32, #tpu.memory_space<vmem>>
    %dma_wait3A_287 = arith.constant 0 : i32
    %dma_wait3A_288 = arith.constant 0 : i32
    %dma_wait3A_289 = tpu.memref_slice %arg17[%dma_wait3A_287, %dma_wait3A_288] : memref<10000x16xf32, #tpu.memory_space<vmem_shared>> -> memref<10000x16xf32, #tpu.memory_space<vmem_shared>>
    tpu.wait_indirect_dma semaphore(%arg20 : memref<!tpu.dma_semaphore, #tpu.memory_space<semaphore_mem>>) src(%dma_wait3A_289 : memref<10000x16xf32, #tpu.memory_space<vmem_shared>>) dst(%dma_wait3A_283 : memref<128x16xf32, #tpu.memory_space<vmem>>)
    %dma_wait3A_290 = arith.constant 76 : i32
    %dma_wait3A_291 = arith.constant 512 : i32
    %dma_wait3A_292 = arith.constant 0 : i32
    %dma_wait3A_293 = tpu.memref_slice %arg12[%dma_wait3A_291, %dma_wait3A_292] : memref<1024x16xf32, #tpu.memory_space<vmem>> -> memref<128x16xf32, #tpu.memory_space<vmem>>
    %dma_wait3A_294 = arith.constant 0 : i32
    %dma_wait3A_295 = tpu.memref_slice %arg9[%dma_wait3A_290, %dma_wait3A_294] : memref<79x128xi32, #tpu.memory_space<vmem>> -> memref<1x128xi32, #tpu.memory_space<vmem>>
    %dma_wait3A_296 = tpu.memref_squeeze %dma_wait3A_295 : memref<1x128xi32, #tpu.memory_space<vmem>> -> memref<128xi32, #tpu.memory_space<vmem>>
    %dma_wait3A_297 = arith.constant 0 : i32
    %dma_wait3A_298 = arith.constant 0 : i32
    %dma_wait3A_299 = tpu.memref_slice %arg16[%dma_wait3A_297, %dma_wait3A_298] : memref<10000x16xf32, #tpu.memory_space<vmem_shared>> -> memref<10000x16xf32, #tpu.memory_space<vmem_shared>>
    tpu.wait_indirect_dma semaphore(%arg20 : memref<!tpu.dma_semaphore, #tpu.memory_space<semaphore_mem>>) src(%dma_wait3A_299 : memref<10000x16xf32, #tpu.memory_space<vmem_shared>>) dst(%dma_wait3A_293 : memref<128x16xf32, #tpu.memory_space<vmem>>)
    %dma_wait3A_300 = arith.constant 76 : i32
    %dma_wait3A_301 = arith.constant 512 : i32
    %dma_wait3A_302 = arith.constant 0 : i32
    %dma_wait3A_303 = tpu.memref_slice %arg13[%dma_wait3A_301, %dma_wait3A_302] : memref<1024x16xf32, #tpu.memory_space<vmem>> -> memref<128x16xf32, #tpu.memory_space<vmem>>
    %dma_wait3A_304 = arith.constant 0 : i32
    %dma_wait3A_305 = tpu.memref_slice %arg10[%dma_wait3A_300, %dma_wait3A_304] : memref<79x128xi32, #tpu.memory_space<vmem>> -> memref<1x128xi32, #tpu.memory_space<vmem>>
    %dma_wait3A_306 = tpu.memref_squeeze %dma_wait3A_305 : memref<1x128xi32, #tpu.memory_space<vmem>> -> memref<128xi32, #tpu.memory_space<vmem>>
    %dma_wait3A_307 = arith.constant 0 : i32
    %dma_wait3A_308 = arith.constant 0 : i32
    %dma_wait3A_309 = tpu.memref_slice %arg17[%dma_wait3A_307, %dma_wait3A_308] : memref<10000x16xf32, #tpu.memory_space<vmem_shared>> -> memref<10000x16xf32, #tpu.memory_space<vmem_shared>>
    tpu.wait_indirect_dma semaphore(%arg20 : memref<!tpu.dma_semaphore, #tpu.memory_space<semaphore_mem>>) src(%dma_wait3A_309 : memref<10000x16xf32, #tpu.memory_space<vmem_shared>>) dst(%dma_wait3A_303 : memref<128x16xf32, #tpu.memory_space<vmem>>)
    %dma_wait3A_310 = arith.constant 77 : i32
    %dma_wait3A_311 = arith.constant 640 : i32
    %dma_wait3A_312 = arith.constant 0 : i32
    %dma_wait3A_313 = tpu.memref_slice %arg12[%dma_wait3A_311, %dma_wait3A_312] : memref<1024x16xf32, #tpu.memory_space<vmem>> -> memref<128x16xf32, #tpu.memory_space<vmem>>
    %dma_wait3A_314 = arith.constant 0 : i32
    %dma_wait3A_315 = tpu.memref_slice %arg9[%dma_wait3A_310, %dma_wait3A_314] : memref<79x128xi32, #tpu.memory_space<vmem>> -> memref<1x128xi32, #tpu.memory_space<vmem>>
    %dma_wait3A_316 = tpu.memref_squeeze %dma_wait3A_315 : memref<1x128xi32, #tpu.memory_space<vmem>> -> memref<128xi32, #tpu.memory_space<vmem>>
    %dma_wait3A_317 = arith.constant 0 : i32
    %dma_wait3A_318 = arith.constant 0 : i32
    %dma_wait3A_319 = tpu.memref_slice %arg16[%dma_wait3A_317, %dma_wait3A_318] : memref<10000x16xf32, #tpu.memory_space<vmem_shared>> -> memref<10000x16xf32, #tpu.memory_space<vmem_shared>>
    tpu.wait_indirect_dma semaphore(%arg20 : memref<!tpu.dma_semaphore, #tpu.memory_space<semaphore_mem>>) src(%dma_wait3A_319 : memref<10000x16xf32, #tpu.memory_space<vmem_shared>>) dst(%dma_wait3A_313 : memref<128x16xf32, #tpu.memory_space<vmem>>)
    %dma_wait3A_320 = arith.constant 77 : i32
    %dma_wait3A_321 = arith.constant 640 : i32
    %dma_wait3A_322 = arith.constant 0 : i32
    %dma_wait3A_323 = tpu.memref_slice %arg13[%dma_wait3A_321, %dma_wait3A_322] : memref<1024x16xf32, #tpu.memory_space<vmem>> -> memref<128x16xf32, #tpu.memory_space<vmem>>
    %dma_wait3A_324 = arith.constant 0 : i32
    %dma_wait3A_325 = tpu.memref_slice %arg10[%dma_wait3A_320, %dma_wait3A_324] : memref<79x128xi32, #tpu.memory_space<vmem>> -> memref<1x128xi32, #tpu.memory_space<vmem>>
    %dma_wait3A_326 = tpu.memref_squeeze %dma_wait3A_325 : memref<1x128xi32, #tpu.memory_space<vmem>> -> memref<128xi32, #tpu.memory_space<vmem>>
    %dma_wait3A_327 = arith.constant 0 : i32
    %dma_wait3A_328 = arith.constant 0 : i32
    %dma_wait3A_329 = tpu.memref_slice %arg17[%dma_wait3A_327, %dma_wait3A_328] : memref<10000x16xf32, #tpu.memory_space<vmem_shared>> -> memref<10000x16xf32, #tpu.memory_space<vmem_shared>>
    tpu.wait_indirect_dma semaphore(%arg20 : memref<!tpu.dma_semaphore, #tpu.memory_space<semaphore_mem>>) src(%dma_wait3A_329 : memref<10000x16xf32, #tpu.memory_space<vmem_shared>>) dst(%dma_wait3A_323 : memref<128x16xf32, #tpu.memory_space<vmem>>)
    %scan3A_330 = arith.constant 0 : i32
    %scan3A_331 = arith.constant 768 : i32
    %scan3A_332 = arith.addi %scan3A_330, %scan3A_331 : i32
    %scan3A_333 = arith.constant 8 : i32
    scf.for %scan3A_695 = %scan3A_330 to %scan3A_332 step %scan3A_333  : i32 {
      %get3A = arith.index_cast %scan3A_695 : i32 to index
      %get3A_696 = arith.constant 0 : index
      %get3A_697 = tpu.vector_load %arg12[%get3A, %get3A_696] {strides = array<i32>} : memref<1024x16xf32, #tpu.memory_space<vmem>>, vector<1x16xf32>,
      %get3A_698 = vector.shape_cast %get3A_697 : vector<1x16xf32> to vector<16xf32>
      %get3A_699 = arith.index_cast %scan3A_695 : i32 to index
      %get3A_700 = arith.constant 0 : index
      %get3A_701 = tpu.vector_load %arg13[%get3A_699, %get3A_700] {strides = array<i32>} : memref<1024x16xf32, #tpu.memory_space<vmem>>, vector<1x16xf32>,
      %get3A_702 = vector.shape_cast %get3A_701 : vector<1x16xf32> to vector<16xf32>
      %add3A_703 = arith.addf %get3A_698, %get3A_702 : vector<16xf32>
      %swap3A = arith.index_cast %scan3A_695 : i32 to index
      %swap3A_704 = arith.constant 0 : index
      %swap3A_705 = tpu.vector_load %arg14[%swap3A, %swap3A_704] {strides = array<i32>} : memref<1024x16xf32, #tpu.memory_space<vmem>>, vector<1x16xf32>,
      %swap3A_706 = vector.shape_cast %swap3A_705 : vector<1x16xf32> to vector<16xf32>
      %swap3A_707 = vector.shape_cast %add3A_703 : vector<16xf32> to vector<1x16xf32>
      tpu.vector_store %arg14[%swap3A, %swap3A_704], %swap3A_707 {strides = array<i32>} : memref<1024x16xf32, #tpu.memory_space<vmem>>, vector<1x16xf32>,
      %scan3A_708 = arith.constant 1 : i32
      %scan3A_709 = arith.addi %scan3A_695, %scan3A_708 : i32
      %get3A_710 = arith.index_cast %scan3A_709 : i32 to index
      %get3A_711 = arith.constant 0 : index
      %get3A_712 = tpu.vector_load %arg12[%get3A_710, %get3A_711] {strides = array<i32>} : memref<1024x16xf32, #tpu.memory_space<vmem>>, vector<1x16xf32>,
      %get3A_713 = vector.shape_cast %get3A_712 : vector<1x16xf32> to vector<16xf32>
      %get3A_714 = arith.index_cast %scan3A_709 : i32 to index
      %get3A_715 = arith.constant 0 : index
      %get3A_716 = tpu.vector_load %arg13[%get3A_714, %get3A_715] {strides = array<i32>} : memref<1024x16xf32, #tpu.memory_space<vmem>>, vector<1x16xf32>,
      %get3A_717 = vector.shape_cast %get3A_716 : vector<1x16xf32> to vector<16xf32>
      %add3A_718 = arith.addf %get3A_713, %get3A_717 : vector<16xf32>
      %swap3A_719 = arith.index_cast %scan3A_709 : i32 to index
      %swap3A_720 = arith.constant 0 : index
      %swap3A_721 = tpu.vector_load %arg14[%swap3A_719, %swap3A_720] {strides = array<i32>} : memref<1024x16xf32, #tpu.memory_space<vmem>>, vector<1x16xf32>,
      %swap3A_722 = vector.shape_cast %swap3A_721 : vector<1x16xf32> to vector<16xf32>
      %swap3A_723 = vector.shape_cast %add3A_718 : vector<16xf32> to vector<1x16xf32>
      tpu.vector_store %arg14[%swap3A_719, %swap3A_720], %swap3A_723 {strides = array<i32>} : memref<1024x16xf32, #tpu.memory_space<vmem>>, vector<1x16xf32>,
      %scan3A_724 = arith.constant 2 : i32
      %scan3A_725 = arith.addi %scan3A_695, %scan3A_724 : i32
      %get3A_726 = arith.index_cast %scan3A_725 : i32 to index
      %get3A_727 = arith.constant 0 : index
      %get3A_728 = tpu.vector_load %arg12[%get3A_726, %get3A_727] {strides = array<i32>} : memref<1024x16xf32, #tpu.memory_space<vmem>>, vector<1x16xf32>,
      %get3A_729 = vector.shape_cast %get3A_728 : vector<1x16xf32> to vector<16xf32>
      %get3A_730 = arith.index_cast %scan3A_725 : i32 to index
      %get3A_731 = arith.constant 0 : index
      %get3A_732 = tpu.vector_load %arg13[%get3A_730, %get3A_731] {strides = array<i32>} : memref<1024x16xf32, #tpu.memory_space<vmem>>, vector<1x16xf32>,
      %get3A_733 = vector.shape_cast %get3A_732 : vector<1x16xf32> to vector<16xf32>
      %add3A_734 = arith.addf %get3A_729, %get3A_733 : vector<16xf32>
      %swap3A_735 = arith.index_cast %scan3A_725 : i32 to index
      %swap3A_736 = arith.constant 0 : index
      %swap3A_737 = tpu.vector_load %arg14[%swap3A_735, %swap3A_736] {strides = array<i32>} : memref<1024x16xf32, #tpu.memory_space<vmem>>, vector<1x16xf32>,
      %swap3A_738 = vector.shape_cast %swap3A_737 : vector<1x16xf32> to vector<16xf32>
      %swap3A_739 = vector.shape_cast %add3A_734 : vector<16xf32> to vector<1x16xf32>
      tpu.vector_store %arg14[%swap3A_735, %swap3A_736], %swap3A_739 {strides = array<i32>} : memref<1024x16xf32, #tpu.memory_space<vmem>>, vector<1x16xf32>,
      %scan3A_740 = arith.constant 3 : i32
      %scan3A_741 = arith.addi %scan3A_695, %scan3A_740 : i32
      %get3A_742 = arith.index_cast %scan3A_741 : i32 to index
      %get3A_743 = arith.constant 0 : index
      %get3A_744 = tpu.vector_load %arg12[%get3A_742, %get3A_743] {strides = array<i32>} : memref<1024x16xf32, #tpu.memory_space<vmem>>, vector<1x16xf32>,
      %get3A_745 = vector.shape_cast %get3A_744 : vector<1x16xf32> to vector<16xf32>
      %get3A_746 = arith.index_cast %scan3A_741 : i32 to index
      %get3A_747 = arith.constant 0 : index
      %get3A_748 = tpu.vector_load %arg13[%get3A_746, %get3A_747] {strides = array<i32>} : memref<1024x16xf32, #tpu.memory_space<vmem>>, vector<1x16xf32>,
      %get3A_749 = vector.shape_cast %get3A_748 : vector<1x16xf32> to vector<16xf32>
      %add3A_750 = arith.addf %get3A_745, %get3A_749 : vector<16xf32>
      %swap3A_751 = arith.index_cast %scan3A_741 : i32 to index
      %swap3A_752 = arith.constant 0 : index
      %swap3A_753 = tpu.vector_load %arg14[%swap3A_751, %swap3A_752] {strides = array<i32>} : memref<1024x16xf32, #tpu.memory_space<vmem>>, vector<1x16xf32>,
      %swap3A_754 = vector.shape_cast %swap3A_753 : vector<1x16xf32> to vector<16xf32>
      %swap3A_755 = vector.shape_cast %add3A_750 : vector<16xf32> to vector<1x16xf32>
      tpu.vector_store %arg14[%swap3A_751, %swap3A_752], %swap3A_755 {strides = array<i32>} : memref<1024x16xf32, #tpu.memory_space<vmem>>, vector<1x16xf32>,
      %scan3A_756 = arith.constant 4 : i32
      %scan3A_757 = arith.addi %scan3A_695, %scan3A_756 : i32
      %get3A_758 = arith.index_cast %scan3A_757 : i32 to index
      %get3A_759 = arith.constant 0 : index
      %get3A_760 = tpu.vector_load %arg12[%get3A_758, %get3A_759] {strides = array<i32>} : memref<1024x16xf32, #tpu.memory_space<vmem>>, vector<1x16xf32>,
      %get3A_761 = vector.shape_cast %get3A_760 : vector<1x16xf32> to vector<16xf32>
      %get3A_762 = arith.index_cast %scan3A_757 : i32 to index
      %get3A_763 = arith.constant 0 : index
      %get3A_764 = tpu.vector_load %arg13[%get3A_762, %get3A_763] {strides = array<i32>} : memref<1024x16xf32, #tpu.memory_space<vmem>>, vector<1x16xf32>,
      %get3A_765 = vector.shape_cast %get3A_764 : vector<1x16xf32> to vector<16xf32>
      %add3A_766 = arith.addf %get3A_761, %get3A_765 : vector<16xf32>
      %swap3A_767 = arith.index_cast %scan3A_757 : i32 to index
      %swap3A_768 = arith.constant 0 : index
      %swap3A_769 = tpu.vector_load %arg14[%swap3A_767, %swap3A_768] {strides = array<i32>} : memref<1024x16xf32, #tpu.memory_space<vmem>>, vector<1x16xf32>,
      %swap3A_770 = vector.shape_cast %swap3A_769 : vector<1x16xf32> to vector<16xf32>
      %swap3A_771 = vector.shape_cast %add3A_766 : vector<16xf32> to vector<1x16xf32>
      tpu.vector_store %arg14[%swap3A_767, %swap3A_768], %swap3A_771 {strides = array<i32>} : memref<1024x16xf32, #tpu.memory_space<vmem>>, vector<1x16xf32>,
      %scan3A_772 = arith.constant 5 : i32
      %scan3A_773 = arith.addi %scan3A_695, %scan3A_772 : i32
      %get3A_774 = arith.index_cast %scan3A_773 : i32 to index
      %get3A_775 = arith.constant 0 : index
      %get3A_776 = tpu.vector_load %arg12[%get3A_774, %get3A_775] {strides = array<i32>} : memref<1024x16xf32, #tpu.memory_space<vmem>>, vector<1x16xf32>,
      %get3A_777 = vector.shape_cast %get3A_776 : vector<1x16xf32> to vector<16xf32>
      %get3A_778 = arith.index_cast %scan3A_773 : i32 to index
      %get3A_779 = arith.constant 0 : index
      %get3A_780 = tpu.vector_load %arg13[%get3A_778, %get3A_779] {strides = array<i32>} : memref<1024x16xf32, #tpu.memory_space<vmem>>, vector<1x16xf32>,
      %get3A_781 = vector.shape_cast %get3A_780 : vector<1x16xf32> to vector<16xf32>
      %add3A_782 = arith.addf %get3A_777, %get3A_781 : vector<16xf32>
      %swap3A_783 = arith.index_cast %scan3A_773 : i32 to index
      %swap3A_784 = arith.constant 0 : index
      %swap3A_785 = tpu.vector_load %arg14[%swap3A_783, %swap3A_784] {strides = array<i32>} : memref<1024x16xf32, #tpu.memory_space<vmem>>, vector<1x16xf32>,
      %swap3A_786 = vector.shape_cast %swap3A_785 : vector<1x16xf32> to vector<16xf32>
      %swap3A_787 = vector.shape_cast %add3A_782 : vector<16xf32> to vector<1x16xf32>
      tpu.vector_store %arg14[%swap3A_783, %swap3A_784], %swap3A_787 {strides = array<i32>} : memref<1024x16xf32, #tpu.memory_space<vmem>>, vector<1x16xf32>,
      %scan3A_788 = arith.constant 6 : i32
      %scan3A_789 = arith.addi %scan3A_695, %scan3A_788 : i32
      %get3A_790 = arith.index_cast %scan3A_789 : i32 to index
      %get3A_791 = arith.constant 0 : index
      %get3A_792 = tpu.vector_load %arg12[%get3A_790, %get3A_791] {strides = array<i32>} : memref<1024x16xf32, #tpu.memory_space<vmem>>, vector<1x16xf32>,
      %get3A_793 = vector.shape_cast %get3A_792 : vector<1x16xf32> to vector<16xf32>
      %get3A_794 = arith.index_cast %scan3A_789 : i32 to index
      %get3A_795 = arith.constant 0 : index
      %get3A_796 = tpu.vector_load %arg13[%get3A_794, %get3A_795] {strides = array<i32>} : memref<1024x16xf32, #tpu.memory_space<vmem>>, vector<1x16xf32>,
      %get3A_797 = vector.shape_cast %get3A_796 : vector<1x16xf32> to vector<16xf32>
      %add3A_798 = arith.addf %get3A_793, %get3A_797 : vector<16xf32>
      %swap3A_799 = arith.index_cast %scan3A_789 : i32 to index
      %swap3A_800 = arith.constant 0 : index
      %swap3A_801 = tpu.vector_load %arg14[%swap3A_799, %swap3A_800] {strides = array<i32>} : memref<1024x16xf32, #tpu.memory_space<vmem>>, vector<1x16xf32>,
      %swap3A_802 = vector.shape_cast %swap3A_801 : vector<1x16xf32> to vector<16xf32>
      %swap3A_803 = vector.shape_cast %add3A_798 : vector<16xf32> to vector<1x16xf32>
      tpu.vector_store %arg14[%swap3A_799, %swap3A_800], %swap3A_803 {strides = array<i32>} : memref<1024x16xf32, #tpu.memory_space<vmem>>, vector<1x16xf32>,
      %scan3A_804 = arith.constant 7 : i32
      %scan3A_805 = arith.addi %scan3A_695, %scan3A_804 : i32
      %get3A_806 = arith.index_cast %scan3A_805 : i32 to index
      %get3A_807 = arith.constant 0 : index
      %get3A_808 = tpu.vector_load %arg12[%get3A_806, %get3A_807] {strides = array<i32>} : memref<1024x16xf32, #tpu.memory_space<vmem>>, vector<1x16xf32>,
      %get3A_809 = vector.shape_cast %get3A_808 : vector<1x16xf32> to vector<16xf32>
      %get3A_810 = arith.index_cast %scan3A_805 : i32 to index
      %get3A_811 = arith.constant 0 : index
      %get3A_812 = tpu.vector_load %arg13[%get3A_810, %get3A_811] {strides = array<i32>} : memref<1024x16xf32, #tpu.memory_space<vmem>>, vector<1x16xf32>,
      %get3A_813 = vector.shape_cast %get3A_812 : vector<1x16xf32> to vector<16xf32>
      %add3A_814 = arith.addf %get3A_809, %get3A_813 : vector<16xf32>
      %swap3A_815 = arith.index_cast %scan3A_805 : i32 to index
      %swap3A_816 = arith.constant 0 : index
      %swap3A_817 = tpu.vector_load %arg14[%swap3A_815, %swap3A_816] {strides = array<i32>} : memref<1024x16xf32, #tpu.memory_space<vmem>>, vector<1x16xf32>,
      %swap3A_818 = vector.shape_cast %swap3A_817 : vector<1x16xf32> to vector<16xf32>
      %swap3A_819 = vector.shape_cast %add3A_814 : vector<16xf32> to vector<1x16xf32>
      tpu.vector_store %arg14[%swap3A_815, %swap3A_816], %swap3A_819 {strides = array<i32>} : memref<1024x16xf32, #tpu.memory_space<vmem>>, vector<1x16xf32>,
    }
    %scan3A_334 = arith.constant 768 : i32
    %dma_start3A_335 = arith.constant 0 : i32
    %dma_start3A_336 = arith.constant 0 : i32
    %dma_start3A_337 = tpu.memref_slice %arg14[%dma_start3A_335, %dma_start3A_336] : memref<1024x16xf32, #tpu.memory_space<vmem>> -> memref<768x16xf32, #tpu.memory_space<vmem>>
    %dma_start3A_338 = arith.constant 0 : i32
    %dma_start3A_339 = tpu.memref_slice %arg6[%add3A_71, %dma_start3A_338] : memref<320000x16xf32, #tpu.memory_space<hbm>> -> memref<768x16xf32, #tpu.memory_space<hbm>>
    %dma_start3A_340 = arith.constant 0 : i32
    %dma_start3A_341 = tpu.memref_slice %arg6[%add3A_71, %dma_start3A_340] : memref<320000x16xf32, #tpu.memory_space<hbm>> -> memref<768x16xf32, #tpu.memory_space<hbm>>
    %dma_start3A_342 = arith.constant 0 : i32
    %dma_start3A_343 = arith.constant 0 : i32
    %dma_start3A_344 = tpu.memref_slice %arg14[%dma_start3A_342, %dma_start3A_343] : memref<1024x16xf32, #tpu.memory_space<vmem>> -> memref<768x16xf32, #tpu.memory_space<vmem>>
    tpu.enqueue_dma source(%dma_start3A_344 : memref<768x16xf32, #tpu.memory_space<vmem>>) target(%dma_start3A_341 : memref<768x16xf32, #tpu.memory_space<hbm>>) target_semaphore(%arg21 : memref<!tpu.dma_semaphore, #tpu.memory_space<semaphore_mem>>)
    %dma_start3A_345 = arith.constant 72 : i32
    %dma_start3A_346 = arith.constant 0 : i32
    %dma_start3A_347 = arith.constant 0 : i32
    %dma_start3A_348 = tpu.memref_slice %arg11[%dma_start3A_346, %dma_start3A_347] : memref<1024x16xf32, #tpu.memory_space<vmem>> -> memref<128x16xf32, #tpu.memory_space<vmem>>
    %dma_start3A_349 = arith.constant 0 : i32
    %dma_start3A_350 = tpu.memref_slice %arg9[%dma_start3A_345, %dma_start3A_349] : memref<79x128xi32, #tpu.memory_space<vmem>> -> memref<1x128xi32, #tpu.memory_space<vmem>>
    %dma_start3A_351 = tpu.memref_squeeze %dma_start3A_350 : memref<1x128xi32, #tpu.memory_space<vmem>> -> memref<128xi32, #tpu.memory_space<vmem>>
    %dma_start3A_352 = arith.constant 0 : i32
    %dma_start3A_353 = arith.constant 0 : i32
    %dma_start3A_354 = tpu.memref_slice %arg18[%dma_start3A_352, %dma_start3A_353] : memref<10000x16xf32, #tpu.memory_space<vmem_shared>> -> memref<10000x16xf32, #tpu.memory_space<vmem_shared>>
    tpu.enqueue_indirect_dma source(%dma_start3A_348 : memref<128x16xf32, #tpu.memory_space<vmem>>) target(%dma_start3A_354 : memref<10000x16xf32, #tpu.memory_space<vmem_shared>>) offsets(%dma_start3A_351 : memref<128xi32, #tpu.memory_space<vmem>>) semaphore(%arg23 : memref<!tpu.dma_semaphore, #tpu.memory_space<semaphore_mem>>) {add = true}
    %dma_start3A_355 = arith.constant 72 : i32
    %dma_start3A_356 = arith.constant 0 : i32
    %dma_start3A_357 = arith.constant 0 : i32
    %dma_start3A_358 = tpu.memref_slice %arg11[%dma_start3A_356, %dma_start3A_357] : memref<1024x16xf32, #tpu.memory_space<vmem>> -> memref<128x16xf32, #tpu.memory_space<vmem>>
    %dma_start3A_359 = arith.constant 0 : i32
    %dma_start3A_360 = tpu.memref_slice %arg10[%dma_start3A_355, %dma_start3A_359] : memref<79x128xi32, #tpu.memory_space<vmem>> -> memref<1x128xi32, #tpu.memory_space<vmem>>
    %dma_start3A_361 = tpu.memref_squeeze %dma_start3A_360 : memref<1x128xi32, #tpu.memory_space<vmem>> -> memref<128xi32, #tpu.memory_space<vmem>>
    %dma_start3A_362 = arith.constant 0 : i32
    %dma_start3A_363 = arith.constant 0 : i32
    %dma_start3A_364 = tpu.memref_slice %arg19[%dma_start3A_362, %dma_start3A_363] : memref<10000x16xf32, #tpu.memory_space<vmem_shared>> -> memref<10000x16xf32, #tpu.memory_space<vmem_shared>>
    tpu.enqueue_indirect_dma source(%dma_start3A_358 : memref<128x16xf32, #tpu.memory_space<vmem>>) target(%dma_start3A_364 : memref<10000x16xf32, #tpu.memory_space<vmem_shared>>) offsets(%dma_start3A_361 : memref<128xi32, #tpu.memory_space<vmem>>) semaphore(%arg23 : memref<!tpu.dma_semaphore, #tpu.memory_space<semaphore_mem>>) {add = true}
    %dma_start3A_365 = arith.constant 73 : i32
    %dma_start3A_366 = arith.constant 128 : i32
    %dma_start3A_367 = arith.constant 0 : i32
    %dma_start3A_368 = tpu.memref_slice %arg11[%dma_start3A_366, %dma_start3A_367] : memref<1024x16xf32, #tpu.memory_space<vmem>> -> memref<128x16xf32, #tpu.memory_space<vmem>>
    %dma_start3A_369 = arith.constant 0 : i32
    %dma_start3A_370 = tpu.memref_slice %arg9[%dma_start3A_365, %dma_start3A_369] : memref<79x128xi32, #tpu.memory_space<vmem>> -> memref<1x128xi32, #tpu.memory_space<vmem>>
    %dma_start3A_371 = tpu.memref_squeeze %dma_start3A_370 : memref<1x128xi32, #tpu.memory_space<vmem>> -> memref<128xi32, #tpu.memory_space<vmem>>
    %dma_start3A_372 = arith.constant 0 : i32
    %dma_start3A_373 = arith.constant 0 : i32
    %dma_start3A_374 = tpu.memref_slice %arg18[%dma_start3A_372, %dma_start3A_373] : memref<10000x16xf32, #tpu.memory_space<vmem_shared>> -> memref<10000x16xf32, #tpu.memory_space<vmem_shared>>
    tpu.enqueue_indirect_dma source(%dma_start3A_368 : memref<128x16xf32, #tpu.memory_space<vmem>>) target(%dma_start3A_374 : memref<10000x16xf32, #tpu.memory_space<vmem_shared>>) offsets(%dma_start3A_371 : memref<128xi32, #tpu.memory_space<vmem>>) semaphore(%arg23 : memref<!tpu.dma_semaphore, #tpu.memory_space<semaphore_mem>>) {add = true}
    %dma_start3A_375 = arith.constant 73 : i32
    %dma_start3A_376 = arith.constant 128 : i32
    %dma_start3A_377 = arith.constant 0 : i32
    %dma_start3A_378 = tpu.memref_slice %arg11[%dma_start3A_376, %dma_start3A_377] : memref<1024x16xf32, #tpu.memory_space<vmem>> -> memref<128x16xf32, #tpu.memory_space<vmem>>
    %dma_start3A_379 = arith.constant 0 : i32
    %dma_start3A_380 = tpu.memref_slice %arg10[%dma_start3A_375, %dma_start3A_379] : memref<79x128xi32, #tpu.memory_space<vmem>> -> memref<1x128xi32, #tpu.memory_space<vmem>>
    %dma_start3A_381 = tpu.memref_squeeze %dma_start3A_380 : memref<1x128xi32, #tpu.memory_space<vmem>> -> memref<128xi32, #tpu.memory_space<vmem>>
    %dma_start3A_382 = arith.constant 0 : i32
    %dma_start3A_383 = arith.constant 0 : i32
    %dma_start3A_384 = tpu.memref_slice %arg19[%dma_start3A_382, %dma_start3A_383] : memref<10000x16xf32, #tpu.memory_space<vmem_shared>> -> memref<10000x16xf32, #tpu.memory_space<vmem_shared>>
    tpu.enqueue_indirect_dma source(%dma_start3A_378 : memref<128x16xf32, #tpu.memory_space<vmem>>) target(%dma_start3A_384 : memref<10000x16xf32, #tpu.memory_space<vmem_shared>>) offsets(%dma_start3A_381 : memref<128xi32, #tpu.memory_space<vmem>>) semaphore(%arg23 : memref<!tpu.dma_semaphore, #tpu.memory_space<semaphore_mem>>) {add = true}
    %dma_start3A_385 = arith.constant 74 : i32
    %dma_start3A_386 = arith.constant 256 : i32
    %dma_start3A_387 = arith.constant 0 : i32
    %dma_start3A_388 = tpu.memref_slice %arg11[%dma_start3A_386, %dma_start3A_387] : memref<1024x16xf32, #tpu.memory_space<vmem>> -> memref<128x16xf32, #tpu.memory_space<vmem>>
    %dma_start3A_389 = arith.constant 0 : i32
    %dma_start3A_390 = tpu.memref_slice %arg9[%dma_start3A_385, %dma_start3A_389] : memref<79x128xi32, #tpu.memory_space<vmem>> -> memref<1x128xi32, #tpu.memory_space<vmem>>
    %dma_start3A_391 = tpu.memref_squeeze %dma_start3A_390 : memref<1x128xi32, #tpu.memory_space<vmem>> -> memref<128xi32, #tpu.memory_space<vmem>>
    %dma_start3A_392 = arith.constant 0 : i32
    %dma_start3A_393 = arith.constant 0 : i32
    %dma_start3A_394 = tpu.memref_slice %arg18[%dma_start3A_392, %dma_start3A_393] : memref<10000x16xf32, #tpu.memory_space<vmem_shared>> -> memref<10000x16xf32, #tpu.memory_space<vmem_shared>>
    tpu.enqueue_indirect_dma source(%dma_start3A_388 : memref<128x16xf32, #tpu.memory_space<vmem>>) target(%dma_start3A_394 : memref<10000x16xf32, #tpu.memory_space<vmem_shared>>) offsets(%dma_start3A_391 : memref<128xi32, #tpu.memory_space<vmem>>) semaphore(%arg23 : memref<!tpu.dma_semaphore, #tpu.memory_space<semaphore_mem>>) {add = true}
    %dma_start3A_395 = arith.constant 74 : i32
    %dma_start3A_396 = arith.constant 256 : i32
    %dma_start3A_397 = arith.constant 0 : i32
    %dma_start3A_398 = tpu.memref_slice %arg11[%dma_start3A_396, %dma_start3A_397] : memref<1024x16xf32, #tpu.memory_space<vmem>> -> memref<128x16xf32, #tpu.memory_space<vmem>>
    %dma_start3A_399 = arith.constant 0 : i32
    %dma_start3A_400 = tpu.memref_slice %arg10[%dma_start3A_395, %dma_start3A_399] : memref<79x128xi32, #tpu.memory_space<vmem>> -> memref<1x128xi32, #tpu.memory_space<vmem>>
    %dma_start3A_401 = tpu.memref_squeeze %dma_start3A_400 : memref<1x128xi32, #tpu.memory_space<vmem>> -> memref<128xi32, #tpu.memory_space<vmem>>
    %dma_start3A_402 = arith.constant 0 : i32
    %dma_start3A_403 = arith.constant 0 : i32
    %dma_start3A_404 = tpu.memref_slice %arg19[%dma_start3A_402, %dma_start3A_403] : memref<10000x16xf32, #tpu.memory_space<vmem_shared>> -> memref<10000x16xf32, #tpu.memory_space<vmem_shared>>
    tpu.enqueue_indirect_dma source(%dma_start3A_398 : memref<128x16xf32, #tpu.memory_space<vmem>>) target(%dma_start3A_404 : memref<10000x16xf32, #tpu.memory_space<vmem_shared>>) offsets(%dma_start3A_401 : memref<128xi32, #tpu.memory_space<vmem>>) semaphore(%arg23 : memref<!tpu.dma_semaphore, #tpu.memory_space<semaphore_mem>>) {add = true}
    %dma_start3A_405 = arith.constant 75 : i32
    %dma_start3A_406 = arith.constant 384 : i32
    %dma_start3A_407 = arith.constant 0 : i32
    %dma_start3A_408 = tpu.memref_slice %arg11[%dma_start3A_406, %dma_start3A_407] : memref<1024x16xf32, #tpu.memory_space<vmem>> -> memref<128x16xf32, #tpu.memory_space<vmem>>
    %dma_start3A_409 = arith.constant 0 : i32
    %dma_start3A_410 = tpu.memref_slice %arg9[%dma_start3A_405, %dma_start3A_409] : memref<79x128xi32, #tpu.memory_space<vmem>> -> memref<1x128xi32, #tpu.memory_space<vmem>>
    %dma_start3A_411 = tpu.memref_squeeze %dma_start3A_410 : memref<1x128xi32, #tpu.memory_space<vmem>> -> memref<128xi32, #tpu.memory_space<vmem>>
    %dma_start3A_412 = arith.constant 0 : i32
    %dma_start3A_413 = arith.constant 0 : i32
    %dma_start3A_414 = tpu.memref_slice %arg18[%dma_start3A_412, %dma_start3A_413] : memref<10000x16xf32, #tpu.memory_space<vmem_shared>> -> memref<10000x16xf32, #tpu.memory_space<vmem_shared>>
    tpu.enqueue_indirect_dma source(%dma_start3A_408 : memref<128x16xf32, #tpu.memory_space<vmem>>) target(%dma_start3A_414 : memref<10000x16xf32, #tpu.memory_space<vmem_shared>>) offsets(%dma_start3A_411 : memref<128xi32, #tpu.memory_space<vmem>>) semaphore(%arg23 : memref<!tpu.dma_semaphore, #tpu.memory_space<semaphore_mem>>) {add = true}
    %dma_start3A_415 = arith.constant 75 : i32
    %dma_start3A_416 = arith.constant 384 : i32
    %dma_start3A_417 = arith.constant 0 : i32
    %dma_start3A_418 = tpu.memref_slice %arg11[%dma_start3A_416, %dma_start3A_417] : memref<1024x16xf32, #tpu.memory_space<vmem>> -> memref<128x16xf32, #tpu.memory_space<vmem>>
    %dma_start3A_419 = arith.constant 0 : i32
    %dma_start3A_420 = tpu.memref_slice %arg10[%dma_start3A_415, %dma_start3A_419] : memref<79x128xi32, #tpu.memory_space<vmem>> -> memref<1x128xi32, #tpu.memory_space<vmem>>
    %dma_start3A_421 = tpu.memref_squeeze %dma_start3A_420 : memref<1x128xi32, #tpu.memory_space<vmem>> -> memref<128xi32, #tpu.memory_space<vmem>>
    %dma_start3A_422 = arith.constant 0 : i32
    %dma_start3A_423 = arith.constant 0 : i32
    %dma_start3A_424 = tpu.memref_slice %arg19[%dma_start3A_422, %dma_start3A_423] : memref<10000x16xf32, #tpu.memory_space<vmem_shared>> -> memref<10000x16xf32, #tpu.memory_space<vmem_shared>>
    tpu.enqueue_indirect_dma source(%dma_start3A_418 : memref<128x16xf32, #tpu.memory_space<vmem>>) target(%dma_start3A_424 : memref<10000x16xf32, #tpu.memory_space<vmem_shared>>) offsets(%dma_start3A_421 : memref<128xi32, #tpu.memory_space<vmem>>) semaphore(%arg23 : memref<!tpu.dma_semaphore, #tpu.memory_space<semaphore_mem>>) {add = true}
    %dma_start3A_425 = arith.constant 76 : i32
    %dma_start3A_426 = arith.constant 512 : i32
    %dma_start3A_427 = arith.constant 0 : i32
    %dma_start3A_428 = tpu.memref_slice %arg11[%dma_start3A_426, %dma_start3A_427] : memref<1024x16xf32, #tpu.memory_space<vmem>> -> memref<128x16xf32, #tpu.memory_space<vmem>>
    %dma_start3A_429 = arith.constant 0 : i32
    %dma_start3A_430 = tpu.memref_slice %arg9[%dma_start3A_425, %dma_start3A_429] : memref<79x128xi32, #tpu.memory_space<vmem>> -> memref<1x128xi32, #tpu.memory_space<vmem>>
    %dma_start3A_431 = tpu.memref_squeeze %dma_start3A_430 : memref<1x128xi32, #tpu.memory_space<vmem>> -> memref<128xi32, #tpu.memory_space<vmem>>
    %dma_start3A_432 = arith.constant 0 : i32
    %dma_start3A_433 = arith.constant 0 : i32
    %dma_start3A_434 = tpu.memref_slice %arg18[%dma_start3A_432, %dma_start3A_433] : memref<10000x16xf32, #tpu.memory_space<vmem_shared>> -> memref<10000x16xf32, #tpu.memory_space<vmem_shared>>
    tpu.enqueue_indirect_dma source(%dma_start3A_428 : memref<128x16xf32, #tpu.memory_space<vmem>>) target(%dma_start3A_434 : memref<10000x16xf32, #tpu.memory_space<vmem_shared>>) offsets(%dma_start3A_431 : memref<128xi32, #tpu.memory_space<vmem>>) semaphore(%arg23 : memref<!tpu.dma_semaphore, #tpu.memory_space<semaphore_mem>>) {add = true}
    %dma_start3A_435 = arith.constant 76 : i32
    %dma_start3A_436 = arith.constant 512 : i32
    %dma_start3A_437 = arith.constant 0 : i32
    %dma_start3A_438 = tpu.memref_slice %arg11[%dma_start3A_436, %dma_start3A_437] : memref<1024x16xf32, #tpu.memory_space<vmem>> -> memref<128x16xf32, #tpu.memory_space<vmem>>
    %dma_start3A_439 = arith.constant 0 : i32
    %dma_start3A_440 = tpu.memref_slice %arg10[%dma_start3A_435, %dma_start3A_439] : memref<79x128xi32, #tpu.memory_space<vmem>> -> memref<1x128xi32, #tpu.memory_space<vmem>>
    %dma_start3A_441 = tpu.memref_squeeze %dma_start3A_440 : memref<1x128xi32, #tpu.memory_space<vmem>> -> memref<128xi32, #tpu.memory_space<vmem>>
    %dma_start3A_442 = arith.constant 0 : i32
    %dma_start3A_443 = arith.constant 0 : i32
    %dma_start3A_444 = tpu.memref_slice %arg19[%dma_start3A_442, %dma_start3A_443] : memref<10000x16xf32, #tpu.memory_space<vmem_shared>> -> memref<10000x16xf32, #tpu.memory_space<vmem_shared>>
    tpu.enqueue_indirect_dma source(%dma_start3A_438 : memref<128x16xf32, #tpu.memory_space<vmem>>) target(%dma_start3A_444 : memref<10000x16xf32, #tpu.memory_space<vmem_shared>>) offsets(%dma_start3A_441 : memref<128xi32, #tpu.memory_space<vmem>>) semaphore(%arg23 : memref<!tpu.dma_semaphore, #tpu.memory_space<semaphore_mem>>) {add = true}
    %dma_start3A_445 = arith.constant 77 : i32
    %dma_start3A_446 = arith.constant 640 : i32
    %dma_start3A_447 = arith.constant 0 : i32
    %dma_start3A_448 = tpu.memref_slice %arg11[%dma_start3A_446, %dma_start3A_447] : memref<1024x16xf32, #tpu.memory_space<vmem>> -> memref<128x16xf32, #tpu.memory_space<vmem>>
    %dma_start3A_449 = arith.constant 0 : i32
    %dma_start3A_450 = tpu.memref_slice %arg9[%dma_start3A_445, %dma_start3A_449] : memref<79x128xi32, #tpu.memory_space<vmem>> -> memref<1x128xi32, #tpu.memory_space<vmem>>
    %dma_start3A_451 = tpu.memref_squeeze %dma_start3A_450 : memref<1x128xi32, #tpu.memory_space<vmem>> -> memref<128xi32, #tpu.memory_space<vmem>>
    %dma_start3A_452 = arith.constant 0 : i32
    %dma_start3A_453 = arith.constant 0 : i32
    %dma_start3A_454 = tpu.memref_slice %arg18[%dma_start3A_452, %dma_start3A_453] : memref<10000x16xf32, #tpu.memory_space<vmem_shared>> -> memref<10000x16xf32, #tpu.memory_space<vmem_shared>>
    tpu.enqueue_indirect_dma source(%dma_start3A_448 : memref<128x16xf32, #tpu.memory_space<vmem>>) target(%dma_start3A_454 : memref<10000x16xf32, #tpu.memory_space<vmem_shared>>) offsets(%dma_start3A_451 : memref<128xi32, #tpu.memory_space<vmem>>) semaphore(%arg23 : memref<!tpu.dma_semaphore, #tpu.memory_space<semaphore_mem>>) {add = true}
    %dma_start3A_455 = arith.constant 77 : i32
    %dma_start3A_456 = arith.constant 640 : i32
    %dma_start3A_457 = arith.constant 0 : i32
    %dma_start3A_458 = tpu.memref_slice %arg11[%dma_start3A_456, %dma_start3A_457] : memref<1024x16xf32, #tpu.memory_space<vmem>> -> memref<128x16xf32, #tpu.memory_space<vmem>>
    %dma_start3A_459 = arith.constant 0 : i32
    %dma_start3A_460 = tpu.memref_slice %arg10[%dma_start3A_455, %dma_start3A_459] : memref<79x128xi32, #tpu.memory_space<vmem>> -> memref<1x128xi32, #tpu.memory_space<vmem>>
    %dma_start3A_461 = tpu.memref_squeeze %dma_start3A_460 : memref<1x128xi32, #tpu.memory_space<vmem>> -> memref<128xi32, #tpu.memory_space<vmem>>
    %dma_start3A_462 = arith.constant 0 : i32
    %dma_start3A_463 = arith.constant 0 : i32
    %dma_start3A_464 = tpu.memref_slice %arg19[%dma_start3A_462, %dma_start3A_463] : memref<10000x16xf32, #tpu.memory_space<vmem_shared>> -> memref<10000x16xf32, #tpu.memory_space<vmem_shared>>
    tpu.enqueue_indirect_dma source(%dma_start3A_458 : memref<128x16xf32, #tpu.memory_space<vmem>>) target(%dma_start3A_464 : memref<10000x16xf32, #tpu.memory_space<vmem_shared>>) offsets(%dma_start3A_461 : memref<128xi32, #tpu.memory_space<vmem>>) semaphore(%arg23 : memref<!tpu.dma_semaphore, #tpu.memory_space<semaphore_mem>>) {add = true}
    %dma_wait3A_465 = arith.constant 0 : i32
    %dma_wait3A_466 = arith.constant 0 : i32
    %dma_wait3A_467 = tpu.memref_slice %arg14[%dma_wait3A_465, %dma_wait3A_466] : memref<1024x16xf32, #tpu.memory_space<vmem>> -> memref<768x16xf32, #tpu.memory_space<vmem>>
    %dma_wait3A_468 = arith.constant 0 : i32
    %dma_wait3A_469 = tpu.memref_slice %arg6[%add3A_71, %dma_wait3A_468] : memref<320000x16xf32, #tpu.memory_space<hbm>> -> memref<768x16xf32, #tpu.memory_space<hbm>>
    %dma_wait3A_470 = arith.constant 0 : i32
    %dma_wait3A_471 = tpu.memref_slice %arg6[%add3A_71, %dma_wait3A_470] : memref<320000x16xf32, #tpu.memory_space<hbm>> -> memref<768x16xf32, #tpu.memory_space<hbm>>
    %dma_wait3A_472 = arith.constant 0 : i32
    %dma_wait3A_473 = arith.constant 0 : i32
    %dma_wait3A_474 = tpu.memref_slice %arg14[%dma_wait3A_472, %dma_wait3A_473] : memref<1024x16xf32, #tpu.memory_space<vmem>> -> memref<768x16xf32, #tpu.memory_space<vmem>>
    tpu.wait_dma2 semaphore(%arg21 : memref<!tpu.dma_semaphore, #tpu.memory_space<semaphore_mem>>) src(%dma_wait3A_474 : memref<768x16xf32, #tpu.memory_space<vmem>>) dst(%dma_wait3A_471 : memref<768x16xf32, #tpu.memory_space<hbm>>)
    %dma_wait3A_475 = arith.constant 72 : i32
    %dma_wait3A_476 = arith.constant 0 : i32
    %dma_wait3A_477 = arith.constant 0 : i32
    %dma_wait3A_478 = tpu.memref_slice %arg11[%dma_wait3A_476, %dma_wait3A_477] : memref<1024x16xf32, #tpu.memory_space<vmem>> -> memref<128x16xf32, #tpu.memory_space<vmem>>
    %dma_wait3A_479 = arith.constant 0 : i32
    %dma_wait3A_480 = tpu.memref_slice %arg9[%dma_wait3A_475, %dma_wait3A_479] : memref<79x128xi32, #tpu.memory_space<vmem>> -> memref<1x128xi32, #tpu.memory_space<vmem>>
    %dma_wait3A_481 = tpu.memref_squeeze %dma_wait3A_480 : memref<1x128xi32, #tpu.memory_space<vmem>> -> memref<128xi32, #tpu.memory_space<vmem>>
    %dma_wait3A_482 = arith.constant 0 : i32
    %dma_wait3A_483 = arith.constant 0 : i32
    %dma_wait3A_484 = tpu.memref_slice %arg18[%dma_wait3A_482, %dma_wait3A_483] : memref<10000x16xf32, #tpu.memory_space<vmem_shared>> -> memref<10000x16xf32, #tpu.memory_space<vmem_shared>>
    tpu.wait_indirect_dma semaphore(%arg23 : memref<!tpu.dma_semaphore, #tpu.memory_space<semaphore_mem>>) src(%dma_wait3A_478 : memref<128x16xf32, #tpu.memory_space<vmem>>) dst(%dma_wait3A_484 : memref<10000x16xf32, #tpu.memory_space<vmem_shared>>)
    %dma_wait3A_485 = arith.constant 72 : i32
    %dma_wait3A_486 = arith.constant 0 : i32
    %dma_wait3A_487 = arith.constant 0 : i32
    %dma_wait3A_488 = tpu.memref_slice %arg11[%dma_wait3A_486, %dma_wait3A_487] : memref<1024x16xf32, #tpu.memory_space<vmem>> -> memref<128x16xf32, #tpu.memory_space<vmem>>
    %dma_wait3A_489 = arith.constant 0 : i32
    %dma_wait3A_490 = tpu.memref_slice %arg10[%dma_wait3A_485, %dma_wait3A_489] : memref<79x128xi32, #tpu.memory_space<vmem>> -> memref<1x128xi32, #tpu.memory_space<vmem>>
    %dma_wait3A_491 = tpu.memref_squeeze %dma_wait3A_490 : memref<1x128xi32, #tpu.memory_space<vmem>> -> memref<128xi32, #tpu.memory_space<vmem>>
    %dma_wait3A_492 = arith.constant 0 : i32
    %dma_wait3A_493 = arith.constant 0 : i32
    %dma_wait3A_494 = tpu.memref_slice %arg19[%dma_wait3A_492, %dma_wait3A_493] : memref<10000x16xf32, #tpu.memory_space<vmem_shared>> -> memref<10000x16xf32, #tpu.memory_space<vmem_shared>>
    tpu.wait_indirect_dma semaphore(%arg23 : memref<!tpu.dma_semaphore, #tpu.memory_space<semaphore_mem>>) src(%dma_wait3A_488 : memref<128x16xf32, #tpu.memory_space<vmem>>) dst(%dma_wait3A_494 : memref<10000x16xf32, #tpu.memory_space<vmem_shared>>)
    %dma_wait3A_495 = arith.constant 73 : i32
    %dma_wait3A_496 = arith.constant 128 : i32
    %dma_wait3A_497 = arith.constant 0 : i32
    %dma_wait3A_498 = tpu.memref_slice %arg11[%dma_wait3A_496, %dma_wait3A_497] : memref<1024x16xf32, #tpu.memory_space<vmem>> -> memref<128x16xf32, #tpu.memory_space<vmem>>
    %dma_wait3A_499 = arith.constant 0 : i32
    %dma_wait3A_500 = tpu.memref_slice %arg9[%dma_wait3A_495, %dma_wait3A_499] : memref<79x128xi32, #tpu.memory_space<vmem>> -> memref<1x128xi32, #tpu.memory_space<vmem>>
    %dma_wait3A_501 = tpu.memref_squeeze %dma_wait3A_500 : memref<1x128xi32, #tpu.memory_space<vmem>> -> memref<128xi32, #tpu.memory_space<vmem>>
    %dma_wait3A_502 = arith.constant 0 : i32
    %dma_wait3A_503 = arith.constant 0 : i32
    %dma_wait3A_504 = tpu.memref_slice %arg18[%dma_wait3A_502, %dma_wait3A_503] : memref<10000x16xf32, #tpu.memory_space<vmem_shared>> -> memref<10000x16xf32, #tpu.memory_space<vmem_shared>>
    tpu.wait_indirect_dma semaphore(%arg23 : memref<!tpu.dma_semaphore, #tpu.memory_space<semaphore_mem>>) src(%dma_wait3A_498 : memref<128x16xf32, #tpu.memory_space<vmem>>) dst(%dma_wait3A_504 : memref<10000x16xf32, #tpu.memory_space<vmem_shared>>)
    %dma_wait3A_505 = arith.constant 73 : i32
    %dma_wait3A_506 = arith.constant 128 : i32
    %dma_wait3A_507 = arith.constant 0 : i32
    %dma_wait3A_508 = tpu.memref_slice %arg11[%dma_wait3A_506, %dma_wait3A_507] : memref<1024x16xf32, #tpu.memory_space<vmem>> -> memref<128x16xf32, #tpu.memory_space<vmem>>
    %dma_wait3A_509 = arith.constant 0 : i32
    %dma_wait3A_510 = tpu.memref_slice %arg10[%dma_wait3A_505, %dma_wait3A_509] : memref<79x128xi32, #tpu.memory_space<vmem>> -> memref<1x128xi32, #tpu.memory_space<vmem>>
    %dma_wait3A_511 = tpu.memref_squeeze %dma_wait3A_510 : memref<1x128xi32, #tpu.memory_space<vmem>> -> memref<128xi32, #tpu.memory_space<vmem>>
    %dma_wait3A_512 = arith.constant 0 : i32
    %dma_wait3A_513 = arith.constant 0 : i32
    %dma_wait3A_514 = tpu.memref_slice %arg19[%dma_wait3A_512, %dma_wait3A_513] : memref<10000x16xf32, #tpu.memory_space<vmem_shared>> -> memref<10000x16xf32, #tpu.memory_space<vmem_shared>>
    tpu.wait_indirect_dma semaphore(%arg23 : memref<!tpu.dma_semaphore, #tpu.memory_space<semaphore_mem>>) src(%dma_wait3A_508 : memref<128x16xf32, #tpu.memory_space<vmem>>) dst(%dma_wait3A_514 : memref<10000x16xf32, #tpu.memory_space<vmem_shared>>)
    %dma_wait3A_515 = arith.constant 74 : i32
    %dma_wait3A_516 = arith.constant 256 : i32
    %dma_wait3A_517 = arith.constant 0 : i32
    %dma_wait3A_518 = tpu.memref_slice %arg11[%dma_wait3A_516, %dma_wait3A_517] : memref<1024x16xf32, #tpu.memory_space<vmem>> -> memref<128x16xf32, #tpu.memory_space<vmem>>
    %dma_wait3A_519 = arith.constant 0 : i32
    %dma_wait3A_520 = tpu.memref_slice %arg9[%dma_wait3A_515, %dma_wait3A_519] : memref<79x128xi32, #tpu.memory_space<vmem>> -> memref<1x128xi32, #tpu.memory_space<vmem>>
    %dma_wait3A_521 = tpu.memref_squeeze %dma_wait3A_520 : memref<1x128xi32, #tpu.memory_space<vmem>> -> memref<128xi32, #tpu.memory_space<vmem>>
    %dma_wait3A_522 = arith.constant 0 : i32
    %dma_wait3A_523 = arith.constant 0 : i32
    %dma_wait3A_524 = tpu.memref_slice %arg18[%dma_wait3A_522, %dma_wait3A_523] : memref<10000x16xf32, #tpu.memory_space<vmem_shared>> -> memref<10000x16xf32, #tpu.memory_space<vmem_shared>>
    tpu.wait_indirect_dma semaphore(%arg23 : memref<!tpu.dma_semaphore, #tpu.memory_space<semaphore_mem>>) src(%dma_wait3A_518 : memref<128x16xf32, #tpu.memory_space<vmem>>) dst(%dma_wait3A_524 : memref<10000x16xf32, #tpu.memory_space<vmem_shared>>)
    %dma_wait3A_525 = arith.constant 74 : i32
    %dma_wait3A_526 = arith.constant 256 : i32
    %dma_wait3A_527 = arith.constant 0 : i32
    %dma_wait3A_528 = tpu.memref_slice %arg11[%dma_wait3A_526, %dma_wait3A_527] : memref<1024x16xf32, #tpu.memory_space<vmem>> -> memref<128x16xf32, #tpu.memory_space<vmem>>
    %dma_wait3A_529 = arith.constant 0 : i32
    %dma_wait3A_530 = tpu.memref_slice %arg10[%dma_wait3A_525, %dma_wait3A_529] : memref<79x128xi32, #tpu.memory_space<vmem>> -> memref<1x128xi32, #tpu.memory_space<vmem>>
    %dma_wait3A_531 = tpu.memref_squeeze %dma_wait3A_530 : memref<1x128xi32, #tpu.memory_space<vmem>> -> memref<128xi32, #tpu.memory_space<vmem>>
    %dma_wait3A_532 = arith.constant 0 : i32
    %dma_wait3A_533 = arith.constant 0 : i32
    %dma_wait3A_534 = tpu.memref_slice %arg19[%dma_wait3A_532, %dma_wait3A_533] : memref<10000x16xf32, #tpu.memory_space<vmem_shared>> -> memref<10000x16xf32, #tpu.memory_space<vmem_shared>>
    tpu.wait_indirect_dma semaphore(%arg23 : memref<!tpu.dma_semaphore, #tpu.memory_space<semaphore_mem>>) src(%dma_wait3A_528 : memref<128x16xf32, #tpu.memory_space<vmem>>) dst(%dma_wait3A_534 : memref<10000x16xf32, #tpu.memory_space<vmem_shared>>)
    %dma_wait3A_535 = arith.constant 75 : i32
    %dma_wait3A_536 = arith.constant 384 : i32
    %dma_wait3A_537 = arith.constant 0 : i32
    %dma_wait3A_538 = tpu.memref_slice %arg11[%dma_wait3A_536, %dma_wait3A_537] : memref<1024x16xf32, #tpu.memory_space<vmem>> -> memref<128x16xf32, #tpu.memory_space<vmem>>
    %dma_wait3A_539 = arith.constant 0 : i32
    %dma_wait3A_540 = tpu.memref_slice %arg9[%dma_wait3A_535, %dma_wait3A_539] : memref<79x128xi32, #tpu.memory_space<vmem>> -> memref<1x128xi32, #tpu.memory_space<vmem>>
    %dma_wait3A_541 = tpu.memref_squeeze %dma_wait3A_540 : memref<1x128xi32, #tpu.memory_space<vmem>> -> memref<128xi32, #tpu.memory_space<vmem>>
    %dma_wait3A_542 = arith.constant 0 : i32
    %dma_wait3A_543 = arith.constant 0 : i32
    %dma_wait3A_544 = tpu.memref_slice %arg18[%dma_wait3A_542, %dma_wait3A_543] : memref<10000x16xf32, #tpu.memory_space<vmem_shared>> -> memref<10000x16xf32, #tpu.memory_space<vmem_shared>>
    tpu.wait_indirect_dma semaphore(%arg23 : memref<!tpu.dma_semaphore, #tpu.memory_space<semaphore_mem>>) src(%dma_wait3A_538 : memref<128x16xf32, #tpu.memory_space<vmem>>) dst(%dma_wait3A_544 : memref<10000x16xf32, #tpu.memory_space<vmem_shared>>)
    %dma_wait3A_545 = arith.constant 75 : i32
    %dma_wait3A_546 = arith.constant 384 : i32
    %dma_wait3A_547 = arith.constant 0 : i32
    %dma_wait3A_548 = tpu.memref_slice %arg11[%dma_wait3A_546, %dma_wait3A_547] : memref<1024x16xf32, #tpu.memory_space<vmem>> -> memref<128x16xf32, #tpu.memory_space<vmem>>
    %dma_wait3A_549 = arith.constant 0 : i32
    %dma_wait3A_550 = tpu.memref_slice %arg10[%dma_wait3A_545, %dma_wait3A_549] : memref<79x128xi32, #tpu.memory_space<vmem>> -> memref<1x128xi32, #tpu.memory_space<vmem>>
    %dma_wait3A_551 = tpu.memref_squeeze %dma_wait3A_550 : memref<1x128xi32, #tpu.memory_space<vmem>> -> memref<128xi32, #tpu.memory_space<vmem>>
    %dma_wait3A_552 = arith.constant 0 : i32
    %dma_wait3A_553 = arith.constant 0 : i32
    %dma_wait3A_554 = tpu.memref_slice %arg19[%dma_wait3A_552, %dma_wait3A_553] : memref<10000x16xf32, #tpu.memory_space<vmem_shared>> -> memref<10000x16xf32, #tpu.memory_space<vmem_shared>>
    tpu.wait_indirect_dma semaphore(%arg23 : memref<!tpu.dma_semaphore, #tpu.memory_space<semaphore_mem>>) src(%dma_wait3A_548 : memref<128x16xf32, #tpu.memory_space<vmem>>) dst(%dma_wait3A_554 : memref<10000x16xf32, #tpu.memory_space<vmem_shared>>)
    %dma_wait3A_555 = arith.constant 76 : i32
    %dma_wait3A_556 = arith.constant 512 : i32
    %dma_wait3A_557 = arith.constant 0 : i32
    %dma_wait3A_558 = tpu.memref_slice %arg11[%dma_wait3A_556, %dma_wait3A_557] : memref<1024x16xf32, #tpu.memory_space<vmem>> -> memref<128x16xf32, #tpu.memory_space<vmem>>
    %dma_wait3A_559 = arith.constant 0 : i32
    %dma_wait3A_560 = tpu.memref_slice %arg9[%dma_wait3A_555, %dma_wait3A_559] : memref<79x128xi32, #tpu.memory_space<vmem>> -> memref<1x128xi32, #tpu.memory_space<vmem>>
    %dma_wait3A_561 = tpu.memref_squeeze %dma_wait3A_560 : memref<1x128xi32, #tpu.memory_space<vmem>> -> memref<128xi32, #tpu.memory_space<vmem>>
    %dma_wait3A_562 = arith.constant 0 : i32
    %dma_wait3A_563 = arith.constant 0 : i32
    %dma_wait3A_564 = tpu.memref_slice %arg18[%dma_wait3A_562, %dma_wait3A_563] : memref<10000x16xf32, #tpu.memory_space<vmem_shared>> -> memref<10000x16xf32, #tpu.memory_space<vmem_shared>>
    tpu.wait_indirect_dma semaphore(%arg23 : memref<!tpu.dma_semaphore, #tpu.memory_space<semaphore_mem>>) src(%dma_wait3A_558 : memref<128x16xf32, #tpu.memory_space<vmem>>) dst(%dma_wait3A_564 : memref<10000x16xf32, #tpu.memory_space<vmem_shared>>)
    %dma_wait3A_565 = arith.constant 76 : i32
    %dma_wait3A_566 = arith.constant 512 : i32
    %dma_wait3A_567 = arith.constant 0 : i32
    %dma_wait3A_568 = tpu.memref_slice %arg11[%dma_wait3A_566, %dma_wait3A_567] : memref<1024x16xf32, #tpu.memory_space<vmem>> -> memref<128x16xf32, #tpu.memory_space<vmem>>
    %dma_wait3A_569 = arith.constant 0 : i32
    %dma_wait3A_570 = tpu.memref_slice %arg10[%dma_wait3A_565, %dma_wait3A_569] : memref<79x128xi32, #tpu.memory_space<vmem>> -> memref<1x128xi32, #tpu.memory_space<vmem>>
    %dma_wait3A_571 = tpu.memref_squeeze %dma_wait3A_570 : memref<1x128xi32, #tpu.memory_space<vmem>> -> memref<128xi32, #tpu.memory_space<vmem>>
    %dma_wait3A_572 = arith.constant 0 : i32
    %dma_wait3A_573 = arith.constant 0 : i32
    %dma_wait3A_574 = tpu.memref_slice %arg19[%dma_wait3A_572, %dma_wait3A_573] : memref<10000x16xf32, #tpu.memory_space<vmem_shared>> -> memref<10000x16xf32, #tpu.memory_space<vmem_shared>>
    tpu.wait_indirect_dma semaphore(%arg23 : memref<!tpu.dma_semaphore, #tpu.memory_space<semaphore_mem>>) src(%dma_wait3A_568 : memref<128x16xf32, #tpu.memory_space<vmem>>) dst(%dma_wait3A_574 : memref<10000x16xf32, #tpu.memory_space<vmem_shared>>)
    %dma_wait3A_575 = arith.constant 77 : i32
    %dma_wait3A_576 = arith.constant 640 : i32
    %dma_wait3A_577 = arith.constant 0 : i32
    %dma_wait3A_578 = tpu.memref_slice %arg11[%dma_wait3A_576, %dma_wait3A_577] : memref<1024x16xf32, #tpu.memory_space<vmem>> -> memref<128x16xf32, #tpu.memory_space<vmem>>
    %dma_wait3A_579 = arith.constant 0 : i32
    %dma_wait3A_580 = tpu.memref_slice %arg9[%dma_wait3A_575, %dma_wait3A_579] : memref<79x128xi32, #tpu.memory_space<vmem>> -> memref<1x128xi32, #tpu.memory_space<vmem>>
    %dma_wait3A_581 = tpu.memref_squeeze %dma_wait3A_580 : memref<1x128xi32, #tpu.memory_space<vmem>> -> memref<128xi32, #tpu.memory_space<vmem>>
    %dma_wait3A_582 = arith.constant 0 : i32
    %dma_wait3A_583 = arith.constant 0 : i32
    %dma_wait3A_584 = tpu.memref_slice %arg18[%dma_wait3A_582, %dma_wait3A_583] : memref<10000x16xf32, #tpu.memory_space<vmem_shared>> -> memref<10000x16xf32, #tpu.memory_space<vmem_shared>>
    tpu.wait_indirect_dma semaphore(%arg23 : memref<!tpu.dma_semaphore, #tpu.memory_space<semaphore_mem>>) src(%dma_wait3A_578 : memref<128x16xf32, #tpu.memory_space<vmem>>) dst(%dma_wait3A_584 : memref<10000x16xf32, #tpu.memory_space<vmem_shared>>)
    %dma_wait3A_585 = arith.constant 77 : i32
    %dma_wait3A_586 = arith.constant 640 : i32
    %dma_wait3A_587 = arith.constant 0 : i32
    %dma_wait3A_588 = tpu.memref_slice %arg11[%dma_wait3A_586, %dma_wait3A_587] : memref<1024x16xf32, #tpu.memory_space<vmem>> -> memref<128x16xf32, #tpu.memory_space<vmem>>
    %dma_wait3A_589 = arith.constant 0 : i32
    %dma_wait3A_590 = tpu.memref_slice %arg10[%dma_wait3A_585, %dma_wait3A_589] : memref<79x128xi32, #tpu.memory_space<vmem>> -> memref<1x128xi32, #tpu.memory_space<vmem>>
    %dma_wait3A_591 = tpu.memref_squeeze %dma_wait3A_590 : memref<1x128xi32, #tpu.memory_space<vmem>> -> memref<128xi32, #tpu.memory_space<vmem>>
    %dma_wait3A_592 = arith.constant 0 : i32
    %dma_wait3A_593 = arith.constant 0 : i32
    %dma_wait3A_594 = tpu.memref_slice %arg19[%dma_wait3A_592, %dma_wait3A_593] : memref<10000x16xf32, #tpu.memory_space<vmem_shared>> -> memref<10000x16xf32, #tpu.memory_space<vmem_shared>>
    tpu.wait_indirect_dma semaphore(%arg23 : memref<!tpu.dma_semaphore, #tpu.memory_space<semaphore_mem>>) src(%dma_wait3A_588 : memref<128x16xf32, #tpu.memory_space<vmem>>) dst(%dma_wait3A_594 : memref<10000x16xf32, #tpu.memory_space<vmem_shared>>)
    %add3A_595 = arith.constant 9984 : i32
    %add3A_596 = arith.addi %mul3A_2, %add3A_595 : i32
    %dma_start3A_597 = arith.constant 0 : i32
    %dma_start3A_598 = arith.constant 0 : i32
    %dma_start3A_599 = tpu.memref_slice %arg15[%dma_start3A_597, %dma_start3A_598] : memref<128x16xf32, #tpu.memory_space<vmem>> -> memref<16x16xf32, #tpu.memory_space<vmem>>
    %dma_start3A_600 = arith.constant 0 : i32
    %dma_start3A_601 = tpu.memref_slice %arg3[%add3A_596, %dma_start3A_600] : memref<320000x16xf32, #tpu.memory_space<hbm>> -> memref<16x16xf32, #tpu.memory_space<hbm>>
    %dma_start3A_602 = arith.constant 0 : i32
    %dma_start3A_603 = arith.constant 0 : i32
    %dma_start3A_604 = tpu.memref_slice %arg15[%dma_start3A_602, %dma_start3A_603] : memref<128x16xf32, #tpu.memory_space<vmem>> -> memref<16x16xf32, #tpu.memory_space<vmem>>
    %dma_start3A_605 = arith.constant 0 : i32
    %dma_start3A_606 = tpu.memref_slice %arg3[%add3A_596, %dma_start3A_605] : memref<320000x16xf32, #tpu.memory_space<hbm>> -> memref<16x16xf32, #tpu.memory_space<hbm>>
    tpu.enqueue_dma source(%dma_start3A_606 : memref<16x16xf32, #tpu.memory_space<hbm>>) target(%dma_start3A_604 : memref<16x16xf32, #tpu.memory_space<vmem>>) target_semaphore(%arg22 : memref<!tpu.dma_semaphore, #tpu.memory_space<semaphore_mem>>)
    %dma_start3A_607 = arith.constant 78 : i32
    %dma_start3A_608 = arith.constant 0 : i32
    %dma_start3A_609 = arith.constant 0 : i32
    %dma_start3A_610 = tpu.memref_slice %arg12[%dma_start3A_608, %dma_start3A_609] : memref<1024x16xf32, #tpu.memory_space<vmem>> -> memref<128x16xf32, #tpu.memory_space<vmem>>
    %dma_start3A_611 = arith.constant 0 : i32
    %dma_start3A_612 = tpu.memref_slice %arg9[%dma_start3A_607, %dma_start3A_611] : memref<79x128xi32, #tpu.memory_space<vmem>> -> memref<1x128xi32, #tpu.memory_space<vmem>>
    %dma_start3A_613 = tpu.memref_squeeze %dma_start3A_612 : memref<1x128xi32, #tpu.memory_space<vmem>> -> memref<128xi32, #tpu.memory_space<vmem>>
    %dma_start3A_614 = arith.constant 0 : i32
    %dma_start3A_615 = arith.constant 0 : i32
    %dma_start3A_616 = tpu.memref_slice %arg16[%dma_start3A_614, %dma_start3A_615] : memref<10000x16xf32, #tpu.memory_space<vmem_shared>> -> memref<10000x16xf32, #tpu.memory_space<vmem_shared>>
    tpu.enqueue_indirect_dma source(%dma_start3A_616 : memref<10000x16xf32, #tpu.memory_space<vmem_shared>>) target(%dma_start3A_610 : memref<128x16xf32, #tpu.memory_space<vmem>>) offsets(%dma_start3A_613 : memref<128xi32, #tpu.memory_space<vmem>>) semaphore(%arg20 : memref<!tpu.dma_semaphore, #tpu.memory_space<semaphore_mem>>)
    %dma_start3A_617 = arith.constant 78 : i32
    %dma_start3A_618 = arith.constant 0 : i32
    %dma_start3A_619 = arith.constant 0 : i32
    %dma_start3A_620 = tpu.memref_slice %arg13[%dma_start3A_618, %dma_start3A_619] : memref<1024x16xf32, #tpu.memory_space<vmem>> -> memref<128x16xf32, #tpu.memory_space<vmem>>
    %dma_start3A_621 = arith.constant 0 : i32
    %dma_start3A_622 = tpu.memref_slice %arg10[%dma_start3A_617, %dma_start3A_621] : memref<79x128xi32, #tpu.memory_space<vmem>> -> memref<1x128xi32, #tpu.memory_space<vmem>>
    %dma_start3A_623 = tpu.memref_squeeze %dma_start3A_622 : memref<1x128xi32, #tpu.memory_space<vmem>> -> memref<128xi32, #tpu.memory_space<vmem>>
    %dma_start3A_624 = arith.constant 0 : i32
    %dma_start3A_625 = arith.constant 0 : i32
    %dma_start3A_626 = tpu.memref_slice %arg17[%dma_start3A_624, %dma_start3A_625] : memref<10000x16xf32, #tpu.memory_space<vmem_shared>> -> memref<10000x16xf32, #tpu.memory_space<vmem_shared>>
    tpu.enqueue_indirect_dma source(%dma_start3A_626 : memref<10000x16xf32, #tpu.memory_space<vmem_shared>>) target(%dma_start3A_620 : memref<128x16xf32, #tpu.memory_space<vmem>>) offsets(%dma_start3A_623 : memref<128xi32, #tpu.memory_space<vmem>>) semaphore(%arg20 : memref<!tpu.dma_semaphore, #tpu.memory_space<semaphore_mem>>)
    %dma_wait3A_627 = arith.constant 0 : i32
    %dma_wait3A_628 = arith.constant 0 : i32
    %dma_wait3A_629 = tpu.memref_slice %arg15[%dma_wait3A_627, %dma_wait3A_628] : memref<128x16xf32, #tpu.memory_space<vmem>> -> memref<16x16xf32, #tpu.memory_space<vmem>>
    %dma_wait3A_630 = arith.constant 0 : i32
    %dma_wait3A_631 = tpu.memref_slice %arg3[%add3A_596, %dma_wait3A_630] : memref<320000x16xf32, #tpu.memory_space<hbm>> -> memref<16x16xf32, #tpu.memory_space<hbm>>
    %dma_wait3A_632 = arith.constant 0 : i32
    %dma_wait3A_633 = arith.constant 0 : i32
    %dma_wait3A_634 = tpu.memref_slice %arg15[%dma_wait3A_632, %dma_wait3A_633] : memref<128x16xf32, #tpu.memory_space<vmem>> -> memref<16x16xf32, #tpu.memory_space<vmem>>
    %dma_wait3A_635 = arith.constant 0 : i32
    %dma_wait3A_636 = tpu.memref_slice %arg3[%add3A_596, %dma_wait3A_635] : memref<320000x16xf32, #tpu.memory_space<hbm>> -> memref<16x16xf32, #tpu.memory_space<hbm>>
    tpu.wait_dma2 semaphore(%arg22 : memref<!tpu.dma_semaphore, #tpu.memory_space<semaphore_mem>>) src(%dma_wait3A_636 : memref<16x16xf32, #tpu.memory_space<hbm>>) dst(%dma_wait3A_634 : memref<16x16xf32, #tpu.memory_space<vmem>>)
    %dma_wait3A_637 = arith.constant 78 : i32
    %dma_wait3A_638 = arith.constant 0 : i32
    %dma_wait3A_639 = arith.constant 0 : i32
    %dma_wait3A_640 = tpu.memref_slice %arg12[%dma_wait3A_638, %dma_wait3A_639] : memref<1024x16xf32, #tpu.memory_space<vmem>> -> memref<128x16xf32, #tpu.memory_space<vmem>>
    %dma_wait3A_641 = arith.constant 0 : i32
    %dma_wait3A_642 = tpu.memref_slice %arg9[%dma_wait3A_637, %dma_wait3A_641] : memref<79x128xi32, #tpu.memory_space<vmem>> -> memref<1x128xi32, #tpu.memory_space<vmem>>
    %dma_wait3A_643 = tpu.memref_squeeze %dma_wait3A_642 : memref<1x128xi32, #tpu.memory_space<vmem>> -> memref<128xi32, #tpu.memory_space<vmem>>
    %dma_wait3A_644 = arith.constant 0 : i32
    %dma_wait3A_645 = arith.constant 0 : i32
    %dma_wait3A_646 = tpu.memref_slice %arg16[%dma_wait3A_644, %dma_wait3A_645] : memref<10000x16xf32, #tpu.memory_space<vmem_shared>> -> memref<10000x16xf32, #tpu.memory_space<vmem_shared>>
    tpu.wait_indirect_dma semaphore(%arg20 : memref<!tpu.dma_semaphore, #tpu.memory_space<semaphore_mem>>) src(%dma_wait3A_646 : memref<10000x16xf32, #tpu.memory_space<vmem_shared>>) dst(%dma_wait3A_640 : memref<128x16xf32, #tpu.memory_space<vmem>>)
    %dma_wait3A_647 = arith.constant 78 : i32
    %dma_wait3A_648 = arith.constant 0 : i32
    %dma_wait3A_649 = arith.constant 0 : i32
    %dma_wait3A_650 = tpu.memref_slice %arg13[%dma_wait3A_648, %dma_wait3A_649] : memref<1024x16xf32, #tpu.memory_space<vmem>> -> memref<128x16xf32, #tpu.memory_space<vmem>>
    %dma_wait3A_651 = arith.constant 0 : i32
    %dma_wait3A_652 = tpu.memref_slice %arg10[%dma_wait3A_647, %dma_wait3A_651] : memref<79x128xi32, #tpu.memory_space<vmem>> -> memref<1x128xi32, #tpu.memory_space<vmem>>
    %dma_wait3A_653 = tpu.memref_squeeze %dma_wait3A_652 : memref<1x128xi32, #tpu.memory_space<vmem>> -> memref<128xi32, #tpu.memory_space<vmem>>
    %dma_wait3A_654 = arith.constant 0 : i32
    %dma_wait3A_655 = arith.constant 0 : i32
    %dma_wait3A_656 = tpu.memref_slice %arg17[%dma_wait3A_654, %dma_wait3A_655] : memref<10000x16xf32, #tpu.memory_space<vmem_shared>> -> memref<10000x16xf32, #tpu.memory_space<vmem_shared>>
    tpu.wait_indirect_dma semaphore(%arg20 : memref<!tpu.dma_semaphore, #tpu.memory_space<semaphore_mem>>) src(%dma_wait3A_656 : memref<10000x16xf32, #tpu.memory_space<vmem_shared>>) dst(%dma_wait3A_650 : memref<128x16xf32, #tpu.memory_space<vmem>>)
    %scan3A_657 = arith.constant 0 : i32
    %scan3A_658 = arith.constant 16 : i32
    %scan3A_659 = arith.addi %scan3A_657, %scan3A_658 : i32
    %scan3A_660 = arith.constant 1 : i32
    scf.for %scan3A_695 = %scan3A_657 to %scan3A_659 step %scan3A_660  : i32 {
      %get3A = arith.index_cast %scan3A_695 : i32 to index
      %get3A_696 = arith.constant 0 : index
      %get3A_697 = tpu.vector_load %arg12[%get3A, %get3A_696] {strides = array<i32>} : memref<1024x16xf32, #tpu.memory_space<vmem>>, vector<1x16xf32>,
      %get3A_698 = vector.shape_cast %get3A_697 : vector<1x16xf32> to vector<16xf32>
      %get3A_699 = arith.index_cast %scan3A_695 : i32 to index
      %get3A_700 = arith.constant 0 : index
      %get3A_701 = tpu.vector_load %arg13[%get3A_699, %get3A_700] {strides = array<i32>} : memref<1024x16xf32, #tpu.memory_space<vmem>>, vector<1x16xf32>,
      %get3A_702 = vector.shape_cast %get3A_701 : vector<1x16xf32> to vector<16xf32>
      %add3A_703 = arith.addf %get3A_698, %get3A_702 : vector<16xf32>
      %swap3A = arith.index_cast %scan3A_695 : i32 to index
      %swap3A_704 = arith.constant 0 : index
      %swap3A_705 = tpu.vector_load %arg14[%swap3A, %swap3A_704] {strides = array<i32>} : memref<1024x16xf32, #tpu.memory_space<vmem>>, vector<1x16xf32>,
      %swap3A_706 = vector.shape_cast %swap3A_705 : vector<1x16xf32> to vector<16xf32>
      %swap3A_707 = vector.shape_cast %add3A_703 : vector<16xf32> to vector<1x16xf32>
      tpu.vector_store %arg14[%swap3A, %swap3A_704], %swap3A_707 {strides = array<i32>} : memref<1024x16xf32, #tpu.memory_space<vmem>>, vector<1x16xf32>,
    }
    %scan3A_661 = arith.constant 16 : i32
    %dma_start3A_662 = arith.constant 0 : i32
    %dma_start3A_663 = arith.constant 0 : i32
    %dma_start3A_664 = tpu.memref_slice %arg14[%dma_start3A_662, %dma_start3A_663] : memref<1024x16xf32, #tpu.memory_space<vmem>> -> memref<16x16xf32, #tpu.memory_space<vmem>>
    %dma_start3A_665 = arith.constant 0 : i32
    %dma_start3A_666 = tpu.memref_slice %arg6[%add3A_596, %dma_start3A_665] : memref<320000x16xf32, #tpu.memory_space<hbm>> -> memref<16x16xf32, #tpu.memory_space<hbm>>
    %dma_start3A_667 = arith.constant 0 : i32
    %dma_start3A_668 = tpu.memref_slice %arg6[%add3A_596, %dma_start3A_667] : memref<320000x16xf32, #tpu.memory_space<hbm>> -> memref<16x16xf32, #tpu.memory_space<hbm>>
    %dma_start3A_669 = arith.constant 0 : i32
    %dma_start3A_670 = arith.constant 0 : i32
    %dma_start3A_671 = tpu.memref_slice %arg14[%dma_start3A_669, %dma_start3A_670] : memref<1024x16xf32, #tpu.memory_space<vmem>> -> memref<16x16xf32, #tpu.memory_space<vmem>>
    tpu.enqueue_dma source(%dma_start3A_671 : memref<16x16xf32, #tpu.memory_space<vmem>>) target(%dma_start3A_668 : memref<16x16xf32, #tpu.memory_space<hbm>>) target_semaphore(%arg21 : memref<!tpu.dma_semaphore, #tpu.memory_space<semaphore_mem>>)
    %run_scoped3A_672 = arith.constant 78 : i32
    "tpu.region"() ({
      %run_scoped3A_695 = tpu.sem_alloc : memref<!tpu.dma_semaphore, #tpu.memory_space<semaphore_mem>>
      %dma_start3A_696 = arith.constant 0 : i32
      %dma_start3A_697 = tpu.memref_slice %arg9[%run_scoped3A_672, %dma_start3A_696] : memref<79x128xi32, #tpu.memory_space<vmem>> -> memref<1x128xi32, #tpu.memory_space<vmem>>
      %dma_start3A_698 = tpu.memref_squeeze %dma_start3A_697 : memref<1x128xi32, #tpu.memory_space<vmem>> -> memref<128xi32, #tpu.memory_space<vmem>>
      %dma_start3A_699 = arith.constant 0 : i32
      %dma_start3A_700 = arith.constant 0 : i32
      %dma_start3A_701 = tpu.memref_slice %arg18[%dma_start3A_699, %dma_start3A_700] : memref<10000x16xf32, #tpu.memory_space<vmem_shared>> -> memref<10000x16xf32, #tpu.memory_space<vmem_shared>>
      tpu.enqueue_indirect_dma source(%arg15 : memref<128x16xf32, #tpu.memory_space<vmem>>) target(%dma_start3A_701 : memref<10000x16xf32, #tpu.memory_space<vmem_shared>>) offsets(%dma_start3A_698 : memref<128xi32, #tpu.memory_space<vmem>>) semaphore(%run_scoped3A_695 : memref<!tpu.dma_semaphore, #tpu.memory_space<semaphore_mem>>) {add = true}
      %dma_wait3A_702 = arith.constant 0 : i32
      %dma_wait3A_703 = tpu.memref_slice %arg9[%run_scoped3A_672, %dma_wait3A_702] : memref<79x128xi32, #tpu.memory_space<vmem>> -> memref<1x128xi32, #tpu.memory_space<vmem>>
      %dma_wait3A_704 = tpu.memref_squeeze %dma_wait3A_703 : memref<1x128xi32, #tpu.memory_space<vmem>> -> memref<128xi32, #tpu.memory_space<vmem>>
      %dma_wait3A_705 = arith.constant 0 : i32
      %dma_wait3A_706 = arith.constant 0 : i32
      %dma_wait3A_707 = tpu.memref_slice %arg18[%dma_wait3A_705, %dma_wait3A_706] : memref<10000x16xf32, #tpu.memory_space<vmem_shared>> -> memref<10000x16xf32, #tpu.memory_space<vmem_shared>>
      tpu.wait_indirect_dma semaphore(%run_scoped3A_695 : memref<!tpu.dma_semaphore, #tpu.memory_space<semaphore_mem>>) src(%arg15 : memref<128x16xf32, #tpu.memory_space<vmem>>) dst(%dma_wait3A_707 : memref<10000x16xf32, #tpu.memory_space<vmem_shared>>)
      tpu.yield
    }) : () -> ()
    %run_scoped3A_673 = arith.constant 78 : i32
    "tpu.region"() ({
      %run_scoped3A_695 = tpu.sem_alloc : memref<!tpu.dma_semaphore, #tpu.memory_space<semaphore_mem>>
      %dma_start3A_696 = arith.constant 0 : i32
      %dma_start3A_697 = tpu.memref_slice %arg10[%run_scoped3A_673, %dma_start3A_696] : memref<79x128xi32, #tpu.memory_space<vmem>> -> memref<1x128xi32, #tpu.memory_space<vmem>>
      %dma_start3A_698 = tpu.memref_squeeze %dma_start3A_697 : memref<1x128xi32, #tpu.memory_space<vmem>> -> memref<128xi32, #tpu.memory_space<vmem>>
      %dma_start3A_699 = arith.constant 0 : i32
      %dma_start3A_700 = arith.constant 0 : i32
      %dma_start3A_701 = tpu.memref_slice %arg19[%dma_start3A_699, %dma_start3A_700] : memref<10000x16xf32, #tpu.memory_space<vmem_shared>> -> memref<10000x16xf32, #tpu.memory_space<vmem_shared>>
      tpu.enqueue_indirect_dma source(%arg15 : memref<128x16xf32, #tpu.memory_space<vmem>>) target(%dma_start3A_701 : memref<10000x16xf32, #tpu.memory_space<vmem_shared>>) offsets(%dma_start3A_698 : memref<128xi32, #tpu.memory_space<vmem>>) semaphore(%run_scoped3A_695 : memref<!tpu.dma_semaphore, #tpu.memory_space<semaphore_mem>>) {add = true}
      %dma_wait3A_702 = arith.constant 0 : i32
      %dma_wait3A_703 = tpu.memref_slice %arg10[%run_scoped3A_673, %dma_wait3A_702] : memref<79x128xi32, #tpu.memory_space<vmem>> -> memref<1x128xi32, #tpu.memory_space<vmem>>
      %dma_wait3A_704 = tpu.memref_squeeze %dma_wait3A_703 : memref<1x128xi32, #tpu.memory_space<vmem>> -> memref<128xi32, #tpu.memory_space<vmem>>
      %dma_wait3A_705 = arith.constant 0 : i32
      %dma_wait3A_706 = arith.constant 0 : i32
      %dma_wait3A_707 = tpu.memref_slice %arg19[%dma_wait3A_705, %dma_wait3A_706] : memref<10000x16xf32, #tpu.memory_space<vmem_shared>> -> memref<10000x16xf32, #tpu.memory_space<vmem_shared>>
      tpu.wait_indirect_dma semaphore(%run_scoped3A_695 : memref<!tpu.dma_semaphore, #tpu.memory_space<semaphore_mem>>) src(%arg15 : memref<128x16xf32, #tpu.memory_space<vmem>>) dst(%dma_wait3A_707 : memref<10000x16xf32, #tpu.memory_space<vmem_shared>>)
      tpu.yield
    }) : () -> ()
    %dma_wait3A_674 = arith.constant 0 : i32
    %dma_wait3A_675 = arith.constant 0 : i32
    %dma_wait3A_676 = tpu.memref_slice %arg14[%dma_wait3A_674, %dma_wait3A_675] : memref<1024x16xf32, #tpu.memory_space<vmem>> -> memref<16x16xf32, #tpu.memory_space<vmem>>
    %dma_wait3A_677 = arith.constant 0 : i32
    %dma_wait3A_678 = tpu.memref_slice %arg6[%add3A_596, %dma_wait3A_677] : memref<320000x16xf32, #tpu.memory_space<hbm>> -> memref<16x16xf32, #tpu.memory_space<hbm>>
    %dma_wait3A_679 = arith.constant 0 : i32
    %dma_wait3A_680 = tpu.memref_slice %arg6[%add3A_596, %dma_wait3A_679] : memref<320000x16xf32, #tpu.memory_space<hbm>> -> memref<16x16xf32, #tpu.memory_space<hbm>>
    %dma_wait3A_681 = arith.constant 0 : i32
    %dma_wait3A_682 = arith.constant 0 : i32
    %dma_wait3A_683 = tpu.memref_slice %arg14[%dma_wait3A_681, %dma_wait3A_682] : memref<1024x16xf32, #tpu.memory_space<vmem>> -> memref<16x16xf32, #tpu.memory_space<vmem>>
    tpu.wait_dma2 semaphore(%arg21 : memref<!tpu.dma_semaphore, #tpu.memory_space<semaphore_mem>>) src(%dma_wait3A_683 : memref<16x16xf32, #tpu.memory_space<vmem>>) dst(%dma_wait3A_680 : memref<16x16xf32, #tpu.memory_space<hbm>>)
    %barrier3A_684 = arith.constant 0 : index
    tpu.barrier barrier_id(%barrier3A_684)
    %eq3A_685 = arith.constant 0 : i32
    %eq3A_686 = arith.cmpi eq, %arg1, %eq3A_685 : i32
    %convert_element_type3A_687 = arith.extui %eq3A_686 : i1 to i32
    %cond3A_688 = arith.constant 0 : i32
    %cond3A_689 = arith.cmpi ne, %convert_element_type3A_687, %cond3A_688 : i32
    scf.if %cond3A_689 {
      %mul3A_695 = arith.constant 10000 : i32
      %mul3A_696 = arith.muli %arg0, %mul3A_695 : i32
      "tpu.region"() ({
        %run_scoped3A_697 = tpu.sem_alloc : memref<!tpu.dma_semaphore, #tpu.memory_space<semaphore_mem>>
        %dma_start3A_698 = arith.constant 0 : i32
        %dma_start3A_699 = tpu.memref_slice %arg7[%mul3A_696, %dma_start3A_698] : memref<20000x16xf32, #tpu.memory_space<hbm>> -> memref<10000x16xf32, #tpu.memory_space<hbm>>
        tpu.enqueue_dma source(%arg18 : memref<10000x16xf32, #tpu.memory_space<vmem_shared>>) target(%dma_start3A_699 : memref<10000x16xf32, #tpu.memory_space<hbm>>) target_semaphore(%run_scoped3A_697 : memref<!tpu.dma_semaphore, #tpu.memory_space<semaphore_mem>>)
        %dma_wait3A_700 = arith.constant 0 : i32
        %dma_wait3A_701 = tpu.memref_slice %arg7[%mul3A_696, %dma_wait3A_700] : memref<20000x16xf32, #tpu.memory_space<hbm>> -> memref<10000x16xf32, #tpu.memory_space<hbm>>
        tpu.wait_dma2 semaphore(%run_scoped3A_697 : memref<!tpu.dma_semaphore, #tpu.memory_space<semaphore_mem>>) src(%arg18 : memref<10000x16xf32, #tpu.memory_space<vmem_shared>>) dst(%dma_wait3A_701 : memref<10000x16xf32, #tpu.memory_space<hbm>>)
        tpu.yield
      }) : () -> ()
    } else {
    }
    %eq3A_690 = arith.constant 1 : i32
    %eq3A_691 = arith.cmpi eq, %arg1, %eq3A_690 : i32
    %convert_element_type3A_692 = arith.extui %eq3A_691 : i1 to i32
    %cond3A_693 = arith.constant 0 : i32
    %cond3A_694 = arith.cmpi ne, %convert_element_type3A_692, %cond3A_693 : i32
    scf.if %cond3A_694 {
      %mul3A_695 = arith.constant 10000 : i32
      %mul3A_696 = arith.muli %arg0, %mul3A_695 : i32
      "tpu.region"() ({
        %run_scoped3A_697 = tpu.sem_alloc : memref<!tpu.dma_semaphore, #tpu.memory_space<semaphore_mem>>
        %dma_start3A_698 = arith.constant 0 : i32
        %dma_start3A_699 = tpu.memref_slice %arg8[%mul3A_696, %dma_start3A_698] : memref<20000x16xf32, #tpu.memory_space<hbm>> -> memref<10000x16xf32, #tpu.memory_space<hbm>>
        tpu.enqueue_dma source(%arg19 : memref<10000x16xf32, #tpu.memory_space<vmem_shared>>) target(%dma_start3A_699 : memref<10000x16xf32, #tpu.memory_space<hbm>>) target_semaphore(%run_scoped3A_697 : memref<!tpu.dma_semaphore, #tpu.memory_space<semaphore_mem>>)
        %dma_wait3A_700 = arith.constant 0 : i32
        %dma_wait3A_701 = tpu.memref_slice %arg8[%mul3A_696, %dma_wait3A_700] : memref<20000x16xf32, #tpu.memory_space<hbm>> -> memref<10000x16xf32, #tpu.memory_space<hbm>>
        tpu.wait_dma2 semaphore(%run_scoped3A_697 : memref<!tpu.dma_semaphore, #tpu.memory_space<semaphore_mem>>) src(%arg19 : memref<10000x16xf32, #tpu.memory_space<vmem_shared>>) dst(%dma_wait3A_701 : memref<10000x16xf32, #tpu.memory_space<hbm>>)
        tpu.yield
      }) : () -> ()
    } else {
    }
    return
  }
}

module attributes {stable_mosaic.version = 14 : i64} {
  func.func @_proj_body(%arg0: i32, %arg1: memref<2000x128xf32, #tpu.memory_space<vmem>>, %arg2: memref<128x16xf32, #tpu.memory_space<vmem>>, %arg3: memref<128x16xf32, #tpu.memory_space<vmem>>, %arg4: memref<2000x16xf32, #tpu.memory_space<vmem>>, %arg5: memref<2000x16xf32, #tpu.memory_space<vmem>>) attributes {dimension_semantics = [#tpu.dimension_semantics<arbitrary>], iteration_bounds = array<i64: 5>, scalar_prefetch = 0 : i64, scratch_operands = 0 : i64, tpu.core_type = #tpu.core_type<tc>, window_params = [{transform_indices = @transform_0, window_bounds = array<i64: 2000, 128>}, {pipeline_mode = #tpu.pipeline_mode<synchronous>, transform_indices = @transform_1, window_bounds = array<i64: 128, 16>}, {pipeline_mode = #tpu.pipeline_mode<synchronous>, transform_indices = @transform_2, window_bounds = array<i64: 128, 16>}, {transform_indices = @transform_3, window_bounds = array<i64: 2000, 16>}, {transform_indices = @transform_4, window_bounds = array<i64: 2000, 16>}]} {
    %get3A = arith.constant 0 : index
    %get3A_0 = arith.constant 0 : index
    %get3A_1 = vector.load %arg1[%get3A, %get3A_0] : memref<2000x128xf32, #tpu.memory_space<vmem>>, vector<2000x128xf32>
    %get3A_2 = arith.constant 0 : index
    %get3A_3 = arith.constant 0 : index
    %get3A_4 = vector.load %arg2[%get3A_2, %get3A_3] : memref<128x16xf32, #tpu.memory_space<vmem>>, vector<128x16xf32>
    %dot_general3A = arith.constant dense<0.000000e+00> : vector<2000x16xf32>
    %dot_general3A_5 = tpu.matmul %get3A_1, %get3A_4, %dot_general3A {dimension_numbers = #tpu.dot_dimension_numbers<[1], [0], [0], [1], [0, 0, 1, 1], [], []>, precision = #tpu.contract_precision<fp32>, transpose_lhs_hint = false} : vector<2000x128xf32>, vector<128x16xf32>, vector<2000x16xf32> -> vector<2000x16xf32>
    %swap3A = arith.constant 0 : index
    %swap3A_6 = arith.constant 0 : index
    %swap3A_7 = vector.load %arg4[%swap3A, %swap3A_6] : memref<2000x16xf32, #tpu.memory_space<vmem>>, vector<2000x16xf32>
    tpu.vector_store %arg4[%swap3A, %swap3A_6], %dot_general3A_5 {strides = array<i32>} : memref<2000x16xf32, #tpu.memory_space<vmem>>, vector<2000x16xf32>,
    %get3A_8 = arith.constant 0 : index
    %get3A_9 = arith.constant 0 : index
    %get3A_10 = vector.load %arg3[%get3A_8, %get3A_9] : memref<128x16xf32, #tpu.memory_space<vmem>>, vector<128x16xf32>
    %dot_general3A_11 = arith.constant dense<0.000000e+00> : vector<2000x16xf32>
    %dot_general3A_12 = tpu.matmul %get3A_1, %get3A_10, %dot_general3A_11 {dimension_numbers = #tpu.dot_dimension_numbers<[1], [0], [0], [1], [0, 0, 1, 1], [], []>, precision = #tpu.contract_precision<fp32>, transpose_lhs_hint = false} : vector<2000x128xf32>, vector<128x16xf32>, vector<2000x16xf32> -> vector<2000x16xf32>
    %swap3A_13 = arith.constant 0 : index
    %swap3A_14 = arith.constant 0 : index
    %swap3A_15 = vector.load %arg5[%swap3A_13, %swap3A_14] : memref<2000x16xf32, #tpu.memory_space<vmem>>, vector<2000x16xf32>
    tpu.vector_store %arg5[%swap3A_13, %swap3A_14], %dot_general3A_12 {strides = array<i32>} : memref<2000x16xf32, #tpu.memory_space<vmem>>, vector<2000x16xf32>,
    return
  }
  func.func @transform_0(%arg0: i32) -> (i32, i32) {
    %c0_i32 = arith.constant 0 : i32
    %c0_i32_0 = arith.constant 0 : i32
    return %arg0, %c0_i32 : i32, i32
  }
  func.func @transform_1(%arg0: i32) -> (i32, i32) {
    %c0_i32 = arith.constant 0 : i32
    %c0_i32_0 = arith.constant 0 : i32
    %c0_i32_1 = arith.constant 0 : i32
    return %c0_i32, %c0_i32_0 : i32, i32
  }
  func.func @transform_2(%arg0: i32) -> (i32, i32) {
    %c0_i32 = arith.constant 0 : i32
    %c0_i32_0 = arith.constant 0 : i32
    %c0_i32_1 = arith.constant 0 : i32
    return %c0_i32, %c0_i32_0 : i32, i32
  }
  func.func @transform_3(%arg0: i32) -> (i32, i32) {
    %c0_i32 = arith.constant 0 : i32
    %c0_i32_0 = arith.constant 0 : i32
    return %arg0, %c0_i32 : i32, i32
  }
  func.func @transform_4(%arg0: i32) -> (i32, i32) {
    %c0_i32 = arith.constant 0 : i32
    %c0_i32_0 = arith.constant 0 : i32
    return %arg0, %c0_i32 : i32, i32
  }
}

module attributes {stable_mosaic.version = 14 : i64} {
  func.func @_edge_body(%arg0: i32, %arg1: memref<3200x16xf32, #tpu.memory_space<vmem>>, %arg2: memref<3200x16xf32, #tpu.memory_space<vmem>>, %arg3: memref<16x16xf32, #tpu.memory_space<vmem>>, %arg4: memref<1x128xf32, #tpu.memory_space<vmem>>, %arg5: memref<128x16xf32, #tpu.memory_space<vmem>>, %arg6: memref<1x16xf32, #tpu.memory_space<vmem>>, %arg7: memref<3200x16xf32, #tpu.memory_space<vmem>>) attributes {dimension_semantics = [#tpu.dimension_semantics<arbitrary>], iteration_bounds = array<i64: 100>, scalar_prefetch = 0 : i64, scratch_operands = 0 : i64, tpu.core_type = #tpu.core_type<tc>, window_params = [{transform_indices = @transform_0, window_bounds = array<i64: 3200, 16>}, {transform_indices = @transform_1, window_bounds = array<i64: 3200, 16>}, {pipeline_mode = #tpu.pipeline_mode<synchronous>, transform_indices = @transform_2, window_bounds = array<i64: 16, 16>}, {pipeline_mode = #tpu.pipeline_mode<synchronous>, transform_indices = @transform_3, window_bounds = array<i64: 1, 128>}, {pipeline_mode = #tpu.pipeline_mode<synchronous>, transform_indices = @transform_4, window_bounds = array<i64: 128, 16>}, {pipeline_mode = #tpu.pipeline_mode<synchronous>, transform_indices = @transform_5, window_bounds = array<i64: 1, 16>}, {transform_indices = @transform_6, window_bounds = array<i64: 3200, 16>}]} {
    %get3A = arith.constant 0 : index
    %get3A_0 = arith.constant 0 : index
    %get3A_1 = vector.load %arg4[%get3A, %get3A_0] : memref<1x128xf32, #tpu.memory_space<vmem>>, vector<1x128xf32>
    %get3A_2 = arith.constant 0 : index
    %get3A_3 = arith.constant 0 : index
    %get3A_4 = vector.load %arg5[%get3A_2, %get3A_3] : memref<128x16xf32, #tpu.memory_space<vmem>>, vector<128x16xf32>
    %dot_general3A = arith.constant dense<0.000000e+00> : vector<1x16xf32>
    %dot_general3A_5 = tpu.matmul %get3A_1, %get3A_4, %dot_general3A {dimension_numbers = #tpu.dot_dimension_numbers<[1], [0], [0], [1], [0, 0, 1, 1], [], []>, precision = #tpu.contract_precision<fp32>, transpose_lhs_hint = false} : vector<1x128xf32>, vector<128x16xf32>, vector<1x16xf32> -> vector<1x16xf32>
    %get3A_6 = arith.constant 0 : index
    %get3A_7 = arith.constant 0 : index
    %get3A_8 = vector.load %arg6[%get3A_6, %get3A_7] : memref<1x16xf32, #tpu.memory_space<vmem>>, vector<1x16xf32>
    %add3A = arith.addf %dot_general3A_5, %get3A_8 : vector<1x16xf32>
    %get3A_9 = arith.constant 0 : index
    %get3A_10 = arith.constant 0 : index
    %get3A_11 = vector.load %arg1[%get3A_9, %get3A_10] : memref<3200x16xf32, #tpu.memory_space<vmem>>, vector<3200x16xf32>
    %get3A_12 = arith.constant 0 : index
    %get3A_13 = arith.constant 0 : index
    %get3A_14 = vector.load %arg3[%get3A_12, %get3A_13] : memref<16x16xf32, #tpu.memory_space<vmem>>, vector<16x16xf32>
    %dot_general3A_15 = arith.constant dense<0.000000e+00> : vector<3200x16xf32>
    %dot_general3A_16 = tpu.matmul %get3A_11, %get3A_14, %dot_general3A_15 {dimension_numbers = #tpu.dot_dimension_numbers<[1], [0], [0], [1], [0, 0, 1, 1], [], []>, precision = #tpu.contract_precision<fp32>, transpose_lhs_hint = false} : vector<3200x16xf32>, vector<16x16xf32>, vector<3200x16xf32> -> vector<3200x16xf32>
    %get3A_17 = arith.constant 0 : index
    %get3A_18 = arith.constant 0 : index
    %get3A_19 = vector.load %arg2[%get3A_17, %get3A_18] : memref<3200x16xf32, #tpu.memory_space<vmem>>, vector<3200x16xf32>
    %add3A_20 = arith.addf %dot_general3A_16, %get3A_19 : vector<3200x16xf32>
    %add3A_21 = vector.broadcast %add3A : vector<1x16xf32> to vector<3200x16xf32>
    %add3A_22 = arith.addf %add3A_20, %add3A_21 : vector<3200x16xf32>
    %swap3A = arith.constant 0 : index
    %swap3A_23 = arith.constant 0 : index
    %swap3A_24 = vector.load %arg7[%swap3A, %swap3A_23] : memref<3200x16xf32, #tpu.memory_space<vmem>>, vector<3200x16xf32>
    tpu.vector_store %arg7[%swap3A, %swap3A_23], %add3A_22 {strides = array<i32>} : memref<3200x16xf32, #tpu.memory_space<vmem>>, vector<3200x16xf32>,
    return
  }
  func.func @transform_0(%arg0: i32) -> (i32, i32) {
    %c0_i32 = arith.constant 0 : i32
    %c0_i32_0 = arith.constant 0 : i32
    return %arg0, %c0_i32 : i32, i32
  }
  func.func @transform_1(%arg0: i32) -> (i32, i32) {
    %c0_i32 = arith.constant 0 : i32
    %c0_i32_0 = arith.constant 0 : i32
    return %arg0, %c0_i32 : i32, i32
  }
  func.func @transform_2(%arg0: i32) -> (i32, i32) {
    %c0_i32 = arith.constant 0 : i32
    %c0_i32_0 = arith.constant 0 : i32
    %c0_i32_1 = arith.constant 0 : i32
    return %c0_i32, %c0_i32_0 : i32, i32
  }
  func.func @transform_3(%arg0: i32) -> (i32, i32) {
    %c0_i32 = arith.constant 0 : i32
    %c0_i32_0 = arith.constant 0 : i32
    %c0_i32_1 = arith.constant 0 : i32
    return %c0_i32, %c0_i32_0 : i32, i32
  }
  func.func @transform_4(%arg0: i32) -> (i32, i32) {
    %c0_i32 = arith.constant 0 : i32
    %c0_i32_0 = arith.constant 0 : i32
    %c0_i32_1 = arith.constant 0 : i32
    return %c0_i32, %c0_i32_0 : i32, i32
  }
  func.func @transform_5(%arg0: i32) -> (i32, i32) {
    %c0_i32 = arith.constant 0 : i32
    %c0_i32_0 = arith.constant 0 : i32
    %c0_i32_1 = arith.constant 0 : i32
    return %c0_i32, %c0_i32_0 : i32, i32
  }
  func.func @transform_6(%arg0: i32) -> (i32, i32) {
    %c0_i32 = arith.constant 0 : i32
    %c0_i32_0 = arith.constant 0 : i32
    return %arg0, %c0_i32 : i32, i32
  }
}

module attributes {stable_mosaic.version = 14 : i64} {
  func.func @_node_body(%arg0: i32, %arg1: memref<2000x128xf32, #tpu.memory_space<vmem>>, %arg2: memref<2x2000x16xf32, #tpu.memory_space<vmem>>, %arg3: memref<2x2000x16xf32, #tpu.memory_space<vmem>>, %arg4: memref<128x128xf32, #tpu.memory_space<vmem>>, %arg5: memref<16x128xf32, #tpu.memory_space<vmem>>, %arg6: memref<16x128xf32, #tpu.memory_space<vmem>>, %arg7: memref<128x128xf32, #tpu.memory_space<vmem>>, %arg8: memref<1x128xf32, #tpu.memory_space<vmem>>, %arg9: memref<1x128xf32, #tpu.memory_space<vmem>>, %arg10: memref<128x128xf32, #tpu.memory_space<vmem>>, %arg11: memref<128x128xf32, #tpu.memory_space<vmem>>, %arg12: memref<16x128xf32, #tpu.memory_space<vmem>>, %arg13: memref<1x128xf32, #tpu.memory_space<vmem>>, %arg14: memref<2000x128xf32, #tpu.memory_space<vmem>>, %arg15: memref<1x128xf32, #tpu.memory_space<vmem>>, %arg16: memref<1x128xf32, #tpu.memory_space<vmem>>, %arg17: memref<1x16xf32, #tpu.memory_space<vmem>>) attributes {dimension_semantics = [#tpu.dimension_semantics<arbitrary>], iteration_bounds = array<i64: 5>, scalar_prefetch = 0 : i64, scratch_operands = 2 : i64, tpu.core_type = #tpu.core_type<tc>, window_params = [{transform_indices = @transform_0, window_bounds = array<i64: 2000, 128>}, {transform_indices = @transform_1, window_bounds = array<i64: 2, 2000, 16>}, {transform_indices = @transform_2, window_bounds = array<i64: 2, 2000, 16>}, {pipeline_mode = #tpu.pipeline_mode<synchronous>, transform_indices = @transform_3, window_bounds = array<i64: 128, 128>}, {pipeline_mode = #tpu.pipeline_mode<synchronous>, transform_indices = @transform_4, window_bounds = array<i64: 16, 128>}, {pipeline_mode = #tpu.pipeline_mode<synchronous>, transform_indices = @transform_5, window_bounds = array<i64: 16, 128>}, {pipeline_mode = #tpu.pipeline_mode<synchronous>, transform_indices = @transform_6, window_bounds = array<i64: 128, 128>}, {pipeline_mode = #tpu.pipeline_mode<synchronous>, transform_indices = @transform_7, window_bounds = array<i64: 1, 128>}, {pipeline_mode = #tpu.pipeline_mode<synchronous>, transform_indices = @transform_8, window_bounds = array<i64: 1, 128>}, {pipeline_mode = #tpu.pipeline_mode<synchronous>, transform_indices = @transform_9, window_bounds = array<i64: 128, 128>}, {pipeline_mode = #tpu.pipeline_mode<synchronous>, transform_indices = @transform_10, window_bounds = array<i64: 128, 128>}, {pipeline_mode = #tpu.pipeline_mode<synchronous>, transform_indices = @transform_11, window_bounds = array<i64: 16, 128>}, {pipeline_mode = #tpu.pipeline_mode<synchronous>, transform_indices = @transform_12, window_bounds = array<i64: 1, 128>}, {transform_indices = @transform_13, window_bounds = array<i64: 2000, 128>}, {pipeline_mode = #tpu.pipeline_mode<synchronous>, transform_indices = @transform_14, window_bounds = array<i64: 1, 128>}]} {
    %get3A = arith.constant 0 : index
    %get3A_0 = arith.constant 0 : index
    %get3A_1 = vector.load %arg1[%get3A, %get3A_0] : memref<2000x128xf32, #tpu.memory_space<vmem>>, vector<2000x128xf32>
    %get3A_2 = arith.constant 0 : index
    %get3A_3 = arith.constant 0 : index
    %get3A_4 = arith.constant 0 : index
    %get3A_5 = vector.load %arg2[%get3A_2, %get3A_3, %get3A_4] : memref<2x2000x16xf32, #tpu.memory_space<vmem>>, vector<1x2000x16xf32>
    %get3A_6 = vector.shape_cast %get3A_5 : vector<1x2000x16xf32> to vector<2000x16xf32>
    %get3A_7 = arith.constant 1 : index
    %get3A_8 = arith.constant 0 : index
    %get3A_9 = arith.constant 0 : index
    %get3A_10 = vector.load %arg2[%get3A_7, %get3A_8, %get3A_9] : memref<2x2000x16xf32, #tpu.memory_space<vmem>>, vector<1x2000x16xf32>
    %get3A_11 = vector.shape_cast %get3A_10 : vector<1x2000x16xf32> to vector<2000x16xf32>
    %add3A = arith.addf %get3A_6, %get3A_11 : vector<2000x16xf32>
    %get3A_12 = arith.constant 0 : index
    %get3A_13 = arith.constant 0 : index
    %get3A_14 = arith.constant 0 : index
    %get3A_15 = vector.load %arg3[%get3A_12, %get3A_13, %get3A_14] : memref<2x2000x16xf32, #tpu.memory_space<vmem>>, vector<1x2000x16xf32>
    %get3A_16 = vector.shape_cast %get3A_15 : vector<1x2000x16xf32> to vector<2000x16xf32>
    %get3A_17 = arith.constant 1 : index
    %get3A_18 = arith.constant 0 : index
    %get3A_19 = arith.constant 0 : index
    %get3A_20 = vector.load %arg3[%get3A_17, %get3A_18, %get3A_19] : memref<2x2000x16xf32, #tpu.memory_space<vmem>>, vector<1x2000x16xf32>
    %get3A_21 = vector.shape_cast %get3A_20 : vector<1x2000x16xf32> to vector<2000x16xf32>
    %add3A_22 = arith.addf %get3A_16, %get3A_21 : vector<2000x16xf32>
    %get3A_23 = arith.constant 0 : index
    %get3A_24 = arith.constant 0 : index
    %get3A_25 = vector.load %arg8[%get3A_23, %get3A_24] : memref<1x128xf32, #tpu.memory_space<vmem>>, vector<1x128xf32>
    %get3A_26 = arith.constant 0 : index
    %get3A_27 = arith.constant 0 : index
    %get3A_28 = vector.load %arg7[%get3A_26, %get3A_27] : memref<128x128xf32, #tpu.memory_space<vmem>>, vector<128x128xf32>
    %dot_general3A = arith.constant dense<0.000000e+00> : vector<1x128xf32>
    %dot_general3A_29 = tpu.matmul %get3A_25, %get3A_28, %dot_general3A {dimension_numbers = #tpu.dot_dimension_numbers<[1], [0], [0], [1], [0, 0, 1, 1], [], []>, precision = #tpu.contract_precision<fp32>, transpose_lhs_hint = false} : vector<1x128xf32>, vector<128x128xf32>, vector<1x128xf32> -> vector<1x128xf32>
    %get3A_30 = arith.constant 0 : index
    %get3A_31 = arith.constant 0 : index
    %get3A_32 = vector.load %arg9[%get3A_30, %get3A_31] : memref<1x128xf32, #tpu.memory_space<vmem>>, vector<1x128xf32>
    %add3A_33 = arith.addf %dot_general3A_29, %get3A_32 : vector<1x128xf32>
    %get3A_34 = arith.constant 0 : index
    %get3A_35 = arith.constant 0 : index
    %get3A_36 = vector.load %arg4[%get3A_34, %get3A_35] : memref<128x128xf32, #tpu.memory_space<vmem>>, vector<128x128xf32>
    %dot_general3A_37 = arith.constant dense<0.000000e+00> : vector<2000x128xf32>
    %dot_general3A_38 = tpu.matmul %get3A_1, %get3A_36, %dot_general3A_37 {dimension_numbers = #tpu.dot_dimension_numbers<[1], [0], [0], [1], [0, 0, 1, 1], [], []>, precision = #tpu.contract_precision<fp32>, transpose_lhs_hint = false} : vector<2000x128xf32>, vector<128x128xf32>, vector<2000x128xf32> -> vector<2000x128xf32>
    %get3A_39 = arith.constant 0 : index
    %get3A_40 = arith.constant 0 : index
    %get3A_41 = vector.load %arg5[%get3A_39, %get3A_40] : memref<16x128xf32, #tpu.memory_space<vmem>>, vector<16x128xf32>
    %dot_general3A_42 = arith.constant dense<0.000000e+00> : vector<2000x128xf32>
    %dot_general3A_43 = tpu.matmul %add3A, %get3A_41, %dot_general3A_42 {dimension_numbers = #tpu.dot_dimension_numbers<[1], [0], [0], [1], [0, 0, 1, 1], [], []>, precision = #tpu.contract_precision<fp32>, transpose_lhs_hint = false} : vector<2000x16xf32>, vector<16x128xf32>, vector<2000x128xf32> -> vector<2000x128xf32>
    %add3A_44 = arith.addf %dot_general3A_38, %dot_general3A_43 : vector<2000x128xf32>
    %get3A_45 = arith.constant 0 : index
    %get3A_46 = arith.constant 0 : index
    %get3A_47 = vector.load %arg6[%get3A_45, %get3A_46] : memref<16x128xf32, #tpu.memory_space<vmem>>, vector<16x128xf32>
    %dot_general3A_48 = arith.constant dense<0.000000e+00> : vector<2000x128xf32>
    %dot_general3A_49 = tpu.matmul %add3A_22, %get3A_47, %dot_general3A_48 {dimension_numbers = #tpu.dot_dimension_numbers<[1], [0], [0], [1], [0, 0, 1, 1], [], []>, precision = #tpu.contract_precision<fp32>, transpose_lhs_hint = false} : vector<2000x16xf32>, vector<16x128xf32>, vector<2000x128xf32> -> vector<2000x128xf32>
    %add3A_50 = arith.addf %add3A_44, %dot_general3A_49 : vector<2000x128xf32>
    %add3A_51 = vector.broadcast %add3A_33 : vector<1x128xf32> to vector<2000x128xf32>
    %add3A_52 = arith.addf %add3A_50, %add3A_51 : vector<2000x128xf32>
    %swap3A = arith.constant 0 : index
    %swap3A_53 = arith.constant 0 : index
    %swap3A_54 = vector.load %arg14[%swap3A, %swap3A_53] : memref<2000x128xf32, #tpu.memory_space<vmem>>, vector<2000x128xf32>
    tpu.vector_store %arg14[%swap3A, %swap3A_53], %add3A_52 {strides = array<i32>} : memref<2000x128xf32, #tpu.memory_space<vmem>>, vector<2000x128xf32>,
    %eq3A = arith.constant 0 : i32
    %eq3A_55 = arith.cmpi eq, %arg0, %eq3A : i32
    %convert_element_type3A = arith.extui %eq3A_55 : i1 to i32
    %cond3A = arith.constant 0 : i32
    %cond3A_56 = arith.cmpi ne, %convert_element_type3A, %cond3A : i32
    scf.if %cond3A_56 {
      %broadcast_in_dim3A_80 = arith.constant 0.000000e+00 : f32
      %broadcast_in_dim3A_81 = vector.broadcast %broadcast_in_dim3A_80 : f32 to vector<1x128xf32>
      %swap3A_82 = arith.constant 0 : index
      %swap3A_83 = arith.constant 0 : index
      %swap3A_84 = vector.load %arg16[%swap3A_82, %swap3A_83] : memref<1x128xf32, #tpu.memory_space<vmem>>, vector<1x128xf32>
      tpu.vector_store %arg16[%swap3A_82, %swap3A_83], %broadcast_in_dim3A_81 {strides = array<i32>} : memref<1x128xf32, #tpu.memory_space<vmem>>, vector<1x128xf32>,
      %broadcast_in_dim3A_85 = arith.constant 0.000000e+00 : f32
      %broadcast_in_dim3A_86 = vector.broadcast %broadcast_in_dim3A_85 : f32 to vector<1x16xf32>
      %swap3A_87 = arith.constant 0 : index
      %swap3A_88 = arith.constant 0 : index
      %swap3A_89 = vector.load %arg17[%swap3A_87, %swap3A_88] : memref<1x16xf32, #tpu.memory_space<vmem>>, vector<1x16xf32>
      tpu.vector_store %arg17[%swap3A_87, %swap3A_88], %broadcast_in_dim3A_86 {strides = array<i32>} : memref<1x16xf32, #tpu.memory_space<vmem>>, vector<1x16xf32>,
    } else {
    }
    %get3A_57 = arith.constant 0 : index
    %get3A_58 = arith.constant 0 : index
    %get3A_59 = vector.load %arg16[%get3A_57, %get3A_58] : memref<1x128xf32, #tpu.memory_space<vmem>>, vector<1x128xf32>
    %reduce_sum3A = arith.constant dense<0.000000e+00> : vector<128xf32>
    %reduce_sum3A_60 = vector.multi_reduction <add>, %get3A_1, %reduce_sum3A [0] : vector<2000x128xf32> to vector<128xf32>
    %broadcast_in_dim3A = vector.shape_cast %reduce_sum3A_60 : vector<128xf32> to vector<1x128xf32>
    %add3A_61 = arith.addf %get3A_59, %broadcast_in_dim3A : vector<1x128xf32>
    %swap3A_62 = arith.constant 0 : index
    %swap3A_63 = arith.constant 0 : index
    %swap3A_64 = vector.load %arg16[%swap3A_62, %swap3A_63] : memref<1x128xf32, #tpu.memory_space<vmem>>, vector<1x128xf32>
    tpu.vector_store %arg16[%swap3A_62, %swap3A_63], %add3A_61 {strides = array<i32>} : memref<1x128xf32, #tpu.memory_space<vmem>>, vector<1x128xf32>,
    %get3A_65 = arith.constant 0 : index
    %get3A_66 = arith.constant 0 : index
    %get3A_67 = vector.load %arg17[%get3A_65, %get3A_66] : memref<1x16xf32, #tpu.memory_space<vmem>>, vector<1x16xf32>
    %reduce_sum3A_68 = arith.constant dense<0.000000e+00> : vector<16xf32>
    %reduce_sum3A_69 = vector.multi_reduction <add>, %add3A, %reduce_sum3A_68 [0] : vector<2000x16xf32> to vector<16xf32>
    %broadcast_in_dim3A_70 = vector.shape_cast %reduce_sum3A_69 : vector<16xf32> to vector<1x16xf32>
    %add3A_71 = arith.addf %get3A_67, %broadcast_in_dim3A_70 : vector<1x16xf32>
    %swap3A_72 = arith.constant 0 : index
    %swap3A_73 = arith.constant 0 : index
    %swap3A_74 = vector.load %arg17[%swap3A_72, %swap3A_73] : memref<1x16xf32, #tpu.memory_space<vmem>>, vector<1x16xf32>
    tpu.vector_store %arg17[%swap3A_72, %swap3A_73], %add3A_71 {strides = array<i32>} : memref<1x16xf32, #tpu.memory_space<vmem>>, vector<1x16xf32>,
    %eq3A_75 = arith.constant 4 : i32
    %eq3A_76 = arith.cmpi eq, %arg0, %eq3A_75 : i32
    %convert_element_type3A_77 = arith.extui %eq3A_76 : i1 to i32
    %cond3A_78 = arith.constant 0 : i32
    %cond3A_79 = arith.cmpi ne, %convert_element_type3A_77, %cond3A_78 : i32
    scf.if %cond3A_79 {
      %get3A_80 = arith.constant 0 : index
      %get3A_81 = arith.constant 0 : index
      %get3A_82 = vector.load %arg8[%get3A_80, %get3A_81] : memref<1x128xf32, #tpu.memory_space<vmem>>, vector<1x128xf32>
      %get3A_83 = arith.constant 0 : index
      %get3A_84 = arith.constant 0 : index
      %get3A_85 = vector.load %arg10[%get3A_83, %get3A_84] : memref<128x128xf32, #tpu.memory_space<vmem>>, vector<128x128xf32>
      %dot_general3A_86 = arith.constant dense<0.000000e+00> : vector<1x128xf32>
      %dot_general3A_87 = tpu.matmul %get3A_82, %get3A_85, %dot_general3A_86 {dimension_numbers = #tpu.dot_dimension_numbers<[1], [0], [0], [1], [0, 0, 1, 1], [], []>, precision = #tpu.contract_precision<fp32>, transpose_lhs_hint = false} : vector<1x128xf32>, vector<128x128xf32>, vector<1x128xf32> -> vector<1x128xf32>
      %get3A_88 = arith.constant 0 : index
      %get3A_89 = arith.constant 0 : index
      %get3A_90 = vector.load %arg16[%get3A_88, %get3A_89] : memref<1x128xf32, #tpu.memory_space<vmem>>, vector<1x128xf32>
      %get3A_91 = arith.constant 0 : index
      %get3A_92 = arith.constant 0 : index
      %get3A_93 = vector.load %arg11[%get3A_91, %get3A_92] : memref<128x128xf32, #tpu.memory_space<vmem>>, vector<128x128xf32>
      %dot_general3A_94 = arith.constant dense<0.000000e+00> : vector<1x128xf32>
      %dot_general3A_95 = tpu.matmul %get3A_90, %get3A_93, %dot_general3A_94 {dimension_numbers = #tpu.dot_dimension_numbers<[1], [0], [0], [1], [0, 0, 1, 1], [], []>, precision = #tpu.contract_precision<fp32>, transpose_lhs_hint = false} : vector<1x128xf32>, vector<128x128xf32>, vector<1x128xf32> -> vector<1x128xf32>
      %add3A_96 = arith.addf %dot_general3A_87, %dot_general3A_95 : vector<1x128xf32>
      %get3A_97 = arith.constant 0 : index
      %get3A_98 = arith.constant 0 : index
      %get3A_99 = vector.load %arg17[%get3A_97, %get3A_98] : memref<1x16xf32, #tpu.memory_space<vmem>>, vector<1x16xf32>
      %get3A_100 = arith.constant 0 : index
      %get3A_101 = arith.constant 0 : index
      %get3A_102 = vector.load %arg12[%get3A_100, %get3A_101] : memref<16x128xf32, #tpu.memory_space<vmem>>, vector<16x128xf32>
      %dot_general3A_103 = arith.constant dense<0.000000e+00> : vector<1x128xf32>
      %dot_general3A_104 = tpu.matmul %get3A_99, %get3A_102, %dot_general3A_103 {dimension_numbers = #tpu.dot_dimension_numbers<[1], [0], [0], [1], [0, 0, 1, 1], [], []>, precision = #tpu.contract_precision<fp32>, transpose_lhs_hint = false} : vector<1x16xf32>, vector<16x128xf32>, vector<1x128xf32> -> vector<1x128xf32>
      %add3A_105 = arith.addf %add3A_96, %dot_general3A_104 : vector<1x128xf32>
      %get3A_106 = arith.constant 0 : index
      %get3A_107 = arith.constant 0 : index
      %get3A_108 = vector.load %arg13[%get3A_106, %get3A_107] : memref<1x128xf32, #tpu.memory_space<vmem>>, vector<1x128xf32>
      %add3A_109 = arith.addf %add3A_105, %get3A_108 : vector<1x128xf32>
      %swap3A_110 = arith.constant 0 : index
      %swap3A_111 = arith.constant 0 : index
      %swap3A_112 = vector.load %arg15[%swap3A_110, %swap3A_111] : memref<1x128xf32, #tpu.memory_space<vmem>>, vector<1x128xf32>
      tpu.vector_store %arg15[%swap3A_110, %swap3A_111], %add3A_109 {strides = array<i32>} : memref<1x128xf32, #tpu.memory_space<vmem>>, vector<1x128xf32>,
    } else {
    }
    return
  }
  func.func @transform_0(%arg0: i32) -> (i32, i32) {
    %c0_i32 = arith.constant 0 : i32
    %c0_i32_0 = arith.constant 0 : i32
    return %arg0, %c0_i32 : i32, i32
  }
  func.func @transform_1(%arg0: i32) -> (i32, i32, i32) {
    %c0_i32 = arith.constant 0 : i32
    %c0_i32_0 = arith.constant 0 : i32
    %c0_i32_1 = arith.constant 0 : i32
    return %c0_i32, %arg0, %c0_i32_0 : i32, i32, i32
  }
  func.func @transform_2(%arg0: i32) -> (i32, i32, i32) {
    %c0_i32 = arith.constant 0 : i32
    %c0_i32_0 = arith.constant 0 : i32
    %c0_i32_1 = arith.constant 0 : i32
    return %c0_i32, %arg0, %c0_i32_0 : i32, i32, i32
  }
  func.func @transform_3(%arg0: i32) -> (i32, i32) {
    %c0_i32 = arith.constant 0 : i32
    %c0_i32_0 = arith.constant 0 : i32
    %c0_i32_1 = arith.constant 0 : i32
    return %c0_i32, %c0_i32_0 : i32, i32
  }
  func.func @transform_4(%arg0: i32) -> (i32, i32) {
    %c0_i32 = arith.constant 0 : i32
    %c0_i32_0 = arith.constant 0 : i32
    %c0_i32_1 = arith.constant 0 : i32
    return %c0_i32, %c0_i32_0 : i32, i32
  }
  func.func @transform_5(%arg0: i32) -> (i32, i32) {
    %c0_i32 = arith.constant 0 : i32
    %c0_i32_0 = arith.constant 0 : i32
    %c0_i32_1 = arith.constant 0 : i32
    return %c0_i32, %c0_i32_0 : i32, i32
  }
  func.func @transform_6(%arg0: i32) -> (i32, i32) {
    %c0_i32 = arith.constant 0 : i32
    %c0_i32_0 = arith.constant 0 : i32
    %c0_i32_1 = arith.constant 0 : i32
    return %c0_i32, %c0_i32_0 : i32, i32
  }
  func.func @transform_7(%arg0: i32) -> (i32, i32) {
    %c0_i32 = arith.constant 0 : i32
    %c0_i32_0 = arith.constant 0 : i32
    %c0_i32_1 = arith.constant 0 : i32
    return %c0_i32, %c0_i32_0 : i32, i32
  }
  func.func @transform_8(%arg0: i32) -> (i32, i32) {
    %c0_i32 = arith.constant 0 : i32
    %c0_i32_0 = arith.constant 0 : i32
    %c0_i32_1 = arith.constant 0 : i32
    return %c0_i32, %c0_i32_0 : i32, i32
  }
  func.func @transform_9(%arg0: i32) -> (i32, i32) {
    %c0_i32 = arith.constant 0 : i32
    %c0_i32_0 = arith.constant 0 : i32
    %c0_i32_1 = arith.constant 0 : i32
    return %c0_i32, %c0_i32_0 : i32, i32
  }
  func.func @transform_10(%arg0: i32) -> (i32, i32) {
    %c0_i32 = arith.constant 0 : i32
    %c0_i32_0 = arith.constant 0 : i32
    %c0_i32_1 = arith.constant 0 : i32
    return %c0_i32, %c0_i32_0 : i32, i32
  }
  func.func @transform_11(%arg0: i32) -> (i32, i32) {
    %c0_i32 = arith.constant 0 : i32
    %c0_i32_0 = arith.constant 0 : i32
    %c0_i32_1 = arith.constant 0 : i32
    return %c0_i32, %c0_i32_0 : i32, i32
  }
  func.func @transform_12(%arg0: i32) -> (i32, i32) {
    %c0_i32 = arith.constant 0 : i32
    %c0_i32_0 = arith.constant 0 : i32
    %c0_i32_1 = arith.constant 0 : i32
    return %c0_i32, %c0_i32_0 : i32, i32
  }
  func.func @transform_13(%arg0: i32) -> (i32, i32) {
    %c0_i32 = arith.constant 0 : i32
    %c0_i32_0 = arith.constant 0 : i32
    return %arg0, %c0_i32 : i32, i32
  }
  func.func @transform_14(%arg0: i32) -> (i32, i32) {
    %c0_i32 = arith.constant 0 : i32
    %c0_i32_0 = arith.constant 0 : i32
    %c0_i32_1 = arith.constant 0 : i32
    return %c0_i32, %c0_i32_0 : i32, i32
  }
}

</mosaic_0001>

<sc_bundles>
// kernel: kernel.6.cloned.1.call-start
scs
__scs_entry_jumppad:
0x0: {  	(pc) =	sbr.rel $0x88, $3  }
0x1: {  	(tag) =	ssettag $0x0;
	lr =	simm.s32 $0x1  }
0x2: {  	[smem:$0x3F97] =	sst lr;
	_ =	strace $0xD0000000  }
0x3: {  	_ = 	snop  }
0x4: {  	_ = 	snop  }
0x5: {  	_ = 	snop  }
0x6: {  	_ = 	snop  }
0x7: {  	_ = 	snop  }
__scs_overlays_trampoline_lowered:
0x8: {  	[smem:$0x3FA6] =	sst s0  }
0x9: {  	[smem:$0x3FA7] =	sst s1  }
0xa: {  	[smem:$0x3FA8] =	sst s2  }
0xb: {  	[smem:$0x3FA9] =	sst s3  }
0xc: {  	[smem:$0x3FAA] =	sst s4  }
0xd: {  	[smem:$0x3FAB] =	sst s5  }
0xe: {  	[smem:$0x3FAC] =	sst s6  }
0xf: {  	[smem:$0x3FAD] =	sst s7  }
0x10: {  	[smem:$0x3FAE] =	sst s8  }
0x11: {  	[smem:$0x3FAF] =	sst s9;
	s0 =	simm.s32 @!p0 $0x0  }
0x12: {  	s1 =	sld [smem:$0x3F95];
	s0 =	simm.s32 @p0 $0x1  }
0x13: {  	[smem:$0x3FB0] =	sst s0;
	s0 =	simm.s32 @!p1 $0x0  }
0x14: {  	s2 =	sld [smem:$0x3F94];
	s0 =	simm.s32 @p1 $0x1  }
0x15: {  	[smem:$0x3FB1] =	sst s0;
	s0 =	simm.s32 @!p2 $0x0  }
0x16: {  	s3 =	sld [smem:$0x3FDB];
	s0 =	simm.s32 @p2 $0x1  }
0x17: {  	s4 =	simm.s32 $0x1BF5;
	[smem:$0x3FB3] =	sst s0  }
0x18: {  	s0 =	sld [smem:$0x3F96];
	_ =	swait.ge [sflag:s4], $0x0  }
0x19: {  	s7 =	sld [smem:$0x3F97]  }
0x1a: {  	s8 =	sadd.s32 $0xFFFFE003, lr  }
0x1b: {  	s9 =	sadd.s32 $0xFFFFFEF7, lr;
	s5 =	simm.s32 $0xFFFFFFFF;
	p2 =	slt.u32 s8, $0xFFFFF086  }
0x1c: {  	p1 =	slt.u32 s9, $0xF7A;
	s5 =	simm.s32 @!p2 $0x0  }
0x1d: {  	s5 =	simm.s32 @p1 $0x1;
	p0 =	seq.s32 s7, s2  }
0x1e: {  	s7 =	smul.u32 @!p0 $0xF7A, s2;
	p2 =	seq.s32 @!p0 s5, $0x0  }
0x1f: {  	s9 =	smul.u32 $0xF7A, s1;
	s8 =	simm.s32 @!p0 $0x1BF5;
	p2 =	por !p2, p0  }
0x20: {  	[sflag:s8] =	ssyncset.s32 @!p0 $0xFFFFF086;
	s6 =	sadd.s32 @!p0 s3, s7;
	s7 =	simm.s32 @!p0 $0x108  }
0x21: {  	s3 =	sadd.s32 s3, s9;
	s6 =	sadd.s32 @!p0 $0x88, s6;
	s7 =	simm.s32 @p2 $0x1082  }
0x22: {  	[simem:s7], [sflag:s8] =	dma.local @!p0 [hbm:s6], $0xF7A  }
0x23: {  	s9 =	sor.u32 $0xD0000000, s2;
	s6 =	simm.s32 $0x108;
	_ =	swait.ge @!p0 [sflag:s8], $0x0  }
0x24: {  	s3 =	sadd.s32 $0x88, s3;
	s6 =	simm.s32 @!p1 $0x1082;
	[sflag:s4] =	ssyncset.s32 $0xFFFFF086  }
0x25: {  	[simem:s6], [sflag:s4] =	dma.local [hbm:s3], $0xF7A  }
0x26: {  	[smem:$0x3F97] =	sst s1;
	(tag) =	ssettag s2;
	_ =	strace s9  }
0x27: {  	s1 =	sld [smem:$0x3FA7]  }
0x28: {  	s2 =	sld [smem:$0x3FA8]  }
0x29: {  	s4 =	sld [smem:$0x3FAA]  }
0x2a: {  	p0 =	seq.s32 s5, $0x0;
	s5 =	sld [smem:$0x3FAB]  }
0x2b: {  	s6 =	sld [smem:$0x3FAC]  }
0x2c: {  	s7 =	sld [smem:$0x3FAD]  }
0x2d: {  	s3 =	simm.s32 $0x108;
	s8 =	sld [smem:$0x3FAE]  }
0x2e: {  	s3 =	simm.s32 @!p0 $0x1082;
	s9 =	sld [smem:$0x3FAF]  }
0x2f: {  	lr =	sadd.s32 s0, s3;
	s0 =	sld [smem:$0x3FA6]  }
0x30: {  	s3 =	sld [smem:$0x3FA9]  }
0x31: {  	[smem:$0x3FB2] =	sst s10  }
0x32: {  	s10 =	sld [smem:$0x3FB0];
	_ =	sdelay $0x3  }
0x33: {  	p0 =	seq.s32 s10, $0x1;
	s10 =	sld [smem:$0x3FB2];
	_ =	sdelay $0x3  }
0x34: {  	[smem:$0x3FB2] =	sst s10  }
0x35: {  	s10 =	sld [smem:$0x3FB1];
	_ =	sdelay $0x3  }
0x36: {  	p1 =	seq.s32 s10, $0x1;
	s10 =	sld [smem:$0x3FB2];
	_ =	sdelay $0x3  }
0x37: {  	[smem:$0x3FB2] =	sst s10  }
0x38: {  	s10 =	sld [smem:$0x3FB3]  }
0x39: {  	_ = 	snop;
	(pc) =	sbr.ind lr, $3  }
0x3a: {  	_ = 	snop  }
0x3b: {  	_ = 	snop  }
0x3c: {  	p2 =	seq.s32 s10, $0x1;
	s10 =	sld [smem:$0x3FB2]  }
0x3d: {  	_ =	shalt  }
0x3e: {  	_ =	shalt  }
0x3f: {  	_ =	shalt  }
0x40: {  	_ =	shalt  }
0x41: {  	_ =	shalt  }
0x42: {  	_ =	shalt  }
0x43: {  	_ =	shalt  }
0x44: {  	_ =	shalt  }
0x45: {  	_ =	shalt  }
0x46: {  	_ =	shalt  }
0x47: {  	_ =	shalt  }
0x48: {  	_ =	shalt  }
0x49: {  	_ =	shalt  }
0x4a: {  	_ =	shalt  }
0x4b: {  	_ =	shalt  }
0x4c: {  	_ =	shalt  }
0x4d: {  	_ =	shalt  }
0x4e: {  	_ =	shalt  }
0x4f: {  	_ =	shalt  }
0x50: {  	_ =	shalt  }
0x51: {  	_ =	shalt  }
0x52: {  	_ =	shalt  }
0x53: {  	_ =	shalt  }
0x54: {  	_ =	shalt  }
0x55: {  	_ =	shalt  }
0x56: {  	_ =	shalt  }
0x57: {  	_ =	shalt  }
0x58: {  	_ =	shalt  }
0x59: {  	_ =	shalt  }
0x5a: {  	_ =	shalt  }
0x5b: {  	_ =	shalt  }
0x5c: {  	_ =	shalt  }
0x5d: {  	_ =	shalt  }
0x5e: {  	_ =	shalt  }
0x5f: {  	_ =	shalt  }
0x60: {  	_ =	shalt  }
0x61: {  	_ =	shalt  }
0x62: {  	_ =	shalt  }
0x63: {  	_ =	shalt  }
0x64: {  	_ =	shalt  }
0x65: {  	_ =	shalt  }
0x66: {  	_ =	shalt  }
0x67: {  	_ =	shalt  }
0x68: {  	_ =	shalt  }
0x69: {  	_ =	shalt  }
0x6a: {  	_ =	shalt  }
0x6b: {  	_ =	shalt  }
0x6c: {  	_ =	shalt  }
0x6d: {  	_ =	shalt  }
0x6e: {  	_ =	shalt  }
0x6f: {  	_ =	shalt  }
0x70: {  	_ =	shalt  }
0x71: {  	_ =	shalt  }
0x72: {  	_ =	shalt  }
0x73: {  	_ =	shalt  }
0x74: {  	_ =	shalt  }
0x75: {  	_ =	shalt  }
0x76: {  	_ =	shalt  }
0x77: {  	_ =	shalt  }
0x78: {  	_ =	shalt  }
0x79: {  	_ =	shalt  }
0x7a: {  	_ =	shalt  }
0x7b: {  	_ =	shalt  }
0x7c: {  	_ =	shalt  }
0x7d: {  	_ =	shalt  }
0x7e: {  	_ =	shalt  }
0x7f: {  	_ =	shalt  }
0x80: {  	_ =	shalt  }
0x81: {  	_ =	shalt  }
0x82: {  	_ =	shalt  }
0x83: {  	_ =	shalt  }
0x84: {  	_ =	shalt  }
0x85: {  	_ =	shalt  }
0x86: {  	_ =	shalt  }
0x87: {  	_ =	shalt  }
.Lfunc_end0:
.L_simem_size_0:
called_computation_lowered:
.L_overlay_start_0:
0x88: {  	s2 =	sld [smem:$0x3FD9]  }
0x89: {  	s3 =	sld [smem:$0x3FFE];
	_ =	sdelay $0x1  }
0x8a: {  	s1 =	srdreg.scid  }
0x8b: {  	s0 =	sand.u32 $0x1, s1  }
0x8c: {  	s14 =	sshll.u32 s0, $0xA;
	s2 =	sadd.s32 s3, s2  }
0x8d: {  	s2 =	sadd.s32 s2, s14  }
0x8e: {  	[smem:$0x3FBE] =	sst s2  }
0x8f: {  	_ = 	snop  }
0x90: {  	s2 =	sld [smem:$0x3FD0];
	_ =	sdelay $0x2  }
0x91: {  	s15 =	simm.s32 $0xA;
	s4 =	simm.s32 $0x10  }
0x92: {  	[smem:s4], [sflag:s15] =	dma.local [hbm:s2], $0x1  }
0x93: {  	_ =	swait.eq [sflag:s15], $0x1  }
0x94: {  	[sflag:s15] =	ssyncset.done $0x0  }
0x95: {  	s16 =	sld [smem:$0x10];
	[sflag:s15] =	ssyncadd.s32 $0xFFFFFFFF  }
0x96: {  	s17 =	sld [smem:$0x11];
	(tm) =	ssettm $0x1  }
0x97: {  	s18 =	sld [smem:$0x3FFB];
	_ =	sdelay $0x3  }
0x98: {  	_ =	strace s18  }
0x99: {  	s4 =	sld [smem:$0x3FFC];
	_ =	sdelay $0x3  }
0x9a: {  	_ =	strace s4  }
0x9b: {  	s4 =	sld [smem:$0x3FFD];
	_ =	sdelay $0x3  }
0x9c: {  	_ =	strace s4  }
0x9d: {  	_ =	strace $0x8FFFFFFF  }
0x9e: {  	s19 =	sld [smem:$0x3FDB];
	_ =	sdelay $0x1  }
0x9f: {  	s5 =	simm.s32 $_scs_section_size  }
0xa0: {  	s6 =	simm.s32 $_size__tile_overlayer_lowered;
	s7 =	simm.s32 $_tile_overlayer_lowered  }
0xa1: {  	s22 =	simm.s32 $0x1BFF;
	s21 =	sshll.u32 s7, $0x1;
	s4 =	sadd.s32 s5, s19  }
0xa2: {  	s8 =	simm.s32 $0x0;
	s20 =	sshll.u32 s6, $0x1;
	s6 =	sadd.s32 s21, s4  }
0xa3: {  	[timem:s8], [sflag:s22] =	dma.local [hbm:s6], s20  }
0xa4: {  	_ =	swait.ge [sflag:s22], s20  }
0xa5: {  	s5 =	ssub.s32 $0x0, s20;
	[sflag:s22] =	ssyncset.done $0x0  }
0xa6: {  	[sflag:s22] =	ssyncadd.s32 s5;
	_ =	sdelay $0x1  }
0xa7: {  	s23 =	simm.s32 $0x1B8B  }
0xa8: {  	_ =	swait.ge [sflag:s23], $0x1  }
0xa9: {  	[sflag:s23] =	ssyncset.done $0x0  }
0xaa: {  	s25 =	simm.s32 $0x1B8E;
	s24 =	sld [smem:$0x3FFE];
	[sflag:s23] =	ssyncadd.s32 $0xFFFFFFFF  }
0xab: {  	s26 =	simm.s32 $execute0_lowered;
	[smem:$0x3FD2] =	sst s25  }
0xac: {  	s6 =	sshll.u32 s26, $0x1;
	_ =	strace $0x80000046;
	[dreg:$0x1] =	wrdreg $0xFFFFFFFF  }
0xad: {  	s28 =	simm.s32 $_size_execute0_lowered;
	s4 =	sadd.s32 s4, s6;
	[dreg:$0x0] =	wrdreg $0x0  }
0xae: {  	s6 =	sshll.u32 s28, $0x1;
	[dreg:$0x2] =	wrdreg s4  }
0xaf: {  	[dreg:$0x3] =	wrdreg s6  }
0xb0: {  	[dreg:$0x4] =	wrdreg $0xC0  }
0xb1: {  	_ =	task [dreg:s8], $0x5FFFF  }
0xb2: {  	[dreg:$0x1] =	wrdreg $0xFFFFFFFF  }
0xb3: {  	[dreg:$0x0] =	wrdreg $0x60  }
0xb4: {  	[dreg:$0x2] =	wrdreg s16  }
0xb5: {  	[dreg:$0x3] =	wrdreg s17  }
0xb6: {  	[dreg:$0x4] =	wrdreg s24  }
0xb7: {  	[dreg:$0x5] =	wrdreg $0x157000  }
0xb8: {  	[dreg:$0x6] =	wrdreg $0x17E100  }
0xb9: {  	[dreg:$0x7] =	wrdreg $0x1A5200  }
0xba: {  	[dreg:$0x8] =	wrdreg $0x1CC300  }
0xbb: {  	[dreg:$0x9] =	wrdreg $0x9  }
0xbc: {  	_ =	task.clear_ibuf [dreg:s8], $0xAFFFF;
	_ =	strace $0x90000046  }
0xbd: {  	s29 =	simm.s32 $0x9;
	_ =	strace $0x80000048  }
0xbe: {  	_ =	swait.ge [sflag:s29], $0x1  }
0xbf: {  	[sflag:s29] =	ssyncadd.s32 $0xFFFFFFFF  }
0xc0: {  	_ =	strace $0x90000048  }
0xc1: {  	_ =	sfence  }
0xc2: {  	s30 =	sld [smem:$0x0];
	_ =	sdelay $0x2  }
0xc3: {  	s31 =	sshll.u32 s1, $0xD;
	s1 =	sshrl.u32 s1, $0x2  }
0xc4: {  	s3 =	sand.u32 $0x4000, s31;
	s1 =	sadd.s32 s1, s30  }
0xc5: {  	s0 =	sor.u32 s3, s0;
	s1 =	sshll.u32 s1, $0x11  }
0xc6: {  	s0 =	sor.u32 s1, s0  }
0xc7: {  	s0 =	sadd.s32 $0x8F2B, s0  }
0xc8: {  	[sflag:s0] =	ssyncadd.remote.s32 $0x1  }
0xc9: {  	_ =	sfence.sel $0xFFFF  }
0xca: {  	[dreg:$0x0] =	wrdreg $0xFFFFFFFF;
	(pc) =	sbr.abs _section_cstart, $3  }
0xcb: {  	[dreg:$0x1] =	wrdreg $0xFFFFFFFF  }
0xcc: {  	_ =	task.clear_ibuf [dreg:s8], $0x2FFFF;
	_ =	strace $0x9FFFFFFF  }
0xcd: {  	(tm) =	ssettm $0x7FFFFFFF  }
tec
execute0_lowered:
.L_overlay_start_1:
0x0: {  	(tag) =	ssettag $0x1  }
0x1: {  	s0 =	rddreg [dreg:$0x0]  }
0x2: {  	s12 =	rddreg [dreg:$0x1]  }
0x3: {  	s1 =	rddreg [dreg:$0x2]  }
0x4: {  	s2 =	rddreg [dreg:$0x3]  }
0x5: {  	s3 =	rddreg [dreg:$0x4]  }
0x6: {  	s4 =	rddreg [dreg:$0x5]  }
0x7: {  	s5 =	rddreg [dreg:$0x6]  }
0x8: {  	s6 =	srdreg.scid;
	s22 =	simm.s32 $0x0;
	s7 =	stileid.u32  }
0x9: {  	s6 =	sand.u32 $0x1, s6;
	[smem:$0x7FF] =	sst s22;
	s10 =	sadd.s32 $0x3E00, s1  }
0xa: {  	s26 =	sadd.s32 $0x8E00, s1;
	s13 =	sadd.s32 $0x503A00, s1;
	s11 =	smul.u32 $0x2710, s7  }
0xb: {  	p1 =	seq.s32 s7, $0x3;
	_ =	strace $0x80000047;
	[dreg:$0x8] =	wrdreg s10  }
0xc: {  	p2 =	seq.s32 s7, $0x1;
	s8 =	sshll.u32 s6, $0x4;
	[dreg:$0x9] =	wrdreg s26  }
0xd: {  	s9 =	smul.u32 $0x4E20, s6;
	s6 =	ssub.s32 $0x2, s6;
	[dreg:$0xa] =	wrdreg s13  }
0xe: {  	s8 =	sor.u32 s7, s8;
	s30 =	sadd.s32 s11, s4;
	s31 =	sadd.s32 s11, s5  }
0xf: {  	s15 =	sadd.s32 $0x1000, s11;
	s18 =	sadd.s32 $0x1800, s11;
	[dreg:$0xc] =	wrdreg s30  }
0x10: {  	s20 =	sadd.s32 $0x2000, s11;
	[dreg:$0xd] =	wrdreg s31;
	s16 =	sadd.s32 s15, s4  }
0x11: {  	s28 =	smul.u32 $0x2780, s8;
	s17 =	sadd.s32 s15, s5;
	[dreg:$0x10] =	wrdreg s16  }
0x12: {  	s1 =	sadd.s32 s9, s1;
	s19 =	sadd.s32 s18, s4;
	[dreg:$0x11] =	wrdreg s17  }
0x13: {  	s9 =	sadd.s32 $0x800, s11;
	s21 =	sadd.s32 s20, s4;
	[dreg:$0x13] =	wrdreg s19  }
0x14: {  	s8 =	smul.u32 $0x27100, s8;
	s14 =	sadd.s32 s9, s4;
	[dreg:$0x15] =	wrdreg s21  }
0x15: {  	p0 =	sne.s32 s7, $0x0;
	s29 =	sshrl.u32 s6, $0x1;
	[dreg:$0xe] =	wrdreg s14  }
0x16: {  	s6 =	ssub.s32 s6, s29;
	s29 =	sadd.s32 $0x4F9C00, s1;
	[dreg:$0x12] =	wrdreg s8  }
0x17: {  	p3 =	sne.s32 s7, $0x2;
	s30 =	smax.u32 s6, $0x1;
	[dreg:$0x1c] =	wrdreg s29  }
0x18: {  	s10 =	sshrl.u32 s28, $0x3;
	s28 =	sadd.s32 $0x4EFE00, s1;
	[dreg:$0x1d] =	wrdreg s30  }
0x19: {  	s10 =	sadd.s32 s0, s10;
	s0 =	sadd.s32 s9, s5;
	[dreg:$0x1b] =	wrdreg s28  }
0x1a: {  	s16 =	simm.s32 $0x4F00;
	s23 =	sshrl.u32 s8, $0x3;
	[dreg:$0xf] =	wrdreg s0  }
0x1b: {  	s24 =	sadd.s32 $0x4800, s23;
	s0 =	sadd.s32 s18, s5;
	[dreg:$0xb] =	wrdreg s10  }
0x1c: {  	s8 =	simm.s32 $0x0;
	s25 =	sadd.s32 s12, s24;
	[dreg:$0x14] =	wrdreg s0  }
0x1d: {  	s7 =	sadd.s32 s13, s24;
	s31 =	sadd.s32 $0x9E00, s10;
	[dreg:$0x17] =	wrdreg s25  }
.Ltmp0:
0x1e: {  	s0 =	sadd.s32 s20, s5;
	[dreg:$0x18] =	wrdreg s7;
	(pc) =	sbr.rel .LBB2_1-.Ltmp0, $4  }
0x1f: {  	s10 =	simm.s32 $0x1;
	[dreg:$0x16] =	wrdreg s0;
	s0 =	sadd.s32 $0x4E00, s23  }
0x20: {  	[dreg:$0x1e] =	wrdreg s31;
	s7 =	simm.s32 $0x5;
	s26 =	sadd.s32 s12, s0  }
0x21: {  	s0 =	sadd.s32 s13, s0;
	s12 =	simm.s32 $0x2;
	[dreg:$0x19] =	wrdreg s26  }
0x22: {  	v0 =	vimm.f32 $0.0e+00;
	s13 =	simm.s32 $0x4;
	[dreg:$0x1a] =	wrdreg s0;
	s26 =	simm.s32 $0x80  }
.LBB2_17:
0x23: {  	s0 =	sshrl.u32 s5, $0x3;
	s1 =	rddreg [dreg:$0x1b];
	s6 =	simm.s32 $0x1C45  }
0x24: {  	[hbm:s1], [sflag:s6] =	dma.local [spmem:s0], $0x4E20  }
0x25: {  	s8 =	rddreg [dreg:$0x1f]  }
.LBB2_18:
0x26: {  	_ =	swait.ge [sflag:s7], $0x4E20  }
0x27: {  	[sflag:s7] =	ssyncset.done $0x0  }
0x28: {  	[sflag:s7] =	ssyncadd.s32 $0xFFFFB1E0  }
.LBB2_19:
0x29: {  	s8 =	sadd.s32 $0x1, s8;
	s0 =	rddreg [dreg:$0x1d]  }
0x2a: {  	p4 =	sne.s32 s8, s0  }
.Ltmp1:
0x2b: {  	_ = 	snop;
	(pc) =	sbr.rel @!p4 .LBB2_20-.Ltmp1, $1  }
0x2c: {  	_ =	sdelay $0x3  }
.LBB2_1:
.Ltmp2:
0x2d: {  	(pc) =	sbr.rel @p1 .LBB2_4-.Ltmp2, $1  }
0x2e: {  	_ =	sdelay $0x3  }
.Ltmp3:
0x2f: {  	(pc) =	sbr.rel @p3 .LBB2_6-.Ltmp3, $1  }
0x30: {  	_ =	sdelay $0x3  }
.Ltmp4:
0x31: {  	(pc) =	sbr.rel .LBB2_5-.Ltmp4, $3  }
0x32: {  	_ =	sdelay $0x1  }
0x33: {  	s0 =	sshrl.u32 s2, $0x3;
	s1 =	rddreg [dreg:$0x8];
	s6 =	simm.s32 $0x1C85  }
0x34: {  	[spmem:s0], [sflag:s6] =	dma.local [hbm:s1], $0x4E20  }
.LBB2_4:
0x35: {  	s0 =	sshrl.u32 s3, $0x3;
	s1 =	rddreg [dreg:$0x9];
	s6 =	simm.s32 $0x1CC5  }
0x36: {  	[spmem:s0], [sflag:s6] =	dma.local [hbm:s1], $0x4E20  }
.LBB2_5:
0x37: {  	_ =	swait.ge [sflag:s7], $0x4E20  }
0x38: {  	[sflag:s7] =	ssyncset.done $0x0  }
0x39: {  	[sflag:s7] =	ssyncadd.s32 $0xFFFFB1E0  }
.LBB2_6:
0x3a: {  	[dreg:$0x1f] =	wrdreg s8  }
0x3b: {  	s0 =	rddreg [dreg:$0xb]  }
0x3c: {  	[tilespmem:s22], [sflag:$0x5] =	stream.linear.gather [hbm4b:s0+s22], $0x2780, $0x38;
	[tilespmem:$0x1F340] =	vst v63  }
0x3d: {  	_ =	swait.ge [sflag:s7], $0x2780  }
0x3e: {  	[sflag:s7] =	ssyncset.done $0x0  }
0x3f: {  	s1 =	simm.s32 $0x2780;
	s31 =	rddreg [dreg:$0x1e];
	[sflag:s7] =	ssyncadd.s32 $0xFFFFD880  }
0x40: {  	[tilespmem:s1], [sflag:$0x5] =	stream.linear.gather [hbm4b:s31+s22], $0x2780, $0x38;
	[tilespmem:$0x1F340] =	vst v63  }
0x41: {  	_ =	swait.ge [sflag:s7], $0x2780  }
0x42: {  	[sflag:s7] =	ssyncset.done $0x0  }
0x43: {  	[sflag:s7] =	ssyncadd.s32 $0xFFFFD880  }
0x44: {  	[tilespmem:$0x15000] =	vst v0  }
0x45: {  	[tilespmem:$0x15010] =	vst v0  }
0x46: {  	[tilespmem:$0x15020] =	vst v0  }
0x47: {  	[tilespmem:$0x15030] =	vst v0  }
0x48: {  	[tilespmem:$0x15040] =	vst v0  }
0x49: {  	[tilespmem:$0x15050] =	vst v0  }
0x4a: {  	[tilespmem:$0x15060] =	vst v0  }
0x4b: {  	[tilespmem:$0x15070] =	vst v0  }
0x4c: {  	[tilespmem:$0x15080] =	vst v0  }
0x4d: {  	[tilespmem:$0x15090] =	vst v0  }
0x4e: {  	[tilespmem:$0x150A0] =	vst v0  }
0x4f: {  	[tilespmem:$0x150B0] =	vst v0  }
0x50: {  	[tilespmem:$0x150C0] =	vst v0  }
0x51: {  	[tilespmem:$0x150D0] =	vst v0  }
0x52: {  	[tilespmem:$0x150E0] =	vst v0  }
0x53: {  	[tilespmem:$0x150F0] =	vst v0  }
0x54: {  	[tilespmem:$0x15100] =	vst v0  }
0x55: {  	[tilespmem:$0x15110] =	vst v0  }
0x56: {  	[tilespmem:$0x15120] =	vst v0  }
0x57: {  	[tilespmem:$0x15130] =	vst v0  }
0x58: {  	[tilespmem:$0x15140] =	vst v0  }
0x59: {  	[tilespmem:$0x15150] =	vst v0  }
0x5a: {  	[tilespmem:$0x15160] =	vst v0  }
0x5b: {  	[tilespmem:$0x15170] =	vst v0  }
0x5c: {  	[tilespmem:$0x15180] =	vst v0  }
0x5d: {  	[tilespmem:$0x15190] =	vst v0  }
0x5e: {  	[tilespmem:$0x151A0] =	vst v0  }
0x5f: {  	[tilespmem:$0x151B0] =	vst v0  }
0x60: {  	[tilespmem:$0x151C0] =	vst v0  }
0x61: {  	[tilespmem:$0x151D0] =	vst v0  }
0x62: {  	[tilespmem:$0x151E0] =	vst v0  }
0x63: {  	[tilespmem:$0x151F0] =	vst v0  }
0x64: {  	[tilespmem:$0x15200] =	vst v0  }
0x65: {  	[tilespmem:$0x15210] =	vst v0  }
0x66: {  	[tilespmem:$0x15220] =	vst v0  }
0x67: {  	[tilespmem:$0x15230] =	vst v0  }
0x68: {  	[tilespmem:$0x15240] =	vst v0  }
0x69: {  	[tilespmem:$0x15250] =	vst v0  }
0x6a: {  	[tilespmem:$0x15260] =	vst v0  }
0x6b: {  	[tilespmem:$0x15270] =	vst v0  }
0x6c: {  	[tilespmem:$0x15280] =	vst v0  }
0x6d: {  	[tilespmem:$0x15290] =	vst v0  }
0x6e: {  	[tilespmem:$0x152A0] =	vst v0  }
0x6f: {  	[tilespmem:$0x152B0] =	vst v0  }
0x70: {  	[tilespmem:$0x152C0] =	vst v0  }
0x71: {  	[tilespmem:$0x152D0] =	vst v0  }
0x72: {  	[tilespmem:$0x152E0] =	vst v0  }
0x73: {  	[tilespmem:$0x152F0] =	vst v0  }
0x74: {  	[tilespmem:$0x15300] =	vst v0  }
0x75: {  	[tilespmem:$0x15310] =	vst v0  }
0x76: {  	[tilespmem:$0x15320] =	vst v0  }
0x77: {  	[tilespmem:$0x15330] =	vst v0  }
0x78: {  	[tilespmem:$0x15340] =	vst v0  }
0x79: {  	[tilespmem:$0x15350] =	vst v0  }
0x7a: {  	[tilespmem:$0x15360] =	vst v0  }
0x7b: {  	[tilespmem:$0x15370] =	vst v0  }
0x7c: {  	[tilespmem:$0x15380] =	vst v0  }
0x7d: {  	[tilespmem:$0x15390] =	vst v0  }
0x7e: {  	[tilespmem:$0x153A0] =	vst v0  }
0x7f: {  	[tilespmem:$0x153B0] =	vst v0  }
0x80: {  	[tilespmem:$0x153C0] =	vst v0  }
0x81: {  	[tilespmem:$0x153D0] =	vst v0  }
0x82: {  	[tilespmem:$0x153E0] =	vst v0  }
0x83: {  	[tilespmem:$0x153F0] =	vst v0  }
0x84: {  	[tilespmem:$0x15400] =	vst v0  }
0x85: {  	[tilespmem:$0x15410] =	vst v0  }
0x86: {  	[tilespmem:$0x15420] =	vst v0  }
0x87: {  	[tilespmem:$0x15430] =	vst v0  }
0x88: {  	[tilespmem:$0x15440] =	vst v0  }
0x89: {  	[tilespmem:$0x15450] =	vst v0  }
0x8a: {  	[tilespmem:$0x15460] =	vst v0  }
0x8b: {  	[tilespmem:$0x15470] =	vst v0  }
0x8c: {  	[tilespmem:$0x15480] =	vst v0  }
0x8d: {  	[tilespmem:$0x15490] =	vst v0  }
0x8e: {  	[tilespmem:$0x154A0] =	vst v0  }
0x8f: {  	[tilespmem:$0x154B0] =	vst v0  }
0x90: {  	[tilespmem:$0x154C0] =	vst v0  }
0x91: {  	[tilespmem:$0x154D0] =	vst v0  }
0x92: {  	[tilespmem:$0x154E0] =	vst v0  }
0x93: {  	[tilespmem:$0x154F0] =	vst v0  }
0x94: {  	[tilespmem:$0x15500] =	vst v0  }
0x95: {  	[tilespmem:$0x15510] =	vst v0  }
0x96: {  	[tilespmem:$0x15520] =	vst v0  }
0x97: {  	[tilespmem:$0x15530] =	vst v0  }
0x98: {  	[tilespmem:$0x15540] =	vst v0  }
0x99: {  	[tilespmem:$0x15550] =	vst v0  }
0x9a: {  	[tilespmem:$0x15560] =	vst v0  }
0x9b: {  	[tilespmem:$0x15570] =	vst v0  }
0x9c: {  	[tilespmem:$0x15580] =	vst v0  }
0x9d: {  	[tilespmem:$0x15590] =	vst v0  }
0x9e: {  	[tilespmem:$0x155A0] =	vst v0  }
0x9f: {  	[tilespmem:$0x155B0] =	vst v0  }
0xa0: {  	[tilespmem:$0x155C0] =	vst v0  }
0xa1: {  	[tilespmem:$0x155D0] =	vst v0  }
0xa2: {  	[tilespmem:$0x155E0] =	vst v0  }
0xa3: {  	[tilespmem:$0x155F0] =	vst v0  }
0xa4: {  	[tilespmem:$0x15600] =	vst v0  }
0xa5: {  	[tilespmem:$0x15610] =	vst v0  }
0xa6: {  	[tilespmem:$0x15620] =	vst v0  }
0xa7: {  	[tilespmem:$0x15630] =	vst v0  }
0xa8: {  	[tilespmem:$0x15640] =	vst v0  }
0xa9: {  	[tilespmem:$0x15650] =	vst v0  }
0xaa: {  	[tilespmem:$0x15660] =	vst v0  }
0xab: {  	[tilespmem:$0x15670] =	vst v0  }
0xac: {  	[tilespmem:$0x15680] =	vst v0  }
0xad: {  	[tilespmem:$0x15690] =	vst v0  }
0xae: {  	[tilespmem:$0x156A0] =	vst v0  }
0xaf: {  	[tilespmem:$0x156B0] =	vst v0  }
0xb0: {  	[tilespmem:$0x156C0] =	vst v0  }
0xb1: {  	[tilespmem:$0x156D0] =	vst v0  }
0xb2: {  	[tilespmem:$0x156E0] =	vst v0  }
0xb3: {  	s0 =	simm.s32 $0x10F40;
	[tilespmem:$0x156F0] =	vst v0  }
0xb4: {  	[tilespmem:s0+$0xFFFFFFC0] =	vst v0  }
0xb5: {  	[tilespmem:s0+$0x30] =	vst v0  }
0xb6: {  	[tilespmem:s0+$0x20] =	vst v0  }
0xb7: {  	[tilespmem:s0+$0x10] =	vst v0  }
0xb8: {  	[tilespmem:s0+$0x0] =	vst v0  }
0xb9: {  	[tilespmem:s0+$0xFFFFFFF0] =	vst v0  }
0xba: {  	s1 =	simm.s32 $0x0;
	[tilespmem:s0+$0xFFFFFFE0] =	vst v0  }
.LBB2_7:
0xbb: {  	s1 =	sadd.s32 $0x8, s1;
	[tilespmem:s0+$0xFFFFFFD0] =	vst v0;
	s0 =	sadd.s32 $0x80, s0  }
0xbc: {  	[tilespmem:s0+$0xFFFFFFC0] =	vst v0;
	p4 =	slt.u32 s1, $0x78  }
0xbd: {  	[tilespmem:s0+$0x30] =	vst v0  }
.Ltmp5:
0xbe: {  	[tilespmem:s0+$0x20] =	vst v0;
	(pc) =	sbr.rel @p4 .LBB2_7-.Ltmp5, $4  }
0xbf: {  	[tilespmem:s0+$0x10] =	vst v0  }
0xc0: {  	[tilespmem:s0+$0x0] =	vst v0  }
0xc1: {  	[tilespmem:s0+$0xFFFFFFF0] =	vst v0  }
0xc2: {  	[tilespmem:s0+$0xFFFFFFE0] =	vst v0  }
0xc3: {  	[tilespmem:s0+$0xFFFFFFD0] =	vst v0;
	s19 =	rddreg [dreg:$0xc];
	s1 =	simm.s32 $0x10F00  }
0xc4: {  	[spmem:s19] =	stream.linear.scatter [tilespmem:s1], [sflag:$0x5], $0x800, $0x38;
	[tilespmem:$0x1F340] =	vst v63  }
0xc5: {  	_ =	swait.ge [sflag:s7], $0x800  }
0xc6: {  	[sflag:s7] =	ssyncset.done $0x0  }
0xc7: {  	s20 =	rddreg [dreg:$0xd];
	[sflag:s7] =	ssyncadd.s32 $0xFFFFF800  }
0xc8: {  	[spmem:s20] =	stream.linear.scatter [tilespmem:s1], [sflag:$0x5], $0x800, $0x38;
	[tilespmem:$0x1F340] =	vst v63  }
0xc9: {  	_ =	swait.ge [sflag:s7], $0x800  }
0xca: {  	[sflag:s7] =	ssyncset.done $0x0  }
0xcb: {  	s21 =	rddreg [dreg:$0xe];
	[sflag:s7] =	ssyncadd.s32 $0xFFFFF800  }
0xcc: {  	[spmem:s21] =	stream.linear.scatter [tilespmem:s1], [sflag:$0x5], $0x800, $0x38;
	[tilespmem:$0x1F340] =	vst v63  }
0xcd: {  	_ =	swait.ge [sflag:s7], $0x800  }
0xce: {  	[sflag:s7] =	ssyncset.done $0x0  }
0xcf: {  	s23 =	rddreg [dreg:$0xf];
	[sflag:s7] =	ssyncadd.s32 $0xFFFFF800  }
0xd0: {  	[spmem:s23] =	stream.linear.scatter [tilespmem:s1], [sflag:$0x5], $0x800, $0x38;
	[tilespmem:$0x1F340] =	vst v63  }
0xd1: {  	_ =	swait.ge [sflag:s7], $0x800  }
0xd2: {  	[sflag:s7] =	ssyncset.done $0x0  }
0xd3: {  	s24 =	rddreg [dreg:$0x10];
	[sflag:s7] =	ssyncadd.s32 $0xFFFFF800  }
0xd4: {  	[spmem:s24] =	stream.linear.scatter [tilespmem:s1], [sflag:$0x5], $0x800, $0x38;
	[tilespmem:$0x1F340] =	vst v63  }
0xd5: {  	_ =	swait.ge [sflag:s7], $0x800  }
0xd6: {  	[sflag:s7] =	ssyncset.done $0x0  }
0xd7: {  	s25 =	rddreg [dreg:$0x11];
	[sflag:s7] =	ssyncadd.s32 $0xFFFFF800  }
0xd8: {  	[spmem:s25] =	stream.linear.scatter [tilespmem:s1], [sflag:$0x5], $0x800, $0x38;
	[tilespmem:$0x1F340] =	vst v63  }
0xd9: {  	_ =	swait.ge [sflag:s7], $0x800  }
0xda: {  	[sflag:s7] =	ssyncset.done $0x0  }
0xdb: {  	s28 =	rddreg [dreg:$0x13];
	[sflag:s7] =	ssyncadd.s32 $0xFFFFF800  }
0xdc: {  	[spmem:s28] =	stream.linear.scatter [tilespmem:s1], [sflag:$0x5], $0x800, $0x38;
	[tilespmem:$0x1F340] =	vst v63  }
0xdd: {  	_ =	swait.ge [sflag:s7], $0x800  }
0xde: {  	[sflag:s7] =	ssyncset.done $0x0  }
0xdf: {  	s29 =	rddreg [dreg:$0x14];
	[sflag:s7] =	ssyncadd.s32 $0xFFFFF800  }
0xe0: {  	[spmem:s29] =	stream.linear.scatter [tilespmem:s1], [sflag:$0x5], $0x800, $0x38;
	[tilespmem:$0x1F340] =	vst v63  }
0xe1: {  	_ =	swait.ge [sflag:s7], $0x800  }
0xe2: {  	[sflag:s7] =	ssyncset.done $0x0  }
0xe3: {  	s30 =	rddreg [dreg:$0x15];
	[sflag:s7] =	ssyncadd.s32 $0xFFFFF800  }
0xe4: {  	[spmem:s30] =	stream.linear.scatter [tilespmem:s1], [sflag:$0x5], $0x710, $0x38;
	[tilespmem:$0x1F340] =	vst v63  }
0xe5: {  	_ =	swait.ge [sflag:s7], $0x710  }
0xe6: {  	[sflag:s7] =	ssyncset.done $0x0  }
0xe7: {  	s31 =	rddreg [dreg:$0x16];
	[sflag:s7] =	ssyncadd.s32 $0xFFFFF8F0  }
0xe8: {  	[spmem:s31] =	stream.linear.scatter [tilespmem:s1], [sflag:$0x5], $0x710, $0x38;
	[tilespmem:$0x1F340] =	vst v63  }
0xe9: {  	_ =	swait.ge [sflag:s7], $0x710  }
0xea: {  	[sflag:s7] =	ssyncset.done $0x0  }
0xeb: {  	[sflag:s7] =	ssyncadd.s32 $0xFFFFF8F0  }
0xec: {  	s14 =	simm.s32 $0x0;
	[bflag:$0x0] =	sbarrier.arrive $0xFFFF  }
.LBB2_9:
0xed: {  	s0 =	sshll.u32 s14, $0xE;
	s1 =	rddreg [dreg:$0x12]  }
0xee: {  	s0 =	sadd.s32 s1, s0  }
0xef: {  	s25 =	rddreg [dreg:$0x1];
	s15 =	sshrl.u32 s0, $0x3  }
0xf0: {  	s0 =	sadd.s32 s25, s15  }
0xf1: {  	[tilespmem:s16], [sflag:$0x3] =	stream.linear.gather [hbm4b:s0+s22], $0x4000, $0x38;
	[tilespmem:$0x1F340] =	vst v63  }
0xf2: {  	s1 =	simm.s32 $0x8F00;
	s16 =	sshll.u32 s14, $0xA  }
0xf3: {  	[tilespmem:s1], [sflag:$0x1] =	stream.indirect.gather [spmem:s2], $0x10, s16, s26, $0xb8;
	[tilespmem:$0x1F340] =	vst v63  }
0xf4: {  	s6 =	simm.s32 $0xCF00;
	s18 =	sadd.s32 $0x2780, s16  }
0xf5: {  	[tilespmem:s6], [sflag:$0x1] =	stream.indirect.gather [spmem:s3], $0x10, s18, s26, $0xb8;
	[tilespmem:$0x1F340] =	vst v63  }
0xf6: {  	s7 =	simm.s32 $0x9700;
	s19 =	sor.u32 $0x80, s16  }
0xf7: {  	[tilespmem:s7], [sflag:$0x1] =	stream.indirect.gather [spmem:s2], $0x10, s19, s26, $0xb8;
	[tilespmem:$0x1F340] =	vst v63  }
0xf8: {  	s8 =	simm.s32 $0xD700;
	s20 =	sadd.s32 $0x2800, s16  }
0xf9: {  	[tilespmem:s8], [sflag:$0x1] =	stream.indirect.gather [spmem:s3], $0x10, s20, s26, $0xb8;
	[tilespmem:$0x1F340] =	vst v63  }
0xfa: {  	s9 =	simm.s32 $0x9F00;
	s21 =	sor.u32 $0x100, s16  }
0xfb: {  	[tilespmem:s9], [sflag:$0x1] =	stream.indirect.gather [spmem:s2], $0x10, s21, s26, $0xb8;
	[tilespmem:$0x1F340] =	vst v63  }
0xfc: {  	s11 =	simm.s32 $0xDF00;
	s28 =	sadd.s32 $0x2880, s16  }
0xfd: {  	[tilespmem:s11], [sflag:$0x1] =	stream.indirect.gather [spmem:s3], $0x10, s28, s26, $0xb8;
	[tilespmem:$0x1F340] =	vst v63  }
0xfe: {  	s17 =	simm.s32 $0xA700;
	s31 =	sor.u32 $0x180, s16  }
0xff: {  	[tilespmem:s17], [sflag:$0x1] =	stream.indirect.gather [spmem:s2], $0x10, s31, s26, $0xb8;
	[tilespmem:$0x1F340] =	vst v63  }
0x100: {  	s22 =	simm.s32 $0xE700;
	s7 =	sadd.s32 $0x2900, s16  }
0x101: {  	[tilespmem:s22], [sflag:$0x1] =	stream.indirect.gather [spmem:s3], $0x10, s7, s26, $0xb8;
	[tilespmem:$0x1F340] =	vst v63  }
0x102: {  	s23 =	simm.s32 $0xAF00;
	s1 =	sor.u32 $0x200, s16  }
0x103: {  	[tilespmem:s23], [sflag:$0x1] =	stream.indirect.gather [spmem:s2], $0x10, s1, s26, $0xb8;
	[tilespmem:$0x1F340] =	vst v63  }
0x104: {  	s24 =	simm.s32 $0xEF00;
	s9 =	sadd.s32 $0x2980, s16  }
0x105: {  	[tilespmem:s24], [sflag:$0x1] =	stream.indirect.gather [spmem:s3], $0x10, s9, s26, $0xb8;
	[tilespmem:$0x1F340] =	vst v63  }
0x106: {  	s25 =	simm.s32 $0xB700;
	s17 =	sor.u32 $0x280, s16  }
0x107: {  	[tilespmem:s25], [sflag:$0x1] =	stream.indirect.gather [spmem:s2], $0x10, s17, s26, $0xb8;
	[tilespmem:$0x1F340] =	vst v63  }
0x108: {  	s6 =	simm.s32 $0xF700;
	s25 =	sadd.s32 $0x2A00, s16  }
0x109: {  	[tilespmem:s6], [sflag:$0x1] =	stream.indirect.gather [spmem:s3], $0x10, s25, s26, $0xb8;
	[tilespmem:$0x1F340] =	vst v63  }
0x10a: {  	s8 =	simm.s32 $0xBF00;
	s11 =	sor.u32 $0x300, s16  }
0x10b: {  	[tilespmem:s8], [sflag:$0x1] =	stream.indirect.gather [spmem:s2], $0x10, s11, s26, $0xb8;
	[tilespmem:$0x1F340] =	vst v63  }
0x10c: {  	s22 =	simm.s32 $0xFF00;
	s6 =	sadd.s32 $0x2A80, s16  }
0x10d: {  	[tilespmem:s22], [sflag:$0x1] =	stream.indirect.gather [spmem:s3], $0x10, s6, s26, $0xb8;
	[tilespmem:$0x1F340] =	vst v63  }
0x10e: {  	s30 =	sor.u32 $0x380, s16;
	s23 =	simm.s32 $0xC700  }
0x10f: {  	[tilespmem:s23], [sflag:$0x1] =	stream.indirect.gather [spmem:s2], $0x10, s30, s26, $0xb8;
	[tilespmem:$0x1F340] =	vst v63  }
0x110: {  	s0 =	sadd.s32 $0x2B00, s16;
	s24 =	simm.s32 $0x3;
	s8 =	simm.s32 $0x10700  }
0x111: {  	[tilespmem:s8], [sflag:$0x1] =	stream.indirect.gather [spmem:s3], $0x10, s0, s26, $0xb8;
	[tilespmem:$0x1F340] =	vst v63  }
0x112: {  	_ =	swait.ge [sflag:s24], $0x4000  }
0x113: {  	[sflag:s24] =	ssyncset.done $0x0  }
0x114: {  	[sflag:s24] =	ssyncadd.s32 $0xFFFFC000  }
0x115: {  	_ =	swait.ge [sflag:s10], $0x800  }
0x116: {  	[sflag:s10] =	ssyncset.done $0x0  }
0x117: {  	[sflag:s10] =	ssyncadd.s32 $0xFFFFF800  }
0x118: {  	_ =	swait.ge [sflag:s10], $0x800  }
0x119: {  	[sflag:s10] =	ssyncset.done $0x0  }
0x11a: {  	[sflag:s10] =	ssyncadd.s32 $0xFFFFF800  }
0x11b: {  	_ =	swait.ge [sflag:s10], $0x800  }
0x11c: {  	[sflag:s10] =	ssyncset.done $0x0  }
0x11d: {  	[sflag:s10] =	ssyncadd.s32 $0xFFFFF800  }
0x11e: {  	_ =	swait.ge [sflag:s10], $0x800  }
0x11f: {  	[sflag:s10] =	ssyncset.done $0x0  }
0x120: {  	[sflag:s10] =	ssyncadd.s32 $0xFFFFF800  }
0x121: {  	_ =	swait.ge [sflag:s10], $0x800  }
0x122: {  	[sflag:s10] =	ssyncset.done $0x0  }
0x123: {  	[sflag:s10] =	ssyncadd.s32 $0xFFFFF800  }
0x124: {  	_ =	swait.ge [sflag:s10], $0x800  }
0x125: {  	[sflag:s10] =	ssyncset.done $0x0  }
0x126: {  	[sflag:s10] =	ssyncadd.s32 $0xFFFFF800  }
0x127: {  	_ =	swait.ge [sflag:s10], $0x800  }
0x128: {  	[sflag:s10] =	ssyncset.done $0x0  }
0x129: {  	[sflag:s10] =	ssyncadd.s32 $0xFFFFF800  }
0x12a: {  	_ =	swait.ge [sflag:s10], $0x800  }
0x12b: {  	[sflag:s10] =	ssyncset.done $0x0  }
0x12c: {  	[sflag:s10] =	ssyncadd.s32 $0xFFFFF800  }
0x12d: {  	_ =	swait.ge [sflag:s10], $0x800  }
0x12e: {  	[sflag:s10] =	ssyncset.done $0x0  }
0x12f: {  	[sflag:s10] =	ssyncadd.s32 $0xFFFFF800  }
0x130: {  	_ =	swait.ge [sflag:s10], $0x800  }
0x131: {  	[sflag:s10] =	ssyncset.done $0x0  }
0x132: {  	[sflag:s10] =	ssyncadd.s32 $0xFFFFF800  }
0x133: {  	_ =	swait.ge [sflag:s10], $0x800  }
0x134: {  	[sflag:s10] =	ssyncset.done $0x0  }
0x135: {  	[sflag:s10] =	ssyncadd.s32 $0xFFFFF800  }
0x136: {  	_ =	swait.ge [sflag:s10], $0x800  }
0x137: {  	[sflag:s10] =	ssyncset.done $0x0  }
0x138: {  	[sflag:s10] =	ssyncadd.s32 $0xFFFFF800  }
0x139: {  	_ =	swait.ge [sflag:s10], $0x800  }
0x13a: {  	[sflag:s10] =	ssyncset.done $0x0  }
0x13b: {  	[sflag:s10] =	ssyncadd.s32 $0xFFFFF800  }
0x13c: {  	_ =	swait.ge [sflag:s10], $0x800  }
0x13d: {  	[sflag:s10] =	ssyncset.done $0x0  }
0x13e: {  	[sflag:s10] =	ssyncadd.s32 $0xFFFFF800  }
0x13f: {  	_ =	swait.ge [sflag:s10], $0x800  }
0x140: {  	[sflag:s10] =	ssyncset.done $0x0  }
0x141: {  	[sflag:s10] =	ssyncadd.s32 $0xFFFFF800  }
0x142: {  	_ =	swait.ge [sflag:s10], $0x800  }
0x143: {  	[sflag:s10] =	ssyncset.done $0x0  }
0x144: {  	s8 =	simm.s32 $0x8F40;
	[sflag:s10] =	ssyncadd.s32 $0xFFFFF800  }
0x145: {  	s22 =	simm.s32 $0xCF40;
	v1 =	vld [tilespmem:s8+$0xFFFFFFC0]  }
0x146: {  	v2 =	vld [tilespmem:s22+$0xFFFFFFC0];
	_ =	sdelay $0x4  }
0x147: {  	v1 =	vadd.f32 v2, v1  }
0x148: {  	s23 =	simm.s32 $0x10F40  }
0x149: {  	[tilespmem:s23+$0xFFFFFFC0] =	vst v1  }
0x14a: {  	v1 =	vld [tilespmem:s22+$0xFFFFFFD0]  }
0x14b: {  	v2 =	vld [tilespmem:s8+$0xFFFFFFD0];
	_ =	sdelay $0x4  }
0x14c: {  	v1 =	vadd.f32 v1, v2;
	_ =	sdelay $0x1  }
0x14d: {  	[tilespmem:s23+$0xFFFFFFD0] =	vst v1  }
0x14e: {  	v1 =	vld [tilespmem:s8+$0xFFFFFFE0]  }
0x14f: {  	v2 =	vld [tilespmem:s22+$0xFFFFFFE0];
	_ =	sdelay $0x4  }
0x150: {  	v1 =	vadd.f32 v2, v1;
	_ =	sdelay $0x1  }
0x151: {  	[tilespmem:s23+$0xFFFFFFE0] =	vst v1  }
0x152: {  	v1 =	vld [tilespmem:s8+$0xFFFFFFF0]  }
0x153: {  	v2 =	vld [tilespmem:s22+$0xFFFFFFF0];
	_ =	sdelay $0x4  }
0x154: {  	v1 =	vadd.f32 v2, v1;
	_ =	sdelay $0x1  }
0x155: {  	[tilespmem:s23+$0xFFFFFFF0] =	vst v1  }
0x156: {  	v1 =	vld [tilespmem:s8+$0x0]  }
0x157: {  	v2 =	vld [tilespmem:s22+$0x0];
	_ =	sdelay $0x4  }
0x158: {  	v1 =	vadd.f32 v2, v1;
	_ =	sdelay $0x1  }
0x159: {  	[tilespmem:s23+$0x0] =	vst v1  }
0x15a: {  	v1 =	vld [tilespmem:s8+$0x10]  }
0x15b: {  	v2 =	vld [tilespmem:s22+$0x10];
	_ =	sdelay $0x4  }
0x15c: {  	v1 =	vadd.f32 v2, v1;
	_ =	sdelay $0x1  }
0x15d: {  	[tilespmem:s23+$0x10] =	vst v1  }
0x15e: {  	v1 =	vld [tilespmem:s8+$0x20]  }
0x15f: {  	v2 =	vld [tilespmem:s22+$0x20];
	_ =	sdelay $0x4  }
0x160: {  	v1 =	vadd.f32 v2, v1;
	_ =	sdelay $0x1  }
0x161: {  	[tilespmem:s23+$0x20] =	vst v1  }
0x162: {  	s29 =	simm.s32 $0x8FC0;
	s24 =	simm.s32 $0x0;
	v1 =	vld [tilespmem:s8+$0x30];
	s8 =	simm.s32 $0x10F40  }
.LBB2_10:
0x163: {  	s24 =	sadd.s32 $0x8, s24;
	v2 =	vld [tilespmem:s22+$0x30];
	s23 =	sadd.s32 $0x80, s23;
	s22 =	sadd.s32 $0x80, s22  }
0x164: {  	p4 =	slt.u32 s24, $0x3F8;
	_ =	sdelay $0x3  }
0x165: {  	v1 =	vadd.f32 v2, v1;
	_ =	sdelay $0x1  }
0x166: {  	[tilespmem:s8+$0x30] =	vst v1;
	s8 =	smov.u32 s23  }
0x167: {  	v1 =	vld [tilespmem:s29+$0xFFFFFFC0]  }
0x168: {  	v2 =	vld [tilespmem:s22+$0xFFFFFFC0];
	_ =	sdelay $0x4  }
0x169: {  	v1 =	vadd.f32 v2, v1;
	_ =	sdelay $0x1  }
0x16a: {  	[tilespmem:s23+$0xFFFFFFC0] =	vst v1  }
0x16b: {  	v1 =	vld [tilespmem:s22+$0xFFFFFFD0]  }
0x16c: {  	v2 =	vld [tilespmem:s29+$0xFFFFFFD0];
	_ =	sdelay $0x4  }
0x16d: {  	v1 =	vadd.f32 v1, v2;
	_ =	sdelay $0x1  }
0x16e: {  	[tilespmem:s23+$0xFFFFFFD0] =	vst v1  }
0x16f: {  	v1 =	vld [tilespmem:s29+$0xFFFFFFE0]  }
0x170: {  	v2 =	vld [tilespmem:s22+$0xFFFFFFE0];
	_ =	sdelay $0x4  }
0x171: {  	v1 =	vadd.f32 v2, v1;
	_ =	sdelay $0x1  }
0x172: {  	[tilespmem:s23+$0xFFFFFFE0] =	vst v1  }
0x173: {  	v1 =	vld [tilespmem:s29+$0xFFFFFFF0]  }
0x174: {  	v2 =	vld [tilespmem:s22+$0xFFFFFFF0];
	_ =	sdelay $0x4  }
0x175: {  	v1 =	vadd.f32 v2, v1;
	_ =	sdelay $0x1  }
0x176: {  	[tilespmem:s23+$0xFFFFFFF0] =	vst v1  }
0x177: {  	v1 =	vld [tilespmem:s29+$0x0]  }
0x178: {  	v2 =	vld [tilespmem:s22+$0x0];
	_ =	sdelay $0x4  }
0x179: {  	v1 =	vadd.f32 v2, v1;
	_ =	sdelay $0x1  }
0x17a: {  	[tilespmem:s23+$0x0] =	vst v1  }
0x17b: {  	v1 =	vld [tilespmem:s29+$0x10]  }
0x17c: {  	v2 =	vld [tilespmem:s22+$0x10];
	_ =	sdelay $0x4  }
0x17d: {  	v1 =	vadd.f32 v2, v1;
	_ =	sdelay $0x1  }
0x17e: {  	[tilespmem:s23+$0x10] =	vst v1  }
0x17f: {  	v1 =	vld [tilespmem:s29+$0x20]  }
0x180: {  	v2 =	vld [tilespmem:s22+$0x20];
	_ =	sdelay $0x3  }
.Ltmp6:
0x181: {  	(pc) =	sbr.rel @p4 .LBB2_10-.Ltmp6, $3  }
0x182: {  	v1 =	vadd.f32 v2, v1;
	_ =	sdelay $0x1  }
0x183: {  	[tilespmem:s23+$0x20] =	vst v1  }
0x184: {  	v1 =	vld [tilespmem:s29+$0x30];
	s29 =	sadd.s32 $0x80, s29  }
0x185: {  	v2 =	vld [tilespmem:s22+$0x30];
	_ =	sdelay $0x4  }
0x186: {  	v1 =	vadd.f32 v2, v1  }
0x187: {  	s24 =	rddreg [dreg:$0xa]  }
0x188: {  	s22 =	simm.s32 $0x0;
	s29 =	simm.s32 $0x10F00;
	[tilespmem:s8+$0x30] =	vst v1;
	s8 =	sadd.s32 s24, s15  }
0x189: {  	[hbm4b:s8+s22] =	stream.linear.scatter [tilespmem:s29], [sflag:$0x2], $0x4000, $0x38;
	[tilespmem:$0x1F340] =	vst v63  }
0x18a: {  	s15 =	simm.s32 $0x4F00  }
0x18b: {  	[spmem:s4] =	stream.indirect.scatter.add.f32 [tilespmem:s15], [sflag:$0x4], $0x10, s16, s26, $0xb8;
	[tilespmem:$0x1F340] =	vst v63  }
0x18c: {  	s16 =	simm.s32 $0x4F00  }
0x18d: {  	[spmem:s5] =	stream.indirect.scatter.add.f32 [tilespmem:s16], [sflag:$0x4], $0x10, s18, s26, $0xb8;
	[tilespmem:$0x1F340] =	vst v63  }
0x18e: {  	s18 =	simm.s32 $0x5700  }
0x18f: {  	[spmem:s4] =	stream.indirect.scatter.add.f32 [tilespmem:s18], [sflag:$0x4], $0x10, s19, s26, $0xb8;
	[tilespmem:$0x1F340] =	vst v63  }
0x190: {  	_ = 	snop  }
0x191: {  	[spmem:s5] =	stream.indirect.scatter.add.f32 [tilespmem:s18], [sflag:$0x4], $0x10, s20, s26, $0xb8;
	[tilespmem:$0x1F340] =	vst v63  }
0x192: {  	s20 =	simm.s32 $0x5F00  }
0x193: {  	[spmem:s4] =	stream.indirect.scatter.add.f32 [tilespmem:s20], [sflag:$0x4], $0x10, s21, s26, $0xb8;
	[tilespmem:$0x1F340] =	vst v63  }
0x194: {  	_ = 	snop  }
0x195: {  	[spmem:s5] =	stream.indirect.scatter.add.f32 [tilespmem:s20], [sflag:$0x4], $0x10, s28, s26, $0xb8;
	[tilespmem:$0x1F340] =	vst v63  }
0x196: {  	s23 =	simm.s32 $0x6700  }
0x197: {  	[spmem:s4] =	stream.indirect.scatter.add.f32 [tilespmem:s23], [sflag:$0x4], $0x10, s31, s26, $0xb8;
	[tilespmem:$0x1F340] =	vst v63  }
0x198: {  	_ = 	snop  }
0x199: {  	[spmem:s5] =	stream.indirect.scatter.add.f32 [tilespmem:s23], [sflag:$0x4], $0x10, s7, s26, $0xb8;
	[tilespmem:$0x1F340] =	vst v63  }
0x19a: {  	s24 =	simm.s32 $0x6F00  }
0x19b: {  	[spmem:s4] =	stream.indirect.scatter.add.f32 [tilespmem:s24], [sflag:$0x4], $0x10, s1, s26, $0xb8;
	[tilespmem:$0x1F340] =	vst v63  }
0x19c: {  	_ = 	snop  }
0x19d: {  	[spmem:s5] =	stream.indirect.scatter.add.f32 [tilespmem:s24], [sflag:$0x4], $0x10, s9, s26, $0xb8;
	[tilespmem:$0x1F340] =	vst v63  }
0x19e: {  	s28 =	simm.s32 $0x7700  }
0x19f: {  	[spmem:s4] =	stream.indirect.scatter.add.f32 [tilespmem:s28], [sflag:$0x4], $0x10, s17, s26, $0xb8;
	[tilespmem:$0x1F340] =	vst v63  }
0x1a0: {  	_ = 	snop  }
0x1a1: {  	[spmem:s5] =	stream.indirect.scatter.add.f32 [tilespmem:s28], [sflag:$0x4], $0x10, s25, s26, $0xb8;
	[tilespmem:$0x1F340] =	vst v63  }
0x1a2: {  	s29 =	simm.s32 $0x7F00  }
0x1a3: {  	[spmem:s4] =	stream.indirect.scatter.add.f32 [tilespmem:s29], [sflag:$0x4], $0x10, s11, s26, $0xb8;
	[tilespmem:$0x1F340] =	vst v63  }
0x1a4: {  	_ = 	snop  }
0x1a5: {  	[spmem:s5] =	stream.indirect.scatter.add.f32 [tilespmem:s29], [sflag:$0x4], $0x10, s6, s26, $0xb8;
	[tilespmem:$0x1F340] =	vst v63  }
0x1a6: {  	s31 =	simm.s32 $0x8700  }
0x1a7: {  	[spmem:s4] =	stream.indirect.scatter.add.f32 [tilespmem:s31], [sflag:$0x4], $0x10, s30, s26, $0xb8;
	[tilespmem:$0x1F340] =	vst v63  }
0x1a8: {  	_ = 	snop  }
0x1a9: {  	[spmem:s5] =	stream.indirect.scatter.add.f32 [tilespmem:s31], [sflag:$0x4], $0x10, s0, s26, $0xb8;
	[tilespmem:$0x1F340] =	vst v63  }
0x1aa: {  	_ =	swait.ge [sflag:s12], $0x4000  }
0x1ab: {  	[sflag:s12] =	ssyncset.done $0x0  }
0x1ac: {  	[sflag:s12] =	ssyncadd.s32 $0xFFFFC000  }
0x1ad: {  	_ =	swait.ge [sflag:s13], $0x800  }
0x1ae: {  	[sflag:s13] =	ssyncset.done $0x0  }
0x1af: {  	[sflag:s13] =	ssyncadd.s32 $0xFFFFF800  }
0x1b0: {  	_ =	swait.ge [sflag:s13], $0x800  }
0x1b1: {  	[sflag:s13] =	ssyncset.done $0x0  }
0x1b2: {  	[sflag:s13] =	ssyncadd.s32 $0xFFFFF800  }
0x1b3: {  	_ =	swait.ge [sflag:s13], $0x800  }
0x1b4: {  	[sflag:s13] =	ssyncset.done $0x0  }
0x1b5: {  	[sflag:s13] =	ssyncadd.s32 $0xFFFFF800  }
0x1b6: {  	_ =	swait.ge [sflag:s13], $0x800  }
0x1b7: {  	[sflag:s13] =	ssyncset.done $0x0  }
0x1b8: {  	[sflag:s13] =	ssyncadd.s32 $0xFFFFF800  }
0x1b9: {  	_ =	swait.ge [sflag:s13], $0x800  }
0x1ba: {  	[sflag:s13] =	ssyncset.done $0x0  }
0x1bb: {  	[sflag:s13] =	ssyncadd.s32 $0xFFFFF800  }
0x1bc: {  	_ =	swait.ge [sflag:s13], $0x800  }
0x1bd: {  	[sflag:s13] =	ssyncset.done $0x0  }
0x1be: {  	[sflag:s13] =	ssyncadd.s32 $0xFFFFF800  }
0x1bf: {  	_ =	swait.ge [sflag:s13], $0x800  }
0x1c0: {  	[sflag:s13] =	ssyncset.done $0x0  }
0x1c1: {  	[sflag:s13] =	ssyncadd.s32 $0xFFFFF800  }
0x1c2: {  	_ =	swait.ge [sflag:s13], $0x800  }
0x1c3: {  	[sflag:s13] =	ssyncset.done $0x0  }
0x1c4: {  	[sflag:s13] =	ssyncadd.s32 $0xFFFFF800  }
0x1c5: {  	_ =	swait.ge [sflag:s13], $0x800  }
0x1c6: {  	[sflag:s13] =	ssyncset.done $0x0  }
0x1c7: {  	[sflag:s13] =	ssyncadd.s32 $0xFFFFF800  }
0x1c8: {  	_ =	swait.ge [sflag:s13], $0x800  }
0x1c9: {  	[sflag:s13] =	ssyncset.done $0x0  }
0x1ca: {  	[sflag:s13] =	ssyncadd.s32 $0xFFFFF800  }
0x1cb: {  	_ =	swait.ge [sflag:s13], $0x800  }
0x1cc: {  	[sflag:s13] =	ssyncset.done $0x0  }
0x1cd: {  	[sflag:s13] =	ssyncadd.s32 $0xFFFFF800  }
0x1ce: {  	_ =	swait.ge [sflag:s13], $0x800  }
0x1cf: {  	[sflag:s13] =	ssyncset.done $0x0  }
0x1d0: {  	[sflag:s13] =	ssyncadd.s32 $0xFFFFF800  }
0x1d1: {  	_ =	swait.ge [sflag:s13], $0x800  }
0x1d2: {  	[sflag:s13] =	ssyncset.done $0x0  }
0x1d3: {  	[sflag:s13] =	ssyncadd.s32 $0xFFFFF800  }
0x1d4: {  	_ =	swait.ge [sflag:s13], $0x800  }
0x1d5: {  	[sflag:s13] =	ssyncset.done $0x0  }
0x1d6: {  	s14 =	sadd.s32 $0x1, s14;
	[sflag:s13] =	ssyncadd.s32 $0xFFFFF800  }
0x1d7: {  	p4 =	sne.s32 s14, $0x9;
	_ =	swait.ge [sflag:s13], $0x800  }
.Ltmp7:
0x1d8: {  	[sflag:s13] =	ssyncset.done $0x0;
	(pc) =	sbr.rel @p4 .LBB2_9-.Ltmp7, $4  }
0x1d9: {  	[sflag:s13] =	ssyncadd.s32 $0xFFFFF800  }
0x1da: {  	_ =	swait.ge [sflag:s13], $0x800  }
0x1db: {  	[sflag:s13] =	ssyncset.done $0x0  }
0x1dc: {  	[sflag:s13] =	ssyncadd.s32 $0xFFFFF800  }
0x1dd: {  	s0 =	rddreg [dreg:$0x17]  }
0x1de: {  	[tilespmem:s16], [sflag:$0x3] =	stream.linear.gather [hbm4b:s0+s22], $0x3000, $0x38;
	[tilespmem:$0x1F340] =	vst v63  }
0x1df: {  	s15 =	simm.s32 $0x8F00;
	s9 =	simm.s32 $0x2400  }
0x1e0: {  	[tilespmem:s15], [sflag:$0x1] =	stream.indirect.gather [spmem:s2], $0x10, s9, s26, $0xb8;
	[tilespmem:$0x1F340] =	vst v63  }
0x1e1: {  	s17 =	simm.s32 $0xCF00;
	s11 =	simm.s32 $0x4B80  }
0x1e2: {  	[tilespmem:s17], [sflag:$0x1] =	stream.indirect.gather [spmem:s3], $0x10, s11, s26, $0xb8;
	[tilespmem:$0x1F340] =	vst v63  }
0x1e3: {  	s18 =	simm.s32 $0x9700;
	s14 =	simm.s32 $0x2480  }
0x1e4: {  	[tilespmem:s18], [sflag:$0x1] =	stream.indirect.gather [spmem:s2], $0x10, s14, s26, $0xb8;
	[tilespmem:$0x1F340] =	vst v63  }
0x1e5: {  	s19 =	simm.s32 $0xD700;
	s15 =	simm.s32 $0x4C00  }
0x1e6: {  	[tilespmem:s19], [sflag:$0x1] =	stream.indirect.gather [spmem:s3], $0x10, s15, s26, $0xb8;
	[tilespmem:$0x1F340] =	vst v63  }
0x1e7: {  	s20 =	simm.s32 $0x9F00;
	s17 =	simm.s32 $0x2500  }
0x1e8: {  	[tilespmem:s20], [sflag:$0x1] =	stream.indirect.gather [spmem:s2], $0x10, s17, s26, $0xb8;
	[tilespmem:$0x1F340] =	vst v63  }
0x1e9: {  	s21 =	simm.s32 $0xDF00;
	s18 =	simm.s32 $0x4C80  }
0x1ea: {  	[tilespmem:s21], [sflag:$0x1] =	stream.indirect.gather [spmem:s3], $0x10, s18, s26, $0xb8;
	[tilespmem:$0x1F340] =	vst v63  }
0x1eb: {  	s23 =	simm.s32 $0xA700;
	s19 =	simm.s32 $0x2580  }
0x1ec: {  	[tilespmem:s23], [sflag:$0x1] =	stream.indirect.gather [spmem:s2], $0x10, s19, s26, $0xb8;
	[tilespmem:$0x1F340] =	vst v63  }
0x1ed: {  	s24 =	simm.s32 $0xE700;
	s20 =	simm.s32 $0x4D00  }
0x1ee: {  	[tilespmem:s24], [sflag:$0x1] =	stream.indirect.gather [spmem:s3], $0x10, s20, s26, $0xb8;
	[tilespmem:$0x1F340] =	vst v63  }
0x1ef: {  	s25 =	simm.s32 $0xAF00;
	s21 =	simm.s32 $0x2600  }
0x1f0: {  	[tilespmem:s25], [sflag:$0x1] =	stream.indirect.gather [spmem:s2], $0x10, s21, s26, $0xb8;
	[tilespmem:$0x1F340] =	vst v63  }
0x1f1: {  	s28 =	simm.s32 $0xEF00;
	s23 =	simm.s32 $0x4D80  }
0x1f2: {  	[tilespmem:s28], [sflag:$0x1] =	stream.indirect.gather [spmem:s3], $0x10, s23, s26, $0xb8;
	[tilespmem:$0x1F340] =	vst v63  }
0x1f3: {  	s29 =	simm.s32 $0xB700;
	s24 =	simm.s32 $0x2680  }
0x1f4: {  	[tilespmem:s29], [sflag:$0x1] =	stream.indirect.gather [spmem:s2], $0x10, s24, s26, $0xb8;
	[tilespmem:$0x1F340] =	vst v63  }
0x1f5: {  	s30 =	simm.s32 $0xF700;
	s31 =	simm.s32 $0x3;
	s25 =	simm.s32 $0x4E00  }
0x1f6: {  	[tilespmem:s30], [sflag:$0x1] =	stream.indirect.gather [spmem:s3], $0x10, s25, s26, $0xb8;
	[tilespmem:$0x1F340] =	vst v63  }
0x1f7: {  	_ =	swait.ge [sflag:s31], $0x3000  }
0x1f8: {  	[sflag:s31] =	ssyncset.done $0x0  }
0x1f9: {  	[sflag:s31] =	ssyncadd.s32 $0xFFFFD000  }
0x1fa: {  	_ =	swait.ge [sflag:s10], $0x800  }
0x1fb: {  	[sflag:s10] =	ssyncset.done $0x0  }
0x1fc: {  	[sflag:s10] =	ssyncadd.s32 $0xFFFFF800  }
0x1fd: {  	_ =	swait.ge [sflag:s10], $0x800  }
0x1fe: {  	[sflag:s10] =	ssyncset.done $0x0  }
0x1ff: {  	[sflag:s10] =	ssyncadd.s32 $0xFFFFF800  }
0x200: {  	_ =	swait.ge [sflag:s10], $0x800  }
0x201: {  	[sflag:s10] =	ssyncset.done $0x0  }
0x202: {  	[sflag:s10] =	ssyncadd.s32 $0xFFFFF800  }
0x203: {  	_ =	swait.ge [sflag:s10], $0x800  }
0x204: {  	[sflag:s10] =	ssyncset.done $0x0  }
0x205: {  	[sflag:s10] =	ssyncadd.s32 $0xFFFFF800  }
0x206: {  	_ =	swait.ge [sflag:s10], $0x800  }
0x207: {  	[sflag:s10] =	ssyncset.done $0x0  }
0x208: {  	[sflag:s10] =	ssyncadd.s32 $0xFFFFF800  }
0x209: {  	_ =	swait.ge [sflag:s10], $0x800  }
0x20a: {  	[sflag:s10] =	ssyncset.done $0x0  }
0x20b: {  	[sflag:s10] =	ssyncadd.s32 $0xFFFFF800  }
0x20c: {  	_ =	swait.ge [sflag:s10], $0x800  }
0x20d: {  	[sflag:s10] =	ssyncset.done $0x0  }
0x20e: {  	[sflag:s10] =	ssyncadd.s32 $0xFFFFF800  }
0x20f: {  	_ =	swait.ge [sflag:s10], $0x800  }
0x210: {  	[sflag:s10] =	ssyncset.done $0x0  }
0x211: {  	[sflag:s10] =	ssyncadd.s32 $0xFFFFF800  }
0x212: {  	_ =	swait.ge [sflag:s10], $0x800  }
0x213: {  	[sflag:s10] =	ssyncset.done $0x0  }
0x214: {  	[sflag:s10] =	ssyncadd.s32 $0xFFFFF800  }
0x215: {  	_ =	swait.ge [sflag:s10], $0x800  }
0x216: {  	[sflag:s10] =	ssyncset.done $0x0  }
0x217: {  	[sflag:s10] =	ssyncadd.s32 $0xFFFFF800  }
0x218: {  	_ =	swait.ge [sflag:s10], $0x800  }
0x219: {  	[sflag:s10] =	ssyncset.done $0x0  }
0x21a: {  	[sflag:s10] =	ssyncadd.s32 $0xFFFFF800  }
0x21b: {  	_ =	swait.ge [sflag:s10], $0x800  }
0x21c: {  	[sflag:s10] =	ssyncset.done $0x0  }
0x21d: {  	s7 =	simm.s32 $0x8F40;
	[sflag:s10] =	ssyncadd.s32 $0xFFFFF800  }
0x21e: {  	s0 =	simm.s32 $0xCF40;
	v1 =	vld [tilespmem:s7+$0xFFFFFFC0]  }
0x21f: {  	v2 =	vld [tilespmem:s0+$0xFFFFFFC0];
	_ =	sdelay $0x4  }
0x220: {  	v1 =	vadd.f32 v2, v1  }
0x221: {  	s1 =	simm.s32 $0x10F40  }
0x222: {  	[tilespmem:s1+$0xFFFFFFC0] =	vst v1  }
0x223: {  	v1 =	vld [tilespmem:s0+$0xFFFFFFD0]  }
0x224: {  	v2 =	vld [tilespmem:s7+$0xFFFFFFD0];
	_ =	sdelay $0x4  }
0x225: {  	v1 =	vadd.f32 v1, v2;
	_ =	sdelay $0x1  }
0x226: {  	[tilespmem:s1+$0xFFFFFFD0] =	vst v1  }
0x227: {  	v1 =	vld [tilespmem:s7+$0xFFFFFFE0]  }
0x228: {  	v2 =	vld [tilespmem:s0+$0xFFFFFFE0];
	_ =	sdelay $0x4  }
0x229: {  	v1 =	vadd.f32 v2, v1;
	_ =	sdelay $0x1  }
0x22a: {  	[tilespmem:s1+$0xFFFFFFE0] =	vst v1  }
0x22b: {  	v1 =	vld [tilespmem:s7+$0xFFFFFFF0]  }
0x22c: {  	v2 =	vld [tilespmem:s0+$0xFFFFFFF0];
	_ =	sdelay $0x4  }
0x22d: {  	v1 =	vadd.f32 v2, v1;
	_ =	sdelay $0x1  }
0x22e: {  	[tilespmem:s1+$0xFFFFFFF0] =	vst v1  }
0x22f: {  	v1 =	vld [tilespmem:s7+$0x0]  }
0x230: {  	v2 =	vld [tilespmem:s0+$0x0];
	_ =	sdelay $0x4  }
0x231: {  	v1 =	vadd.f32 v2, v1;
	_ =	sdelay $0x1  }
0x232: {  	[tilespmem:s1+$0x0] =	vst v1  }
0x233: {  	v1 =	vld [tilespmem:s7+$0x10]  }
0x234: {  	v2 =	vld [tilespmem:s0+$0x10];
	_ =	sdelay $0x4  }
0x235: {  	v1 =	vadd.f32 v2, v1;
	_ =	sdelay $0x1  }
0x236: {  	[tilespmem:s1+$0x10] =	vst v1  }
0x237: {  	v1 =	vld [tilespmem:s7+$0x20]  }
0x238: {  	v2 =	vld [tilespmem:s0+$0x20];
	_ =	sdelay $0x4  }
0x239: {  	v1 =	vadd.f32 v2, v1;
	_ =	sdelay $0x1  }
0x23a: {  	[tilespmem:s1+$0x20] =	vst v1  }
0x23b: {  	s6 =	simm.s32 $0x0;
	s8 =	simm.s32 $0x8FC0;
	v1 =	vld [tilespmem:s7+$0x30];
	s7 =	simm.s32 $0x10F40  }
.LBB2_13:
0x23c: {  	s6 =	sadd.s32 $0x8, s6;
	v2 =	vld [tilespmem:s0+$0x30];
	s1 =	sadd.s32 $0x80, s1;
	s0 =	sadd.s32 $0x80, s0  }
0x23d: {  	p4 =	slt.u32 s6, $0x2F8;
	_ =	sdelay $0x3  }
0x23e: {  	v1 =	vadd.f32 v2, v1;
	_ =	sdelay $0x1  }
0x23f: {  	[tilespmem:s7+$0x30] =	vst v1;
	s7 =	smov.u32 s1  }
0x240: {  	v1 =	vld [tilespmem:s8+$0xFFFFFFC0]  }
0x241: {  	v2 =	vld [tilespmem:s0+$0xFFFFFFC0];
	_ =	sdelay $0x4  }
0x242: {  	v1 =	vadd.f32 v2, v1;
	_ =	sdelay $0x1  }
0x243: {  	[tilespmem:s1+$0xFFFFFFC0] =	vst v1  }
0x244: {  	v1 =	vld [tilespmem:s0+$0xFFFFFFD0]  }
0x245: {  	v2 =	vld [tilespmem:s8+$0xFFFFFFD0];
	_ =	sdelay $0x4  }
0x246: {  	v1 =	vadd.f32 v1, v2;
	_ =	sdelay $0x1  }
0x247: {  	[tilespmem:s1+$0xFFFFFFD0] =	vst v1  }
0x248: {  	v1 =	vld [tilespmem:s8+$0xFFFFFFE0]  }
0x249: {  	v2 =	vld [tilespmem:s0+$0xFFFFFFE0];
	_ =	sdelay $0x4  }
0x24a: {  	v1 =	vadd.f32 v2, v1;
	_ =	sdelay $0x1  }
0x24b: {  	[tilespmem:s1+$0xFFFFFFE0] =	vst v1  }
0x24c: {  	v1 =	vld [tilespmem:s8+$0xFFFFFFF0]  }
0x24d: {  	v2 =	vld [tilespmem:s0+$0xFFFFFFF0];
	_ =	sdelay $0x4  }
0x24e: {  	v1 =	vadd.f32 v2, v1;
	_ =	sdelay $0x1  }
0x24f: {  	[tilespmem:s1+$0xFFFFFFF0] =	vst v1  }
0x250: {  	v1 =	vld [tilespmem:s8+$0x0]  }
0x251: {  	v2 =	vld [tilespmem:s0+$0x0];
	_ =	sdelay $0x4  }
0x252: {  	v1 =	vadd.f32 v2, v1;
	_ =	sdelay $0x1  }
0x253: {  	[tilespmem:s1+$0x0] =	vst v1  }
0x254: {  	v1 =	vld [tilespmem:s8+$0x10]  }
0x255: {  	v2 =	vld [tilespmem:s0+$0x10];
	_ =	sdelay $0x4  }
0x256: {  	v1 =	vadd.f32 v2, v1;
	_ =	sdelay $0x1  }
0x257: {  	[tilespmem:s1+$0x10] =	vst v1  }
0x258: {  	v1 =	vld [tilespmem:s8+$0x20]  }
0x259: {  	v2 =	vld [tilespmem:s0+$0x20];
	_ =	sdelay $0x3  }
.Ltmp8:
0x25a: {  	(pc) =	sbr.rel @p4 .LBB2_13-.Ltmp8, $3  }
0x25b: {  	v1 =	vadd.f32 v2, v1;
	_ =	sdelay $0x1  }
0x25c: {  	[tilespmem:s1+$0x20] =	vst v1  }
0x25d: {  	v1 =	vld [tilespmem:s8+$0x30];
	s8 =	sadd.s32 $0x80, s8  }
0x25e: {  	v2 =	vld [tilespmem:s0+$0x30];
	_ =	sdelay $0x4  }
0x25f: {  	v1 =	vadd.f32 v2, v1;
	_ =	sdelay $0x1  }
0x260: {  	s8 =	rddreg [dreg:$0x18];
	s1 =	simm.s32 $0x10F00;
	[tilespmem:s7+$0x30] =	vst v1  }
0x261: {  	[hbm4b:s8+s22] =	stream.linear.scatter [tilespmem:s1], [sflag:$0x2], $0x3000, $0x38;
	[tilespmem:$0x1F340] =	vst v63  }
0x262: {  	_ = 	snop  }
0x263: {  	[spmem:s4] =	stream.indirect.scatter.add.f32 [tilespmem:s16], [sflag:$0x4], $0x10, s9, s26, $0xb8;
	[tilespmem:$0x1F340] =	vst v63  }
0x264: {  	_ = 	snop  }
0x265: {  	[spmem:s5] =	stream.indirect.scatter.add.f32 [tilespmem:s16], [sflag:$0x4], $0x10, s11, s26, $0xb8;
	[tilespmem:$0x1F340] =	vst v63  }
0x266: {  	s11 =	simm.s32 $0x5700  }
0x267: {  	[spmem:s4] =	stream.indirect.scatter.add.f32 [tilespmem:s11], [sflag:$0x4], $0x10, s14, s26, $0xb8;
	[tilespmem:$0x1F340] =	vst v63  }
0x268: {  	_ = 	snop  }
0x269: {  	[spmem:s5] =	stream.indirect.scatter.add.f32 [tilespmem:s11], [sflag:$0x4], $0x10, s15, s26, $0xb8;
	[tilespmem:$0x1F340] =	vst v63  }
0x26a: {  	s15 =	simm.s32 $0x5F00  }
0x26b: {  	[spmem:s4] =	stream.indirect.scatter.add.f32 [tilespmem:s15], [sflag:$0x4], $0x10, s17, s26, $0xb8;
	[tilespmem:$0x1F340] =	vst v63  }
0x26c: {  	_ = 	snop  }
0x26d: {  	[spmem:s5] =	stream.indirect.scatter.add.f32 [tilespmem:s15], [sflag:$0x4], $0x10, s18, s26, $0xb8;
	[tilespmem:$0x1F340] =	vst v63  }
0x26e: {  	s18 =	simm.s32 $0x6700  }
0x26f: {  	[spmem:s4] =	stream.indirect.scatter.add.f32 [tilespmem:s18], [sflag:$0x4], $0x10, s19, s26, $0xb8;
	[tilespmem:$0x1F340] =	vst v63  }
0x270: {  	_ = 	snop  }
0x271: {  	[spmem:s5] =	stream.indirect.scatter.add.f32 [tilespmem:s18], [sflag:$0x4], $0x10, s20, s26, $0xb8;
	[tilespmem:$0x1F340] =	vst v63  }
0x272: {  	s20 =	simm.s32 $0x6F00  }
0x273: {  	[spmem:s4] =	stream.indirect.scatter.add.f32 [tilespmem:s20], [sflag:$0x4], $0x10, s21, s26, $0xb8;
	[tilespmem:$0x1F340] =	vst v63  }
0x274: {  	_ = 	snop  }
0x275: {  	[spmem:s5] =	stream.indirect.scatter.add.f32 [tilespmem:s20], [sflag:$0x4], $0x10, s23, s26, $0xb8;
	[tilespmem:$0x1F340] =	vst v63  }
0x276: {  	s23 =	simm.s32 $0x7700  }
0x277: {  	[spmem:s4] =	stream.indirect.scatter.add.f32 [tilespmem:s23], [sflag:$0x4], $0x10, s24, s26, $0xb8;
	[tilespmem:$0x1F340] =	vst v63  }
0x278: {  	_ = 	snop  }
0x279: {  	[spmem:s5] =	stream.indirect.scatter.add.f32 [tilespmem:s23], [sflag:$0x4], $0x10, s25, s26, $0xb8;
	[tilespmem:$0x1F340] =	vst v63  }
0x27a: {  	_ =	swait.ge [sflag:s12], $0x3000  }
0x27b: {  	[sflag:s12] =	ssyncset.done $0x0  }
0x27c: {  	[sflag:s12] =	ssyncadd.s32 $0xFFFFD000  }
0x27d: {  	_ =	swait.ge [sflag:s13], $0x800  }
0x27e: {  	[sflag:s13] =	ssyncset.done $0x0  }
0x27f: {  	[sflag:s13] =	ssyncadd.s32 $0xFFFFF800  }
0x280: {  	_ =	swait.ge [sflag:s13], $0x800  }
0x281: {  	[sflag:s13] =	ssyncset.done $0x0  }
0x282: {  	[sflag:s13] =	ssyncadd.s32 $0xFFFFF800  }
0x283: {  	_ =	swait.ge [sflag:s13], $0x800  }
0x284: {  	[sflag:s13] =	ssyncset.done $0x0  }
0x285: {  	[sflag:s13] =	ssyncadd.s32 $0xFFFFF800  }
0x286: {  	_ =	swait.ge [sflag:s13], $0x800  }
0x287: {  	[sflag:s13] =	ssyncset.done $0x0  }
0x288: {  	[sflag:s13] =	ssyncadd.s32 $0xFFFFF800  }
0x289: {  	_ =	swait.ge [sflag:s13], $0x800  }
0x28a: {  	[sflag:s13] =	ssyncset.done $0x0  }
0x28b: {  	[sflag:s13] =	ssyncadd.s32 $0xFFFFF800  }
0x28c: {  	_ =	swait.ge [sflag:s13], $0x800  }
0x28d: {  	[sflag:s13] =	ssyncset.done $0x0  }
0x28e: {  	[sflag:s13] =	ssyncadd.s32 $0xFFFFF800  }
0x28f: {  	_ =	swait.ge [sflag:s13], $0x800  }
0x290: {  	[sflag:s13] =	ssyncset.done $0x0  }
0x291: {  	[sflag:s13] =	ssyncadd.s32 $0xFFFFF800  }
0x292: {  	_ =	swait.ge [sflag:s13], $0x800  }
0x293: {  	[sflag:s13] =	ssyncset.done $0x0  }
0x294: {  	[sflag:s13] =	ssyncadd.s32 $0xFFFFF800  }
0x295: {  	_ =	swait.ge [sflag:s13], $0x800  }
0x296: {  	[sflag:s13] =	ssyncset.done $0x0  }
0x297: {  	[sflag:s13] =	ssyncadd.s32 $0xFFFFF800  }
0x298: {  	_ =	swait.ge [sflag:s13], $0x800  }
0x299: {  	[sflag:s13] =	ssyncset.done $0x0  }
0x29a: {  	[sflag:s13] =	ssyncadd.s32 $0xFFFFF800  }
0x29b: {  	_ =	swait.ge [sflag:s13], $0x800  }
0x29c: {  	[sflag:s13] =	ssyncset.done $0x0  }
0x29d: {  	[sflag:s13] =	ssyncadd.s32 $0xFFFFF800  }
0x29e: {  	_ =	swait.ge [sflag:s13], $0x800  }
0x29f: {  	[sflag:s13] =	ssyncset.done $0x0  }
0x2a0: {  	s6 =	simm.s32 $0x14F00;
	s24 =	rddreg [dreg:$0x19];
	[sflag:s13] =	ssyncadd.s32 $0xFFFFF800  }
0x2a1: {  	[tilespmem:s6], [sflag:$0x3] =	stream.linear.gather [hbm4b:s24+s22], $0x100, $0x38;
	[tilespmem:$0x1F340] =	vst v63  }
0x2a2: {  	s28 =	simm.s32 $0x2700;
	s25 =	simm.s32 $0x8F00  }
0x2a3: {  	[tilespmem:s25], [sflag:$0x1] =	stream.indirect.gather [spmem:s2], $0x10, s28, s26, $0xb8;
	[tilespmem:$0x1F340] =	vst v63  }
0x2a4: {  	s29 =	simm.s32 $0xCF00;
	s30 =	simm.s32 $0x3;
	s8 =	simm.s32 $0x4E80  }
0x2a5: {  	[tilespmem:s29], [sflag:$0x1] =	stream.indirect.gather [spmem:s3], $0x10, s8, s26, $0xb8;
	[tilespmem:$0x1F340] =	vst v63  }
0x2a6: {  	_ =	swait.ge [sflag:s30], $0x100  }
0x2a7: {  	[sflag:s30] =	ssyncset.done $0x0  }
0x2a8: {  	[sflag:s30] =	ssyncadd.s32 $0xFFFFFF00  }
0x2a9: {  	_ =	swait.ge [sflag:s10], $0x800  }
0x2aa: {  	[sflag:s10] =	ssyncset.done $0x0  }
0x2ab: {  	[sflag:s10] =	ssyncadd.s32 $0xFFFFF800  }
0x2ac: {  	_ =	swait.ge [sflag:s10], $0x800  }
0x2ad: {  	[sflag:s10] =	ssyncset.done $0x0  }
0x2ae: {  	[sflag:s10] =	ssyncadd.s32 $0xFFFFF800  }
0x2af: {  	v1 =	vld [tilespmem:$0x8F00]  }
0x2b0: {  	v2 =	vld [tilespmem:$0xCF00]  }
0x2b1: {  	v3 =	vld [tilespmem:$0x8F10]  }
0x2b2: {  	v4 =	vld [tilespmem:$0xCF10]  }
0x2b3: {  	v5 =	vld [tilespmem:$0x8F20]  }
0x2b4: {  	v6 =	vld [tilespmem:$0xCF20]  }
0x2b5: {  	v7 =	vld [tilespmem:$0x8F30]  }
0x2b6: {  	v8 =	vld [tilespmem:$0xCF30]  }
0x2b7: {  	v9 =	vld [tilespmem:$0x8F40]  }
0x2b8: {  	v10 =	vld [tilespmem:$0xCF40]  }
0x2b9: {  	v11 =	vld [tilespmem:$0x8F50]  }
0x2ba: {  	v12 =	vld [tilespmem:$0xCF50]  }
0x2bb: {  	v13 =	vld [tilespmem:$0x8F60]  }
0x2bc: {  	v14 =	vld [tilespmem:$0xCF60]  }
0x2bd: {  	v15 =	vld [tilespmem:$0x8F70]  }
0x2be: {  	v16 =	vld [tilespmem:$0xCF70]  }
0x2bf: {  	v17 =	vld [tilespmem:$0x8F80]  }
0x2c0: {  	v18 =	vld [tilespmem:$0xCF80]  }
0x2c1: {  	v19 =	vld [tilespmem:$0x8F90]  }
0x2c2: {  	v20 =	vld [tilespmem:$0xCF90]  }
0x2c3: {  	v21 =	vld [tilespmem:$0x8FA0]  }
0x2c4: {  	v55 =	vld [tilespmem:$0x8FB0];
	v1 =	vadd.f32 v2, v1  }
0x2c5: {  	v56 =	vld [tilespmem:$0xCFB0];
	v3 =	vadd.f32 v4, v3  }
0x2c6: {  	v57 =	vld [tilespmem:$0x8FC0];
	[tilespmem:$0x10F00] =	vst v1;
	v1 =	vadd.f32 v6, v5  }
0x2c7: {  	v58 =	vld [tilespmem:$0xCFC0];
	[tilespmem:$0x10F10] =	vst v3;
	v3 =	vadd.f32 v8, v7  }
0x2c8: {  	v59 =	vld [tilespmem:$0x8FD0];
	[tilespmem:$0x10F20] =	vst v1;
	v1 =	vadd.f32 v10, v9  }
0x2c9: {  	v2 =	vld [tilespmem:$0xCFA0];
	[tilespmem:$0x10F30] =	vst v3;
	v3 =	vadd.f32 v12, v11  }
0x2ca: {  	v60 =	vld [tilespmem:$0xCFD0];
	[tilespmem:$0x10F40] =	vst v1;
	v1 =	vadd.f32 v14, v13  }
0x2cb: {  	v61 =	vld [tilespmem:$0x8FE0];
	[tilespmem:$0x10F50] =	vst v3;
	v3 =	vadd.f32 v16, v15  }
0x2cc: {  	v62 =	vld [tilespmem:$0xCFE0];
	[tilespmem:$0x10F60] =	vst v1;
	v1 =	vadd.f32 v18, v17  }
0x2cd: {  	v63 =	vld [tilespmem:$0x8FF0];
	[tilespmem:$0x10F70] =	vst v3;
	v3 =	vadd.f32 v20, v19  }
0x2ce: {  	[tilespmem:$0x10F80] =	vst v1;
	v1 =	vadd.f32 v2, v21;
	v2 =	vld [tilespmem:$0xCFF0]  }
0x2cf: {  	[tilespmem:$0x10F90] =	vst v3;
	v3 =	vadd.f32 v56, v55  }
0x2d0: {  	[tilespmem:$0x10FA0] =	vst v1;
	v1 =	vadd.f32 v58, v57  }
0x2d1: {  	[tilespmem:$0x10FB0] =	vst v3;
	v3 =	vadd.f32 v60, v59  }
0x2d2: {  	[tilespmem:$0x10FC0] =	vst v1;
	v1 =	vadd.f32 v62, v61  }
0x2d3: {  	[tilespmem:$0x10FD0] =	vst v3;
	v2 =	vadd.f32 v2, v63  }
0x2d4: {  	[tilespmem:$0x10FE0] =	vst v1  }
0x2d5: {  	s31 =	rddreg [dreg:$0x1a];
	[tilespmem:$0x10FF0] =	vst v2  }
0x2d6: {  	[hbm4b:s31+s22] =	stream.linear.scatter [tilespmem:s1], [sflag:$0x2], $0x100, $0x38;
	[tilespmem:$0x1F340] =	vst v63  }
0x2d7: {  	s7 =	simm.s32 $0x5  }
0x2d8: {  	[spmem:s4] =	stream.indirect.scatter.add.f32 [tilespmem:s6], [sflag:$0x5], $0x10, s28, s26, $0xb8;
	[tilespmem:$0x1F340] =	vst v63  }
0x2d9: {  	_ =	swait.ge [sflag:s7], $0x800  }
0x2da: {  	[sflag:s7] =	ssyncset.done $0x0  }
0x2db: {  	[sflag:s7] =	ssyncadd.s32 $0xFFFFF800  }
0x2dc: {  	[spmem:s5] =	stream.indirect.scatter.add.f32 [tilespmem:s6], [sflag:$0x5], $0x10, s8, s26, $0xb8;
	[tilespmem:$0x1F340] =	vst v63  }
0x2dd: {  	_ =	swait.ge [sflag:s7], $0x800  }
0x2de: {  	[sflag:s7] =	ssyncset.done $0x0  }
0x2df: {  	[sflag:s7] =	ssyncadd.s32 $0xFFFFF800  }
.Ltmp9:
0x2e0: {  	_ =	swait.ge [sflag:s12], $0x100;
	(pc) =	sbr.rel @p2 .LBB2_17-.Ltmp9, $3  }
0x2e1: {  	[sflag:s12] =	ssyncset.done $0x0  }
0x2e2: {  	[sflag:s12] =	ssyncadd.s32 $0xFFFFFF00  }
0x2e3: {  	[bflag:$0x0] =	sbarrier.arrive $0xFFFF;
	_ =	sdelay $0x1  }
.Ltmp10:
0x2e4: {  	(pc) =	sbr.rel @p0 .LBB2_19-.Ltmp10, $2  }
0x2e5: {  	_ =	sdelay $0x2  }
0x2e6: {  	s8 =	rddreg [dreg:$0x1f]  }
.Ltmp11:
0x2e7: {  	(pc) =	sbr.rel .LBB2_18-.Ltmp11, $3  }
0x2e8: {  	_ =	sdelay $0x1  }
0x2e9: {  	s0 =	sshrl.u32 s4, $0x3;
	s1 =	rddreg [dreg:$0x1c];
	s6 =	simm.s32 $0x1C05  }
0x2ea: {  	[hbm:s1], [sflag:s6] =	dma.local [spmem:s0], $0x4E20  }
.LBB2_20:
0x2eb: {  	_ =	sfence.sel $0x180000  }
0x2ec: {  	[bflag:$0x0] =	sbarrier.arrive $0xFFFF  }
0x2ed: {  	_ =	strace $0x90000047  }
0x2ee: {  	[bflag:$0x2] =	sbarrier.arrive $0xFFFF  }
0x2ef: {  	s0 =	rddreg [dreg:$0x7]  }
0x2f0: {  	s0 =	sadd.s32 @!p0 $0x100000, s0  }
0x2f1: {  	[sflag:s0] =	ssyncadd.tile.s32 @!p0 $0x1;
	_ =	shalt  }
.Lfunc_end2:
_tile_overlayer_lowered:
.L_overlay_start_2:
0x2f2: {  	(tag) =	ssettag $0x2  }
0x2f3: {  	s0 =	rddreg [dreg:$0x0];
	s2 =	stileid.u32  }
0x2f4: {  	s1 =	rddreg [dreg:$0x1];
	p0 =	sne.s32 s2, $0x0  }
0x2f5: {  	s3 =	rddreg [dreg:$0x2];
	[bflag:$0x3] =	sbarrier.arrive $0xFFFF;
	s2 =	simm.s32 @!p0 $0x1C05  }
0x2f6: {  	[timem:s3], [sflag:s2] =	dma.local @!p0 [hbm:s0], s1  }
0x2f7: {  	s0 =	simm.s32 @!p0 $0x5  }
0x2f8: {  	_ =	swait.ge @!p0 [sflag:s0], s1  }
0x2f9: {  	s1 =	ssub.s32 @!p0 $0x0, s1;
	[sflag:s0] =	ssyncset.done @!p0 $0x0  }
0x2fa: {  	[sflag:s0] =	ssyncadd.s32 @!p0 s1  }
0x2fb: {  	[bflag:$0x3] =	sbarrier.arrive $0xFFFF  }
0x2fc: {  	_ =	shalt  }

</sc_bundles>
